<compile_context>
chip_gen: v7x
topology: tpu7x:2x2x1
jax: 0.10.2.dev20260603
libtpu: 0.0.44.dev20260713+nightly
codegen_flags: <defaults>
</compile_context>

<pallas_src>
import functools

import jax
import jax.numpy as jnp
from jax import lax
from jax.experimental import pallas as pl
from jax.experimental.pallas import tpu as pltpu
from jax.experimental.pallas import tpu_sc as plsc

_M = 512

_GATHER_DNUMS = lax.GatherDimensionNumbers(
    offset_dims=(), collapsed_slice_dims=(0,), start_index_map=(0,))


def _g16(x, i):
  return lax.gather(x, i[:, None], _GATHER_DNUMS, (1,),
                    mode=lax.GatherScatterMode.PROMISE_IN_BOUNDS)


@functools.lru_cache(maxsize=None)
def _build(B, S, H):
  assert S % 16 == 0 and _M % 16 == 0
  NW = 32
  rows_per = B // NW
  n_chunks = S // 16
  m_chunks = _M // 16
  Z = 64

  mesh = plsc.VectorSubcoreMesh(core_axis_name="c", subcore_axis_name="s")

  @functools.partial(
      pl.kernel,
      mesh=mesh,
      compiler_params=pltpu.CompilerParams(
          needs_layout_passes=False, use_tc_tiling_on_sc=False),
      out_type=[
          jax.ShapeDtypeStruct((B, _M), jnp.float32),
          jax.ShapeDtypeStruct((B, _M), jnp.float32),
          jax.ShapeDtypeStruct((B * _M, H), jnp.float32),
          jax.ShapeDtypeStruct((Z, H), jnp.float32),
      ],
      scratch_types=[
          pltpu.VMEM((S,), jnp.int32),
          pltpu.VMEM((S,), jnp.float32),
          pltpu.VMEM((_M,), jnp.float32),
          pltpu.VMEM((_M,), jnp.float32),
          pltpu.VMEM((_M,), jnp.float32),
          pltpu.VMEM((_M,), jnp.int32),
          pltpu.VMEM((_M,), jnp.float32),
          pltpu.VMEM((_M,), jnp.float32),
          pltpu.VMEM((_M,), jnp.int32),
          pltpu.VMEM((_M // Z, Z), jnp.int32),
          pltpu.VMEM((_M + Z, H), jnp.float32),
          pltpu.VMEM((Z, H), jnp.float32),
          pltpu.SemaphoreType.DMA,
          pltpu.SemaphoreType.DMA,
      ],
  )
  def sc_kernel(values_hbm, ref_hbm, index_hbm, mean_hbm, max_hbm, gat_hbm,
                zeros_hbm, idx_v, val_v, sum_v, cnt_v, mx_v, arg_v, mean_v,
                mxo_v, src_perm, dst_perm, rows_v, zeros_nm, gsem, zsem):
    sid = lax.axis_index("s")
    wid = sid * 2 + lax.axis_index("c")
    lane = lax.iota(jnp.int32, 16)
    zf16 = jnp.zeros((16,), jnp.float32)
    zi16 = jnp.zeros((16,), jnp.int32)
    ones16 = jnp.ones((16,), jnp.float32)
    ninf16 = jnp.full((16,), -jnp.inf, jnp.float32)

    for r in range(Z):
      for cc in range(H // 16):
        zeros_nm[r, pl.ds(cc * 16, 16)] = zf16
    pltpu.sync_copy(zeros_nm.at[pl.ds(4 * sid, 4)],
                    zeros_hbm.at[pl.ds(4 * sid, 4)])
    plsc.subcore_barrier()

    def row_body(k, _):
      b = wid * rows_per + k

      pltpu.async_copy(index_hbm.at[b], idx_v, gsem)
      pltpu.async_copy(values_hbm.at[b], val_v, gsem)
      pltpu.make_async_copy(index_hbm.at[b], idx_v, gsem).wait()
      pltpu.make_async_copy(values_hbm.at[b], val_v, gsem).wait()

      def init_body(i, _):
        o = pl.multiple_of(i * 16, 16)
        sum_v[pl.ds(o, 16)] = zf16
        cnt_v[pl.ds(o, 16)] = zf16
        mx_v[pl.ds(o, 16)] = ninf16
        return 0

      lax.fori_loop(0, m_chunks, init_body, 0, unroll=False)

      def chunk_body(c, _):
        base = pl.multiple_of(c * 16, 16)
        idx = idx_v[pl.ds(base, 16)]
        v = val_v[pl.ds(base, 16)]
        key = idx * 16 + lane
        skey = plsc.sort_key_val(key, lane)
        skey, perm = skey
        sidx = lax.shift_right_logical(skey, 4)
        sv = _g16(v, perm)
        sp = perm
        for sh in (1, 2, 4, 8):
          pl_lane = jnp.maximum(lane - sh, 0)
          pv = _g16(sv, pl_lane)
          pp = _g16(sp, pl_lane)
          pi = _g16(sidx, pl_lane)
          valid = (lane >= sh) & (pi == sidx)
          take = valid & (pv > sv)
          sv = jnp.where(take, pv, sv)
          sp = jnp.where(take, pp, sp)
        nxt = _g16(sidx, jnp.minimum(lane + 1, 15))
        leader = (lane == 15) | (sidx != nxt)
        am = plsc.load_gather(mx_v, [sidx], mask=leader)
        aa = plsc.load_gather(arg_v, [sidx], mask=leader)
        ge = sv >= am
        nm = jnp.where(ge, sv, am)
        na = jnp.where(ge, base + sp, aa)
        plsc.store_scatter(mx_v, [sidx], nm, mask=leader)
        plsc.store_scatter(arg_v, [sidx], na, mask=leader)
        plsc.addupdate_scatter(sum_v, [idx], v)
        plsc.addupdate_scatter(cnt_v, [idx], ones16)
        return 0

      lax.fori_loop(0, n_chunks, chunk_body, 0, unroll=False)

      n_nz = jnp.int32(0)
      n_e = jnp.int32(0)
      row0 = b * S
      out0 = b * _M
      for c in range(m_chunks):
        o = c * 16
        s = sum_v[pl.ds(o, 16)]
        n = cnt_v[pl.ds(o, 16)]
        m = mx_v[pl.ds(o, 16)]
        a = arg_v[pl.ds(o, 16)]
        nz = n > 0.0
        mean_v[pl.ds(o, 16)] = s / jnp.maximum(n, 1.0)
        mxo_v[pl.ds(o, 16)] = jnp.where(nz, m, 0.0)
        ones_nz = jnp.where(nz, 1, zi16)
        ones_e = jnp.where(nz, zi16, 1)
        offs = jnp.where(nz, (n_nz - 1) + plsc.cumsum(ones_nz),
                         (_M - n_e) - plsc.cumsum(ones_e))
        plsc.store_scatter(src_perm, [offs], jnp.where(nz, row0 + a, row0))
        plsc.store_scatter(
            dst_perm,
            [lax.shift_right_logical(offs, 6), lax.bitwise_and(offs, Z - 1)],
            out0 + o + lane)
        n_nz = n_nz + jnp.sum(ones_nz)
        n_e = n_e + jnp.sum(ones_e)

      for j in range(_M // 128):
        @pl.when(n_nz > j * 128)
        def _():
          pltpu.async_copy(
              ref_hbm.at[src_perm.at[pl.ds(j * 128, 128)]],
              rows_v.at[pl.ds(j * 128, 128)], gsem)
      for j in range(_M // 128):
        @pl.when(n_nz > j * 128)
        def _():
          pltpu.make_async_copy(
              ref_hbm.at[src_perm.at[pl.ds(j * 128, 128)]],
              rows_v.at[pl.ds(j * 128, 128)], gsem).wait()
      pltpu.sync_copy(zeros_hbm, rows_v.at[pl.ds(n_nz, Z)])

      for r in range(_M // Z):
        occ = n_nz > r * Z

        @pl.when(occ)
        def _():
          pltpu.async_copy(rows_v.at[pl.ds(r * Z, Z)],
                           gat_hbm.at[dst_perm.at[r]], zsem)

        @pl.when(jnp.logical_not(occ))
        def _():
          pltpu.async_copy(zeros_nm, gat_hbm.at[dst_perm.at[r]], zsem)

      pltpu.async_copy(mean_v, mean_hbm.at[b], zsem)
      pltpu.async_copy(mxo_v, max_hbm.at[b], zsem)

      for r in range(_M // Z):
        occ = n_nz > r * Z

        @pl.when(occ)
        def _():
          pltpu.make_async_copy(rows_v.at[pl.ds(r * Z, Z)],
                                gat_hbm.at[dst_perm.at[r]], zsem).wait()

        @pl.when(jnp.logical_not(occ))
        def _():
          pltpu.make_async_copy(zeros_nm, gat_hbm.at[dst_perm.at[r]],
                                zsem).wait()

      pltpu.make_async_copy(mean_v, mean_hbm.at[b], zsem).wait()
      pltpu.make_async_copy(mxo_v, max_hbm.at[b], zsem).wait()

      return 0

    lax.fori_loop(0, rows_per, row_body, 0, unroll=False)

  return sc_kernel


def kernel(values, ref, index):
  B, S = values.shape
  H = ref.shape[-1]
  ref_flat = ref.reshape(B * S, H)
  mean, mx, gat, _ = _build(B, S, H)(values, ref_flat, index.astype(jnp.int32))
  return mean, mx, gat.reshape(B, _M, H)

# --- scband reference (transcript-rebuilt; emitter-appended) ---
"""Pipeline reference for scband-tagop-model-84164179133389 (READ-ONLY COPY).

The authoritative reference and input builder live on the scoring server;
editing this copy changes nothing except your own understanding.
"""

import jax, jax.numpy as jnp
import numpy as np

MAX_LENGTH = 512

def setup_inputs(seed: int = 0) -> dict:
    key = jax.random.key(seed)
    k1, k2, k3 = jax.random.split(key, 3)
    B, S, H = 1024, 512, 64
    values = jax.random.normal(k1, (B, S), dtype=jnp.float32)
    ref = jax.random.normal(k2, (B, S, H), dtype=jnp.float32)
    index = jax.random.randint(k3, (B, S), 0, MAX_LENGTH, dtype=jnp.int32)
    return {"values": values, "ref": ref, "index": index}

def reference(values, ref, index):
    B, S = values.shape
    H = ref.shape[-1]
    # flatten_index: per-batch offset so each row maps into its own MAX_LENGTH bucket range
    offset = (jnp.arange(B, dtype=index.dtype) * MAX_LENGTH)[:, None]
    flat_index = (index + offset).reshape(-1)
    num_index = B * MAX_LENGTH
    flat_values = values.reshape(-1)
    flat_ref = ref.reshape(B * S, H)
    # reduce_mean_index (torch_scatter scatter reduce='mean': empty segments -> 0)
    ones = jnp.ones_like(flat_values)
    counts = jax.ops.segment_sum(ones, flat_index, num_segments=num_index)
    sums = jax.ops.segment_sum(flat_values, flat_index, num_segments=num_index)
    mean_out = (sums / jnp.maximum(counts, 1.0)).reshape(B, MAX_LENGTH)
    # reduce_max_index_get_vector (scatter_max + arg gather; empty segments -> value 0, sentinel row)
    seg_max = jax.ops.segment_max(flat_values, flat_index, num_segments=num_index)
    empty = counts == 0
    max_out = jnp.where(empty, 0.0, seg_max)
    pos = jnp.arange(B * S, dtype=jnp.int32)
    is_max = flat_values == seg_max[flat_index]
    cand = jnp.where(is_max, pos, -1)
    arg = jax.ops.segment_max(cand, flat_index, num_segments=num_index)
    arg = jnp.where(arg < 0, B * S, arg)  # empty segment -> padded zero row (mirrors reduce_index==-1 handling)
    padded_ref = jnp.concatenate([flat_ref, jnp.zeros((1, H), flat_ref.dtype)], axis=0)
    gathered = padded_ref[arg].reshape(B, MAX_LENGTH, H)
    return mean_out, max_out.reshape(B, MAX_LENGTH), gathered

if __name__ == "__main__":
    import jax
    _d = setup_inputs()
    print(jax.jit(kernel)(*tuple(_d.values())))

</pallas_src>

<mosaic_0001>
#map = affine_map<(d0, d1) -> (0, 0)>
module attributes {stable_mosaic.version = 14 : i64} {
  func.func @sc_kernel(%arg0: i32, %arg1: i32, %arg2: memref<1024x512xf32, #tpu.memory_space<hbm>>, %arg3: memref<524288x64xf32, #tpu.memory_space<hbm>>, %arg4: memref<1024x512xi32, #tpu.memory_space<hbm>>, %arg5: memref<1024x512xf32, #tpu.memory_space<hbm>>, %arg6: memref<1024x512xf32, #tpu.memory_space<hbm>>, %arg7: memref<524288x64xf32, #tpu.memory_space<hbm>>, %arg8: memref<64x64xf32, #tpu.memory_space<hbm>>, %arg9: memref<512xi32, #tpu.memory_space<vmem>>, %arg10: memref<512xf32, #tpu.memory_space<vmem>>, %arg11: memref<512xf32, #tpu.memory_space<vmem>>, %arg12: memref<512xf32, #tpu.memory_space<vmem>>, %arg13: memref<512xf32, #tpu.memory_space<vmem>>, %arg14: memref<512xi32, #tpu.memory_space<vmem>>, %arg15: memref<512xf32, #tpu.memory_space<vmem>>, %arg16: memref<512xf32, #tpu.memory_space<vmem>>, %arg17: memref<512xi32, #tpu.memory_space<vmem>>, %arg18: memref<8x64xi32, #tpu.memory_space<vmem>>, %arg19: memref<576x64xf32, #tpu.memory_space<vmem>>, %arg20: memref<64x64xf32, #tpu.memory_space<vmem>>, %arg21: memref<!tpu.dma_semaphore, #tpu.memory_space<semaphore_mem>>, %arg22: memref<!tpu.dma_semaphore, #tpu.memory_space<semaphore_mem>>) attributes {dimension_semantics = [#tpu.dimension_semantics<core_parallel>, #tpu.dimension_semantics<subcore_parallel>], iteration_bounds = array<i64: 2, 16>, scalar_prefetch = 0 : i64, scratch_operands = 14 : i64, tpu.core_type = #tpu.core_type<sc_vector_subcore>, window_params = [{transform_indices = #map}, {transform_indices = #map}, {transform_indices = #map}, {transform_indices = #map}, {transform_indices = #map}, {transform_indices = #map}, {transform_indices = #map}]} {
    %mul3A = arith.constant 2 : i32
    %mul3A_0 = arith.muli %arg1, %mul3A : i32
    %add3A = arith.addi %mul3A_0, %arg0 : i32
    %iota3A = tpu.iota {dimensions = array<i32: 0>} : vector<16xi32>
    %broadcast_in_dim3A = arith.constant 0.000000e+00 : f32
    %broadcast_in_dim3A_1 = vector.broadcast %broadcast_in_dim3A : f32 to vector<16xf32>
    %broadcast_in_dim3A_2 = arith.constant 0 : i32
    %broadcast_in_dim3A_3 = vector.broadcast %broadcast_in_dim3A_2 : i32 to vector<16xi32>
    %broadcast_in_dim3A_4 = arith.constant 1.000000e+00 : f32
    %broadcast_in_dim3A_5 = vector.broadcast %broadcast_in_dim3A_4 : f32 to vector<16xf32>
    %broadcast_in_dim3A_6 = arith.constant 0xFF800000 : f32
    %broadcast_in_dim3A_7 = vector.broadcast %broadcast_in_dim3A_6 : f32 to vector<16xf32>
    %swap3A = arith.constant 0 : i32
    %swap3A_8 = arith.index_cast %swap3A : i32 to index
    %swap3A_9 = arith.constant 0 : index
    %swap3A_10 = tpu.vector_load %arg20[%swap3A_8, %swap3A_9] {strides = array<i32>} : memref<64x64xf32, #tpu.memory_space<vmem>>, vector<16xf32>,
    tpu.vector_store %arg20[%swap3A_8, %swap3A_9], %broadcast_in_dim3A_1 {strides = array<i32>} : memref<64x64xf32, #tpu.memory_space<vmem>>, vector<16xf32>,
    %swap3A_11 = arith.constant 0 : i32
    %swap3A_12 = arith.index_cast %swap3A_11 : i32 to index
    %swap3A_13 = arith.constant 16 : index
    %swap3A_14 = tpu.vector_load %arg20[%swap3A_12, %swap3A_13] {strides = array<i32>} : memref<64x64xf32, #tpu.memory_space<vmem>>, vector<16xf32>,
    tpu.vector_store %arg20[%swap3A_12, %swap3A_13], %broadcast_in_dim3A_1 {strides = array<i32>} : memref<64x64xf32, #tpu.memory_space<vmem>>, vector<16xf32>,
    %swap3A_15 = arith.constant 0 : i32
    %swap3A_16 = arith.index_cast %swap3A_15 : i32 to index
    %swap3A_17 = arith.constant 32 : index
    %swap3A_18 = tpu.vector_load %arg20[%swap3A_16, %swap3A_17] {strides = array<i32>} : memref<64x64xf32, #tpu.memory_space<vmem>>, vector<16xf32>,
    tpu.vector_store %arg20[%swap3A_16, %swap3A_17], %broadcast_in_dim3A_1 {strides = array<i32>} : memref<64x64xf32, #tpu.memory_space<vmem>>, vector<16xf32>,
    %swap3A_19 = arith.constant 0 : i32
    %swap3A_20 = arith.index_cast %swap3A_19 : i32 to index
    %swap3A_21 = arith.constant 48 : index
    %swap3A_22 = tpu.vector_load %arg20[%swap3A_20, %swap3A_21] {strides = array<i32>} : memref<64x64xf32, #tpu.memory_space<vmem>>, vector<16xf32>,
    tpu.vector_store %arg20[%swap3A_20, %swap3A_21], %broadcast_in_dim3A_1 {strides = array<i32>} : memref<64x64xf32, #tpu.memory_space<vmem>>, vector<16xf32>,
    %swap3A_23 = arith.constant 1 : i32
    %swap3A_24 = arith.index_cast %swap3A_23 : i32 to index
    %swap3A_25 = arith.constant 0 : index
    %swap3A_26 = tpu.vector_load %arg20[%swap3A_24, %swap3A_25] {strides = array<i32>} : memref<64x64xf32, #tpu.memory_space<vmem>>, vector<16xf32>,
    tpu.vector_store %arg20[%swap3A_24, %swap3A_25], %broadcast_in_dim3A_1 {strides = array<i32>} : memref<64x64xf32, #tpu.memory_space<vmem>>, vector<16xf32>,
    %swap3A_27 = arith.constant 1 : i32
    %swap3A_28 = arith.index_cast %swap3A_27 : i32 to index
    %swap3A_29 = arith.constant 16 : index
    %swap3A_30 = tpu.vector_load %arg20[%swap3A_28, %swap3A_29] {strides = array<i32>} : memref<64x64xf32, #tpu.memory_space<vmem>>, vector<16xf32>,
    tpu.vector_store %arg20[%swap3A_28, %swap3A_29], %broadcast_in_dim3A_1 {strides = array<i32>} : memref<64x64xf32, #tpu.memory_space<vmem>>, vector<16xf32>,
    %swap3A_31 = arith.constant 1 : i32
    %swap3A_32 = arith.index_cast %swap3A_31 : i32 to index
    %swap3A_33 = arith.constant 32 : index
    %swap3A_34 = tpu.vector_load %arg20[%swap3A_32, %swap3A_33] {strides = array<i32>} : memref<64x64xf32, #tpu.memory_space<vmem>>, vector<16xf32>,
    tpu.vector_store %arg20[%swap3A_32, %swap3A_33], %broadcast_in_dim3A_1 {strides = array<i32>} : memref<64x64xf32, #tpu.memory_space<vmem>>, vector<16xf32>,
    %swap3A_35 = arith.constant 1 : i32
    %swap3A_36 = arith.index_cast %swap3A_35 : i32 to index
    %swap3A_37 = arith.constant 48 : index
    %swap3A_38 = tpu.vector_load %arg20[%swap3A_36, %swap3A_37] {strides = array<i32>} : memref<64x64xf32, #tpu.memory_space<vmem>>, vector<16xf32>,
    tpu.vector_store %arg20[%swap3A_36, %swap3A_37], %broadcast_in_dim3A_1 {strides = array<i32>} : memref<64x64xf32, #tpu.memory_space<vmem>>, vector<16xf32>,
    %swap3A_39 = arith.constant 2 : i32
    %swap3A_40 = arith.index_cast %swap3A_39 : i32 to index
    %swap3A_41 = arith.constant 0 : index
    %swap3A_42 = tpu.vector_load %arg20[%swap3A_40, %swap3A_41] {strides = array<i32>} : memref<64x64xf32, #tpu.memory_space<vmem>>, vector<16xf32>,
    tpu.vector_store %arg20[%swap3A_40, %swap3A_41], %broadcast_in_dim3A_1 {strides = array<i32>} : memref<64x64xf32, #tpu.memory_space<vmem>>, vector<16xf32>,
    %swap3A_43 = arith.constant 2 : i32
    %swap3A_44 = arith.index_cast %swap3A_43 : i32 to index
    %swap3A_45 = arith.constant 16 : index
    %swap3A_46 = tpu.vector_load %arg20[%swap3A_44, %swap3A_45] {strides = array<i32>} : memref<64x64xf32, #tpu.memory_space<vmem>>, vector<16xf32>,
    tpu.vector_store %arg20[%swap3A_44, %swap3A_45], %broadcast_in_dim3A_1 {strides = array<i32>} : memref<64x64xf32, #tpu.memory_space<vmem>>, vector<16xf32>,
    %swap3A_47 = arith.constant 2 : i32
    %swap3A_48 = arith.index_cast %swap3A_47 : i32 to index
    %swap3A_49 = arith.constant 32 : index
    %swap3A_50 = tpu.vector_load %arg20[%swap3A_48, %swap3A_49] {strides = array<i32>} : memref<64x64xf32, #tpu.memory_space<vmem>>, vector<16xf32>,
    tpu.vector_store %arg20[%swap3A_48, %swap3A_49], %broadcast_in_dim3A_1 {strides = array<i32>} : memref<64x64xf32, #tpu.memory_space<vmem>>, vector<16xf32>,
    %swap3A_51 = arith.constant 2 : i32
    %swap3A_52 = arith.index_cast %swap3A_51 : i32 to index
    %swap3A_53 = arith.constant 48 : index
    %swap3A_54 = tpu.vector_load %arg20[%swap3A_52, %swap3A_53] {strides = array<i32>} : memref<64x64xf32, #tpu.memory_space<vmem>>, vector<16xf32>,
    tpu.vector_store %arg20[%swap3A_52, %swap3A_53], %broadcast_in_dim3A_1 {strides = array<i32>} : memref<64x64xf32, #tpu.memory_space<vmem>>, vector<16xf32>,
    %swap3A_55 = arith.constant 3 : i32
    %swap3A_56 = arith.index_cast %swap3A_55 : i32 to index
    %swap3A_57 = arith.constant 0 : index
    %swap3A_58 = tpu.vector_load %arg20[%swap3A_56, %swap3A_57] {strides = array<i32>} : memref<64x64xf32, #tpu.memory_space<vmem>>, vector<16xf32>,
    tpu.vector_store %arg20[%swap3A_56, %swap3A_57], %broadcast_in_dim3A_1 {strides = array<i32>} : memref<64x64xf32, #tpu.memory_space<vmem>>, vector<16xf32>,
    %swap3A_59 = arith.constant 3 : i32
    %swap3A_60 = arith.index_cast %swap3A_59 : i32 to index
    %swap3A_61 = arith.constant 16 : index
    %swap3A_62 = tpu.vector_load %arg20[%swap3A_60, %swap3A_61] {strides = array<i32>} : memref<64x64xf32, #tpu.memory_space<vmem>>, vector<16xf32>,
    tpu.vector_store %arg20[%swap3A_60, %swap3A_61], %broadcast_in_dim3A_1 {strides = array<i32>} : memref<64x64xf32, #tpu.memory_space<vmem>>, vector<16xf32>,
    %swap3A_63 = arith.constant 3 : i32
    %swap3A_64 = arith.index_cast %swap3A_63 : i32 to index
    %swap3A_65 = arith.constant 32 : index
    %swap3A_66 = tpu.vector_load %arg20[%swap3A_64, %swap3A_65] {strides = array<i32>} : memref<64x64xf32, #tpu.memory_space<vmem>>, vector<16xf32>,
    tpu.vector_store %arg20[%swap3A_64, %swap3A_65], %broadcast_in_dim3A_1 {strides = array<i32>} : memref<64x64xf32, #tpu.memory_space<vmem>>, vector<16xf32>,
    %swap3A_67 = arith.constant 3 : i32
    %swap3A_68 = arith.index_cast %swap3A_67 : i32 to index
    %swap3A_69 = arith.constant 48 : index
    %swap3A_70 = tpu.vector_load %arg20[%swap3A_68, %swap3A_69] {strides = array<i32>} : memref<64x64xf32, #tpu.memory_space<vmem>>, vector<16xf32>,
    tpu.vector_store %arg20[%swap3A_68, %swap3A_69], %broadcast_in_dim3A_1 {strides = array<i32>} : memref<64x64xf32, #tpu.memory_space<vmem>>, vector<16xf32>,
    %swap3A_71 = arith.constant 4 : i32
    %swap3A_72 = arith.index_cast %swap3A_71 : i32 to index
    %swap3A_73 = arith.constant 0 : index
    %swap3A_74 = tpu.vector_load %arg20[%swap3A_72, %swap3A_73] {strides = array<i32>} : memref<64x64xf32, #tpu.memory_space<vmem>>, vector<16xf32>,
    tpu.vector_store %arg20[%swap3A_72, %swap3A_73], %broadcast_in_dim3A_1 {strides = array<i32>} : memref<64x64xf32, #tpu.memory_space<vmem>>, vector<16xf32>,
    %swap3A_75 = arith.constant 4 : i32
    %swap3A_76 = arith.index_cast %swap3A_75 : i32 to index
    %swap3A_77 = arith.constant 16 : index
    %swap3A_78 = tpu.vector_load %arg20[%swap3A_76, %swap3A_77] {strides = array<i32>} : memref<64x64xf32, #tpu.memory_space<vmem>>, vector<16xf32>,
    tpu.vector_store %arg20[%swap3A_76, %swap3A_77], %broadcast_in_dim3A_1 {strides = array<i32>} : memref<64x64xf32, #tpu.memory_space<vmem>>, vector<16xf32>,
    %swap3A_79 = arith.constant 4 : i32
    %swap3A_80 = arith.index_cast %swap3A_79 : i32 to index
    %swap3A_81 = arith.constant 32 : index
    %swap3A_82 = tpu.vector_load %arg20[%swap3A_80, %swap3A_81] {strides = array<i32>} : memref<64x64xf32, #tpu.memory_space<vmem>>, vector<16xf32>,
    tpu.vector_store %arg20[%swap3A_80, %swap3A_81], %broadcast_in_dim3A_1 {strides = array<i32>} : memref<64x64xf32, #tpu.memory_space<vmem>>, vector<16xf32>,
    %swap3A_83 = arith.constant 4 : i32
    %swap3A_84 = arith.index_cast %swap3A_83 : i32 to index
    %swap3A_85 = arith.constant 48 : index
    %swap3A_86 = tpu.vector_load %arg20[%swap3A_84, %swap3A_85] {strides = array<i32>} : memref<64x64xf32, #tpu.memory_space<vmem>>, vector<16xf32>,
    tpu.vector_store %arg20[%swap3A_84, %swap3A_85], %broadcast_in_dim3A_1 {strides = array<i32>} : memref<64x64xf32, #tpu.memory_space<vmem>>, vector<16xf32>,
    %swap3A_87 = arith.constant 5 : i32
    %swap3A_88 = arith.index_cast %swap3A_87 : i32 to index
    %swap3A_89 = arith.constant 0 : index
    %swap3A_90 = tpu.vector_load %arg20[%swap3A_88, %swap3A_89] {strides = array<i32>} : memref<64x64xf32, #tpu.memory_space<vmem>>, vector<16xf32>,
    tpu.vector_store %arg20[%swap3A_88, %swap3A_89], %broadcast_in_dim3A_1 {strides = array<i32>} : memref<64x64xf32, #tpu.memory_space<vmem>>, vector<16xf32>,
    %swap3A_91 = arith.constant 5 : i32
    %swap3A_92 = arith.index_cast %swap3A_91 : i32 to index
    %swap3A_93 = arith.constant 16 : index
    %swap3A_94 = tpu.vector_load %arg20[%swap3A_92, %swap3A_93] {strides = array<i32>} : memref<64x64xf32, #tpu.memory_space<vmem>>, vector<16xf32>,
    tpu.vector_store %arg20[%swap3A_92, %swap3A_93], %broadcast_in_dim3A_1 {strides = array<i32>} : memref<64x64xf32, #tpu.memory_space<vmem>>, vector<16xf32>,
    %swap3A_95 = arith.constant 5 : i32
    %swap3A_96 = arith.index_cast %swap3A_95 : i32 to index
    %swap3A_97 = arith.constant 32 : index
    %swap3A_98 = tpu.vector_load %arg20[%swap3A_96, %swap3A_97] {strides = array<i32>} : memref<64x64xf32, #tpu.memory_space<vmem>>, vector<16xf32>,
    tpu.vector_store %arg20[%swap3A_96, %swap3A_97], %broadcast_in_dim3A_1 {strides = array<i32>} : memref<64x64xf32, #tpu.memory_space<vmem>>, vector<16xf32>,
    %swap3A_99 = arith.constant 5 : i32
    %swap3A_100 = arith.index_cast %swap3A_99 : i32 to index
    %swap3A_101 = arith.constant 48 : index
    %swap3A_102 = tpu.vector_load %arg20[%swap3A_100, %swap3A_101] {strides = array<i32>} : memref<64x64xf32, #tpu.memory_space<vmem>>, vector<16xf32>,
    tpu.vector_store %arg20[%swap3A_100, %swap3A_101], %broadcast_in_dim3A_1 {strides = array<i32>} : memref<64x64xf32, #tpu.memory_space<vmem>>, vector<16xf32>,
    %swap3A_103 = arith.constant 6 : i32
    %swap3A_104 = arith.index_cast %swap3A_103 : i32 to index
    %swap3A_105 = arith.constant 0 : index
    %swap3A_106 = tpu.vector_load %arg20[%swap3A_104, %swap3A_105] {strides = array<i32>} : memref<64x64xf32, #tpu.memory_space<vmem>>, vector<16xf32>,
    tpu.vector_store %arg20[%swap3A_104, %swap3A_105], %broadcast_in_dim3A_1 {strides = array<i32>} : memref<64x64xf32, #tpu.memory_space<vmem>>, vector<16xf32>,
    %swap3A_107 = arith.constant 6 : i32
    %swap3A_108 = arith.index_cast %swap3A_107 : i32 to index
    %swap3A_109 = arith.constant 16 : index
    %swap3A_110 = tpu.vector_load %arg20[%swap3A_108, %swap3A_109] {strides = array<i32>} : memref<64x64xf32, #tpu.memory_space<vmem>>, vector<16xf32>,
    tpu.vector_store %arg20[%swap3A_108, %swap3A_109], %broadcast_in_dim3A_1 {strides = array<i32>} : memref<64x64xf32, #tpu.memory_space<vmem>>, vector<16xf32>,
    %swap3A_111 = arith.constant 6 : i32
    %swap3A_112 = arith.index_cast %swap3A_111 : i32 to index
    %swap3A_113 = arith.constant 32 : index
    %swap3A_114 = tpu.vector_load %arg20[%swap3A_112, %swap3A_113] {strides = array<i32>} : memref<64x64xf32, #tpu.memory_space<vmem>>, vector<16xf32>,
    tpu.vector_store %arg20[%swap3A_112, %swap3A_113], %broadcast_in_dim3A_1 {strides = array<i32>} : memref<64x64xf32, #tpu.memory_space<vmem>>, vector<16xf32>,
    %swap3A_115 = arith.constant 6 : i32
    %swap3A_116 = arith.index_cast %swap3A_115 : i32 to index
    %swap3A_117 = arith.constant 48 : index
    %swap3A_118 = tpu.vector_load %arg20[%swap3A_116, %swap3A_117] {strides = array<i32>} : memref<64x64xf32, #tpu.memory_space<vmem>>, vector<16xf32>,
    tpu.vector_store %arg20[%swap3A_116, %swap3A_117], %broadcast_in_dim3A_1 {strides = array<i32>} : memref<64x64xf32, #tpu.memory_space<vmem>>, vector<16xf32>,
    %swap3A_119 = arith.constant 7 : i32
    %swap3A_120 = arith.index_cast %swap3A_119 : i32 to index
    %swap3A_121 = arith.constant 0 : index
    %swap3A_122 = tpu.vector_load %arg20[%swap3A_120, %swap3A_121] {strides = array<i32>} : memref<64x64xf32, #tpu.memory_space<vmem>>, vector<16xf32>,
    tpu.vector_store %arg20[%swap3A_120, %swap3A_121], %broadcast_in_dim3A_1 {strides = array<i32>} : memref<64x64xf32, #tpu.memory_space<vmem>>, vector<16xf32>,
    %swap3A_123 = arith.constant 7 : i32
    %swap3A_124 = arith.index_cast %swap3A_123 : i32 to index
    %swap3A_125 = arith.constant 16 : index
    %swap3A_126 = tpu.vector_load %arg20[%swap3A_124, %swap3A_125] {strides = array<i32>} : memref<64x64xf32, #tpu.memory_space<vmem>>, vector<16xf32>,
    tpu.vector_store %arg20[%swap3A_124, %swap3A_125], %broadcast_in_dim3A_1 {strides = array<i32>} : memref<64x64xf32, #tpu.memory_space<vmem>>, vector<16xf32>,
    %swap3A_127 = arith.constant 7 : i32
    %swap3A_128 = arith.index_cast %swap3A_127 : i32 to index
    %swap3A_129 = arith.constant 32 : index
    %swap3A_130 = tpu.vector_load %arg20[%swap3A_128, %swap3A_129] {strides = array<i32>} : memref<64x64xf32, #tpu.memory_space<vmem>>, vector<16xf32>,
    tpu.vector_store %arg20[%swap3A_128, %swap3A_129], %broadcast_in_dim3A_1 {strides = array<i32>} : memref<64x64xf32, #tpu.memory_space<vmem>>, vector<16xf32>,
    %swap3A_131 = arith.constant 7 : i32
    %swap3A_132 = arith.index_cast %swap3A_131 : i32 to index
    %swap3A_133 = arith.constant 48 : index
    %swap3A_134 = tpu.vector_load %arg20[%swap3A_132, %swap3A_133] {strides = array<i32>} : memref<64x64xf32, #tpu.memory_space<vmem>>, vector<16xf32>,
    tpu.vector_store %arg20[%swap3A_132, %swap3A_133], %broadcast_in_dim3A_1 {strides = array<i32>} : memref<64x64xf32, #tpu.memory_space<vmem>>, vector<16xf32>,
    %swap3A_135 = arith.constant 8 : i32
    %swap3A_136 = arith.index_cast %swap3A_135 : i32 to index
    %swap3A_137 = arith.constant 0 : index
    %swap3A_138 = tpu.vector_load %arg20[%swap3A_136, %swap3A_137] {strides = array<i32>} : memref<64x64xf32, #tpu.memory_space<vmem>>, vector<16xf32>,
    tpu.vector_store %arg20[%swap3A_136, %swap3A_137], %broadcast_in_dim3A_1 {strides = array<i32>} : memref<64x64xf32, #tpu.memory_space<vmem>>, vector<16xf32>,
    %swap3A_139 = arith.constant 8 : i32
    %swap3A_140 = arith.index_cast %swap3A_139 : i32 to index
    %swap3A_141 = arith.constant 16 : index
    %swap3A_142 = tpu.vector_load %arg20[%swap3A_140, %swap3A_141] {strides = array<i32>} : memref<64x64xf32, #tpu.memory_space<vmem>>, vector<16xf32>,
    tpu.vector_store %arg20[%swap3A_140, %swap3A_141], %broadcast_in_dim3A_1 {strides = array<i32>} : memref<64x64xf32, #tpu.memory_space<vmem>>, vector<16xf32>,
    %swap3A_143 = arith.constant 8 : i32
    %swap3A_144 = arith.index_cast %swap3A_143 : i32 to index
    %swap3A_145 = arith.constant 32 : index
    %swap3A_146 = tpu.vector_load %arg20[%swap3A_144, %swap3A_145] {strides = array<i32>} : memref<64x64xf32, #tpu.memory_space<vmem>>, vector<16xf32>,
    tpu.vector_store %arg20[%swap3A_144, %swap3A_145], %broadcast_in_dim3A_1 {strides = array<i32>} : memref<64x64xf32, #tpu.memory_space<vmem>>, vector<16xf32>,
    %swap3A_147 = arith.constant 8 : i32
    %swap3A_148 = arith.index_cast %swap3A_147 : i32 to index
    %swap3A_149 = arith.constant 48 : index
    %swap3A_150 = tpu.vector_load %arg20[%swap3A_148, %swap3A_149] {strides = array<i32>} : memref<64x64xf32, #tpu.memory_space<vmem>>, vector<16xf32>,
    tpu.vector_store %arg20[%swap3A_148, %swap3A_149], %broadcast_in_dim3A_1 {strides = array<i32>} : memref<64x64xf32, #tpu.memory_space<vmem>>, vector<16xf32>,
    %swap3A_151 = arith.constant 9 : i32
    %swap3A_152 = arith.index_cast %swap3A_151 : i32 to index
    %swap3A_153 = arith.constant 0 : index
    %swap3A_154 = tpu.vector_load %arg20[%swap3A_152, %swap3A_153] {strides = array<i32>} : memref<64x64xf32, #tpu.memory_space<vmem>>, vector<16xf32>,
    tpu.vector_store %arg20[%swap3A_152, %swap3A_153], %broadcast_in_dim3A_1 {strides = array<i32>} : memref<64x64xf32, #tpu.memory_space<vmem>>, vector<16xf32>,
    %swap3A_155 = arith.constant 9 : i32
    %swap3A_156 = arith.index_cast %swap3A_155 : i32 to index
    %swap3A_157 = arith.constant 16 : index
    %swap3A_158 = tpu.vector_load %arg20[%swap3A_156, %swap3A_157] {strides = array<i32>} : memref<64x64xf32, #tpu.memory_space<vmem>>, vector<16xf32>,
    tpu.vector_store %arg20[%swap3A_156, %swap3A_157], %broadcast_in_dim3A_1 {strides = array<i32>} : memref<64x64xf32, #tpu.memory_space<vmem>>, vector<16xf32>,
    %swap3A_159 = arith.constant 9 : i32
    %swap3A_160 = arith.index_cast %swap3A_159 : i32 to index
    %swap3A_161 = arith.constant 32 : index
    %swap3A_162 = tpu.vector_load %arg20[%swap3A_160, %swap3A_161] {strides = array<i32>} : memref<64x64xf32, #tpu.memory_space<vmem>>, vector<16xf32>,
    tpu.vector_store %arg20[%swap3A_160, %swap3A_161], %broadcast_in_dim3A_1 {strides = array<i32>} : memref<64x64xf32, #tpu.memory_space<vmem>>, vector<16xf32>,
    %swap3A_163 = arith.constant 9 : i32
    %swap3A_164 = arith.index_cast %swap3A_163 : i32 to index
    %swap3A_165 = arith.constant 48 : index
    %swap3A_166 = tpu.vector_load %arg20[%swap3A_164, %swap3A_165] {strides = array<i32>} : memref<64x64xf32, #tpu.memory_space<vmem>>, vector<16xf32>,
    tpu.vector_store %arg20[%swap3A_164, %swap3A_165], %broadcast_in_dim3A_1 {strides = array<i32>} : memref<64x64xf32, #tpu.memory_space<vmem>>, vector<16xf32>,
    %swap3A_167 = arith.constant 10 : i32
    %swap3A_168 = arith.index_cast %swap3A_167 : i32 to index
    %swap3A_169 = arith.constant 0 : index
    %swap3A_170 = tpu.vector_load %arg20[%swap3A_168, %swap3A_169] {strides = array<i32>} : memref<64x64xf32, #tpu.memory_space<vmem>>, vector<16xf32>,
    tpu.vector_store %arg20[%swap3A_168, %swap3A_169], %broadcast_in_dim3A_1 {strides = array<i32>} : memref<64x64xf32, #tpu.memory_space<vmem>>, vector<16xf32>,
    %swap3A_171 = arith.constant 10 : i32
    %swap3A_172 = arith.index_cast %swap3A_171 : i32 to index
    %swap3A_173 = arith.constant 16 : index
    %swap3A_174 = tpu.vector_load %arg20[%swap3A_172, %swap3A_173] {strides = array<i32>} : memref<64x64xf32, #tpu.memory_space<vmem>>, vector<16xf32>,
    tpu.vector_store %arg20[%swap3A_172, %swap3A_173], %broadcast_in_dim3A_1 {strides = array<i32>} : memref<64x64xf32, #tpu.memory_space<vmem>>, vector<16xf32>,
    %swap3A_175 = arith.constant 10 : i32
    %swap3A_176 = arith.index_cast %swap3A_175 : i32 to index
    %swap3A_177 = arith.constant 32 : index
    %swap3A_178 = tpu.vector_load %arg20[%swap3A_176, %swap3A_177] {strides = array<i32>} : memref<64x64xf32, #tpu.memory_space<vmem>>, vector<16xf32>,
    tpu.vector_store %arg20[%swap3A_176, %swap3A_177], %broadcast_in_dim3A_1 {strides = array<i32>} : memref<64x64xf32, #tpu.memory_space<vmem>>, vector<16xf32>,
    %swap3A_179 = arith.constant 10 : i32
    %swap3A_180 = arith.index_cast %swap3A_179 : i32 to index
    %swap3A_181 = arith.constant 48 : index
    %swap3A_182 = tpu.vector_load %arg20[%swap3A_180, %swap3A_181] {strides = array<i32>} : memref<64x64xf32, #tpu.memory_space<vmem>>, vector<16xf32>,
    tpu.vector_store %arg20[%swap3A_180, %swap3A_181], %broadcast_in_dim3A_1 {strides = array<i32>} : memref<64x64xf32, #tpu.memory_space<vmem>>, vector<16xf32>,
    %swap3A_183 = arith.constant 11 : i32
    %swap3A_184 = arith.index_cast %swap3A_183 : i32 to index
    %swap3A_185 = arith.constant 0 : index
    %swap3A_186 = tpu.vector_load %arg20[%swap3A_184, %swap3A_185] {strides = array<i32>} : memref<64x64xf32, #tpu.memory_space<vmem>>, vector<16xf32>,
    tpu.vector_store %arg20[%swap3A_184, %swap3A_185], %broadcast_in_dim3A_1 {strides = array<i32>} : memref<64x64xf32, #tpu.memory_space<vmem>>, vector<16xf32>,
    %swap3A_187 = arith.constant 11 : i32
    %swap3A_188 = arith.index_cast %swap3A_187 : i32 to index
    %swap3A_189 = arith.constant 16 : index
    %swap3A_190 = tpu.vector_load %arg20[%swap3A_188, %swap3A_189] {strides = array<i32>} : memref<64x64xf32, #tpu.memory_space<vmem>>, vector<16xf32>,
    tpu.vector_store %arg20[%swap3A_188, %swap3A_189], %broadcast_in_dim3A_1 {strides = array<i32>} : memref<64x64xf32, #tpu.memory_space<vmem>>, vector<16xf32>,
    %swap3A_191 = arith.constant 11 : i32
    %swap3A_192 = arith.index_cast %swap3A_191 : i32 to index
    %swap3A_193 = arith.constant 32 : index
    %swap3A_194 = tpu.vector_load %arg20[%swap3A_192, %swap3A_193] {strides = array<i32>} : memref<64x64xf32, #tpu.memory_space<vmem>>, vector<16xf32>,
    tpu.vector_store %arg20[%swap3A_192, %swap3A_193], %broadcast_in_dim3A_1 {strides = array<i32>} : memref<64x64xf32, #tpu.memory_space<vmem>>, vector<16xf32>,
    %swap3A_195 = arith.constant 11 : i32
    %swap3A_196 = arith.index_cast %swap3A_195 : i32 to index
    %swap3A_197 = arith.constant 48 : index
    %swap3A_198 = tpu.vector_load %arg20[%swap3A_196, %swap3A_197] {strides = array<i32>} : memref<64x64xf32, #tpu.memory_space<vmem>>, vector<16xf32>,
    tpu.vector_store %arg20[%swap3A_196, %swap3A_197], %broadcast_in_dim3A_1 {strides = array<i32>} : memref<64x64xf32, #tpu.memory_space<vmem>>, vector<16xf32>,
    %swap3A_199 = arith.constant 12 : i32
    %swap3A_200 = arith.index_cast %swap3A_199 : i32 to index
    %swap3A_201 = arith.constant 0 : index
    %swap3A_202 = tpu.vector_load %arg20[%swap3A_200, %swap3A_201] {strides = array<i32>} : memref<64x64xf32, #tpu.memory_space<vmem>>, vector<16xf32>,
    tpu.vector_store %arg20[%swap3A_200, %swap3A_201], %broadcast_in_dim3A_1 {strides = array<i32>} : memref<64x64xf32, #tpu.memory_space<vmem>>, vector<16xf32>,
    %swap3A_203 = arith.constant 12 : i32
    %swap3A_204 = arith.index_cast %swap3A_203 : i32 to index
    %swap3A_205 = arith.constant 16 : index
    %swap3A_206 = tpu.vector_load %arg20[%swap3A_204, %swap3A_205] {strides = array<i32>} : memref<64x64xf32, #tpu.memory_space<vmem>>, vector<16xf32>,
    tpu.vector_store %arg20[%swap3A_204, %swap3A_205], %broadcast_in_dim3A_1 {strides = array<i32>} : memref<64x64xf32, #tpu.memory_space<vmem>>, vector<16xf32>,
    %swap3A_207 = arith.constant 12 : i32
    %swap3A_208 = arith.index_cast %swap3A_207 : i32 to index
    %swap3A_209 = arith.constant 32 : index
    %swap3A_210 = tpu.vector_load %arg20[%swap3A_208, %swap3A_209] {strides = array<i32>} : memref<64x64xf32, #tpu.memory_space<vmem>>, vector<16xf32>,
    tpu.vector_store %arg20[%swap3A_208, %swap3A_209], %broadcast_in_dim3A_1 {strides = array<i32>} : memref<64x64xf32, #tpu.memory_space<vmem>>, vector<16xf32>,
    %swap3A_211 = arith.constant 12 : i32
    %swap3A_212 = arith.index_cast %swap3A_211 : i32 to index
    %swap3A_213 = arith.constant 48 : index
    %swap3A_214 = tpu.vector_load %arg20[%swap3A_212, %swap3A_213] {strides = array<i32>} : memref<64x64xf32, #tpu.memory_space<vmem>>, vector<16xf32>,
    tpu.vector_store %arg20[%swap3A_212, %swap3A_213], %broadcast_in_dim3A_1 {strides = array<i32>} : memref<64x64xf32, #tpu.memory_space<vmem>>, vector<16xf32>,
    %swap3A_215 = arith.constant 13 : i32
    %swap3A_216 = arith.index_cast %swap3A_215 : i32 to index
    %swap3A_217 = arith.constant 0 : index
    %swap3A_218 = tpu.vector_load %arg20[%swap3A_216, %swap3A_217] {strides = array<i32>} : memref<64x64xf32, #tpu.memory_space<vmem>>, vector<16xf32>,
    tpu.vector_store %arg20[%swap3A_216, %swap3A_217], %broadcast_in_dim3A_1 {strides = array<i32>} : memref<64x64xf32, #tpu.memory_space<vmem>>, vector<16xf32>,
    %swap3A_219 = arith.constant 13 : i32
    %swap3A_220 = arith.index_cast %swap3A_219 : i32 to index
    %swap3A_221 = arith.constant 16 : index
    %swap3A_222 = tpu.vector_load %arg20[%swap3A_220, %swap3A_221] {strides = array<i32>} : memref<64x64xf32, #tpu.memory_space<vmem>>, vector<16xf32>,
    tpu.vector_store %arg20[%swap3A_220, %swap3A_221], %broadcast_in_dim3A_1 {strides = array<i32>} : memref<64x64xf32, #tpu.memory_space<vmem>>, vector<16xf32>,
    %swap3A_223 = arith.constant 13 : i32
    %swap3A_224 = arith.index_cast %swap3A_223 : i32 to index
    %swap3A_225 = arith.constant 32 : index
    %swap3A_226 = tpu.vector_load %arg20[%swap3A_224, %swap3A_225] {strides = array<i32>} : memref<64x64xf32, #tpu.memory_space<vmem>>, vector<16xf32>,
    tpu.vector_store %arg20[%swap3A_224, %swap3A_225], %broadcast_in_dim3A_1 {strides = array<i32>} : memref<64x64xf32, #tpu.memory_space<vmem>>, vector<16xf32>,
    %swap3A_227 = arith.constant 13 : i32
    %swap3A_228 = arith.index_cast %swap3A_227 : i32 to index
    %swap3A_229 = arith.constant 48 : index
    %swap3A_230 = tpu.vector_load %arg20[%swap3A_228, %swap3A_229] {strides = array<i32>} : memref<64x64xf32, #tpu.memory_space<vmem>>, vector<16xf32>,
    tpu.vector_store %arg20[%swap3A_228, %swap3A_229], %broadcast_in_dim3A_1 {strides = array<i32>} : memref<64x64xf32, #tpu.memory_space<vmem>>, vector<16xf32>,
    %swap3A_231 = arith.constant 14 : i32
    %swap3A_232 = arith.index_cast %swap3A_231 : i32 to index
    %swap3A_233 = arith.constant 0 : index
    %swap3A_234 = tpu.vector_load %arg20[%swap3A_232, %swap3A_233] {strides = array<i32>} : memref<64x64xf32, #tpu.memory_space<vmem>>, vector<16xf32>,
    tpu.vector_store %arg20[%swap3A_232, %swap3A_233], %broadcast_in_dim3A_1 {strides = array<i32>} : memref<64x64xf32, #tpu.memory_space<vmem>>, vector<16xf32>,
    %swap3A_235 = arith.constant 14 : i32
    %swap3A_236 = arith.index_cast %swap3A_235 : i32 to index
    %swap3A_237 = arith.constant 16 : index
    %swap3A_238 = tpu.vector_load %arg20[%swap3A_236, %swap3A_237] {strides = array<i32>} : memref<64x64xf32, #tpu.memory_space<vmem>>, vector<16xf32>,
    tpu.vector_store %arg20[%swap3A_236, %swap3A_237], %broadcast_in_dim3A_1 {strides = array<i32>} : memref<64x64xf32, #tpu.memory_space<vmem>>, vector<16xf32>,
    %swap3A_239 = arith.constant 14 : i32
    %swap3A_240 = arith.index_cast %swap3A_239 : i32 to index
    %swap3A_241 = arith.constant 32 : index
    %swap3A_242 = tpu.vector_load %arg20[%swap3A_240, %swap3A_241] {strides = array<i32>} : memref<64x64xf32, #tpu.memory_space<vmem>>, vector<16xf32>,
    tpu.vector_store %arg20[%swap3A_240, %swap3A_241], %broadcast_in_dim3A_1 {strides = array<i32>} : memref<64x64xf32, #tpu.memory_space<vmem>>, vector<16xf32>,
    %swap3A_243 = arith.constant 14 : i32
    %swap3A_244 = arith.index_cast %swap3A_243 : i32 to index
    %swap3A_245 = arith.constant 48 : index
    %swap3A_246 = tpu.vector_load %arg20[%swap3A_244, %swap3A_245] {strides = array<i32>} : memref<64x64xf32, #tpu.memory_space<vmem>>, vector<16xf32>,
    tpu.vector_store %arg20[%swap3A_244, %swap3A_245], %broadcast_in_dim3A_1 {strides = array<i32>} : memref<64x64xf32, #tpu.memory_space<vmem>>, vector<16xf32>,
    %swap3A_247 = arith.constant 15 : i32
    %swap3A_248 = arith.index_cast %swap3A_247 : i32 to index
    %swap3A_249 = arith.constant 0 : index
    %swap3A_250 = tpu.vector_load %arg20[%swap3A_248, %swap3A_249] {strides = array<i32>} : memref<64x64xf32, #tpu.memory_space<vmem>>, vector<16xf32>,
    tpu.vector_store %arg20[%swap3A_248, %swap3A_249], %broadcast_in_dim3A_1 {strides = array<i32>} : memref<64x64xf32, #tpu.memory_space<vmem>>, vector<16xf32>,
    %swap3A_251 = arith.constant 15 : i32
    %swap3A_252 = arith.index_cast %swap3A_251 : i32 to index
    %swap3A_253 = arith.constant 16 : index
    %swap3A_254 = tpu.vector_load %arg20[%swap3A_252, %swap3A_253] {strides = array<i32>} : memref<64x64xf32, #tpu.memory_space<vmem>>, vector<16xf32>,
    tpu.vector_store %arg20[%swap3A_252, %swap3A_253], %broadcast_in_dim3A_1 {strides = array<i32>} : memref<64x64xf32, #tpu.memory_space<vmem>>, vector<16xf32>,
    %swap3A_255 = arith.constant 15 : i32
    %swap3A_256 = arith.index_cast %swap3A_255 : i32 to index
    %swap3A_257 = arith.constant 32 : index
    %swap3A_258 = tpu.vector_load %arg20[%swap3A_256, %swap3A_257] {strides = array<i32>} : memref<64x64xf32, #tpu.memory_space<vmem>>, vector<16xf32>,
    tpu.vector_store %arg20[%swap3A_256, %swap3A_257], %broadcast_in_dim3A_1 {strides = array<i32>} : memref<64x64xf32, #tpu.memory_space<vmem>>, vector<16xf32>,
    %swap3A_259 = arith.constant 15 : i32
    %swap3A_260 = arith.index_cast %swap3A_259 : i32 to index
    %swap3A_261 = arith.constant 48 : index
    %swap3A_262 = tpu.vector_load %arg20[%swap3A_260, %swap3A_261] {strides = array<i32>} : memref<64x64xf32, #tpu.memory_space<vmem>>, vector<16xf32>,
    tpu.vector_store %arg20[%swap3A_260, %swap3A_261], %broadcast_in_dim3A_1 {strides = array<i32>} : memref<64x64xf32, #tpu.memory_space<vmem>>, vector<16xf32>,
    %swap3A_263 = arith.constant 16 : i32
    %swap3A_264 = arith.index_cast %swap3A_263 : i32 to index
    %swap3A_265 = arith.constant 0 : index
    %swap3A_266 = tpu.vector_load %arg20[%swap3A_264, %swap3A_265] {strides = array<i32>} : memref<64x64xf32, #tpu.memory_space<vmem>>, vector<16xf32>,
    tpu.vector_store %arg20[%swap3A_264, %swap3A_265], %broadcast_in_dim3A_1 {strides = array<i32>} : memref<64x64xf32, #tpu.memory_space<vmem>>, vector<16xf32>,
    %swap3A_267 = arith.constant 16 : i32
    %swap3A_268 = arith.index_cast %swap3A_267 : i32 to index
    %swap3A_269 = arith.constant 16 : index
    %swap3A_270 = tpu.vector_load %arg20[%swap3A_268, %swap3A_269] {strides = array<i32>} : memref<64x64xf32, #tpu.memory_space<vmem>>, vector<16xf32>,
    tpu.vector_store %arg20[%swap3A_268, %swap3A_269], %broadcast_in_dim3A_1 {strides = array<i32>} : memref<64x64xf32, #tpu.memory_space<vmem>>, vector<16xf32>,
    %swap3A_271 = arith.constant 16 : i32
    %swap3A_272 = arith.index_cast %swap3A_271 : i32 to index
    %swap3A_273 = arith.constant 32 : index
    %swap3A_274 = tpu.vector_load %arg20[%swap3A_272, %swap3A_273] {strides = array<i32>} : memref<64x64xf32, #tpu.memory_space<vmem>>, vector<16xf32>,
    tpu.vector_store %arg20[%swap3A_272, %swap3A_273], %broadcast_in_dim3A_1 {strides = array<i32>} : memref<64x64xf32, #tpu.memory_space<vmem>>, vector<16xf32>,
    %swap3A_275 = arith.constant 16 : i32
    %swap3A_276 = arith.index_cast %swap3A_275 : i32 to index
    %swap3A_277 = arith.constant 48 : index
    %swap3A_278 = tpu.vector_load %arg20[%swap3A_276, %swap3A_277] {strides = array<i32>} : memref<64x64xf32, #tpu.memory_space<vmem>>, vector<16xf32>,
    tpu.vector_store %arg20[%swap3A_276, %swap3A_277], %broadcast_in_dim3A_1 {strides = array<i32>} : memref<64x64xf32, #tpu.memory_space<vmem>>, vector<16xf32>,
    %swap3A_279 = arith.constant 17 : i32
    %swap3A_280 = arith.index_cast %swap3A_279 : i32 to index
    %swap3A_281 = arith.constant 0 : index
    %swap3A_282 = tpu.vector_load %arg20[%swap3A_280, %swap3A_281] {strides = array<i32>} : memref<64x64xf32, #tpu.memory_space<vmem>>, vector<16xf32>,
    tpu.vector_store %arg20[%swap3A_280, %swap3A_281], %broadcast_in_dim3A_1 {strides = array<i32>} : memref<64x64xf32, #tpu.memory_space<vmem>>, vector<16xf32>,
    %swap3A_283 = arith.constant 17 : i32
    %swap3A_284 = arith.index_cast %swap3A_283 : i32 to index
    %swap3A_285 = arith.constant 16 : index
    %swap3A_286 = tpu.vector_load %arg20[%swap3A_284, %swap3A_285] {strides = array<i32>} : memref<64x64xf32, #tpu.memory_space<vmem>>, vector<16xf32>,
    tpu.vector_store %arg20[%swap3A_284, %swap3A_285], %broadcast_in_dim3A_1 {strides = array<i32>} : memref<64x64xf32, #tpu.memory_space<vmem>>, vector<16xf32>,
    %swap3A_287 = arith.constant 17 : i32
    %swap3A_288 = arith.index_cast %swap3A_287 : i32 to index
    %swap3A_289 = arith.constant 32 : index
    %swap3A_290 = tpu.vector_load %arg20[%swap3A_288, %swap3A_289] {strides = array<i32>} : memref<64x64xf32, #tpu.memory_space<vmem>>, vector<16xf32>,
    tpu.vector_store %arg20[%swap3A_288, %swap3A_289], %broadcast_in_dim3A_1 {strides = array<i32>} : memref<64x64xf32, #tpu.memory_space<vmem>>, vector<16xf32>,
    %swap3A_291 = arith.constant 17 : i32
    %swap3A_292 = arith.index_cast %swap3A_291 : i32 to index
    %swap3A_293 = arith.constant 48 : index
    %swap3A_294 = tpu.vector_load %arg20[%swap3A_292, %swap3A_293] {strides = array<i32>} : memref<64x64xf32, #tpu.memory_space<vmem>>, vector<16xf32>,
    tpu.vector_store %arg20[%swap3A_292, %swap3A_293], %broadcast_in_dim3A_1 {strides = array<i32>} : memref<64x64xf32, #tpu.memory_space<vmem>>, vector<16xf32>,
    %swap3A_295 = arith.constant 18 : i32
    %swap3A_296 = arith.index_cast %swap3A_295 : i32 to index
    %swap3A_297 = arith.constant 0 : index
    %swap3A_298 = tpu.vector_load %arg20[%swap3A_296, %swap3A_297] {strides = array<i32>} : memref<64x64xf32, #tpu.memory_space<vmem>>, vector<16xf32>,
    tpu.vector_store %arg20[%swap3A_296, %swap3A_297], %broadcast_in_dim3A_1 {strides = array<i32>} : memref<64x64xf32, #tpu.memory_space<vmem>>, vector<16xf32>,
    %swap3A_299 = arith.constant 18 : i32
    %swap3A_300 = arith.index_cast %swap3A_299 : i32 to index
    %swap3A_301 = arith.constant 16 : index
    %swap3A_302 = tpu.vector_load %arg20[%swap3A_300, %swap3A_301] {strides = array<i32>} : memref<64x64xf32, #tpu.memory_space<vmem>>, vector<16xf32>,
    tpu.vector_store %arg20[%swap3A_300, %swap3A_301], %broadcast_in_dim3A_1 {strides = array<i32>} : memref<64x64xf32, #tpu.memory_space<vmem>>, vector<16xf32>,
    %swap3A_303 = arith.constant 18 : i32
    %swap3A_304 = arith.index_cast %swap3A_303 : i32 to index
    %swap3A_305 = arith.constant 32 : index
    %swap3A_306 = tpu.vector_load %arg20[%swap3A_304, %swap3A_305] {strides = array<i32>} : memref<64x64xf32, #tpu.memory_space<vmem>>, vector<16xf32>,
    tpu.vector_store %arg20[%swap3A_304, %swap3A_305], %broadcast_in_dim3A_1 {strides = array<i32>} : memref<64x64xf32, #tpu.memory_space<vmem>>, vector<16xf32>,
    %swap3A_307 = arith.constant 18 : i32
    %swap3A_308 = arith.index_cast %swap3A_307 : i32 to index
    %swap3A_309 = arith.constant 48 : index
    %swap3A_310 = tpu.vector_load %arg20[%swap3A_308, %swap3A_309] {strides = array<i32>} : memref<64x64xf32, #tpu.memory_space<vmem>>, vector<16xf32>,
    tpu.vector_store %arg20[%swap3A_308, %swap3A_309], %broadcast_in_dim3A_1 {strides = array<i32>} : memref<64x64xf32, #tpu.memory_space<vmem>>, vector<16xf32>,
    %swap3A_311 = arith.constant 19 : i32
    %swap3A_312 = arith.index_cast %swap3A_311 : i32 to index
    %swap3A_313 = arith.constant 0 : index
    %swap3A_314 = tpu.vector_load %arg20[%swap3A_312, %swap3A_313] {strides = array<i32>} : memref<64x64xf32, #tpu.memory_space<vmem>>, vector<16xf32>,
    tpu.vector_store %arg20[%swap3A_312, %swap3A_313], %broadcast_in_dim3A_1 {strides = array<i32>} : memref<64x64xf32, #tpu.memory_space<vmem>>, vector<16xf32>,
    %swap3A_315 = arith.constant 19 : i32
    %swap3A_316 = arith.index_cast %swap3A_315 : i32 to index
    %swap3A_317 = arith.constant 16 : index
    %swap3A_318 = tpu.vector_load %arg20[%swap3A_316, %swap3A_317] {strides = array<i32>} : memref<64x64xf32, #tpu.memory_space<vmem>>, vector<16xf32>,
    tpu.vector_store %arg20[%swap3A_316, %swap3A_317], %broadcast_in_dim3A_1 {strides = array<i32>} : memref<64x64xf32, #tpu.memory_space<vmem>>, vector<16xf32>,
    %swap3A_319 = arith.constant 19 : i32
    %swap3A_320 = arith.index_cast %swap3A_319 : i32 to index
    %swap3A_321 = arith.constant 32 : index
    %swap3A_322 = tpu.vector_load %arg20[%swap3A_320, %swap3A_321] {strides = array<i32>} : memref<64x64xf32, #tpu.memory_space<vmem>>, vector<16xf32>,
    tpu.vector_store %arg20[%swap3A_320, %swap3A_321], %broadcast_in_dim3A_1 {strides = array<i32>} : memref<64x64xf32, #tpu.memory_space<vmem>>, vector<16xf32>,
    %swap3A_323 = arith.constant 19 : i32
    %swap3A_324 = arith.index_cast %swap3A_323 : i32 to index
    %swap3A_325 = arith.constant 48 : index
    %swap3A_326 = tpu.vector_load %arg20[%swap3A_324, %swap3A_325] {strides = array<i32>} : memref<64x64xf32, #tpu.memory_space<vmem>>, vector<16xf32>,
    tpu.vector_store %arg20[%swap3A_324, %swap3A_325], %broadcast_in_dim3A_1 {strides = array<i32>} : memref<64x64xf32, #tpu.memory_space<vmem>>, vector<16xf32>,
    %swap3A_327 = arith.constant 20 : i32
    %swap3A_328 = arith.index_cast %swap3A_327 : i32 to index
    %swap3A_329 = arith.constant 0 : index
    %swap3A_330 = tpu.vector_load %arg20[%swap3A_328, %swap3A_329] {strides = array<i32>} : memref<64x64xf32, #tpu.memory_space<vmem>>, vector<16xf32>,
    tpu.vector_store %arg20[%swap3A_328, %swap3A_329], %broadcast_in_dim3A_1 {strides = array<i32>} : memref<64x64xf32, #tpu.memory_space<vmem>>, vector<16xf32>,
    %swap3A_331 = arith.constant 20 : i32
    %swap3A_332 = arith.index_cast %swap3A_331 : i32 to index
    %swap3A_333 = arith.constant 16 : index
    %swap3A_334 = tpu.vector_load %arg20[%swap3A_332, %swap3A_333] {strides = array<i32>} : memref<64x64xf32, #tpu.memory_space<vmem>>, vector<16xf32>,
    tpu.vector_store %arg20[%swap3A_332, %swap3A_333], %broadcast_in_dim3A_1 {strides = array<i32>} : memref<64x64xf32, #tpu.memory_space<vmem>>, vector<16xf32>,
    %swap3A_335 = arith.constant 20 : i32
    %swap3A_336 = arith.index_cast %swap3A_335 : i32 to index
    %swap3A_337 = arith.constant 32 : index
    %swap3A_338 = tpu.vector_load %arg20[%swap3A_336, %swap3A_337] {strides = array<i32>} : memref<64x64xf32, #tpu.memory_space<vmem>>, vector<16xf32>,
    tpu.vector_store %arg20[%swap3A_336, %swap3A_337], %broadcast_in_dim3A_1 {strides = array<i32>} : memref<64x64xf32, #tpu.memory_space<vmem>>, vector<16xf32>,
    %swap3A_339 = arith.constant 20 : i32
    %swap3A_340 = arith.index_cast %swap3A_339 : i32 to index
    %swap3A_341 = arith.constant 48 : index
    %swap3A_342 = tpu.vector_load %arg20[%swap3A_340, %swap3A_341] {strides = array<i32>} : memref<64x64xf32, #tpu.memory_space<vmem>>, vector<16xf32>,
    tpu.vector_store %arg20[%swap3A_340, %swap3A_341], %broadcast_in_dim3A_1 {strides = array<i32>} : memref<64x64xf32, #tpu.memory_space<vmem>>, vector<16xf32>,
    %swap3A_343 = arith.constant 21 : i32
    %swap3A_344 = arith.index_cast %swap3A_343 : i32 to index
    %swap3A_345 = arith.constant 0 : index
    %swap3A_346 = tpu.vector_load %arg20[%swap3A_344, %swap3A_345] {strides = array<i32>} : memref<64x64xf32, #tpu.memory_space<vmem>>, vector<16xf32>,
    tpu.vector_store %arg20[%swap3A_344, %swap3A_345], %broadcast_in_dim3A_1 {strides = array<i32>} : memref<64x64xf32, #tpu.memory_space<vmem>>, vector<16xf32>,
    %swap3A_347 = arith.constant 21 : i32
    %swap3A_348 = arith.index_cast %swap3A_347 : i32 to index
    %swap3A_349 = arith.constant 16 : index
    %swap3A_350 = tpu.vector_load %arg20[%swap3A_348, %swap3A_349] {strides = array<i32>} : memref<64x64xf32, #tpu.memory_space<vmem>>, vector<16xf32>,
    tpu.vector_store %arg20[%swap3A_348, %swap3A_349], %broadcast_in_dim3A_1 {strides = array<i32>} : memref<64x64xf32, #tpu.memory_space<vmem>>, vector<16xf32>,
    %swap3A_351 = arith.constant 21 : i32
    %swap3A_352 = arith.index_cast %swap3A_351 : i32 to index
    %swap3A_353 = arith.constant 32 : index
    %swap3A_354 = tpu.vector_load %arg20[%swap3A_352, %swap3A_353] {strides = array<i32>} : memref<64x64xf32, #tpu.memory_space<vmem>>, vector<16xf32>,
    tpu.vector_store %arg20[%swap3A_352, %swap3A_353], %broadcast_in_dim3A_1 {strides = array<i32>} : memref<64x64xf32, #tpu.memory_space<vmem>>, vector<16xf32>,
    %swap3A_355 = arith.constant 21 : i32
    %swap3A_356 = arith.index_cast %swap3A_355 : i32 to index
    %swap3A_357 = arith.constant 48 : index
    %swap3A_358 = tpu.vector_load %arg20[%swap3A_356, %swap3A_357] {strides = array<i32>} : memref<64x64xf32, #tpu.memory_space<vmem>>, vector<16xf32>,
    tpu.vector_store %arg20[%swap3A_356, %swap3A_357], %broadcast_in_dim3A_1 {strides = array<i32>} : memref<64x64xf32, #tpu.memory_space<vmem>>, vector<16xf32>,
    %swap3A_359 = arith.constant 22 : i32
    %swap3A_360 = arith.index_cast %swap3A_359 : i32 to index
    %swap3A_361 = arith.constant 0 : index
    %swap3A_362 = tpu.vector_load %arg20[%swap3A_360, %swap3A_361] {strides = array<i32>} : memref<64x64xf32, #tpu.memory_space<vmem>>, vector<16xf32>,
    tpu.vector_store %arg20[%swap3A_360, %swap3A_361], %broadcast_in_dim3A_1 {strides = array<i32>} : memref<64x64xf32, #tpu.memory_space<vmem>>, vector<16xf32>,
    %swap3A_363 = arith.constant 22 : i32
    %swap3A_364 = arith.index_cast %swap3A_363 : i32 to index
    %swap3A_365 = arith.constant 16 : index
    %swap3A_366 = tpu.vector_load %arg20[%swap3A_364, %swap3A_365] {strides = array<i32>} : memref<64x64xf32, #tpu.memory_space<vmem>>, vector<16xf32>,
    tpu.vector_store %arg20[%swap3A_364, %swap3A_365], %broadcast_in_dim3A_1 {strides = array<i32>} : memref<64x64xf32, #tpu.memory_space<vmem>>, vector<16xf32>,
    %swap3A_367 = arith.constant 22 : i32
    %swap3A_368 = arith.index_cast %swap3A_367 : i32 to index
    %swap3A_369 = arith.constant 32 : index
    %swap3A_370 = tpu.vector_load %arg20[%swap3A_368, %swap3A_369] {strides = array<i32>} : memref<64x64xf32, #tpu.memory_space<vmem>>, vector<16xf32>,
    tpu.vector_store %arg20[%swap3A_368, %swap3A_369], %broadcast_in_dim3A_1 {strides = array<i32>} : memref<64x64xf32, #tpu.memory_space<vmem>>, vector<16xf32>,
    %swap3A_371 = arith.constant 22 : i32
    %swap3A_372 = arith.index_cast %swap3A_371 : i32 to index
    %swap3A_373 = arith.constant 48 : index
    %swap3A_374 = tpu.vector_load %arg20[%swap3A_372, %swap3A_373] {strides = array<i32>} : memref<64x64xf32, #tpu.memory_space<vmem>>, vector<16xf32>,
    tpu.vector_store %arg20[%swap3A_372, %swap3A_373], %broadcast_in_dim3A_1 {strides = array<i32>} : memref<64x64xf32, #tpu.memory_space<vmem>>, vector<16xf32>,
    %swap3A_375 = arith.constant 23 : i32
    %swap3A_376 = arith.index_cast %swap3A_375 : i32 to index
    %swap3A_377 = arith.constant 0 : index
    %swap3A_378 = tpu.vector_load %arg20[%swap3A_376, %swap3A_377] {strides = array<i32>} : memref<64x64xf32, #tpu.memory_space<vmem>>, vector<16xf32>,
    tpu.vector_store %arg20[%swap3A_376, %swap3A_377], %broadcast_in_dim3A_1 {strides = array<i32>} : memref<64x64xf32, #tpu.memory_space<vmem>>, vector<16xf32>,
    %swap3A_379 = arith.constant 23 : i32
    %swap3A_380 = arith.index_cast %swap3A_379 : i32 to index
    %swap3A_381 = arith.constant 16 : index
    %swap3A_382 = tpu.vector_load %arg20[%swap3A_380, %swap3A_381] {strides = array<i32>} : memref<64x64xf32, #tpu.memory_space<vmem>>, vector<16xf32>,
    tpu.vector_store %arg20[%swap3A_380, %swap3A_381], %broadcast_in_dim3A_1 {strides = array<i32>} : memref<64x64xf32, #tpu.memory_space<vmem>>, vector<16xf32>,
    %swap3A_383 = arith.constant 23 : i32
    %swap3A_384 = arith.index_cast %swap3A_383 : i32 to index
    %swap3A_385 = arith.constant 32 : index
    %swap3A_386 = tpu.vector_load %arg20[%swap3A_384, %swap3A_385] {strides = array<i32>} : memref<64x64xf32, #tpu.memory_space<vmem>>, vector<16xf32>,
    tpu.vector_store %arg20[%swap3A_384, %swap3A_385], %broadcast_in_dim3A_1 {strides = array<i32>} : memref<64x64xf32, #tpu.memory_space<vmem>>, vector<16xf32>,
    %swap3A_387 = arith.constant 23 : i32
    %swap3A_388 = arith.index_cast %swap3A_387 : i32 to index
    %swap3A_389 = arith.constant 48 : index
    %swap3A_390 = tpu.vector_load %arg20[%swap3A_388, %swap3A_389] {strides = array<i32>} : memref<64x64xf32, #tpu.memory_space<vmem>>, vector<16xf32>,
    tpu.vector_store %arg20[%swap3A_388, %swap3A_389], %broadcast_in_dim3A_1 {strides = array<i32>} : memref<64x64xf32, #tpu.memory_space<vmem>>, vector<16xf32>,
    %swap3A_391 = arith.constant 24 : i32
    %swap3A_392 = arith.index_cast %swap3A_391 : i32 to index
    %swap3A_393 = arith.constant 0 : index
    %swap3A_394 = tpu.vector_load %arg20[%swap3A_392, %swap3A_393] {strides = array<i32>} : memref<64x64xf32, #tpu.memory_space<vmem>>, vector<16xf32>,
    tpu.vector_store %arg20[%swap3A_392, %swap3A_393], %broadcast_in_dim3A_1 {strides = array<i32>} : memref<64x64xf32, #tpu.memory_space<vmem>>, vector<16xf32>,
    %swap3A_395 = arith.constant 24 : i32
    %swap3A_396 = arith.index_cast %swap3A_395 : i32 to index
    %swap3A_397 = arith.constant 16 : index
    %swap3A_398 = tpu.vector_load %arg20[%swap3A_396, %swap3A_397] {strides = array<i32>} : memref<64x64xf32, #tpu.memory_space<vmem>>, vector<16xf32>,
    tpu.vector_store %arg20[%swap3A_396, %swap3A_397], %broadcast_in_dim3A_1 {strides = array<i32>} : memref<64x64xf32, #tpu.memory_space<vmem>>, vector<16xf32>,
    %swap3A_399 = arith.constant 24 : i32
    %swap3A_400 = arith.index_cast %swap3A_399 : i32 to index
    %swap3A_401 = arith.constant 32 : index
    %swap3A_402 = tpu.vector_load %arg20[%swap3A_400, %swap3A_401] {strides = array<i32>} : memref<64x64xf32, #tpu.memory_space<vmem>>, vector<16xf32>,
    tpu.vector_store %arg20[%swap3A_400, %swap3A_401], %broadcast_in_dim3A_1 {strides = array<i32>} : memref<64x64xf32, #tpu.memory_space<vmem>>, vector<16xf32>,
    %swap3A_403 = arith.constant 24 : i32
    %swap3A_404 = arith.index_cast %swap3A_403 : i32 to index
    %swap3A_405 = arith.constant 48 : index
    %swap3A_406 = tpu.vector_load %arg20[%swap3A_404, %swap3A_405] {strides = array<i32>} : memref<64x64xf32, #tpu.memory_space<vmem>>, vector<16xf32>,
    tpu.vector_store %arg20[%swap3A_404, %swap3A_405], %broadcast_in_dim3A_1 {strides = array<i32>} : memref<64x64xf32, #tpu.memory_space<vmem>>, vector<16xf32>,
    %swap3A_407 = arith.constant 25 : i32
    %swap3A_408 = arith.index_cast %swap3A_407 : i32 to index
    %swap3A_409 = arith.constant 0 : index
    %swap3A_410 = tpu.vector_load %arg20[%swap3A_408, %swap3A_409] {strides = array<i32>} : memref<64x64xf32, #tpu.memory_space<vmem>>, vector<16xf32>,
    tpu.vector_store %arg20[%swap3A_408, %swap3A_409], %broadcast_in_dim3A_1 {strides = array<i32>} : memref<64x64xf32, #tpu.memory_space<vmem>>, vector<16xf32>,
    %swap3A_411 = arith.constant 25 : i32
    %swap3A_412 = arith.index_cast %swap3A_411 : i32 to index
    %swap3A_413 = arith.constant 16 : index
    %swap3A_414 = tpu.vector_load %arg20[%swap3A_412, %swap3A_413] {strides = array<i32>} : memref<64x64xf32, #tpu.memory_space<vmem>>, vector<16xf32>,
    tpu.vector_store %arg20[%swap3A_412, %swap3A_413], %broadcast_in_dim3A_1 {strides = array<i32>} : memref<64x64xf32, #tpu.memory_space<vmem>>, vector<16xf32>,
    %swap3A_415 = arith.constant 25 : i32
    %swap3A_416 = arith.index_cast %swap3A_415 : i32 to index
    %swap3A_417 = arith.constant 32 : index
    %swap3A_418 = tpu.vector_load %arg20[%swap3A_416, %swap3A_417] {strides = array<i32>} : memref<64x64xf32, #tpu.memory_space<vmem>>, vector<16xf32>,
    tpu.vector_store %arg20[%swap3A_416, %swap3A_417], %broadcast_in_dim3A_1 {strides = array<i32>} : memref<64x64xf32, #tpu.memory_space<vmem>>, vector<16xf32>,
    %swap3A_419 = arith.constant 25 : i32
    %swap3A_420 = arith.index_cast %swap3A_419 : i32 to index
    %swap3A_421 = arith.constant 48 : index
    %swap3A_422 = tpu.vector_load %arg20[%swap3A_420, %swap3A_421] {strides = array<i32>} : memref<64x64xf32, #tpu.memory_space<vmem>>, vector<16xf32>,
    tpu.vector_store %arg20[%swap3A_420, %swap3A_421], %broadcast_in_dim3A_1 {strides = array<i32>} : memref<64x64xf32, #tpu.memory_space<vmem>>, vector<16xf32>,
    %swap3A_423 = arith.constant 26 : i32
    %swap3A_424 = arith.index_cast %swap3A_423 : i32 to index
    %swap3A_425 = arith.constant 0 : index
    %swap3A_426 = tpu.vector_load %arg20[%swap3A_424, %swap3A_425] {strides = array<i32>} : memref<64x64xf32, #tpu.memory_space<vmem>>, vector<16xf32>,
    tpu.vector_store %arg20[%swap3A_424, %swap3A_425], %broadcast_in_dim3A_1 {strides = array<i32>} : memref<64x64xf32, #tpu.memory_space<vmem>>, vector<16xf32>,
    %swap3A_427 = arith.constant 26 : i32
    %swap3A_428 = arith.index_cast %swap3A_427 : i32 to index
    %swap3A_429 = arith.constant 16 : index
    %swap3A_430 = tpu.vector_load %arg20[%swap3A_428, %swap3A_429] {strides = array<i32>} : memref<64x64xf32, #tpu.memory_space<vmem>>, vector<16xf32>,
    tpu.vector_store %arg20[%swap3A_428, %swap3A_429], %broadcast_in_dim3A_1 {strides = array<i32>} : memref<64x64xf32, #tpu.memory_space<vmem>>, vector<16xf32>,
    %swap3A_431 = arith.constant 26 : i32
    %swap3A_432 = arith.index_cast %swap3A_431 : i32 to index
    %swap3A_433 = arith.constant 32 : index
    %swap3A_434 = tpu.vector_load %arg20[%swap3A_432, %swap3A_433] {strides = array<i32>} : memref<64x64xf32, #tpu.memory_space<vmem>>, vector<16xf32>,
    tpu.vector_store %arg20[%swap3A_432, %swap3A_433], %broadcast_in_dim3A_1 {strides = array<i32>} : memref<64x64xf32, #tpu.memory_space<vmem>>, vector<16xf32>,
    %swap3A_435 = arith.constant 26 : i32
    %swap3A_436 = arith.index_cast %swap3A_435 : i32 to index
    %swap3A_437 = arith.constant 48 : index
    %swap3A_438 = tpu.vector_load %arg20[%swap3A_436, %swap3A_437] {strides = array<i32>} : memref<64x64xf32, #tpu.memory_space<vmem>>, vector<16xf32>,
    tpu.vector_store %arg20[%swap3A_436, %swap3A_437], %broadcast_in_dim3A_1 {strides = array<i32>} : memref<64x64xf32, #tpu.memory_space<vmem>>, vector<16xf32>,
    %swap3A_439 = arith.constant 27 : i32
    %swap3A_440 = arith.index_cast %swap3A_439 : i32 to index
    %swap3A_441 = arith.constant 0 : index
    %swap3A_442 = tpu.vector_load %arg20[%swap3A_440, %swap3A_441] {strides = array<i32>} : memref<64x64xf32, #tpu.memory_space<vmem>>, vector<16xf32>,
    tpu.vector_store %arg20[%swap3A_440, %swap3A_441], %broadcast_in_dim3A_1 {strides = array<i32>} : memref<64x64xf32, #tpu.memory_space<vmem>>, vector<16xf32>,
    %swap3A_443 = arith.constant 27 : i32
    %swap3A_444 = arith.index_cast %swap3A_443 : i32 to index
    %swap3A_445 = arith.constant 16 : index
    %swap3A_446 = tpu.vector_load %arg20[%swap3A_444, %swap3A_445] {strides = array<i32>} : memref<64x64xf32, #tpu.memory_space<vmem>>, vector<16xf32>,
    tpu.vector_store %arg20[%swap3A_444, %swap3A_445], %broadcast_in_dim3A_1 {strides = array<i32>} : memref<64x64xf32, #tpu.memory_space<vmem>>, vector<16xf32>,
    %swap3A_447 = arith.constant 27 : i32
    %swap3A_448 = arith.index_cast %swap3A_447 : i32 to index
    %swap3A_449 = arith.constant 32 : index
    %swap3A_450 = tpu.vector_load %arg20[%swap3A_448, %swap3A_449] {strides = array<i32>} : memref<64x64xf32, #tpu.memory_space<vmem>>, vector<16xf32>,
    tpu.vector_store %arg20[%swap3A_448, %swap3A_449], %broadcast_in_dim3A_1 {strides = array<i32>} : memref<64x64xf32, #tpu.memory_space<vmem>>, vector<16xf32>,
    %swap3A_451 = arith.constant 27 : i32
    %swap3A_452 = arith.index_cast %swap3A_451 : i32 to index
    %swap3A_453 = arith.constant 48 : index
    %swap3A_454 = tpu.vector_load %arg20[%swap3A_452, %swap3A_453] {strides = array<i32>} : memref<64x64xf32, #tpu.memory_space<vmem>>, vector<16xf32>,
    tpu.vector_store %arg20[%swap3A_452, %swap3A_453], %broadcast_in_dim3A_1 {strides = array<i32>} : memref<64x64xf32, #tpu.memory_space<vmem>>, vector<16xf32>,
    %swap3A_455 = arith.constant 28 : i32
    %swap3A_456 = arith.index_cast %swap3A_455 : i32 to index
    %swap3A_457 = arith.constant 0 : index
    %swap3A_458 = tpu.vector_load %arg20[%swap3A_456, %swap3A_457] {strides = array<i32>} : memref<64x64xf32, #tpu.memory_space<vmem>>, vector<16xf32>,
    tpu.vector_store %arg20[%swap3A_456, %swap3A_457], %broadcast_in_dim3A_1 {strides = array<i32>} : memref<64x64xf32, #tpu.memory_space<vmem>>, vector<16xf32>,
    %swap3A_459 = arith.constant 28 : i32
    %swap3A_460 = arith.index_cast %swap3A_459 : i32 to index
    %swap3A_461 = arith.constant 16 : index
    %swap3A_462 = tpu.vector_load %arg20[%swap3A_460, %swap3A_461] {strides = array<i32>} : memref<64x64xf32, #tpu.memory_space<vmem>>, vector<16xf32>,
    tpu.vector_store %arg20[%swap3A_460, %swap3A_461], %broadcast_in_dim3A_1 {strides = array<i32>} : memref<64x64xf32, #tpu.memory_space<vmem>>, vector<16xf32>,
    %swap3A_463 = arith.constant 28 : i32
    %swap3A_464 = arith.index_cast %swap3A_463 : i32 to index
    %swap3A_465 = arith.constant 32 : index
    %swap3A_466 = tpu.vector_load %arg20[%swap3A_464, %swap3A_465] {strides = array<i32>} : memref<64x64xf32, #tpu.memory_space<vmem>>, vector<16xf32>,
    tpu.vector_store %arg20[%swap3A_464, %swap3A_465], %broadcast_in_dim3A_1 {strides = array<i32>} : memref<64x64xf32, #tpu.memory_space<vmem>>, vector<16xf32>,
    %swap3A_467 = arith.constant 28 : i32
    %swap3A_468 = arith.index_cast %swap3A_467 : i32 to index
    %swap3A_469 = arith.constant 48 : index
    %swap3A_470 = tpu.vector_load %arg20[%swap3A_468, %swap3A_469] {strides = array<i32>} : memref<64x64xf32, #tpu.memory_space<vmem>>, vector<16xf32>,
    tpu.vector_store %arg20[%swap3A_468, %swap3A_469], %broadcast_in_dim3A_1 {strides = array<i32>} : memref<64x64xf32, #tpu.memory_space<vmem>>, vector<16xf32>,
    %swap3A_471 = arith.constant 29 : i32
    %swap3A_472 = arith.index_cast %swap3A_471 : i32 to index
    %swap3A_473 = arith.constant 0 : index
    %swap3A_474 = tpu.vector_load %arg20[%swap3A_472, %swap3A_473] {strides = array<i32>} : memref<64x64xf32, #tpu.memory_space<vmem>>, vector<16xf32>,
    tpu.vector_store %arg20[%swap3A_472, %swap3A_473], %broadcast_in_dim3A_1 {strides = array<i32>} : memref<64x64xf32, #tpu.memory_space<vmem>>, vector<16xf32>,
    %swap3A_475 = arith.constant 29 : i32
    %swap3A_476 = arith.index_cast %swap3A_475 : i32 to index
    %swap3A_477 = arith.constant 16 : index
    %swap3A_478 = tpu.vector_load %arg20[%swap3A_476, %swap3A_477] {strides = array<i32>} : memref<64x64xf32, #tpu.memory_space<vmem>>, vector<16xf32>,
    tpu.vector_store %arg20[%swap3A_476, %swap3A_477], %broadcast_in_dim3A_1 {strides = array<i32>} : memref<64x64xf32, #tpu.memory_space<vmem>>, vector<16xf32>,
    %swap3A_479 = arith.constant 29 : i32
    %swap3A_480 = arith.index_cast %swap3A_479 : i32 to index
    %swap3A_481 = arith.constant 32 : index
    %swap3A_482 = tpu.vector_load %arg20[%swap3A_480, %swap3A_481] {strides = array<i32>} : memref<64x64xf32, #tpu.memory_space<vmem>>, vector<16xf32>,
    tpu.vector_store %arg20[%swap3A_480, %swap3A_481], %broadcast_in_dim3A_1 {strides = array<i32>} : memref<64x64xf32, #tpu.memory_space<vmem>>, vector<16xf32>,
    %swap3A_483 = arith.constant 29 : i32
    %swap3A_484 = arith.index_cast %swap3A_483 : i32 to index
    %swap3A_485 = arith.constant 48 : index
    %swap3A_486 = tpu.vector_load %arg20[%swap3A_484, %swap3A_485] {strides = array<i32>} : memref<64x64xf32, #tpu.memory_space<vmem>>, vector<16xf32>,
    tpu.vector_store %arg20[%swap3A_484, %swap3A_485], %broadcast_in_dim3A_1 {strides = array<i32>} : memref<64x64xf32, #tpu.memory_space<vmem>>, vector<16xf32>,
    %swap3A_487 = arith.constant 30 : i32
    %swap3A_488 = arith.index_cast %swap3A_487 : i32 to index
    %swap3A_489 = arith.constant 0 : index
    %swap3A_490 = tpu.vector_load %arg20[%swap3A_488, %swap3A_489] {strides = array<i32>} : memref<64x64xf32, #tpu.memory_space<vmem>>, vector<16xf32>,
    tpu.vector_store %arg20[%swap3A_488, %swap3A_489], %broadcast_in_dim3A_1 {strides = array<i32>} : memref<64x64xf32, #tpu.memory_space<vmem>>, vector<16xf32>,
    %swap3A_491 = arith.constant 30 : i32
    %swap3A_492 = arith.index_cast %swap3A_491 : i32 to index
    %swap3A_493 = arith.constant 16 : index
    %swap3A_494 = tpu.vector_load %arg20[%swap3A_492, %swap3A_493] {strides = array<i32>} : memref<64x64xf32, #tpu.memory_space<vmem>>, vector<16xf32>,
    tpu.vector_store %arg20[%swap3A_492, %swap3A_493], %broadcast_in_dim3A_1 {strides = array<i32>} : memref<64x64xf32, #tpu.memory_space<vmem>>, vector<16xf32>,
    %swap3A_495 = arith.constant 30 : i32
    %swap3A_496 = arith.index_cast %swap3A_495 : i32 to index
    %swap3A_497 = arith.constant 32 : index
    %swap3A_498 = tpu.vector_load %arg20[%swap3A_496, %swap3A_497] {strides = array<i32>} : memref<64x64xf32, #tpu.memory_space<vmem>>, vector<16xf32>,
    tpu.vector_store %arg20[%swap3A_496, %swap3A_497], %broadcast_in_dim3A_1 {strides = array<i32>} : memref<64x64xf32, #tpu.memory_space<vmem>>, vector<16xf32>,
    %swap3A_499 = arith.constant 30 : i32
    %swap3A_500 = arith.index_cast %swap3A_499 : i32 to index
    %swap3A_501 = arith.constant 48 : index
    %swap3A_502 = tpu.vector_load %arg20[%swap3A_500, %swap3A_501] {strides = array<i32>} : memref<64x64xf32, #tpu.memory_space<vmem>>, vector<16xf32>,
    tpu.vector_store %arg20[%swap3A_500, %swap3A_501], %broadcast_in_dim3A_1 {strides = array<i32>} : memref<64x64xf32, #tpu.memory_space<vmem>>, vector<16xf32>,
    %swap3A_503 = arith.constant 31 : i32
    %swap3A_504 = arith.index_cast %swap3A_503 : i32 to index
    %swap3A_505 = arith.constant 0 : index
    %swap3A_506 = tpu.vector_load %arg20[%swap3A_504, %swap3A_505] {strides = array<i32>} : memref<64x64xf32, #tpu.memory_space<vmem>>, vector<16xf32>,
    tpu.vector_store %arg20[%swap3A_504, %swap3A_505], %broadcast_in_dim3A_1 {strides = array<i32>} : memref<64x64xf32, #tpu.memory_space<vmem>>, vector<16xf32>,
    %swap3A_507 = arith.constant 31 : i32
    %swap3A_508 = arith.index_cast %swap3A_507 : i32 to index
    %swap3A_509 = arith.constant 16 : index
    %swap3A_510 = tpu.vector_load %arg20[%swap3A_508, %swap3A_509] {strides = array<i32>} : memref<64x64xf32, #tpu.memory_space<vmem>>, vector<16xf32>,
    tpu.vector_store %arg20[%swap3A_508, %swap3A_509], %broadcast_in_dim3A_1 {strides = array<i32>} : memref<64x64xf32, #tpu.memory_space<vmem>>, vector<16xf32>,
    %swap3A_511 = arith.constant 31 : i32
    %swap3A_512 = arith.index_cast %swap3A_511 : i32 to index
    %swap3A_513 = arith.constant 32 : index
    %swap3A_514 = tpu.vector_load %arg20[%swap3A_512, %swap3A_513] {strides = array<i32>} : memref<64x64xf32, #tpu.memory_space<vmem>>, vector<16xf32>,
    tpu.vector_store %arg20[%swap3A_512, %swap3A_513], %broadcast_in_dim3A_1 {strides = array<i32>} : memref<64x64xf32, #tpu.memory_space<vmem>>, vector<16xf32>,
    %swap3A_515 = arith.constant 31 : i32
    %swap3A_516 = arith.index_cast %swap3A_515 : i32 to index
    %swap3A_517 = arith.constant 48 : index
    %swap3A_518 = tpu.vector_load %arg20[%swap3A_516, %swap3A_517] {strides = array<i32>} : memref<64x64xf32, #tpu.memory_space<vmem>>, vector<16xf32>,
    tpu.vector_store %arg20[%swap3A_516, %swap3A_517], %broadcast_in_dim3A_1 {strides = array<i32>} : memref<64x64xf32, #tpu.memory_space<vmem>>, vector<16xf32>,
    %swap3A_519 = arith.constant 32 : i32
    %swap3A_520 = arith.index_cast %swap3A_519 : i32 to index
    %swap3A_521 = arith.constant 0 : index
    %swap3A_522 = tpu.vector_load %arg20[%swap3A_520, %swap3A_521] {strides = array<i32>} : memref<64x64xf32, #tpu.memory_space<vmem>>, vector<16xf32>,
    tpu.vector_store %arg20[%swap3A_520, %swap3A_521], %broadcast_in_dim3A_1 {strides = array<i32>} : memref<64x64xf32, #tpu.memory_space<vmem>>, vector<16xf32>,
    %swap3A_523 = arith.constant 32 : i32
    %swap3A_524 = arith.index_cast %swap3A_523 : i32 to index
    %swap3A_525 = arith.constant 16 : index
    %swap3A_526 = tpu.vector_load %arg20[%swap3A_524, %swap3A_525] {strides = array<i32>} : memref<64x64xf32, #tpu.memory_space<vmem>>, vector<16xf32>,
    tpu.vector_store %arg20[%swap3A_524, %swap3A_525], %broadcast_in_dim3A_1 {strides = array<i32>} : memref<64x64xf32, #tpu.memory_space<vmem>>, vector<16xf32>,
    %swap3A_527 = arith.constant 32 : i32
    %swap3A_528 = arith.index_cast %swap3A_527 : i32 to index
    %swap3A_529 = arith.constant 32 : index
    %swap3A_530 = tpu.vector_load %arg20[%swap3A_528, %swap3A_529] {strides = array<i32>} : memref<64x64xf32, #tpu.memory_space<vmem>>, vector<16xf32>,
    tpu.vector_store %arg20[%swap3A_528, %swap3A_529], %broadcast_in_dim3A_1 {strides = array<i32>} : memref<64x64xf32, #tpu.memory_space<vmem>>, vector<16xf32>,
    %swap3A_531 = arith.constant 32 : i32
    %swap3A_532 = arith.index_cast %swap3A_531 : i32 to index
    %swap3A_533 = arith.constant 48 : index
    %swap3A_534 = tpu.vector_load %arg20[%swap3A_532, %swap3A_533] {strides = array<i32>} : memref<64x64xf32, #tpu.memory_space<vmem>>, vector<16xf32>,
    tpu.vector_store %arg20[%swap3A_532, %swap3A_533], %broadcast_in_dim3A_1 {strides = array<i32>} : memref<64x64xf32, #tpu.memory_space<vmem>>, vector<16xf32>,
    %swap3A_535 = arith.constant 33 : i32
    %swap3A_536 = arith.index_cast %swap3A_535 : i32 to index
    %swap3A_537 = arith.constant 0 : index
    %swap3A_538 = tpu.vector_load %arg20[%swap3A_536, %swap3A_537] {strides = array<i32>} : memref<64x64xf32, #tpu.memory_space<vmem>>, vector<16xf32>,
    tpu.vector_store %arg20[%swap3A_536, %swap3A_537], %broadcast_in_dim3A_1 {strides = array<i32>} : memref<64x64xf32, #tpu.memory_space<vmem>>, vector<16xf32>,
    %swap3A_539 = arith.constant 33 : i32
    %swap3A_540 = arith.index_cast %swap3A_539 : i32 to index
    %swap3A_541 = arith.constant 16 : index
    %swap3A_542 = tpu.vector_load %arg20[%swap3A_540, %swap3A_541] {strides = array<i32>} : memref<64x64xf32, #tpu.memory_space<vmem>>, vector<16xf32>,
    tpu.vector_store %arg20[%swap3A_540, %swap3A_541], %broadcast_in_dim3A_1 {strides = array<i32>} : memref<64x64xf32, #tpu.memory_space<vmem>>, vector<16xf32>,
    %swap3A_543 = arith.constant 33 : i32
    %swap3A_544 = arith.index_cast %swap3A_543 : i32 to index
    %swap3A_545 = arith.constant 32 : index
    %swap3A_546 = tpu.vector_load %arg20[%swap3A_544, %swap3A_545] {strides = array<i32>} : memref<64x64xf32, #tpu.memory_space<vmem>>, vector<16xf32>,
    tpu.vector_store %arg20[%swap3A_544, %swap3A_545], %broadcast_in_dim3A_1 {strides = array<i32>} : memref<64x64xf32, #tpu.memory_space<vmem>>, vector<16xf32>,
    %swap3A_547 = arith.constant 33 : i32
    %swap3A_548 = arith.index_cast %swap3A_547 : i32 to index
    %swap3A_549 = arith.constant 48 : index
    %swap3A_550 = tpu.vector_load %arg20[%swap3A_548, %swap3A_549] {strides = array<i32>} : memref<64x64xf32, #tpu.memory_space<vmem>>, vector<16xf32>,
    tpu.vector_store %arg20[%swap3A_548, %swap3A_549], %broadcast_in_dim3A_1 {strides = array<i32>} : memref<64x64xf32, #tpu.memory_space<vmem>>, vector<16xf32>,
    %swap3A_551 = arith.constant 34 : i32
    %swap3A_552 = arith.index_cast %swap3A_551 : i32 to index
    %swap3A_553 = arith.constant 0 : index
    %swap3A_554 = tpu.vector_load %arg20[%swap3A_552, %swap3A_553] {strides = array<i32>} : memref<64x64xf32, #tpu.memory_space<vmem>>, vector<16xf32>,
    tpu.vector_store %arg20[%swap3A_552, %swap3A_553], %broadcast_in_dim3A_1 {strides = array<i32>} : memref<64x64xf32, #tpu.memory_space<vmem>>, vector<16xf32>,
    %swap3A_555 = arith.constant 34 : i32
    %swap3A_556 = arith.index_cast %swap3A_555 : i32 to index
    %swap3A_557 = arith.constant 16 : index
    %swap3A_558 = tpu.vector_load %arg20[%swap3A_556, %swap3A_557] {strides = array<i32>} : memref<64x64xf32, #tpu.memory_space<vmem>>, vector<16xf32>,
    tpu.vector_store %arg20[%swap3A_556, %swap3A_557], %broadcast_in_dim3A_1 {strides = array<i32>} : memref<64x64xf32, #tpu.memory_space<vmem>>, vector<16xf32>,
    %swap3A_559 = arith.constant 34 : i32
    %swap3A_560 = arith.index_cast %swap3A_559 : i32 to index
    %swap3A_561 = arith.constant 32 : index
    %swap3A_562 = tpu.vector_load %arg20[%swap3A_560, %swap3A_561] {strides = array<i32>} : memref<64x64xf32, #tpu.memory_space<vmem>>, vector<16xf32>,
    tpu.vector_store %arg20[%swap3A_560, %swap3A_561], %broadcast_in_dim3A_1 {strides = array<i32>} : memref<64x64xf32, #tpu.memory_space<vmem>>, vector<16xf32>,
    %swap3A_563 = arith.constant 34 : i32
    %swap3A_564 = arith.index_cast %swap3A_563 : i32 to index
    %swap3A_565 = arith.constant 48 : index
    %swap3A_566 = tpu.vector_load %arg20[%swap3A_564, %swap3A_565] {strides = array<i32>} : memref<64x64xf32, #tpu.memory_space<vmem>>, vector<16xf32>,
    tpu.vector_store %arg20[%swap3A_564, %swap3A_565], %broadcast_in_dim3A_1 {strides = array<i32>} : memref<64x64xf32, #tpu.memory_space<vmem>>, vector<16xf32>,
    %swap3A_567 = arith.constant 35 : i32
    %swap3A_568 = arith.index_cast %swap3A_567 : i32 to index
    %swap3A_569 = arith.constant 0 : index
    %swap3A_570 = tpu.vector_load %arg20[%swap3A_568, %swap3A_569] {strides = array<i32>} : memref<64x64xf32, #tpu.memory_space<vmem>>, vector<16xf32>,
    tpu.vector_store %arg20[%swap3A_568, %swap3A_569], %broadcast_in_dim3A_1 {strides = array<i32>} : memref<64x64xf32, #tpu.memory_space<vmem>>, vector<16xf32>,
    %swap3A_571 = arith.constant 35 : i32
    %swap3A_572 = arith.index_cast %swap3A_571 : i32 to index
    %swap3A_573 = arith.constant 16 : index
    %swap3A_574 = tpu.vector_load %arg20[%swap3A_572, %swap3A_573] {strides = array<i32>} : memref<64x64xf32, #tpu.memory_space<vmem>>, vector<16xf32>,
    tpu.vector_store %arg20[%swap3A_572, %swap3A_573], %broadcast_in_dim3A_1 {strides = array<i32>} : memref<64x64xf32, #tpu.memory_space<vmem>>, vector<16xf32>,
    %swap3A_575 = arith.constant 35 : i32
    %swap3A_576 = arith.index_cast %swap3A_575 : i32 to index
    %swap3A_577 = arith.constant 32 : index
    %swap3A_578 = tpu.vector_load %arg20[%swap3A_576, %swap3A_577] {strides = array<i32>} : memref<64x64xf32, #tpu.memory_space<vmem>>, vector<16xf32>,
    tpu.vector_store %arg20[%swap3A_576, %swap3A_577], %broadcast_in_dim3A_1 {strides = array<i32>} : memref<64x64xf32, #tpu.memory_space<vmem>>, vector<16xf32>,
    %swap3A_579 = arith.constant 35 : i32
    %swap3A_580 = arith.index_cast %swap3A_579 : i32 to index
    %swap3A_581 = arith.constant 48 : index
    %swap3A_582 = tpu.vector_load %arg20[%swap3A_580, %swap3A_581] {strides = array<i32>} : memref<64x64xf32, #tpu.memory_space<vmem>>, vector<16xf32>,
    tpu.vector_store %arg20[%swap3A_580, %swap3A_581], %broadcast_in_dim3A_1 {strides = array<i32>} : memref<64x64xf32, #tpu.memory_space<vmem>>, vector<16xf32>,
    %swap3A_583 = arith.constant 36 : i32
    %swap3A_584 = arith.index_cast %swap3A_583 : i32 to index
    %swap3A_585 = arith.constant 0 : index
    %swap3A_586 = tpu.vector_load %arg20[%swap3A_584, %swap3A_585] {strides = array<i32>} : memref<64x64xf32, #tpu.memory_space<vmem>>, vector<16xf32>,
    tpu.vector_store %arg20[%swap3A_584, %swap3A_585], %broadcast_in_dim3A_1 {strides = array<i32>} : memref<64x64xf32, #tpu.memory_space<vmem>>, vector<16xf32>,
    %swap3A_587 = arith.constant 36 : i32
    %swap3A_588 = arith.index_cast %swap3A_587 : i32 to index
    %swap3A_589 = arith.constant 16 : index
    %swap3A_590 = tpu.vector_load %arg20[%swap3A_588, %swap3A_589] {strides = array<i32>} : memref<64x64xf32, #tpu.memory_space<vmem>>, vector<16xf32>,
    tpu.vector_store %arg20[%swap3A_588, %swap3A_589], %broadcast_in_dim3A_1 {strides = array<i32>} : memref<64x64xf32, #tpu.memory_space<vmem>>, vector<16xf32>,
    %swap3A_591 = arith.constant 36 : i32
    %swap3A_592 = arith.index_cast %swap3A_591 : i32 to index
    %swap3A_593 = arith.constant 32 : index
    %swap3A_594 = tpu.vector_load %arg20[%swap3A_592, %swap3A_593] {strides = array<i32>} : memref<64x64xf32, #tpu.memory_space<vmem>>, vector<16xf32>,
    tpu.vector_store %arg20[%swap3A_592, %swap3A_593], %broadcast_in_dim3A_1 {strides = array<i32>} : memref<64x64xf32, #tpu.memory_space<vmem>>, vector<16xf32>,
    %swap3A_595 = arith.constant 36 : i32
    %swap3A_596 = arith.index_cast %swap3A_595 : i32 to index
    %swap3A_597 = arith.constant 48 : index
    %swap3A_598 = tpu.vector_load %arg20[%swap3A_596, %swap3A_597] {strides = array<i32>} : memref<64x64xf32, #tpu.memory_space<vmem>>, vector<16xf32>,
    tpu.vector_store %arg20[%swap3A_596, %swap3A_597], %broadcast_in_dim3A_1 {strides = array<i32>} : memref<64x64xf32, #tpu.memory_space<vmem>>, vector<16xf32>,
    %swap3A_599 = arith.constant 37 : i32
    %swap3A_600 = arith.index_cast %swap3A_599 : i32 to index
    %swap3A_601 = arith.constant 0 : index
    %swap3A_602 = tpu.vector_load %arg20[%swap3A_600, %swap3A_601] {strides = array<i32>} : memref<64x64xf32, #tpu.memory_space<vmem>>, vector<16xf32>,
    tpu.vector_store %arg20[%swap3A_600, %swap3A_601], %broadcast_in_dim3A_1 {strides = array<i32>} : memref<64x64xf32, #tpu.memory_space<vmem>>, vector<16xf32>,
    %swap3A_603 = arith.constant 37 : i32
    %swap3A_604 = arith.index_cast %swap3A_603 : i32 to index
    %swap3A_605 = arith.constant 16 : index
    %swap3A_606 = tpu.vector_load %arg20[%swap3A_604, %swap3A_605] {strides = array<i32>} : memref<64x64xf32, #tpu.memory_space<vmem>>, vector<16xf32>,
    tpu.vector_store %arg20[%swap3A_604, %swap3A_605], %broadcast_in_dim3A_1 {strides = array<i32>} : memref<64x64xf32, #tpu.memory_space<vmem>>, vector<16xf32>,
    %swap3A_607 = arith.constant 37 : i32
    %swap3A_608 = arith.index_cast %swap3A_607 : i32 to index
    %swap3A_609 = arith.constant 32 : index
    %swap3A_610 = tpu.vector_load %arg20[%swap3A_608, %swap3A_609] {strides = array<i32>} : memref<64x64xf32, #tpu.memory_space<vmem>>, vector<16xf32>,
    tpu.vector_store %arg20[%swap3A_608, %swap3A_609], %broadcast_in_dim3A_1 {strides = array<i32>} : memref<64x64xf32, #tpu.memory_space<vmem>>, vector<16xf32>,
    %swap3A_611 = arith.constant 37 : i32
    %swap3A_612 = arith.index_cast %swap3A_611 : i32 to index
    %swap3A_613 = arith.constant 48 : index
    %swap3A_614 = tpu.vector_load %arg20[%swap3A_612, %swap3A_613] {strides = array<i32>} : memref<64x64xf32, #tpu.memory_space<vmem>>, vector<16xf32>,
    tpu.vector_store %arg20[%swap3A_612, %swap3A_613], %broadcast_in_dim3A_1 {strides = array<i32>} : memref<64x64xf32, #tpu.memory_space<vmem>>, vector<16xf32>,
    %swap3A_615 = arith.constant 38 : i32
    %swap3A_616 = arith.index_cast %swap3A_615 : i32 to index
    %swap3A_617 = arith.constant 0 : index
    %swap3A_618 = tpu.vector_load %arg20[%swap3A_616, %swap3A_617] {strides = array<i32>} : memref<64x64xf32, #tpu.memory_space<vmem>>, vector<16xf32>,
    tpu.vector_store %arg20[%swap3A_616, %swap3A_617], %broadcast_in_dim3A_1 {strides = array<i32>} : memref<64x64xf32, #tpu.memory_space<vmem>>, vector<16xf32>,
    %swap3A_619 = arith.constant 38 : i32
    %swap3A_620 = arith.index_cast %swap3A_619 : i32 to index
    %swap3A_621 = arith.constant 16 : index
    %swap3A_622 = tpu.vector_load %arg20[%swap3A_620, %swap3A_621] {strides = array<i32>} : memref<64x64xf32, #tpu.memory_space<vmem>>, vector<16xf32>,
    tpu.vector_store %arg20[%swap3A_620, %swap3A_621], %broadcast_in_dim3A_1 {strides = array<i32>} : memref<64x64xf32, #tpu.memory_space<vmem>>, vector<16xf32>,
    %swap3A_623 = arith.constant 38 : i32
    %swap3A_624 = arith.index_cast %swap3A_623 : i32 to index
    %swap3A_625 = arith.constant 32 : index
    %swap3A_626 = tpu.vector_load %arg20[%swap3A_624, %swap3A_625] {strides = array<i32>} : memref<64x64xf32, #tpu.memory_space<vmem>>, vector<16xf32>,
    tpu.vector_store %arg20[%swap3A_624, %swap3A_625], %broadcast_in_dim3A_1 {strides = array<i32>} : memref<64x64xf32, #tpu.memory_space<vmem>>, vector<16xf32>,
    %swap3A_627 = arith.constant 38 : i32
    %swap3A_628 = arith.index_cast %swap3A_627 : i32 to index
    %swap3A_629 = arith.constant 48 : index
    %swap3A_630 = tpu.vector_load %arg20[%swap3A_628, %swap3A_629] {strides = array<i32>} : memref<64x64xf32, #tpu.memory_space<vmem>>, vector<16xf32>,
    tpu.vector_store %arg20[%swap3A_628, %swap3A_629], %broadcast_in_dim3A_1 {strides = array<i32>} : memref<64x64xf32, #tpu.memory_space<vmem>>, vector<16xf32>,
    %swap3A_631 = arith.constant 39 : i32
    %swap3A_632 = arith.index_cast %swap3A_631 : i32 to index
    %swap3A_633 = arith.constant 0 : index
    %swap3A_634 = tpu.vector_load %arg20[%swap3A_632, %swap3A_633] {strides = array<i32>} : memref<64x64xf32, #tpu.memory_space<vmem>>, vector<16xf32>,
    tpu.vector_store %arg20[%swap3A_632, %swap3A_633], %broadcast_in_dim3A_1 {strides = array<i32>} : memref<64x64xf32, #tpu.memory_space<vmem>>, vector<16xf32>,
    %swap3A_635 = arith.constant 39 : i32
    %swap3A_636 = arith.index_cast %swap3A_635 : i32 to index
    %swap3A_637 = arith.constant 16 : index
    %swap3A_638 = tpu.vector_load %arg20[%swap3A_636, %swap3A_637] {strides = array<i32>} : memref<64x64xf32, #tpu.memory_space<vmem>>, vector<16xf32>,
    tpu.vector_store %arg20[%swap3A_636, %swap3A_637], %broadcast_in_dim3A_1 {strides = array<i32>} : memref<64x64xf32, #tpu.memory_space<vmem>>, vector<16xf32>,
    %swap3A_639 = arith.constant 39 : i32
    %swap3A_640 = arith.index_cast %swap3A_639 : i32 to index
    %swap3A_641 = arith.constant 32 : index
    %swap3A_642 = tpu.vector_load %arg20[%swap3A_640, %swap3A_641] {strides = array<i32>} : memref<64x64xf32, #tpu.memory_space<vmem>>, vector<16xf32>,
    tpu.vector_store %arg20[%swap3A_640, %swap3A_641], %broadcast_in_dim3A_1 {strides = array<i32>} : memref<64x64xf32, #tpu.memory_space<vmem>>, vector<16xf32>,
    %swap3A_643 = arith.constant 39 : i32
    %swap3A_644 = arith.index_cast %swap3A_643 : i32 to index
    %swap3A_645 = arith.constant 48 : index
    %swap3A_646 = tpu.vector_load %arg20[%swap3A_644, %swap3A_645] {strides = array<i32>} : memref<64x64xf32, #tpu.memory_space<vmem>>, vector<16xf32>,
    tpu.vector_store %arg20[%swap3A_644, %swap3A_645], %broadcast_in_dim3A_1 {strides = array<i32>} : memref<64x64xf32, #tpu.memory_space<vmem>>, vector<16xf32>,
    %swap3A_647 = arith.constant 40 : i32
    %swap3A_648 = arith.index_cast %swap3A_647 : i32 to index
    %swap3A_649 = arith.constant 0 : index
    %swap3A_650 = tpu.vector_load %arg20[%swap3A_648, %swap3A_649] {strides = array<i32>} : memref<64x64xf32, #tpu.memory_space<vmem>>, vector<16xf32>,
    tpu.vector_store %arg20[%swap3A_648, %swap3A_649], %broadcast_in_dim3A_1 {strides = array<i32>} : memref<64x64xf32, #tpu.memory_space<vmem>>, vector<16xf32>,
    %swap3A_651 = arith.constant 40 : i32
    %swap3A_652 = arith.index_cast %swap3A_651 : i32 to index
    %swap3A_653 = arith.constant 16 : index
    %swap3A_654 = tpu.vector_load %arg20[%swap3A_652, %swap3A_653] {strides = array<i32>} : memref<64x64xf32, #tpu.memory_space<vmem>>, vector<16xf32>,
    tpu.vector_store %arg20[%swap3A_652, %swap3A_653], %broadcast_in_dim3A_1 {strides = array<i32>} : memref<64x64xf32, #tpu.memory_space<vmem>>, vector<16xf32>,
    %swap3A_655 = arith.constant 40 : i32
    %swap3A_656 = arith.index_cast %swap3A_655 : i32 to index
    %swap3A_657 = arith.constant 32 : index
    %swap3A_658 = tpu.vector_load %arg20[%swap3A_656, %swap3A_657] {strides = array<i32>} : memref<64x64xf32, #tpu.memory_space<vmem>>, vector<16xf32>,
    tpu.vector_store %arg20[%swap3A_656, %swap3A_657], %broadcast_in_dim3A_1 {strides = array<i32>} : memref<64x64xf32, #tpu.memory_space<vmem>>, vector<16xf32>,
    %swap3A_659 = arith.constant 40 : i32
    %swap3A_660 = arith.index_cast %swap3A_659 : i32 to index
    %swap3A_661 = arith.constant 48 : index
    %swap3A_662 = tpu.vector_load %arg20[%swap3A_660, %swap3A_661] {strides = array<i32>} : memref<64x64xf32, #tpu.memory_space<vmem>>, vector<16xf32>,
    tpu.vector_store %arg20[%swap3A_660, %swap3A_661], %broadcast_in_dim3A_1 {strides = array<i32>} : memref<64x64xf32, #tpu.memory_space<vmem>>, vector<16xf32>,
    %swap3A_663 = arith.constant 41 : i32
    %swap3A_664 = arith.index_cast %swap3A_663 : i32 to index
    %swap3A_665 = arith.constant 0 : index
    %swap3A_666 = tpu.vector_load %arg20[%swap3A_664, %swap3A_665] {strides = array<i32>} : memref<64x64xf32, #tpu.memory_space<vmem>>, vector<16xf32>,
    tpu.vector_store %arg20[%swap3A_664, %swap3A_665], %broadcast_in_dim3A_1 {strides = array<i32>} : memref<64x64xf32, #tpu.memory_space<vmem>>, vector<16xf32>,
    %swap3A_667 = arith.constant 41 : i32
    %swap3A_668 = arith.index_cast %swap3A_667 : i32 to index
    %swap3A_669 = arith.constant 16 : index
    %swap3A_670 = tpu.vector_load %arg20[%swap3A_668, %swap3A_669] {strides = array<i32>} : memref<64x64xf32, #tpu.memory_space<vmem>>, vector<16xf32>,
    tpu.vector_store %arg20[%swap3A_668, %swap3A_669], %broadcast_in_dim3A_1 {strides = array<i32>} : memref<64x64xf32, #tpu.memory_space<vmem>>, vector<16xf32>,
    %swap3A_671 = arith.constant 41 : i32
    %swap3A_672 = arith.index_cast %swap3A_671 : i32 to index
    %swap3A_673 = arith.constant 32 : index
    %swap3A_674 = tpu.vector_load %arg20[%swap3A_672, %swap3A_673] {strides = array<i32>} : memref<64x64xf32, #tpu.memory_space<vmem>>, vector<16xf32>,
    tpu.vector_store %arg20[%swap3A_672, %swap3A_673], %broadcast_in_dim3A_1 {strides = array<i32>} : memref<64x64xf32, #tpu.memory_space<vmem>>, vector<16xf32>,
    %swap3A_675 = arith.constant 41 : i32
    %swap3A_676 = arith.index_cast %swap3A_675 : i32 to index
    %swap3A_677 = arith.constant 48 : index
    %swap3A_678 = tpu.vector_load %arg20[%swap3A_676, %swap3A_677] {strides = array<i32>} : memref<64x64xf32, #tpu.memory_space<vmem>>, vector<16xf32>,
    tpu.vector_store %arg20[%swap3A_676, %swap3A_677], %broadcast_in_dim3A_1 {strides = array<i32>} : memref<64x64xf32, #tpu.memory_space<vmem>>, vector<16xf32>,
    %swap3A_679 = arith.constant 42 : i32
    %swap3A_680 = arith.index_cast %swap3A_679 : i32 to index
    %swap3A_681 = arith.constant 0 : index
    %swap3A_682 = tpu.vector_load %arg20[%swap3A_680, %swap3A_681] {strides = array<i32>} : memref<64x64xf32, #tpu.memory_space<vmem>>, vector<16xf32>,
    tpu.vector_store %arg20[%swap3A_680, %swap3A_681], %broadcast_in_dim3A_1 {strides = array<i32>} : memref<64x64xf32, #tpu.memory_space<vmem>>, vector<16xf32>,
    %swap3A_683 = arith.constant 42 : i32
    %swap3A_684 = arith.index_cast %swap3A_683 : i32 to index
    %swap3A_685 = arith.constant 16 : index
    %swap3A_686 = tpu.vector_load %arg20[%swap3A_684, %swap3A_685] {strides = array<i32>} : memref<64x64xf32, #tpu.memory_space<vmem>>, vector<16xf32>,
    tpu.vector_store %arg20[%swap3A_684, %swap3A_685], %broadcast_in_dim3A_1 {strides = array<i32>} : memref<64x64xf32, #tpu.memory_space<vmem>>, vector<16xf32>,
    %swap3A_687 = arith.constant 42 : i32
    %swap3A_688 = arith.index_cast %swap3A_687 : i32 to index
    %swap3A_689 = arith.constant 32 : index
    %swap3A_690 = tpu.vector_load %arg20[%swap3A_688, %swap3A_689] {strides = array<i32>} : memref<64x64xf32, #tpu.memory_space<vmem>>, vector<16xf32>,
    tpu.vector_store %arg20[%swap3A_688, %swap3A_689], %broadcast_in_dim3A_1 {strides = array<i32>} : memref<64x64xf32, #tpu.memory_space<vmem>>, vector<16xf32>,
    %swap3A_691 = arith.constant 42 : i32
    %swap3A_692 = arith.index_cast %swap3A_691 : i32 to index
    %swap3A_693 = arith.constant 48 : index
    %swap3A_694 = tpu.vector_load %arg20[%swap3A_692, %swap3A_693] {strides = array<i32>} : memref<64x64xf32, #tpu.memory_space<vmem>>, vector<16xf32>,
    tpu.vector_store %arg20[%swap3A_692, %swap3A_693], %broadcast_in_dim3A_1 {strides = array<i32>} : memref<64x64xf32, #tpu.memory_space<vmem>>, vector<16xf32>,
    %swap3A_695 = arith.constant 43 : i32
    %swap3A_696 = arith.index_cast %swap3A_695 : i32 to index
    %swap3A_697 = arith.constant 0 : index
    %swap3A_698 = tpu.vector_load %arg20[%swap3A_696, %swap3A_697] {strides = array<i32>} : memref<64x64xf32, #tpu.memory_space<vmem>>, vector<16xf32>,
    tpu.vector_store %arg20[%swap3A_696, %swap3A_697], %broadcast_in_dim3A_1 {strides = array<i32>} : memref<64x64xf32, #tpu.memory_space<vmem>>, vector<16xf32>,
    %swap3A_699 = arith.constant 43 : i32
    %swap3A_700 = arith.index_cast %swap3A_699 : i32 to index
    %swap3A_701 = arith.constant 16 : index
    %swap3A_702 = tpu.vector_load %arg20[%swap3A_700, %swap3A_701] {strides = array<i32>} : memref<64x64xf32, #tpu.memory_space<vmem>>, vector<16xf32>,
    tpu.vector_store %arg20[%swap3A_700, %swap3A_701], %broadcast_in_dim3A_1 {strides = array<i32>} : memref<64x64xf32, #tpu.memory_space<vmem>>, vector<16xf32>,
    %swap3A_703 = arith.constant 43 : i32
    %swap3A_704 = arith.index_cast %swap3A_703 : i32 to index
    %swap3A_705 = arith.constant 32 : index
    %swap3A_706 = tpu.vector_load %arg20[%swap3A_704, %swap3A_705] {strides = array<i32>} : memref<64x64xf32, #tpu.memory_space<vmem>>, vector<16xf32>,
    tpu.vector_store %arg20[%swap3A_704, %swap3A_705], %broadcast_in_dim3A_1 {strides = array<i32>} : memref<64x64xf32, #tpu.memory_space<vmem>>, vector<16xf32>,
    %swap3A_707 = arith.constant 43 : i32
    %swap3A_708 = arith.index_cast %swap3A_707 : i32 to index
    %swap3A_709 = arith.constant 48 : index
    %swap3A_710 = tpu.vector_load %arg20[%swap3A_708, %swap3A_709] {strides = array<i32>} : memref<64x64xf32, #tpu.memory_space<vmem>>, vector<16xf32>,
    tpu.vector_store %arg20[%swap3A_708, %swap3A_709], %broadcast_in_dim3A_1 {strides = array<i32>} : memref<64x64xf32, #tpu.memory_space<vmem>>, vector<16xf32>,
    %swap3A_711 = arith.constant 44 : i32
    %swap3A_712 = arith.index_cast %swap3A_711 : i32 to index
    %swap3A_713 = arith.constant 0 : index
    %swap3A_714 = tpu.vector_load %arg20[%swap3A_712, %swap3A_713] {strides = array<i32>} : memref<64x64xf32, #tpu.memory_space<vmem>>, vector<16xf32>,
    tpu.vector_store %arg20[%swap3A_712, %swap3A_713], %broadcast_in_dim3A_1 {strides = array<i32>} : memref<64x64xf32, #tpu.memory_space<vmem>>, vector<16xf32>,
    %swap3A_715 = arith.constant 44 : i32
    %swap3A_716 = arith.index_cast %swap3A_715 : i32 to index
    %swap3A_717 = arith.constant 16 : index
    %swap3A_718 = tpu.vector_load %arg20[%swap3A_716, %swap3A_717] {strides = array<i32>} : memref<64x64xf32, #tpu.memory_space<vmem>>, vector<16xf32>,
    tpu.vector_store %arg20[%swap3A_716, %swap3A_717], %broadcast_in_dim3A_1 {strides = array<i32>} : memref<64x64xf32, #tpu.memory_space<vmem>>, vector<16xf32>,
    %swap3A_719 = arith.constant 44 : i32
    %swap3A_720 = arith.index_cast %swap3A_719 : i32 to index
    %swap3A_721 = arith.constant 32 : index
    %swap3A_722 = tpu.vector_load %arg20[%swap3A_720, %swap3A_721] {strides = array<i32>} : memref<64x64xf32, #tpu.memory_space<vmem>>, vector<16xf32>,
    tpu.vector_store %arg20[%swap3A_720, %swap3A_721], %broadcast_in_dim3A_1 {strides = array<i32>} : memref<64x64xf32, #tpu.memory_space<vmem>>, vector<16xf32>,
    %swap3A_723 = arith.constant 44 : i32
    %swap3A_724 = arith.index_cast %swap3A_723 : i32 to index
    %swap3A_725 = arith.constant 48 : index
    %swap3A_726 = tpu.vector_load %arg20[%swap3A_724, %swap3A_725] {strides = array<i32>} : memref<64x64xf32, #tpu.memory_space<vmem>>, vector<16xf32>,
    tpu.vector_store %arg20[%swap3A_724, %swap3A_725], %broadcast_in_dim3A_1 {strides = array<i32>} : memref<64x64xf32, #tpu.memory_space<vmem>>, vector<16xf32>,
    %swap3A_727 = arith.constant 45 : i32
    %swap3A_728 = arith.index_cast %swap3A_727 : i32 to index
    %swap3A_729 = arith.constant 0 : index
    %swap3A_730 = tpu.vector_load %arg20[%swap3A_728, %swap3A_729] {strides = array<i32>} : memref<64x64xf32, #tpu.memory_space<vmem>>, vector<16xf32>,
    tpu.vector_store %arg20[%swap3A_728, %swap3A_729], %broadcast_in_dim3A_1 {strides = array<i32>} : memref<64x64xf32, #tpu.memory_space<vmem>>, vector<16xf32>,
    %swap3A_731 = arith.constant 45 : i32
    %swap3A_732 = arith.index_cast %swap3A_731 : i32 to index
    %swap3A_733 = arith.constant 16 : index
    %swap3A_734 = tpu.vector_load %arg20[%swap3A_732, %swap3A_733] {strides = array<i32>} : memref<64x64xf32, #tpu.memory_space<vmem>>, vector<16xf32>,
    tpu.vector_store %arg20[%swap3A_732, %swap3A_733], %broadcast_in_dim3A_1 {strides = array<i32>} : memref<64x64xf32, #tpu.memory_space<vmem>>, vector<16xf32>,
    %swap3A_735 = arith.constant 45 : i32
    %swap3A_736 = arith.index_cast %swap3A_735 : i32 to index
    %swap3A_737 = arith.constant 32 : index
    %swap3A_738 = tpu.vector_load %arg20[%swap3A_736, %swap3A_737] {strides = array<i32>} : memref<64x64xf32, #tpu.memory_space<vmem>>, vector<16xf32>,
    tpu.vector_store %arg20[%swap3A_736, %swap3A_737], %broadcast_in_dim3A_1 {strides = array<i32>} : memref<64x64xf32, #tpu.memory_space<vmem>>, vector<16xf32>,
    %swap3A_739 = arith.constant 45 : i32
    %swap3A_740 = arith.index_cast %swap3A_739 : i32 to index
    %swap3A_741 = arith.constant 48 : index
    %swap3A_742 = tpu.vector_load %arg20[%swap3A_740, %swap3A_741] {strides = array<i32>} : memref<64x64xf32, #tpu.memory_space<vmem>>, vector<16xf32>,
    tpu.vector_store %arg20[%swap3A_740, %swap3A_741], %broadcast_in_dim3A_1 {strides = array<i32>} : memref<64x64xf32, #tpu.memory_space<vmem>>, vector<16xf32>,
    %swap3A_743 = arith.constant 46 : i32
    %swap3A_744 = arith.index_cast %swap3A_743 : i32 to index
    %swap3A_745 = arith.constant 0 : index
    %swap3A_746 = tpu.vector_load %arg20[%swap3A_744, %swap3A_745] {strides = array<i32>} : memref<64x64xf32, #tpu.memory_space<vmem>>, vector<16xf32>,
    tpu.vector_store %arg20[%swap3A_744, %swap3A_745], %broadcast_in_dim3A_1 {strides = array<i32>} : memref<64x64xf32, #tpu.memory_space<vmem>>, vector<16xf32>,
    %swap3A_747 = arith.constant 46 : i32
    %swap3A_748 = arith.index_cast %swap3A_747 : i32 to index
    %swap3A_749 = arith.constant 16 : index
    %swap3A_750 = tpu.vector_load %arg20[%swap3A_748, %swap3A_749] {strides = array<i32>} : memref<64x64xf32, #tpu.memory_space<vmem>>, vector<16xf32>,
    tpu.vector_store %arg20[%swap3A_748, %swap3A_749], %broadcast_in_dim3A_1 {strides = array<i32>} : memref<64x64xf32, #tpu.memory_space<vmem>>, vector<16xf32>,
    %swap3A_751 = arith.constant 46 : i32
    %swap3A_752 = arith.index_cast %swap3A_751 : i32 to index
    %swap3A_753 = arith.constant 32 : index
    %swap3A_754 = tpu.vector_load %arg20[%swap3A_752, %swap3A_753] {strides = array<i32>} : memref<64x64xf32, #tpu.memory_space<vmem>>, vector<16xf32>,
    tpu.vector_store %arg20[%swap3A_752, %swap3A_753], %broadcast_in_dim3A_1 {strides = array<i32>} : memref<64x64xf32, #tpu.memory_space<vmem>>, vector<16xf32>,
    %swap3A_755 = arith.constant 46 : i32
    %swap3A_756 = arith.index_cast %swap3A_755 : i32 to index
    %swap3A_757 = arith.constant 48 : index
    %swap3A_758 = tpu.vector_load %arg20[%swap3A_756, %swap3A_757] {strides = array<i32>} : memref<64x64xf32, #tpu.memory_space<vmem>>, vector<16xf32>,
    tpu.vector_store %arg20[%swap3A_756, %swap3A_757], %broadcast_in_dim3A_1 {strides = array<i32>} : memref<64x64xf32, #tpu.memory_space<vmem>>, vector<16xf32>,
    %swap3A_759 = arith.constant 47 : i32
    %swap3A_760 = arith.index_cast %swap3A_759 : i32 to index
    %swap3A_761 = arith.constant 0 : index
    %swap3A_762 = tpu.vector_load %arg20[%swap3A_760, %swap3A_761] {strides = array<i32>} : memref<64x64xf32, #tpu.memory_space<vmem>>, vector<16xf32>,
    tpu.vector_store %arg20[%swap3A_760, %swap3A_761], %broadcast_in_dim3A_1 {strides = array<i32>} : memref<64x64xf32, #tpu.memory_space<vmem>>, vector<16xf32>,
    %swap3A_763 = arith.constant 47 : i32
    %swap3A_764 = arith.index_cast %swap3A_763 : i32 to index
    %swap3A_765 = arith.constant 16 : index
    %swap3A_766 = tpu.vector_load %arg20[%swap3A_764, %swap3A_765] {strides = array<i32>} : memref<64x64xf32, #tpu.memory_space<vmem>>, vector<16xf32>,
    tpu.vector_store %arg20[%swap3A_764, %swap3A_765], %broadcast_in_dim3A_1 {strides = array<i32>} : memref<64x64xf32, #tpu.memory_space<vmem>>, vector<16xf32>,
    %swap3A_767 = arith.constant 47 : i32
    %swap3A_768 = arith.index_cast %swap3A_767 : i32 to index
    %swap3A_769 = arith.constant 32 : index
    %swap3A_770 = tpu.vector_load %arg20[%swap3A_768, %swap3A_769] {strides = array<i32>} : memref<64x64xf32, #tpu.memory_space<vmem>>, vector<16xf32>,
    tpu.vector_store %arg20[%swap3A_768, %swap3A_769], %broadcast_in_dim3A_1 {strides = array<i32>} : memref<64x64xf32, #tpu.memory_space<vmem>>, vector<16xf32>,
    %swap3A_771 = arith.constant 47 : i32
    %swap3A_772 = arith.index_cast %swap3A_771 : i32 to index
    %swap3A_773 = arith.constant 48 : index
    %swap3A_774 = tpu.vector_load %arg20[%swap3A_772, %swap3A_773] {strides = array<i32>} : memref<64x64xf32, #tpu.memory_space<vmem>>, vector<16xf32>,
    tpu.vector_store %arg20[%swap3A_772, %swap3A_773], %broadcast_in_dim3A_1 {strides = array<i32>} : memref<64x64xf32, #tpu.memory_space<vmem>>, vector<16xf32>,
    %swap3A_775 = arith.constant 48 : i32
    %swap3A_776 = arith.index_cast %swap3A_775 : i32 to index
    %swap3A_777 = arith.constant 0 : index
    %swap3A_778 = tpu.vector_load %arg20[%swap3A_776, %swap3A_777] {strides = array<i32>} : memref<64x64xf32, #tpu.memory_space<vmem>>, vector<16xf32>,
    tpu.vector_store %arg20[%swap3A_776, %swap3A_777], %broadcast_in_dim3A_1 {strides = array<i32>} : memref<64x64xf32, #tpu.memory_space<vmem>>, vector<16xf32>,
    %swap3A_779 = arith.constant 48 : i32
    %swap3A_780 = arith.index_cast %swap3A_779 : i32 to index
    %swap3A_781 = arith.constant 16 : index
    %swap3A_782 = tpu.vector_load %arg20[%swap3A_780, %swap3A_781] {strides = array<i32>} : memref<64x64xf32, #tpu.memory_space<vmem>>, vector<16xf32>,
    tpu.vector_store %arg20[%swap3A_780, %swap3A_781], %broadcast_in_dim3A_1 {strides = array<i32>} : memref<64x64xf32, #tpu.memory_space<vmem>>, vector<16xf32>,
    %swap3A_783 = arith.constant 48 : i32
    %swap3A_784 = arith.index_cast %swap3A_783 : i32 to index
    %swap3A_785 = arith.constant 32 : index
    %swap3A_786 = tpu.vector_load %arg20[%swap3A_784, %swap3A_785] {strides = array<i32>} : memref<64x64xf32, #tpu.memory_space<vmem>>, vector<16xf32>,
    tpu.vector_store %arg20[%swap3A_784, %swap3A_785], %broadcast_in_dim3A_1 {strides = array<i32>} : memref<64x64xf32, #tpu.memory_space<vmem>>, vector<16xf32>,
    %swap3A_787 = arith.constant 48 : i32
    %swap3A_788 = arith.index_cast %swap3A_787 : i32 to index
    %swap3A_789 = arith.constant 48 : index
    %swap3A_790 = tpu.vector_load %arg20[%swap3A_788, %swap3A_789] {strides = array<i32>} : memref<64x64xf32, #tpu.memory_space<vmem>>, vector<16xf32>,
    tpu.vector_store %arg20[%swap3A_788, %swap3A_789], %broadcast_in_dim3A_1 {strides = array<i32>} : memref<64x64xf32, #tpu.memory_space<vmem>>, vector<16xf32>,
    %swap3A_791 = arith.constant 49 : i32
    %swap3A_792 = arith.index_cast %swap3A_791 : i32 to index
    %swap3A_793 = arith.constant 0 : index
    %swap3A_794 = tpu.vector_load %arg20[%swap3A_792, %swap3A_793] {strides = array<i32>} : memref<64x64xf32, #tpu.memory_space<vmem>>, vector<16xf32>,
    tpu.vector_store %arg20[%swap3A_792, %swap3A_793], %broadcast_in_dim3A_1 {strides = array<i32>} : memref<64x64xf32, #tpu.memory_space<vmem>>, vector<16xf32>,
    %swap3A_795 = arith.constant 49 : i32
    %swap3A_796 = arith.index_cast %swap3A_795 : i32 to index
    %swap3A_797 = arith.constant 16 : index
    %swap3A_798 = tpu.vector_load %arg20[%swap3A_796, %swap3A_797] {strides = array<i32>} : memref<64x64xf32, #tpu.memory_space<vmem>>, vector<16xf32>,
    tpu.vector_store %arg20[%swap3A_796, %swap3A_797], %broadcast_in_dim3A_1 {strides = array<i32>} : memref<64x64xf32, #tpu.memory_space<vmem>>, vector<16xf32>,
    %swap3A_799 = arith.constant 49 : i32
    %swap3A_800 = arith.index_cast %swap3A_799 : i32 to index
    %swap3A_801 = arith.constant 32 : index
    %swap3A_802 = tpu.vector_load %arg20[%swap3A_800, %swap3A_801] {strides = array<i32>} : memref<64x64xf32, #tpu.memory_space<vmem>>, vector<16xf32>,
    tpu.vector_store %arg20[%swap3A_800, %swap3A_801], %broadcast_in_dim3A_1 {strides = array<i32>} : memref<64x64xf32, #tpu.memory_space<vmem>>, vector<16xf32>,
    %swap3A_803 = arith.constant 49 : i32
    %swap3A_804 = arith.index_cast %swap3A_803 : i32 to index
    %swap3A_805 = arith.constant 48 : index
    %swap3A_806 = tpu.vector_load %arg20[%swap3A_804, %swap3A_805] {strides = array<i32>} : memref<64x64xf32, #tpu.memory_space<vmem>>, vector<16xf32>,
    tpu.vector_store %arg20[%swap3A_804, %swap3A_805], %broadcast_in_dim3A_1 {strides = array<i32>} : memref<64x64xf32, #tpu.memory_space<vmem>>, vector<16xf32>,
    %swap3A_807 = arith.constant 50 : i32
    %swap3A_808 = arith.index_cast %swap3A_807 : i32 to index
    %swap3A_809 = arith.constant 0 : index
    %swap3A_810 = tpu.vector_load %arg20[%swap3A_808, %swap3A_809] {strides = array<i32>} : memref<64x64xf32, #tpu.memory_space<vmem>>, vector<16xf32>,
    tpu.vector_store %arg20[%swap3A_808, %swap3A_809], %broadcast_in_dim3A_1 {strides = array<i32>} : memref<64x64xf32, #tpu.memory_space<vmem>>, vector<16xf32>,
    %swap3A_811 = arith.constant 50 : i32
    %swap3A_812 = arith.index_cast %swap3A_811 : i32 to index
    %swap3A_813 = arith.constant 16 : index
    %swap3A_814 = tpu.vector_load %arg20[%swap3A_812, %swap3A_813] {strides = array<i32>} : memref<64x64xf32, #tpu.memory_space<vmem>>, vector<16xf32>,
    tpu.vector_store %arg20[%swap3A_812, %swap3A_813], %broadcast_in_dim3A_1 {strides = array<i32>} : memref<64x64xf32, #tpu.memory_space<vmem>>, vector<16xf32>,
    %swap3A_815 = arith.constant 50 : i32
    %swap3A_816 = arith.index_cast %swap3A_815 : i32 to index
    %swap3A_817 = arith.constant 32 : index
    %swap3A_818 = tpu.vector_load %arg20[%swap3A_816, %swap3A_817] {strides = array<i32>} : memref<64x64xf32, #tpu.memory_space<vmem>>, vector<16xf32>,
    tpu.vector_store %arg20[%swap3A_816, %swap3A_817], %broadcast_in_dim3A_1 {strides = array<i32>} : memref<64x64xf32, #tpu.memory_space<vmem>>, vector<16xf32>,
    %swap3A_819 = arith.constant 50 : i32
    %swap3A_820 = arith.index_cast %swap3A_819 : i32 to index
    %swap3A_821 = arith.constant 48 : index
    %swap3A_822 = tpu.vector_load %arg20[%swap3A_820, %swap3A_821] {strides = array<i32>} : memref<64x64xf32, #tpu.memory_space<vmem>>, vector<16xf32>,
    tpu.vector_store %arg20[%swap3A_820, %swap3A_821], %broadcast_in_dim3A_1 {strides = array<i32>} : memref<64x64xf32, #tpu.memory_space<vmem>>, vector<16xf32>,
    %swap3A_823 = arith.constant 51 : i32
    %swap3A_824 = arith.index_cast %swap3A_823 : i32 to index
    %swap3A_825 = arith.constant 0 : index
    %swap3A_826 = tpu.vector_load %arg20[%swap3A_824, %swap3A_825] {strides = array<i32>} : memref<64x64xf32, #tpu.memory_space<vmem>>, vector<16xf32>,
    tpu.vector_store %arg20[%swap3A_824, %swap3A_825], %broadcast_in_dim3A_1 {strides = array<i32>} : memref<64x64xf32, #tpu.memory_space<vmem>>, vector<16xf32>,
    %swap3A_827 = arith.constant 51 : i32
    %swap3A_828 = arith.index_cast %swap3A_827 : i32 to index
    %swap3A_829 = arith.constant 16 : index
    %swap3A_830 = tpu.vector_load %arg20[%swap3A_828, %swap3A_829] {strides = array<i32>} : memref<64x64xf32, #tpu.memory_space<vmem>>, vector<16xf32>,
    tpu.vector_store %arg20[%swap3A_828, %swap3A_829], %broadcast_in_dim3A_1 {strides = array<i32>} : memref<64x64xf32, #tpu.memory_space<vmem>>, vector<16xf32>,
    %swap3A_831 = arith.constant 51 : i32
    %swap3A_832 = arith.index_cast %swap3A_831 : i32 to index
    %swap3A_833 = arith.constant 32 : index
    %swap3A_834 = tpu.vector_load %arg20[%swap3A_832, %swap3A_833] {strides = array<i32>} : memref<64x64xf32, #tpu.memory_space<vmem>>, vector<16xf32>,
    tpu.vector_store %arg20[%swap3A_832, %swap3A_833], %broadcast_in_dim3A_1 {strides = array<i32>} : memref<64x64xf32, #tpu.memory_space<vmem>>, vector<16xf32>,
    %swap3A_835 = arith.constant 51 : i32
    %swap3A_836 = arith.index_cast %swap3A_835 : i32 to index
    %swap3A_837 = arith.constant 48 : index
    %swap3A_838 = tpu.vector_load %arg20[%swap3A_836, %swap3A_837] {strides = array<i32>} : memref<64x64xf32, #tpu.memory_space<vmem>>, vector<16xf32>,
    tpu.vector_store %arg20[%swap3A_836, %swap3A_837], %broadcast_in_dim3A_1 {strides = array<i32>} : memref<64x64xf32, #tpu.memory_space<vmem>>, vector<16xf32>,
    %swap3A_839 = arith.constant 52 : i32
    %swap3A_840 = arith.index_cast %swap3A_839 : i32 to index
    %swap3A_841 = arith.constant 0 : index
    %swap3A_842 = tpu.vector_load %arg20[%swap3A_840, %swap3A_841] {strides = array<i32>} : memref<64x64xf32, #tpu.memory_space<vmem>>, vector<16xf32>,
    tpu.vector_store %arg20[%swap3A_840, %swap3A_841], %broadcast_in_dim3A_1 {strides = array<i32>} : memref<64x64xf32, #tpu.memory_space<vmem>>, vector<16xf32>,
    %swap3A_843 = arith.constant 52 : i32
    %swap3A_844 = arith.index_cast %swap3A_843 : i32 to index
    %swap3A_845 = arith.constant 16 : index
    %swap3A_846 = tpu.vector_load %arg20[%swap3A_844, %swap3A_845] {strides = array<i32>} : memref<64x64xf32, #tpu.memory_space<vmem>>, vector<16xf32>,
    tpu.vector_store %arg20[%swap3A_844, %swap3A_845], %broadcast_in_dim3A_1 {strides = array<i32>} : memref<64x64xf32, #tpu.memory_space<vmem>>, vector<16xf32>,
    %swap3A_847 = arith.constant 52 : i32
    %swap3A_848 = arith.index_cast %swap3A_847 : i32 to index
    %swap3A_849 = arith.constant 32 : index
    %swap3A_850 = tpu.vector_load %arg20[%swap3A_848, %swap3A_849] {strides = array<i32>} : memref<64x64xf32, #tpu.memory_space<vmem>>, vector<16xf32>,
    tpu.vector_store %arg20[%swap3A_848, %swap3A_849], %broadcast_in_dim3A_1 {strides = array<i32>} : memref<64x64xf32, #tpu.memory_space<vmem>>, vector<16xf32>,
    %swap3A_851 = arith.constant 52 : i32
    %swap3A_852 = arith.index_cast %swap3A_851 : i32 to index
    %swap3A_853 = arith.constant 48 : index
    %swap3A_854 = tpu.vector_load %arg20[%swap3A_852, %swap3A_853] {strides = array<i32>} : memref<64x64xf32, #tpu.memory_space<vmem>>, vector<16xf32>,
    tpu.vector_store %arg20[%swap3A_852, %swap3A_853], %broadcast_in_dim3A_1 {strides = array<i32>} : memref<64x64xf32, #tpu.memory_space<vmem>>, vector<16xf32>,
    %swap3A_855 = arith.constant 53 : i32
    %swap3A_856 = arith.index_cast %swap3A_855 : i32 to index
    %swap3A_857 = arith.constant 0 : index
    %swap3A_858 = tpu.vector_load %arg20[%swap3A_856, %swap3A_857] {strides = array<i32>} : memref<64x64xf32, #tpu.memory_space<vmem>>, vector<16xf32>,
    tpu.vector_store %arg20[%swap3A_856, %swap3A_857], %broadcast_in_dim3A_1 {strides = array<i32>} : memref<64x64xf32, #tpu.memory_space<vmem>>, vector<16xf32>,
    %swap3A_859 = arith.constant 53 : i32
    %swap3A_860 = arith.index_cast %swap3A_859 : i32 to index
    %swap3A_861 = arith.constant 16 : index
    %swap3A_862 = tpu.vector_load %arg20[%swap3A_860, %swap3A_861] {strides = array<i32>} : memref<64x64xf32, #tpu.memory_space<vmem>>, vector<16xf32>,
    tpu.vector_store %arg20[%swap3A_860, %swap3A_861], %broadcast_in_dim3A_1 {strides = array<i32>} : memref<64x64xf32, #tpu.memory_space<vmem>>, vector<16xf32>,
    %swap3A_863 = arith.constant 53 : i32
    %swap3A_864 = arith.index_cast %swap3A_863 : i32 to index
    %swap3A_865 = arith.constant 32 : index
    %swap3A_866 = tpu.vector_load %arg20[%swap3A_864, %swap3A_865] {strides = array<i32>} : memref<64x64xf32, #tpu.memory_space<vmem>>, vector<16xf32>,
    tpu.vector_store %arg20[%swap3A_864, %swap3A_865], %broadcast_in_dim3A_1 {strides = array<i32>} : memref<64x64xf32, #tpu.memory_space<vmem>>, vector<16xf32>,
    %swap3A_867 = arith.constant 53 : i32
    %swap3A_868 = arith.index_cast %swap3A_867 : i32 to index
    %swap3A_869 = arith.constant 48 : index
    %swap3A_870 = tpu.vector_load %arg20[%swap3A_868, %swap3A_869] {strides = array<i32>} : memref<64x64xf32, #tpu.memory_space<vmem>>, vector<16xf32>,
    tpu.vector_store %arg20[%swap3A_868, %swap3A_869], %broadcast_in_dim3A_1 {strides = array<i32>} : memref<64x64xf32, #tpu.memory_space<vmem>>, vector<16xf32>,
    %swap3A_871 = arith.constant 54 : i32
    %swap3A_872 = arith.index_cast %swap3A_871 : i32 to index
    %swap3A_873 = arith.constant 0 : index
    %swap3A_874 = tpu.vector_load %arg20[%swap3A_872, %swap3A_873] {strides = array<i32>} : memref<64x64xf32, #tpu.memory_space<vmem>>, vector<16xf32>,
    tpu.vector_store %arg20[%swap3A_872, %swap3A_873], %broadcast_in_dim3A_1 {strides = array<i32>} : memref<64x64xf32, #tpu.memory_space<vmem>>, vector<16xf32>,
    %swap3A_875 = arith.constant 54 : i32
    %swap3A_876 = arith.index_cast %swap3A_875 : i32 to index
    %swap3A_877 = arith.constant 16 : index
    %swap3A_878 = tpu.vector_load %arg20[%swap3A_876, %swap3A_877] {strides = array<i32>} : memref<64x64xf32, #tpu.memory_space<vmem>>, vector<16xf32>,
    tpu.vector_store %arg20[%swap3A_876, %swap3A_877], %broadcast_in_dim3A_1 {strides = array<i32>} : memref<64x64xf32, #tpu.memory_space<vmem>>, vector<16xf32>,
    %swap3A_879 = arith.constant 54 : i32
    %swap3A_880 = arith.index_cast %swap3A_879 : i32 to index
    %swap3A_881 = arith.constant 32 : index
    %swap3A_882 = tpu.vector_load %arg20[%swap3A_880, %swap3A_881] {strides = array<i32>} : memref<64x64xf32, #tpu.memory_space<vmem>>, vector<16xf32>,
    tpu.vector_store %arg20[%swap3A_880, %swap3A_881], %broadcast_in_dim3A_1 {strides = array<i32>} : memref<64x64xf32, #tpu.memory_space<vmem>>, vector<16xf32>,
    %swap3A_883 = arith.constant 54 : i32
    %swap3A_884 = arith.index_cast %swap3A_883 : i32 to index
    %swap3A_885 = arith.constant 48 : index
    %swap3A_886 = tpu.vector_load %arg20[%swap3A_884, %swap3A_885] {strides = array<i32>} : memref<64x64xf32, #tpu.memory_space<vmem>>, vector<16xf32>,
    tpu.vector_store %arg20[%swap3A_884, %swap3A_885], %broadcast_in_dim3A_1 {strides = array<i32>} : memref<64x64xf32, #tpu.memory_space<vmem>>, vector<16xf32>,
    %swap3A_887 = arith.constant 55 : i32
    %swap3A_888 = arith.index_cast %swap3A_887 : i32 to index
    %swap3A_889 = arith.constant 0 : index
    %swap3A_890 = tpu.vector_load %arg20[%swap3A_888, %swap3A_889] {strides = array<i32>} : memref<64x64xf32, #tpu.memory_space<vmem>>, vector<16xf32>,
    tpu.vector_store %arg20[%swap3A_888, %swap3A_889], %broadcast_in_dim3A_1 {strides = array<i32>} : memref<64x64xf32, #tpu.memory_space<vmem>>, vector<16xf32>,
    %swap3A_891 = arith.constant 55 : i32
    %swap3A_892 = arith.index_cast %swap3A_891 : i32 to index
    %swap3A_893 = arith.constant 16 : index
    %swap3A_894 = tpu.vector_load %arg20[%swap3A_892, %swap3A_893] {strides = array<i32>} : memref<64x64xf32, #tpu.memory_space<vmem>>, vector<16xf32>,
    tpu.vector_store %arg20[%swap3A_892, %swap3A_893], %broadcast_in_dim3A_1 {strides = array<i32>} : memref<64x64xf32, #tpu.memory_space<vmem>>, vector<16xf32>,
    %swap3A_895 = arith.constant 55 : i32
    %swap3A_896 = arith.index_cast %swap3A_895 : i32 to index
    %swap3A_897 = arith.constant 32 : index
    %swap3A_898 = tpu.vector_load %arg20[%swap3A_896, %swap3A_897] {strides = array<i32>} : memref<64x64xf32, #tpu.memory_space<vmem>>, vector<16xf32>,
    tpu.vector_store %arg20[%swap3A_896, %swap3A_897], %broadcast_in_dim3A_1 {strides = array<i32>} : memref<64x64xf32, #tpu.memory_space<vmem>>, vector<16xf32>,
    %swap3A_899 = arith.constant 55 : i32
    %swap3A_900 = arith.index_cast %swap3A_899 : i32 to index
    %swap3A_901 = arith.constant 48 : index
    %swap3A_902 = tpu.vector_load %arg20[%swap3A_900, %swap3A_901] {strides = array<i32>} : memref<64x64xf32, #tpu.memory_space<vmem>>, vector<16xf32>,
    tpu.vector_store %arg20[%swap3A_900, %swap3A_901], %broadcast_in_dim3A_1 {strides = array<i32>} : memref<64x64xf32, #tpu.memory_space<vmem>>, vector<16xf32>,
    %swap3A_903 = arith.constant 56 : i32
    %swap3A_904 = arith.index_cast %swap3A_903 : i32 to index
    %swap3A_905 = arith.constant 0 : index
    %swap3A_906 = tpu.vector_load %arg20[%swap3A_904, %swap3A_905] {strides = array<i32>} : memref<64x64xf32, #tpu.memory_space<vmem>>, vector<16xf32>,
    tpu.vector_store %arg20[%swap3A_904, %swap3A_905], %broadcast_in_dim3A_1 {strides = array<i32>} : memref<64x64xf32, #tpu.memory_space<vmem>>, vector<16xf32>,
    %swap3A_907 = arith.constant 56 : i32
    %swap3A_908 = arith.index_cast %swap3A_907 : i32 to index
    %swap3A_909 = arith.constant 16 : index
    %swap3A_910 = tpu.vector_load %arg20[%swap3A_908, %swap3A_909] {strides = array<i32>} : memref<64x64xf32, #tpu.memory_space<vmem>>, vector<16xf32>,
    tpu.vector_store %arg20[%swap3A_908, %swap3A_909], %broadcast_in_dim3A_1 {strides = array<i32>} : memref<64x64xf32, #tpu.memory_space<vmem>>, vector<16xf32>,
    %swap3A_911 = arith.constant 56 : i32
    %swap3A_912 = arith.index_cast %swap3A_911 : i32 to index
    %swap3A_913 = arith.constant 32 : index
    %swap3A_914 = tpu.vector_load %arg20[%swap3A_912, %swap3A_913] {strides = array<i32>} : memref<64x64xf32, #tpu.memory_space<vmem>>, vector<16xf32>,
    tpu.vector_store %arg20[%swap3A_912, %swap3A_913], %broadcast_in_dim3A_1 {strides = array<i32>} : memref<64x64xf32, #tpu.memory_space<vmem>>, vector<16xf32>,
    %swap3A_915 = arith.constant 56 : i32
    %swap3A_916 = arith.index_cast %swap3A_915 : i32 to index
    %swap3A_917 = arith.constant 48 : index
    %swap3A_918 = tpu.vector_load %arg20[%swap3A_916, %swap3A_917] {strides = array<i32>} : memref<64x64xf32, #tpu.memory_space<vmem>>, vector<16xf32>,
    tpu.vector_store %arg20[%swap3A_916, %swap3A_917], %broadcast_in_dim3A_1 {strides = array<i32>} : memref<64x64xf32, #tpu.memory_space<vmem>>, vector<16xf32>,
    %swap3A_919 = arith.constant 57 : i32
    %swap3A_920 = arith.index_cast %swap3A_919 : i32 to index
    %swap3A_921 = arith.constant 0 : index
    %swap3A_922 = tpu.vector_load %arg20[%swap3A_920, %swap3A_921] {strides = array<i32>} : memref<64x64xf32, #tpu.memory_space<vmem>>, vector<16xf32>,
    tpu.vector_store %arg20[%swap3A_920, %swap3A_921], %broadcast_in_dim3A_1 {strides = array<i32>} : memref<64x64xf32, #tpu.memory_space<vmem>>, vector<16xf32>,
    %swap3A_923 = arith.constant 57 : i32
    %swap3A_924 = arith.index_cast %swap3A_923 : i32 to index
    %swap3A_925 = arith.constant 16 : index
    %swap3A_926 = tpu.vector_load %arg20[%swap3A_924, %swap3A_925] {strides = array<i32>} : memref<64x64xf32, #tpu.memory_space<vmem>>, vector<16xf32>,
    tpu.vector_store %arg20[%swap3A_924, %swap3A_925], %broadcast_in_dim3A_1 {strides = array<i32>} : memref<64x64xf32, #tpu.memory_space<vmem>>, vector<16xf32>,
    %swap3A_927 = arith.constant 57 : i32
    %swap3A_928 = arith.index_cast %swap3A_927 : i32 to index
    %swap3A_929 = arith.constant 32 : index
    %swap3A_930 = tpu.vector_load %arg20[%swap3A_928, %swap3A_929] {strides = array<i32>} : memref<64x64xf32, #tpu.memory_space<vmem>>, vector<16xf32>,
    tpu.vector_store %arg20[%swap3A_928, %swap3A_929], %broadcast_in_dim3A_1 {strides = array<i32>} : memref<64x64xf32, #tpu.memory_space<vmem>>, vector<16xf32>,
    %swap3A_931 = arith.constant 57 : i32
    %swap3A_932 = arith.index_cast %swap3A_931 : i32 to index
    %swap3A_933 = arith.constant 48 : index
    %swap3A_934 = tpu.vector_load %arg20[%swap3A_932, %swap3A_933] {strides = array<i32>} : memref<64x64xf32, #tpu.memory_space<vmem>>, vector<16xf32>,
    tpu.vector_store %arg20[%swap3A_932, %swap3A_933], %broadcast_in_dim3A_1 {strides = array<i32>} : memref<64x64xf32, #tpu.memory_space<vmem>>, vector<16xf32>,
    %swap3A_935 = arith.constant 58 : i32
    %swap3A_936 = arith.index_cast %swap3A_935 : i32 to index
    %swap3A_937 = arith.constant 0 : index
    %swap3A_938 = tpu.vector_load %arg20[%swap3A_936, %swap3A_937] {strides = array<i32>} : memref<64x64xf32, #tpu.memory_space<vmem>>, vector<16xf32>,
    tpu.vector_store %arg20[%swap3A_936, %swap3A_937], %broadcast_in_dim3A_1 {strides = array<i32>} : memref<64x64xf32, #tpu.memory_space<vmem>>, vector<16xf32>,
    %swap3A_939 = arith.constant 58 : i32
    %swap3A_940 = arith.index_cast %swap3A_939 : i32 to index
    %swap3A_941 = arith.constant 16 : index
    %swap3A_942 = tpu.vector_load %arg20[%swap3A_940, %swap3A_941] {strides = array<i32>} : memref<64x64xf32, #tpu.memory_space<vmem>>, vector<16xf32>,
    tpu.vector_store %arg20[%swap3A_940, %swap3A_941], %broadcast_in_dim3A_1 {strides = array<i32>} : memref<64x64xf32, #tpu.memory_space<vmem>>, vector<16xf32>,
    %swap3A_943 = arith.constant 58 : i32
    %swap3A_944 = arith.index_cast %swap3A_943 : i32 to index
    %swap3A_945 = arith.constant 32 : index
    %swap3A_946 = tpu.vector_load %arg20[%swap3A_944, %swap3A_945] {strides = array<i32>} : memref<64x64xf32, #tpu.memory_space<vmem>>, vector<16xf32>,
    tpu.vector_store %arg20[%swap3A_944, %swap3A_945], %broadcast_in_dim3A_1 {strides = array<i32>} : memref<64x64xf32, #tpu.memory_space<vmem>>, vector<16xf32>,
    %swap3A_947 = arith.constant 58 : i32
    %swap3A_948 = arith.index_cast %swap3A_947 : i32 to index
    %swap3A_949 = arith.constant 48 : index
    %swap3A_950 = tpu.vector_load %arg20[%swap3A_948, %swap3A_949] {strides = array<i32>} : memref<64x64xf32, #tpu.memory_space<vmem>>, vector<16xf32>,
    tpu.vector_store %arg20[%swap3A_948, %swap3A_949], %broadcast_in_dim3A_1 {strides = array<i32>} : memref<64x64xf32, #tpu.memory_space<vmem>>, vector<16xf32>,
    %swap3A_951 = arith.constant 59 : i32
    %swap3A_952 = arith.index_cast %swap3A_951 : i32 to index
    %swap3A_953 = arith.constant 0 : index
    %swap3A_954 = tpu.vector_load %arg20[%swap3A_952, %swap3A_953] {strides = array<i32>} : memref<64x64xf32, #tpu.memory_space<vmem>>, vector<16xf32>,
    tpu.vector_store %arg20[%swap3A_952, %swap3A_953], %broadcast_in_dim3A_1 {strides = array<i32>} : memref<64x64xf32, #tpu.memory_space<vmem>>, vector<16xf32>,
    %swap3A_955 = arith.constant 59 : i32
    %swap3A_956 = arith.index_cast %swap3A_955 : i32 to index
    %swap3A_957 = arith.constant 16 : index
    %swap3A_958 = tpu.vector_load %arg20[%swap3A_956, %swap3A_957] {strides = array<i32>} : memref<64x64xf32, #tpu.memory_space<vmem>>, vector<16xf32>,
    tpu.vector_store %arg20[%swap3A_956, %swap3A_957], %broadcast_in_dim3A_1 {strides = array<i32>} : memref<64x64xf32, #tpu.memory_space<vmem>>, vector<16xf32>,
    %swap3A_959 = arith.constant 59 : i32
    %swap3A_960 = arith.index_cast %swap3A_959 : i32 to index
    %swap3A_961 = arith.constant 32 : index
    %swap3A_962 = tpu.vector_load %arg20[%swap3A_960, %swap3A_961] {strides = array<i32>} : memref<64x64xf32, #tpu.memory_space<vmem>>, vector<16xf32>,
    tpu.vector_store %arg20[%swap3A_960, %swap3A_961], %broadcast_in_dim3A_1 {strides = array<i32>} : memref<64x64xf32, #tpu.memory_space<vmem>>, vector<16xf32>,
    %swap3A_963 = arith.constant 59 : i32
    %swap3A_964 = arith.index_cast %swap3A_963 : i32 to index
    %swap3A_965 = arith.constant 48 : index
    %swap3A_966 = tpu.vector_load %arg20[%swap3A_964, %swap3A_965] {strides = array<i32>} : memref<64x64xf32, #tpu.memory_space<vmem>>, vector<16xf32>,
    tpu.vector_store %arg20[%swap3A_964, %swap3A_965], %broadcast_in_dim3A_1 {strides = array<i32>} : memref<64x64xf32, #tpu.memory_space<vmem>>, vector<16xf32>,
    %swap3A_967 = arith.constant 60 : i32
    %swap3A_968 = arith.index_cast %swap3A_967 : i32 to index
    %swap3A_969 = arith.constant 0 : index
    %swap3A_970 = tpu.vector_load %arg20[%swap3A_968, %swap3A_969] {strides = array<i32>} : memref<64x64xf32, #tpu.memory_space<vmem>>, vector<16xf32>,
    tpu.vector_store %arg20[%swap3A_968, %swap3A_969], %broadcast_in_dim3A_1 {strides = array<i32>} : memref<64x64xf32, #tpu.memory_space<vmem>>, vector<16xf32>,
    %swap3A_971 = arith.constant 60 : i32
    %swap3A_972 = arith.index_cast %swap3A_971 : i32 to index
    %swap3A_973 = arith.constant 16 : index
    %swap3A_974 = tpu.vector_load %arg20[%swap3A_972, %swap3A_973] {strides = array<i32>} : memref<64x64xf32, #tpu.memory_space<vmem>>, vector<16xf32>,
    tpu.vector_store %arg20[%swap3A_972, %swap3A_973], %broadcast_in_dim3A_1 {strides = array<i32>} : memref<64x64xf32, #tpu.memory_space<vmem>>, vector<16xf32>,
    %swap3A_975 = arith.constant 60 : i32
    %swap3A_976 = arith.index_cast %swap3A_975 : i32 to index
    %swap3A_977 = arith.constant 32 : index
    %swap3A_978 = tpu.vector_load %arg20[%swap3A_976, %swap3A_977] {strides = array<i32>} : memref<64x64xf32, #tpu.memory_space<vmem>>, vector<16xf32>,
    tpu.vector_store %arg20[%swap3A_976, %swap3A_977], %broadcast_in_dim3A_1 {strides = array<i32>} : memref<64x64xf32, #tpu.memory_space<vmem>>, vector<16xf32>,
    %swap3A_979 = arith.constant 60 : i32
    %swap3A_980 = arith.index_cast %swap3A_979 : i32 to index
    %swap3A_981 = arith.constant 48 : index
    %swap3A_982 = tpu.vector_load %arg20[%swap3A_980, %swap3A_981] {strides = array<i32>} : memref<64x64xf32, #tpu.memory_space<vmem>>, vector<16xf32>,
    tpu.vector_store %arg20[%swap3A_980, %swap3A_981], %broadcast_in_dim3A_1 {strides = array<i32>} : memref<64x64xf32, #tpu.memory_space<vmem>>, vector<16xf32>,
    %swap3A_983 = arith.constant 61 : i32
    %swap3A_984 = arith.index_cast %swap3A_983 : i32 to index
    %swap3A_985 = arith.constant 0 : index
    %swap3A_986 = tpu.vector_load %arg20[%swap3A_984, %swap3A_985] {strides = array<i32>} : memref<64x64xf32, #tpu.memory_space<vmem>>, vector<16xf32>,
    tpu.vector_store %arg20[%swap3A_984, %swap3A_985], %broadcast_in_dim3A_1 {strides = array<i32>} : memref<64x64xf32, #tpu.memory_space<vmem>>, vector<16xf32>,
    %swap3A_987 = arith.constant 61 : i32
    %swap3A_988 = arith.index_cast %swap3A_987 : i32 to index
    %swap3A_989 = arith.constant 16 : index
    %swap3A_990 = tpu.vector_load %arg20[%swap3A_988, %swap3A_989] {strides = array<i32>} : memref<64x64xf32, #tpu.memory_space<vmem>>, vector<16xf32>,
    tpu.vector_store %arg20[%swap3A_988, %swap3A_989], %broadcast_in_dim3A_1 {strides = array<i32>} : memref<64x64xf32, #tpu.memory_space<vmem>>, vector<16xf32>,
    %swap3A_991 = arith.constant 61 : i32
    %swap3A_992 = arith.index_cast %swap3A_991 : i32 to index
    %swap3A_993 = arith.constant 32 : index
    %swap3A_994 = tpu.vector_load %arg20[%swap3A_992, %swap3A_993] {strides = array<i32>} : memref<64x64xf32, #tpu.memory_space<vmem>>, vector<16xf32>,
    tpu.vector_store %arg20[%swap3A_992, %swap3A_993], %broadcast_in_dim3A_1 {strides = array<i32>} : memref<64x64xf32, #tpu.memory_space<vmem>>, vector<16xf32>,
    %swap3A_995 = arith.constant 61 : i32
    %swap3A_996 = arith.index_cast %swap3A_995 : i32 to index
    %swap3A_997 = arith.constant 48 : index
    %swap3A_998 = tpu.vector_load %arg20[%swap3A_996, %swap3A_997] {strides = array<i32>} : memref<64x64xf32, #tpu.memory_space<vmem>>, vector<16xf32>,
    tpu.vector_store %arg20[%swap3A_996, %swap3A_997], %broadcast_in_dim3A_1 {strides = array<i32>} : memref<64x64xf32, #tpu.memory_space<vmem>>, vector<16xf32>,
    %swap3A_999 = arith.constant 62 : i32
    %swap3A_1000 = arith.index_cast %swap3A_999 : i32 to index
    %swap3A_1001 = arith.constant 0 : index
    %swap3A_1002 = tpu.vector_load %arg20[%swap3A_1000, %swap3A_1001] {strides = array<i32>} : memref<64x64xf32, #tpu.memory_space<vmem>>, vector<16xf32>,
    tpu.vector_store %arg20[%swap3A_1000, %swap3A_1001], %broadcast_in_dim3A_1 {strides = array<i32>} : memref<64x64xf32, #tpu.memory_space<vmem>>, vector<16xf32>,
    %swap3A_1003 = arith.constant 62 : i32
    %swap3A_1004 = arith.index_cast %swap3A_1003 : i32 to index
    %swap3A_1005 = arith.constant 16 : index
    %swap3A_1006 = tpu.vector_load %arg20[%swap3A_1004, %swap3A_1005] {strides = array<i32>} : memref<64x64xf32, #tpu.memory_space<vmem>>, vector<16xf32>,
    tpu.vector_store %arg20[%swap3A_1004, %swap3A_1005], %broadcast_in_dim3A_1 {strides = array<i32>} : memref<64x64xf32, #tpu.memory_space<vmem>>, vector<16xf32>,
    %swap3A_1007 = arith.constant 62 : i32
    %swap3A_1008 = arith.index_cast %swap3A_1007 : i32 to index
    %swap3A_1009 = arith.constant 32 : index
    %swap3A_1010 = tpu.vector_load %arg20[%swap3A_1008, %swap3A_1009] {strides = array<i32>} : memref<64x64xf32, #tpu.memory_space<vmem>>, vector<16xf32>,
    tpu.vector_store %arg20[%swap3A_1008, %swap3A_1009], %broadcast_in_dim3A_1 {strides = array<i32>} : memref<64x64xf32, #tpu.memory_space<vmem>>, vector<16xf32>,
    %swap3A_1011 = arith.constant 62 : i32
    %swap3A_1012 = arith.index_cast %swap3A_1011 : i32 to index
    %swap3A_1013 = arith.constant 48 : index
    %swap3A_1014 = tpu.vector_load %arg20[%swap3A_1012, %swap3A_1013] {strides = array<i32>} : memref<64x64xf32, #tpu.memory_space<vmem>>, vector<16xf32>,
    tpu.vector_store %arg20[%swap3A_1012, %swap3A_1013], %broadcast_in_dim3A_1 {strides = array<i32>} : memref<64x64xf32, #tpu.memory_space<vmem>>, vector<16xf32>,
    %swap3A_1015 = arith.constant 63 : i32
    %swap3A_1016 = arith.index_cast %swap3A_1015 : i32 to index
    %swap3A_1017 = arith.constant 0 : index
    %swap3A_1018 = tpu.vector_load %arg20[%swap3A_1016, %swap3A_1017] {strides = array<i32>} : memref<64x64xf32, #tpu.memory_space<vmem>>, vector<16xf32>,
    tpu.vector_store %arg20[%swap3A_1016, %swap3A_1017], %broadcast_in_dim3A_1 {strides = array<i32>} : memref<64x64xf32, #tpu.memory_space<vmem>>, vector<16xf32>,
    %swap3A_1019 = arith.constant 63 : i32
    %swap3A_1020 = arith.index_cast %swap3A_1019 : i32 to index
    %swap3A_1021 = arith.constant 16 : index
    %swap3A_1022 = tpu.vector_load %arg20[%swap3A_1020, %swap3A_1021] {strides = array<i32>} : memref<64x64xf32, #tpu.memory_space<vmem>>, vector<16xf32>,
    tpu.vector_store %arg20[%swap3A_1020, %swap3A_1021], %broadcast_in_dim3A_1 {strides = array<i32>} : memref<64x64xf32, #tpu.memory_space<vmem>>, vector<16xf32>,
    %swap3A_1023 = arith.constant 63 : i32
    %swap3A_1024 = arith.index_cast %swap3A_1023 : i32 to index
    %swap3A_1025 = arith.constant 32 : index
    %swap3A_1026 = tpu.vector_load %arg20[%swap3A_1024, %swap3A_1025] {strides = array<i32>} : memref<64x64xf32, #tpu.memory_space<vmem>>, vector<16xf32>,
    tpu.vector_store %arg20[%swap3A_1024, %swap3A_1025], %broadcast_in_dim3A_1 {strides = array<i32>} : memref<64x64xf32, #tpu.memory_space<vmem>>, vector<16xf32>,
    %swap3A_1027 = arith.constant 63 : i32
    %swap3A_1028 = arith.index_cast %swap3A_1027 : i32 to index
    %swap3A_1029 = arith.constant 48 : index
    %swap3A_1030 = tpu.vector_load %arg20[%swap3A_1028, %swap3A_1029] {strides = array<i32>} : memref<64x64xf32, #tpu.memory_space<vmem>>, vector<16xf32>,
    tpu.vector_store %arg20[%swap3A_1028, %swap3A_1029], %broadcast_in_dim3A_1 {strides = array<i32>} : memref<64x64xf32, #tpu.memory_space<vmem>>, vector<16xf32>,
    %mul3A_1031 = arith.constant 4 : i32
    %mul3A_1032 = arith.muli %mul3A_1031, %arg1 : i32
    %mul3A_1033 = arith.constant 4 : i32
    %mul3A_1034 = arith.muli %mul3A_1033, %arg1 : i32
    "tpu.region"() ({
      %run_scoped3A = tpu.sem_alloc : memref<!tpu.dma_semaphore, #tpu.memory_space<semaphore_mem>>
      %dma_start3A = arith.constant 0 : i32
      %dma_start3A_1041 = tpu.memref_slice %arg20[%mul3A_1032, %dma_start3A] : memref<64x64xf32, #tpu.memory_space<vmem>> -> memref<4x64xf32, #tpu.memory_space<vmem>>
      %dma_start3A_1042 = arith.constant 0 : i32
      %dma_start3A_1043 = tpu.memref_slice %arg8[%mul3A_1034, %dma_start3A_1042] : memref<64x64xf32, #tpu.memory_space<hbm>> -> memref<4x64xf32, #tpu.memory_space<hbm>>
      %dma_start3A_1044 = arith.constant 0 : i32
      %dma_start3A_1045 = tpu.memref_slice %arg8[%mul3A_1034, %dma_start3A_1044] : memref<64x64xf32, #tpu.memory_space<hbm>> -> memref<4x64xf32, #tpu.memory_space<hbm>>
      %dma_start3A_1046 = arith.constant 0 : i32
      %dma_start3A_1047 = tpu.memref_slice %arg20[%mul3A_1032, %dma_start3A_1046] : memref<64x64xf32, #tpu.memory_space<vmem>> -> memref<4x64xf32, #tpu.memory_space<vmem>>
      tpu.enqueue_dma source(%dma_start3A_1047 : memref<4x64xf32, #tpu.memory_space<vmem>>) target(%dma_start3A_1045 : memref<4x64xf32, #tpu.memory_space<hbm>>) target_semaphore(%run_scoped3A : memref<!tpu.dma_semaphore, #tpu.memory_space<semaphore_mem>>)
      %dma_wait3A = arith.constant 0 : i32
      %dma_wait3A_1048 = tpu.memref_slice %arg20[%mul3A_1032, %dma_wait3A] : memref<64x64xf32, #tpu.memory_space<vmem>> -> memref<4x64xf32, #tpu.memory_space<vmem>>
      %dma_wait3A_1049 = arith.constant 0 : i32
      %dma_wait3A_1050 = tpu.memref_slice %arg8[%mul3A_1034, %dma_wait3A_1049] : memref<64x64xf32, #tpu.memory_space<hbm>> -> memref<4x64xf32, #tpu.memory_space<hbm>>
      %dma_wait3A_1051 = arith.constant 0 : i32
      %dma_wait3A_1052 = tpu.memref_slice %arg8[%mul3A_1034, %dma_wait3A_1051] : memref<64x64xf32, #tpu.memory_space<hbm>> -> memref<4x64xf32, #tpu.memory_space<hbm>>
      %dma_wait3A_1053 = arith.constant 0 : i32
      %dma_wait3A_1054 = tpu.memref_slice %arg20[%mul3A_1032, %dma_wait3A_1053] : memref<64x64xf32, #tpu.memory_space<vmem>> -> memref<4x64xf32, #tpu.memory_space<vmem>>
      tpu.wait_dma2 semaphore(%run_scoped3A : memref<!tpu.dma_semaphore, #tpu.memory_space<semaphore_mem>>) src(%dma_wait3A_1054 : memref<4x64xf32, #tpu.memory_space<vmem>>) dst(%dma_wait3A_1052 : memref<4x64xf32, #tpu.memory_space<hbm>>)
      tpu.yield
    }) : () -> ()
    %barrier3A = arith.constant 0 : index
    tpu.barrier barrier_id(%barrier3A)
    %scan3A = arith.constant 0 : i32
    %scan3A_1035 = arith.constant 0 : i32
    %scan3A_1036 = arith.constant 32 : i32
    %scan3A_1037 = arith.addi %scan3A_1035, %scan3A_1036 : i32
    %scan3A_1038 = arith.constant 1 : i32
    %scan3A_1039 = scf.for %scan3A_1041 = %scan3A_1035 to %scan3A_1037 step %scan3A_1038 iter_args(%scan3A_1042 = %scan3A) -> (i32)  : i32 {
      %mul3A_1043 = arith.constant 32 : i32
      %mul3A_1044 = arith.muli %add3A, %mul3A_1043 : i32
      %add3A_1045 = arith.addi %mul3A_1044, %scan3A_1041 : i32
      %dma_start3A = arith.constant 0 : i32
      %dma_start3A_1046 = tpu.memref_slice %arg4[%add3A_1045, %dma_start3A] : memref<1024x512xi32, #tpu.memory_space<hbm>> -> memref<1x512xi32, #tpu.memory_space<hbm>>
      %dma_start3A_1047 = tpu.memref_squeeze %dma_start3A_1046 : memref<1x512xi32, #tpu.memory_space<hbm>> -> memref<512xi32, #tpu.memory_space<hbm>>
      %dma_start3A_1048 = arith.constant 0 : i32
      %dma_start3A_1049 = tpu.memref_slice %arg4[%add3A_1045, %dma_start3A_1048] : memref<1024x512xi32, #tpu.memory_space<hbm>> -> memref<1x512xi32, #tpu.memory_space<hbm>>
      %dma_start3A_1050 = tpu.memref_squeeze %dma_start3A_1049 : memref<1x512xi32, #tpu.memory_space<hbm>> -> memref<512xi32, #tpu.memory_space<hbm>>
      tpu.enqueue_dma source(%dma_start3A_1050 : memref<512xi32, #tpu.memory_space<hbm>>) target(%arg9 : memref<512xi32, #tpu.memory_space<vmem>>) target_semaphore(%arg21 : memref<!tpu.dma_semaphore, #tpu.memory_space<semaphore_mem>>)
      %dma_start3A_1051 = arith.constant 0 : i32
      %dma_start3A_1052 = tpu.memref_slice %arg2[%add3A_1045, %dma_start3A_1051] : memref<1024x512xf32, #tpu.memory_space<hbm>> -> memref<1x512xf32, #tpu.memory_space<hbm>>
      %dma_start3A_1053 = tpu.memref_squeeze %dma_start3A_1052 : memref<1x512xf32, #tpu.memory_space<hbm>> -> memref<512xf32, #tpu.memory_space<hbm>>
      %dma_start3A_1054 = arith.constant 0 : i32
      %dma_start3A_1055 = tpu.memref_slice %arg2[%add3A_1045, %dma_start3A_1054] : memref<1024x512xf32, #tpu.memory_space<hbm>> -> memref<1x512xf32, #tpu.memory_space<hbm>>
      %dma_start3A_1056 = tpu.memref_squeeze %dma_start3A_1055 : memref<1x512xf32, #tpu.memory_space<hbm>> -> memref<512xf32, #tpu.memory_space<hbm>>
      tpu.enqueue_dma source(%dma_start3A_1056 : memref<512xf32, #tpu.memory_space<hbm>>) target(%arg10 : memref<512xf32, #tpu.memory_space<vmem>>) target_semaphore(%arg21 : memref<!tpu.dma_semaphore, #tpu.memory_space<semaphore_mem>>)
      %dma_wait3A = arith.constant 0 : i32
      %dma_wait3A_1057 = tpu.memref_slice %arg4[%add3A_1045, %dma_wait3A] : memref<1024x512xi32, #tpu.memory_space<hbm>> -> memref<1x512xi32, #tpu.memory_space<hbm>>
      %dma_wait3A_1058 = tpu.memref_squeeze %dma_wait3A_1057 : memref<1x512xi32, #tpu.memory_space<hbm>> -> memref<512xi32, #tpu.memory_space<hbm>>
      %dma_wait3A_1059 = arith.constant 0 : i32
      %dma_wait3A_1060 = tpu.memref_slice %arg4[%add3A_1045, %dma_wait3A_1059] : memref<1024x512xi32, #tpu.memory_space<hbm>> -> memref<1x512xi32, #tpu.memory_space<hbm>>
      %dma_wait3A_1061 = tpu.memref_squeeze %dma_wait3A_1060 : memref<1x512xi32, #tpu.memory_space<hbm>> -> memref<512xi32, #tpu.memory_space<hbm>>
      tpu.wait_dma2 semaphore(%arg21 : memref<!tpu.dma_semaphore, #tpu.memory_space<semaphore_mem>>) src(%dma_wait3A_1061 : memref<512xi32, #tpu.memory_space<hbm>>) dst(%arg9 : memref<512xi32, #tpu.memory_space<vmem>>)
      %dma_wait3A_1062 = arith.constant 0 : i32
      %dma_wait3A_1063 = tpu.memref_slice %arg2[%add3A_1045, %dma_wait3A_1062] : memref<1024x512xf32, #tpu.memory_space<hbm>> -> memref<1x512xf32, #tpu.memory_space<hbm>>
      %dma_wait3A_1064 = tpu.memref_squeeze %dma_wait3A_1063 : memref<1x512xf32, #tpu.memory_space<hbm>> -> memref<512xf32, #tpu.memory_space<hbm>>
      %dma_wait3A_1065 = arith.constant 0 : i32
      %dma_wait3A_1066 = tpu.memref_slice %arg2[%add3A_1045, %dma_wait3A_1065] : memref<1024x512xf32, #tpu.memory_space<hbm>> -> memref<1x512xf32, #tpu.memory_space<hbm>>
      %dma_wait3A_1067 = tpu.memref_squeeze %dma_wait3A_1066 : memref<1x512xf32, #tpu.memory_space<hbm>> -> memref<512xf32, #tpu.memory_space<hbm>>
      tpu.wait_dma2 semaphore(%arg21 : memref<!tpu.dma_semaphore, #tpu.memory_space<semaphore_mem>>) src(%dma_wait3A_1067 : memref<512xf32, #tpu.memory_space<hbm>>) dst(%arg10 : memref<512xf32, #tpu.memory_space<vmem>>)
      %scan3A_1068 = arith.constant 0 : i32
      %scan3A_1069 = arith.constant 0 : i32
      %scan3A_1070 = arith.constant 32 : i32
      %scan3A_1071 = arith.addi %scan3A_1069, %scan3A_1070 : i32
      %scan3A_1072 = arith.constant 1 : i32
      %scan3A_1073 = scf.for %scan3A_3445 = %scan3A_1069 to %scan3A_1071 step %scan3A_1072 iter_args(%scan3A_3446 = %scan3A_1068) -> (i32)  : i32 {
        %mul3A_3447 = arith.constant 16 : i32
        %mul3A_3448 = arith.muli %scan3A_3445, %mul3A_3447 : i32
        %multiple_of3A = tpu.assume_multiple %mul3A_3448, 16 : i32
        %swap3A_3449 = arith.index_cast %multiple_of3A : i32 to index
        %swap3A_3450 = tpu.vector_load %arg11[%swap3A_3449] {strides = array<i32>} : memref<512xf32, #tpu.memory_space<vmem>>, vector<16xf32>,
        tpu.vector_store %arg11[%swap3A_3449], %broadcast_in_dim3A_1 {strides = array<i32>} : memref<512xf32, #tpu.memory_space<vmem>>, vector<16xf32>,
        %swap3A_3451 = arith.index_cast %multiple_of3A : i32 to index
        %swap3A_3452 = tpu.vector_load %arg12[%swap3A_3451] {strides = array<i32>} : memref<512xf32, #tpu.memory_space<vmem>>, vector<16xf32>,
        tpu.vector_store %arg12[%swap3A_3451], %broadcast_in_dim3A_1 {strides = array<i32>} : memref<512xf32, #tpu.memory_space<vmem>>, vector<16xf32>,
        %swap3A_3453 = arith.index_cast %multiple_of3A : i32 to index
        %swap3A_3454 = tpu.vector_load %arg13[%swap3A_3453] {strides = array<i32>} : memref<512xf32, #tpu.memory_space<vmem>>, vector<16xf32>,
        tpu.vector_store %arg13[%swap3A_3453], %broadcast_in_dim3A_7 {strides = array<i32>} : memref<512xf32, #tpu.memory_space<vmem>>, vector<16xf32>,
        %scan3A_3455 = arith.constant 0 : i32
        scf.yield %scan3A_3455 : i32
      }
      %scan3A_1074 = arith.constant 32 : i32
      %scan3A_1075 = arith.constant 0 : i32
      %scan3A_1076 = arith.constant 0 : i32
      %scan3A_1077 = arith.constant 32 : i32
      %scan3A_1078 = arith.addi %scan3A_1076, %scan3A_1077 : i32
      %scan3A_1079 = arith.constant 1 : i32
      %scan3A_1080 = scf.for %scan3A_3445 = %scan3A_1076 to %scan3A_1078 step %scan3A_1079 iter_args(%scan3A_3446 = %scan3A_1075) -> (i32)  : i32 {
        %mul3A_3447 = arith.constant 16 : i32
        %mul3A_3448 = arith.muli %scan3A_3445, %mul3A_3447 : i32
        %multiple_of3A = tpu.assume_multiple %mul3A_3448, 16 : i32
        %get3A_3449 = arith.index_cast %multiple_of3A : i32 to index
        %get3A_3450 = tpu.vector_load %arg9[%get3A_3449] {strides = array<i32>} : memref<512xi32, #tpu.memory_space<vmem>>, vector<16xi32>,
        %get3A_3451 = arith.index_cast %multiple_of3A : i32 to index
        %get3A_3452 = tpu.vector_load %arg10[%get3A_3451] {strides = array<i32>} : memref<512xf32, #tpu.memory_space<vmem>>, vector<16xf32>,
        %mul3A_3453 = arith.constant 16 : i32
        %mul3A_3454 = vector.broadcast %mul3A_3453 : i32 to vector<16xi32>
        %mul3A_3455 = arith.muli %get3A_3450, %mul3A_3454 : vector<16xi32>
        %add3A_3456 = arith.addi %mul3A_3455, %iota3A : vector<16xi32>
        %masked_sort3A = arith.constant dense<true> : vector<16xi1>
        %masked_sort3A_3457 = arith.constant -2147483648 : i32
        %masked_sort3A_3458 = vector.broadcast %masked_sort3A_3457 : i32 to vector<16xi32>
        %masked_sort3A_3459 = arith.xori %add3A_3456, %masked_sort3A_3458 : vector<16xi32>
        %masked_sort3A_3460, %masked_sort3A_3461, %masked_sort3A_3462 = tpu.sort %masked_sort3A_3459, %iota3A masked %masked_sort3A : (vector<16xi32>, vector<16xi32>, vector<16xi1>) -> (vector<16xi1>, vector<16xi32>, vector<16xi32>)
        %masked_sort3A_3463 = arith.xori %masked_sort3A_3461, %masked_sort3A_3458 : vector<16xi32>
        %shift_right_logical3A_3464 = arith.constant 4 : i32
        %shift_right_logical3A_3465 = vector.broadcast %shift_right_logical3A_3464 : i32 to vector<16xi32>
        %shift_right_logical3A_3466 = arith.shrui %masked_sort3A_3463, %shift_right_logical3A_3465 : vector<16xi32>
        %broadcast_in_dim3A_3467 = vector.shape_cast %masked_sort3A_3462 : vector<16xi32> to vector<16x1xi32>
        %gather3A = vector.shape_cast %broadcast_in_dim3A_3467 : vector<16x1xi32> to vector<16xi32>
        %gather3A_3468 = tpu.dynamic_gather %get3A_3452[%gather3A] in [0] : vector<16xf32>, vector<16xi32> -> vector<16xf32>
        %sub3A_3469 = arith.constant 1 : i32
        %sub3A_3470 = vector.broadcast %sub3A_3469 : i32 to vector<16xi32>
        %sub3A_3471 = arith.subi %iota3A, %sub3A_3470 : vector<16xi32>
        %max3A_3472 = arith.constant 0 : i32
        %max3A_3473 = vector.broadcast %max3A_3472 : i32 to vector<16xi32>
        %max3A_3474 = arith.maxsi %sub3A_3471, %max3A_3473 : vector<16xi32>
        %broadcast_in_dim3A_3475 = vector.shape_cast %max3A_3474 : vector<16xi32> to vector<16x1xi32>
        %gather3A_3476 = vector.shape_cast %broadcast_in_dim3A_3475 : vector<16x1xi32> to vector<16xi32>
        %gather3A_3477 = tpu.dynamic_gather %gather3A_3468[%gather3A_3476] in [0] : vector<16xf32>, vector<16xi32> -> vector<16xf32>
        %broadcast_in_dim3A_3478 = vector.shape_cast %max3A_3474 : vector<16xi32> to vector<16x1xi32>
        %gather3A_3479 = vector.shape_cast %broadcast_in_dim3A_3478 : vector<16x1xi32> to vector<16xi32>
        %gather3A_3480 = tpu.dynamic_gather %masked_sort3A_3462[%gather3A_3479] in [0] : vector<16xi32>, vector<16xi32> -> vector<16xi32>
        %broadcast_in_dim3A_3481 = vector.shape_cast %max3A_3474 : vector<16xi32> to vector<16x1xi32>
        %gather3A_3482 = vector.shape_cast %broadcast_in_dim3A_3481 : vector<16x1xi32> to vector<16xi32>
        %gather3A_3483 = tpu.dynamic_gather %shift_right_logical3A_3466[%gather3A_3482] in [0] : vector<16xi32>, vector<16xi32> -> vector<16xi32>
        %ge3A = arith.constant 1 : i32
        %ge3A_3484 = vector.broadcast %ge3A : i32 to vector<16xi32>
        %ge3A_3485 = arith.cmpi sge, %iota3A, %ge3A_3484 : vector<16xi32>
        %eq3A = arith.cmpi eq, %gather3A_3483, %shift_right_logical3A_3466 : vector<16xi32>
        %and3A_3486 = arith.andi %ge3A_3485, %eq3A : vector<16xi1>
        %gt3A_3487 = arith.cmpf ogt, %gather3A_3477, %gather3A_3468 : vector<16xf32>
        %and3A_3488 = arith.andi %and3A_3486, %gt3A_3487 : vector<16xi1>
        %select_n3A_3489 = arith.select %and3A_3488, %gather3A_3477, %gather3A_3468 : vector<16xi1>, vector<16xf32>
        %select_n3A_3490 = arith.select %and3A_3488, %gather3A_3480, %masked_sort3A_3462 : vector<16xi1>, vector<16xi32>
        %sub3A_3491 = arith.constant 2 : i32
        %sub3A_3492 = vector.broadcast %sub3A_3491 : i32 to vector<16xi32>
        %sub3A_3493 = arith.subi %iota3A, %sub3A_3492 : vector<16xi32>
        %max3A_3494 = arith.constant 0 : i32
        %max3A_3495 = vector.broadcast %max3A_3494 : i32 to vector<16xi32>
        %max3A_3496 = arith.maxsi %sub3A_3493, %max3A_3495 : vector<16xi32>
        %broadcast_in_dim3A_3497 = vector.shape_cast %max3A_3496 : vector<16xi32> to vector<16x1xi32>
        %gather3A_3498 = vector.shape_cast %broadcast_in_dim3A_3497 : vector<16x1xi32> to vector<16xi32>
        %gather3A_3499 = tpu.dynamic_gather %select_n3A_3489[%gather3A_3498] in [0] : vector<16xf32>, vector<16xi32> -> vector<16xf32>
        %broadcast_in_dim3A_3500 = vector.shape_cast %max3A_3496 : vector<16xi32> to vector<16x1xi32>
        %gather3A_3501 = vector.shape_cast %broadcast_in_dim3A_3500 : vector<16x1xi32> to vector<16xi32>
        %gather3A_3502 = tpu.dynamic_gather %select_n3A_3490[%gather3A_3501] in [0] : vector<16xi32>, vector<16xi32> -> vector<16xi32>
        %broadcast_in_dim3A_3503 = vector.shape_cast %max3A_3496 : vector<16xi32> to vector<16x1xi32>
        %gather3A_3504 = vector.shape_cast %broadcast_in_dim3A_3503 : vector<16x1xi32> to vector<16xi32>
        %gather3A_3505 = tpu.dynamic_gather %shift_right_logical3A_3466[%gather3A_3504] in [0] : vector<16xi32>, vector<16xi32> -> vector<16xi32>
        %ge3A_3506 = arith.constant 2 : i32
        %ge3A_3507 = vector.broadcast %ge3A_3506 : i32 to vector<16xi32>
        %ge3A_3508 = arith.cmpi sge, %iota3A, %ge3A_3507 : vector<16xi32>
        %eq3A_3509 = arith.cmpi eq, %gather3A_3505, %shift_right_logical3A_3466 : vector<16xi32>
        %and3A_3510 = arith.andi %ge3A_3508, %eq3A_3509 : vector<16xi1>
        %gt3A_3511 = arith.cmpf ogt, %gather3A_3499, %select_n3A_3489 : vector<16xf32>
        %and3A_3512 = arith.andi %and3A_3510, %gt3A_3511 : vector<16xi1>
        %select_n3A_3513 = arith.select %and3A_3512, %gather3A_3499, %select_n3A_3489 : vector<16xi1>, vector<16xf32>
        %select_n3A_3514 = arith.select %and3A_3512, %gather3A_3502, %select_n3A_3490 : vector<16xi1>, vector<16xi32>
        %sub3A_3515 = arith.constant 4 : i32
        %sub3A_3516 = vector.broadcast %sub3A_3515 : i32 to vector<16xi32>
        %sub3A_3517 = arith.subi %iota3A, %sub3A_3516 : vector<16xi32>
        %max3A_3518 = arith.constant 0 : i32
        %max3A_3519 = vector.broadcast %max3A_3518 : i32 to vector<16xi32>
        %max3A_3520 = arith.maxsi %sub3A_3517, %max3A_3519 : vector<16xi32>
        %broadcast_in_dim3A_3521 = vector.shape_cast %max3A_3520 : vector<16xi32> to vector<16x1xi32>
        %gather3A_3522 = vector.shape_cast %broadcast_in_dim3A_3521 : vector<16x1xi32> to vector<16xi32>
        %gather3A_3523 = tpu.dynamic_gather %select_n3A_3513[%gather3A_3522] in [0] : vector<16xf32>, vector<16xi32> -> vector<16xf32>
        %broadcast_in_dim3A_3524 = vector.shape_cast %max3A_3520 : vector<16xi32> to vector<16x1xi32>
        %gather3A_3525 = vector.shape_cast %broadcast_in_dim3A_3524 : vector<16x1xi32> to vector<16xi32>
        %gather3A_3526 = tpu.dynamic_gather %select_n3A_3514[%gather3A_3525] in [0] : vector<16xi32>, vector<16xi32> -> vector<16xi32>
        %broadcast_in_dim3A_3527 = vector.shape_cast %max3A_3520 : vector<16xi32> to vector<16x1xi32>
        %gather3A_3528 = vector.shape_cast %broadcast_in_dim3A_3527 : vector<16x1xi32> to vector<16xi32>
        %gather3A_3529 = tpu.dynamic_gather %shift_right_logical3A_3466[%gather3A_3528] in [0] : vector<16xi32>, vector<16xi32> -> vector<16xi32>
        %ge3A_3530 = arith.constant 4 : i32
        %ge3A_3531 = vector.broadcast %ge3A_3530 : i32 to vector<16xi32>
        %ge3A_3532 = arith.cmpi sge, %iota3A, %ge3A_3531 : vector<16xi32>
        %eq3A_3533 = arith.cmpi eq, %gather3A_3529, %shift_right_logical3A_3466 : vector<16xi32>
        %and3A_3534 = arith.andi %ge3A_3532, %eq3A_3533 : vector<16xi1>
        %gt3A_3535 = arith.cmpf ogt, %gather3A_3523, %select_n3A_3513 : vector<16xf32>
        %and3A_3536 = arith.andi %and3A_3534, %gt3A_3535 : vector<16xi1>
        %select_n3A_3537 = arith.select %and3A_3536, %gather3A_3523, %select_n3A_3513 : vector<16xi1>, vector<16xf32>
        %select_n3A_3538 = arith.select %and3A_3536, %gather3A_3526, %select_n3A_3514 : vector<16xi1>, vector<16xi32>
        %sub3A_3539 = arith.constant 8 : i32
        %sub3A_3540 = vector.broadcast %sub3A_3539 : i32 to vector<16xi32>
        %sub3A_3541 = arith.subi %iota3A, %sub3A_3540 : vector<16xi32>
        %max3A_3542 = arith.constant 0 : i32
        %max3A_3543 = vector.broadcast %max3A_3542 : i32 to vector<16xi32>
        %max3A_3544 = arith.maxsi %sub3A_3541, %max3A_3543 : vector<16xi32>
        %broadcast_in_dim3A_3545 = vector.shape_cast %max3A_3544 : vector<16xi32> to vector<16x1xi32>
        %gather3A_3546 = vector.shape_cast %broadcast_in_dim3A_3545 : vector<16x1xi32> to vector<16xi32>
        %gather3A_3547 = tpu.dynamic_gather %select_n3A_3537[%gather3A_3546] in [0] : vector<16xf32>, vector<16xi32> -> vector<16xf32>
        %broadcast_in_dim3A_3548 = vector.shape_cast %max3A_3544 : vector<16xi32> to vector<16x1xi32>
        %gather3A_3549 = vector.shape_cast %broadcast_in_dim3A_3548 : vector<16x1xi32> to vector<16xi32>
        %gather3A_3550 = tpu.dynamic_gather %select_n3A_3538[%gather3A_3549] in [0] : vector<16xi32>, vector<16xi32> -> vector<16xi32>
        %broadcast_in_dim3A_3551 = vector.shape_cast %max3A_3544 : vector<16xi32> to vector<16x1xi32>
        %gather3A_3552 = vector.shape_cast %broadcast_in_dim3A_3551 : vector<16x1xi32> to vector<16xi32>
        %gather3A_3553 = tpu.dynamic_gather %shift_right_logical3A_3466[%gather3A_3552] in [0] : vector<16xi32>, vector<16xi32> -> vector<16xi32>
        %ge3A_3554 = arith.constant 8 : i32
        %ge3A_3555 = vector.broadcast %ge3A_3554 : i32 to vector<16xi32>
        %ge3A_3556 = arith.cmpi sge, %iota3A, %ge3A_3555 : vector<16xi32>
        %eq3A_3557 = arith.cmpi eq, %gather3A_3553, %shift_right_logical3A_3466 : vector<16xi32>
        %and3A_3558 = arith.andi %ge3A_3556, %eq3A_3557 : vector<16xi1>
        %gt3A_3559 = arith.cmpf ogt, %gather3A_3547, %select_n3A_3537 : vector<16xf32>
        %and3A_3560 = arith.andi %and3A_3558, %gt3A_3559 : vector<16xi1>
        %select_n3A_3561 = arith.select %and3A_3560, %gather3A_3547, %select_n3A_3537 : vector<16xi1>, vector<16xf32>
        %select_n3A_3562 = arith.select %and3A_3560, %gather3A_3550, %select_n3A_3538 : vector<16xi1>, vector<16xi32>
        %add3A_3563 = arith.constant 1 : i32
        %add3A_3564 = vector.broadcast %add3A_3563 : i32 to vector<16xi32>
        %add3A_3565 = arith.addi %iota3A, %add3A_3564 : vector<16xi32>
        %min3A = arith.constant 15 : i32
        %min3A_3566 = vector.broadcast %min3A : i32 to vector<16xi32>
        %min3A_3567 = arith.minsi %add3A_3565, %min3A_3566 : vector<16xi32>
        %broadcast_in_dim3A_3568 = vector.shape_cast %min3A_3567 : vector<16xi32> to vector<16x1xi32>
        %gather3A_3569 = vector.shape_cast %broadcast_in_dim3A_3568 : vector<16x1xi32> to vector<16xi32>
        %gather3A_3570 = tpu.dynamic_gather %shift_right_logical3A_3466[%gather3A_3569] in [0] : vector<16xi32>, vector<16xi32> -> vector<16xi32>
        %eq3A_3571 = arith.constant 15 : i32
        %eq3A_3572 = vector.broadcast %eq3A_3571 : i32 to vector<16xi32>
        %eq3A_3573 = arith.cmpi eq, %iota3A, %eq3A_3572 : vector<16xi32>
        %ne3A = arith.cmpi ne, %shift_right_logical3A_3466, %gather3A_3570 : vector<16xi32>
        %or3A = arith.ori %eq3A_3573, %ne3A : vector<16xi1>
        %gather3A_3574 = tpu.vector_load_idx %arg13[%shift_right_logical3A_3466] masked %or3A : memref<512xf32, #tpu.memory_space<vmem>>[vector<16xi32>], vector<16xf32>, vector<16xi1>
        %gather3A_3575 = tpu.vector_load_idx %arg14[%shift_right_logical3A_3466] masked %or3A : memref<512xi32, #tpu.memory_space<vmem>>[vector<16xi32>], vector<16xi32>, vector<16xi1>
        %ge3A_3576 = arith.cmpf oge, %select_n3A_3561, %gather3A_3574 : vector<16xf32>
        %select_n3A_3577 = arith.select %ge3A_3576, %select_n3A_3561, %gather3A_3574 : vector<16xi1>, vector<16xf32>
        %add3A_3578 = vector.broadcast %multiple_of3A : i32 to vector<16xi32>
        %add3A_3579 = arith.addi %add3A_3578, %select_n3A_3562 : vector<16xi32>
        %select_n3A_3580 = arith.select %ge3A_3576, %add3A_3579, %gather3A_3575 : vector<16xi1>, vector<16xi32>
        tpu.vector_store_idx %arg13[%shift_right_logical3A_3466], %select_n3A_3577 masked %or3A : memref<512xf32, #tpu.memory_space<vmem>>[vector<16xi32>], vector<16xf32>, vector<16xi1>
        tpu.vector_store_idx %arg14[%shift_right_logical3A_3466], %select_n3A_3580 masked %or3A : memref<512xi32, #tpu.memory_space<vmem>>[vector<16xi32>], vector<16xi32>, vector<16xi1>
        tpu.vector_store_idx %arg11[%get3A_3450], %get3A_3452 {add = true} : memref<512xf32, #tpu.memory_space<vmem>>[vector<16xi32>], vector<16xf32>,
        tpu.vector_store_idx %arg12[%get3A_3450], %broadcast_in_dim3A_5 {add = true} : memref<512xf32, #tpu.memory_space<vmem>>[vector<16xi32>], vector<16xf32>,
        %scan3A_3581 = arith.constant 0 : i32
        scf.yield %scan3A_3581 : i32
      }
      %scan3A_1081 = arith.constant 32 : i32
      %mul3A_1082 = arith.constant 512 : i32
      %mul3A_1083 = arith.muli %add3A_1045, %mul3A_1082 : i32
      %mul3A_1084 = arith.constant 512 : i32
      %mul3A_1085 = arith.muli %add3A_1045, %mul3A_1084 : i32
      %get3A = arith.constant 0 : index
      %get3A_1086 = tpu.vector_load %arg11[%get3A] {strides = array<i32>} : memref<512xf32, #tpu.memory_space<vmem>>, vector<16xf32>,
      %get3A_1087 = arith.constant 0 : index
      %get3A_1088 = tpu.vector_load %arg12[%get3A_1087] {strides = array<i32>} : memref<512xf32, #tpu.memory_space<vmem>>, vector<16xf32>,
      %get3A_1089 = arith.constant 0 : index
      %get3A_1090 = tpu.vector_load %arg13[%get3A_1089] {strides = array<i32>} : memref<512xf32, #tpu.memory_space<vmem>>, vector<16xf32>,
      %get3A_1091 = arith.constant 0 : index
      %get3A_1092 = tpu.vector_load %arg14[%get3A_1091] {strides = array<i32>} : memref<512xi32, #tpu.memory_space<vmem>>, vector<16xi32>,
      %gt3A = arith.constant 0.000000e+00 : f32
      %gt3A_1093 = vector.broadcast %gt3A : f32 to vector<16xf32>
      %gt3A_1094 = arith.cmpf ogt, %get3A_1088, %gt3A_1093 : vector<16xf32>
      %max3A = arith.constant 1.000000e+00 : f32
      %max3A_1095 = vector.broadcast %max3A : f32 to vector<16xf32>
      %max3A_1096 = arith.maximumf %get3A_1088, %max3A_1095 : vector<16xf32>
      %div3A = arith.divf %get3A_1086, %max3A_1096 : vector<16xf32>
      %swap3A_1097 = arith.constant 0 : index
      %swap3A_1098 = tpu.vector_load %arg15[%swap3A_1097] {strides = array<i32>} : memref<512xf32, #tpu.memory_space<vmem>>, vector<16xf32>,
      tpu.vector_store %arg15[%swap3A_1097], %div3A {strides = array<i32>} : memref<512xf32, #tpu.memory_space<vmem>>, vector<16xf32>,
      %jit3A = arith.constant 0.000000e+00 : f32
      %broadcast_in_dim3A_1099 = vector.broadcast %jit3A : f32 to vector<16xf32>
      %select_n3A = arith.select %gt3A_1094, %get3A_1090, %broadcast_in_dim3A_1099 : vector<16xi1>, vector<16xf32>
      %swap3A_1100 = arith.constant 0 : index
      %swap3A_1101 = tpu.vector_load %arg16[%swap3A_1100] {strides = array<i32>} : memref<512xf32, #tpu.memory_space<vmem>>, vector<16xf32>,
      tpu.vector_store %arg16[%swap3A_1100], %select_n3A {strides = array<i32>} : memref<512xf32, #tpu.memory_space<vmem>>, vector<16xf32>,
      %jit3A_1102 = arith.constant 1 : i32
      %broadcast_in_dim3A_1103 = vector.broadcast %jit3A_1102 : i32 to vector<16xi32>
      %select_n3A_1104 = arith.select %gt3A_1094, %broadcast_in_dim3A_1103, %broadcast_in_dim3A_3 : vector<16xi1>, vector<16xi32>
      %jit3A_1105 = arith.constant 1 : i32
      %broadcast_in_dim3A_1106 = vector.broadcast %jit3A_1105 : i32 to vector<16xi32>
      %select_n3A_1107 = arith.select %gt3A_1094, %broadcast_in_dim3A_3, %broadcast_in_dim3A_1106 : vector<16xi1>, vector<16xi32>
      %sub3A = arith.constant 0 : i32
      %sub3A_1108 = arith.constant 1 : i32
      %sub3A_1109 = arith.subi %sub3A, %sub3A_1108 : i32
      %broadcast_in_dim3A_1110 = arith.constant true
      %broadcast_in_dim3A_1111 = vector.broadcast %broadcast_in_dim3A_1110 : i1 to vector<16xi1>
      %masked_cumsum3A = tpu.scan <sum>, %select_n3A_1104 masked %broadcast_in_dim3A_1111 : vector<16xi32>, vector<16xi1> -> vector<16xi32>
      %add3A_1112 = vector.broadcast %sub3A_1109 : i32 to vector<16xi32>
      %add3A_1113 = arith.addi %add3A_1112, %masked_cumsum3A : vector<16xi32>
      %sub3A_1114 = arith.constant 512 : i32
      %sub3A_1115 = arith.constant 0 : i32
      %sub3A_1116 = arith.subi %sub3A_1114, %sub3A_1115 : i32
      %broadcast_in_dim3A_1117 = arith.constant true
      %broadcast_in_dim3A_1118 = vector.broadcast %broadcast_in_dim3A_1117 : i1 to vector<16xi1>
      %masked_cumsum3A_1119 = tpu.scan <sum>, %select_n3A_1107 masked %broadcast_in_dim3A_1118 : vector<16xi32>, vector<16xi1> -> vector<16xi32>
      %sub3A_1120 = vector.broadcast %sub3A_1116 : i32 to vector<16xi32>
      %sub3A_1121 = arith.subi %sub3A_1120, %masked_cumsum3A_1119 : vector<16xi32>
      %select_n3A_1122 = arith.select %gt3A_1094, %add3A_1113, %sub3A_1121 : vector<16xi1>, vector<16xi32>
      %add3A_1123 = vector.broadcast %mul3A_1083 : i32 to vector<16xi32>
      %add3A_1124 = arith.addi %add3A_1123, %get3A_1092 : vector<16xi32>
      %broadcast_in_dim3A_1125 = vector.broadcast %mul3A_1083 : i32 to vector<16xi32>
      %select_n3A_1126 = arith.select %gt3A_1094, %add3A_1124, %broadcast_in_dim3A_1125 : vector<16xi1>, vector<16xi32>
      tpu.vector_store_idx %arg17[%select_n3A_1122], %select_n3A_1126 : memref<512xi32, #tpu.memory_space<vmem>>[vector<16xi32>], vector<16xi32>,
      %shift_right_logical3A = arith.constant 6 : i32
      %shift_right_logical3A_1127 = vector.broadcast %shift_right_logical3A : i32 to vector<16xi32>
      %shift_right_logical3A_1128 = arith.shrui %select_n3A_1122, %shift_right_logical3A_1127 : vector<16xi32>
      %and3A = arith.constant 63 : i32
      %and3A_1129 = vector.broadcast %and3A : i32 to vector<16xi32>
      %and3A_1130 = arith.andi %select_n3A_1122, %and3A_1129 : vector<16xi32>
      %add3A_1131 = arith.constant 0 : i32
      %add3A_1132 = arith.addi %mul3A_1085, %add3A_1131 : i32
      %add3A_1133 = vector.broadcast %add3A_1132 : i32 to vector<16xi32>
      %add3A_1134 = arith.addi %add3A_1133, %iota3A : vector<16xi32>
      tpu.vector_store_idx %arg18[%shift_right_logical3A_1128, %and3A_1130], %add3A_1134 : memref<8x64xi32, #tpu.memory_space<vmem>>[vector<16xi32>, vector<16xi32>], vector<16xi32>,
      %reduce_sum3A = arith.constant true
      %reduce_sum3A_1135 = vector.broadcast %reduce_sum3A : i1 to vector<16xi1>
      %reduce_sum3A_1136 = tpu.scan <sum>, %select_n3A_1104 masked %reduce_sum3A_1135 : vector<16xi32>, vector<16xi1> -> vector<16xi32>
      %reduce_sum3A_1137 = vector.extract %reduce_sum3A_1136[15] : i32 from vector<16xi32>
      %add3A_1138 = arith.constant 0 : i32
      %add3A_1139 = arith.addi %add3A_1138, %reduce_sum3A_1137 : i32
      %reduce_sum3A_1140 = arith.constant true
      %reduce_sum3A_1141 = vector.broadcast %reduce_sum3A_1140 : i1 to vector<16xi1>
      %reduce_sum3A_1142 = tpu.scan <sum>, %select_n3A_1107 masked %reduce_sum3A_1141 : vector<16xi32>, vector<16xi1> -> vector<16xi32>
      %reduce_sum3A_1143 = vector.extract %reduce_sum3A_1142[15] : i32 from vector<16xi32>
      %add3A_1144 = arith.constant 0 : i32
      %add3A_1145 = arith.addi %add3A_1144, %reduce_sum3A_1143 : i32
      %get3A_1146 = arith.constant 16 : index
      %get3A_1147 = tpu.vector_load %arg11[%get3A_1146] {strides = array<i32>} : memref<512xf32, #tpu.memory_space<vmem>>, vector<16xf32>,
      %get3A_1148 = arith.constant 16 : index
      %get3A_1149 = tpu.vector_load %arg12[%get3A_1148] {strides = array<i32>} : memref<512xf32, #tpu.memory_space<vmem>>, vector<16xf32>,
      %get3A_1150 = arith.constant 16 : index
      %get3A_1151 = tpu.vector_load %arg13[%get3A_1150] {strides = array<i32>} : memref<512xf32, #tpu.memory_space<vmem>>, vector<16xf32>,
      %get3A_1152 = arith.constant 16 : index
      %get3A_1153 = tpu.vector_load %arg14[%get3A_1152] {strides = array<i32>} : memref<512xi32, #tpu.memory_space<vmem>>, vector<16xi32>,
      %gt3A_1154 = arith.constant 0.000000e+00 : f32
      %gt3A_1155 = vector.broadcast %gt3A_1154 : f32 to vector<16xf32>
      %gt3A_1156 = arith.cmpf ogt, %get3A_1149, %gt3A_1155 : vector<16xf32>
      %max3A_1157 = arith.constant 1.000000e+00 : f32
      %max3A_1158 = vector.broadcast %max3A_1157 : f32 to vector<16xf32>
      %max3A_1159 = arith.maximumf %get3A_1149, %max3A_1158 : vector<16xf32>
      %div3A_1160 = arith.divf %get3A_1147, %max3A_1159 : vector<16xf32>
      %swap3A_1161 = arith.constant 16 : index
      %swap3A_1162 = tpu.vector_load %arg15[%swap3A_1161] {strides = array<i32>} : memref<512xf32, #tpu.memory_space<vmem>>, vector<16xf32>,
      tpu.vector_store %arg15[%swap3A_1161], %div3A_1160 {strides = array<i32>} : memref<512xf32, #tpu.memory_space<vmem>>, vector<16xf32>,
      %jit3A_1163 = arith.constant 0.000000e+00 : f32
      %broadcast_in_dim3A_1164 = vector.broadcast %jit3A_1163 : f32 to vector<16xf32>
      %select_n3A_1165 = arith.select %gt3A_1156, %get3A_1151, %broadcast_in_dim3A_1164 : vector<16xi1>, vector<16xf32>
      %swap3A_1166 = arith.constant 16 : index
      %swap3A_1167 = tpu.vector_load %arg16[%swap3A_1166] {strides = array<i32>} : memref<512xf32, #tpu.memory_space<vmem>>, vector<16xf32>,
      tpu.vector_store %arg16[%swap3A_1166], %select_n3A_1165 {strides = array<i32>} : memref<512xf32, #tpu.memory_space<vmem>>, vector<16xf32>,
      %jit3A_1168 = arith.constant 1 : i32
      %broadcast_in_dim3A_1169 = vector.broadcast %jit3A_1168 : i32 to vector<16xi32>
      %select_n3A_1170 = arith.select %gt3A_1156, %broadcast_in_dim3A_1169, %broadcast_in_dim3A_3 : vector<16xi1>, vector<16xi32>
      %jit3A_1171 = arith.constant 1 : i32
      %broadcast_in_dim3A_1172 = vector.broadcast %jit3A_1171 : i32 to vector<16xi32>
      %select_n3A_1173 = arith.select %gt3A_1156, %broadcast_in_dim3A_3, %broadcast_in_dim3A_1172 : vector<16xi1>, vector<16xi32>
      %sub3A_1174 = arith.constant 1 : i32
      %sub3A_1175 = arith.subi %add3A_1139, %sub3A_1174 : i32
      %broadcast_in_dim3A_1176 = arith.constant true
      %broadcast_in_dim3A_1177 = vector.broadcast %broadcast_in_dim3A_1176 : i1 to vector<16xi1>
      %masked_cumsum3A_1178 = tpu.scan <sum>, %select_n3A_1170 masked %broadcast_in_dim3A_1177 : vector<16xi32>, vector<16xi1> -> vector<16xi32>
      %add3A_1179 = vector.broadcast %sub3A_1175 : i32 to vector<16xi32>
      %add3A_1180 = arith.addi %add3A_1179, %masked_cumsum3A_1178 : vector<16xi32>
      %sub3A_1181 = arith.constant 512 : i32
      %sub3A_1182 = arith.subi %sub3A_1181, %add3A_1145 : i32
      %broadcast_in_dim3A_1183 = arith.constant true
      %broadcast_in_dim3A_1184 = vector.broadcast %broadcast_in_dim3A_1183 : i1 to vector<16xi1>
      %masked_cumsum3A_1185 = tpu.scan <sum>, %select_n3A_1173 masked %broadcast_in_dim3A_1184 : vector<16xi32>, vector<16xi1> -> vector<16xi32>
      %sub3A_1186 = vector.broadcast %sub3A_1182 : i32 to vector<16xi32>
      %sub3A_1187 = arith.subi %sub3A_1186, %masked_cumsum3A_1185 : vector<16xi32>
      %select_n3A_1188 = arith.select %gt3A_1156, %add3A_1180, %sub3A_1187 : vector<16xi1>, vector<16xi32>
      %add3A_1189 = vector.broadcast %mul3A_1083 : i32 to vector<16xi32>
      %add3A_1190 = arith.addi %add3A_1189, %get3A_1153 : vector<16xi32>
      %broadcast_in_dim3A_1191 = vector.broadcast %mul3A_1083 : i32 to vector<16xi32>
      %select_n3A_1192 = arith.select %gt3A_1156, %add3A_1190, %broadcast_in_dim3A_1191 : vector<16xi1>, vector<16xi32>
      tpu.vector_store_idx %arg17[%select_n3A_1188], %select_n3A_1192 : memref<512xi32, #tpu.memory_space<vmem>>[vector<16xi32>], vector<16xi32>,
      %shift_right_logical3A_1193 = arith.constant 6 : i32
      %shift_right_logical3A_1194 = vector.broadcast %shift_right_logical3A_1193 : i32 to vector<16xi32>
      %shift_right_logical3A_1195 = arith.shrui %select_n3A_1188, %shift_right_logical3A_1194 : vector<16xi32>
      %and3A_1196 = arith.constant 63 : i32
      %and3A_1197 = vector.broadcast %and3A_1196 : i32 to vector<16xi32>
      %and3A_1198 = arith.andi %select_n3A_1188, %and3A_1197 : vector<16xi32>
      %add3A_1199 = arith.constant 16 : i32
      %add3A_1200 = arith.addi %mul3A_1085, %add3A_1199 : i32
      %add3A_1201 = vector.broadcast %add3A_1200 : i32 to vector<16xi32>
      %add3A_1202 = arith.addi %add3A_1201, %iota3A : vector<16xi32>
      tpu.vector_store_idx %arg18[%shift_right_logical3A_1195, %and3A_1198], %add3A_1202 : memref<8x64xi32, #tpu.memory_space<vmem>>[vector<16xi32>, vector<16xi32>], vector<16xi32>,
      %reduce_sum3A_1203 = arith.constant true
      %reduce_sum3A_1204 = vector.broadcast %reduce_sum3A_1203 : i1 to vector<16xi1>
      %reduce_sum3A_1205 = tpu.scan <sum>, %select_n3A_1170 masked %reduce_sum3A_1204 : vector<16xi32>, vector<16xi1> -> vector<16xi32>
      %reduce_sum3A_1206 = vector.extract %reduce_sum3A_1205[15] : i32 from vector<16xi32>
      %add3A_1207 = arith.addi %add3A_1139, %reduce_sum3A_1206 : i32
      %reduce_sum3A_1208 = arith.constant true
      %reduce_sum3A_1209 = vector.broadcast %reduce_sum3A_1208 : i1 to vector<16xi1>
      %reduce_sum3A_1210 = tpu.scan <sum>, %select_n3A_1173 masked %reduce_sum3A_1209 : vector<16xi32>, vector<16xi1> -> vector<16xi32>
      %reduce_sum3A_1211 = vector.extract %reduce_sum3A_1210[15] : i32 from vector<16xi32>
      %add3A_1212 = arith.addi %add3A_1145, %reduce_sum3A_1211 : i32
      %get3A_1213 = arith.constant 32 : index
      %get3A_1214 = tpu.vector_load %arg11[%get3A_1213] {strides = array<i32>} : memref<512xf32, #tpu.memory_space<vmem>>, vector<16xf32>,
      %get3A_1215 = arith.constant 32 : index
      %get3A_1216 = tpu.vector_load %arg12[%get3A_1215] {strides = array<i32>} : memref<512xf32, #tpu.memory_space<vmem>>, vector<16xf32>,
      %get3A_1217 = arith.constant 32 : index
      %get3A_1218 = tpu.vector_load %arg13[%get3A_1217] {strides = array<i32>} : memref<512xf32, #tpu.memory_space<vmem>>, vector<16xf32>,
      %get3A_1219 = arith.constant 32 : index
      %get3A_1220 = tpu.vector_load %arg14[%get3A_1219] {strides = array<i32>} : memref<512xi32, #tpu.memory_space<vmem>>, vector<16xi32>,
      %gt3A_1221 = arith.constant 0.000000e+00 : f32
      %gt3A_1222 = vector.broadcast %gt3A_1221 : f32 to vector<16xf32>
      %gt3A_1223 = arith.cmpf ogt, %get3A_1216, %gt3A_1222 : vector<16xf32>
      %max3A_1224 = arith.constant 1.000000e+00 : f32
      %max3A_1225 = vector.broadcast %max3A_1224 : f32 to vector<16xf32>
      %max3A_1226 = arith.maximumf %get3A_1216, %max3A_1225 : vector<16xf32>
      %div3A_1227 = arith.divf %get3A_1214, %max3A_1226 : vector<16xf32>
      %swap3A_1228 = arith.constant 32 : index
      %swap3A_1229 = tpu.vector_load %arg15[%swap3A_1228] {strides = array<i32>} : memref<512xf32, #tpu.memory_space<vmem>>, vector<16xf32>,
      tpu.vector_store %arg15[%swap3A_1228], %div3A_1227 {strides = array<i32>} : memref<512xf32, #tpu.memory_space<vmem>>, vector<16xf32>,
      %jit3A_1230 = arith.constant 0.000000e+00 : f32
      %broadcast_in_dim3A_1231 = vector.broadcast %jit3A_1230 : f32 to vector<16xf32>
      %select_n3A_1232 = arith.select %gt3A_1223, %get3A_1218, %broadcast_in_dim3A_1231 : vector<16xi1>, vector<16xf32>
      %swap3A_1233 = arith.constant 32 : index
      %swap3A_1234 = tpu.vector_load %arg16[%swap3A_1233] {strides = array<i32>} : memref<512xf32, #tpu.memory_space<vmem>>, vector<16xf32>,
      tpu.vector_store %arg16[%swap3A_1233], %select_n3A_1232 {strides = array<i32>} : memref<512xf32, #tpu.memory_space<vmem>>, vector<16xf32>,
      %jit3A_1235 = arith.constant 1 : i32
      %broadcast_in_dim3A_1236 = vector.broadcast %jit3A_1235 : i32 to vector<16xi32>
      %select_n3A_1237 = arith.select %gt3A_1223, %broadcast_in_dim3A_1236, %broadcast_in_dim3A_3 : vector<16xi1>, vector<16xi32>
      %jit3A_1238 = arith.constant 1 : i32
      %broadcast_in_dim3A_1239 = vector.broadcast %jit3A_1238 : i32 to vector<16xi32>
      %select_n3A_1240 = arith.select %gt3A_1223, %broadcast_in_dim3A_3, %broadcast_in_dim3A_1239 : vector<16xi1>, vector<16xi32>
      %sub3A_1241 = arith.constant 1 : i32
      %sub3A_1242 = arith.subi %add3A_1207, %sub3A_1241 : i32
      %broadcast_in_dim3A_1243 = arith.constant true
      %broadcast_in_dim3A_1244 = vector.broadcast %broadcast_in_dim3A_1243 : i1 to vector<16xi1>
      %masked_cumsum3A_1245 = tpu.scan <sum>, %select_n3A_1237 masked %broadcast_in_dim3A_1244 : vector<16xi32>, vector<16xi1> -> vector<16xi32>
      %add3A_1246 = vector.broadcast %sub3A_1242 : i32 to vector<16xi32>
      %add3A_1247 = arith.addi %add3A_1246, %masked_cumsum3A_1245 : vector<16xi32>
      %sub3A_1248 = arith.constant 512 : i32
      %sub3A_1249 = arith.subi %sub3A_1248, %add3A_1212 : i32
      %broadcast_in_dim3A_1250 = arith.constant true
      %broadcast_in_dim3A_1251 = vector.broadcast %broadcast_in_dim3A_1250 : i1 to vector<16xi1>
      %masked_cumsum3A_1252 = tpu.scan <sum>, %select_n3A_1240 masked %broadcast_in_dim3A_1251 : vector<16xi32>, vector<16xi1> -> vector<16xi32>
      %sub3A_1253 = vector.broadcast %sub3A_1249 : i32 to vector<16xi32>
      %sub3A_1254 = arith.subi %sub3A_1253, %masked_cumsum3A_1252 : vector<16xi32>
      %select_n3A_1255 = arith.select %gt3A_1223, %add3A_1247, %sub3A_1254 : vector<16xi1>, vector<16xi32>
      %add3A_1256 = vector.broadcast %mul3A_1083 : i32 to vector<16xi32>
      %add3A_1257 = arith.addi %add3A_1256, %get3A_1220 : vector<16xi32>
      %broadcast_in_dim3A_1258 = vector.broadcast %mul3A_1083 : i32 to vector<16xi32>
      %select_n3A_1259 = arith.select %gt3A_1223, %add3A_1257, %broadcast_in_dim3A_1258 : vector<16xi1>, vector<16xi32>
      tpu.vector_store_idx %arg17[%select_n3A_1255], %select_n3A_1259 : memref<512xi32, #tpu.memory_space<vmem>>[vector<16xi32>], vector<16xi32>,
      %shift_right_logical3A_1260 = arith.constant 6 : i32
      %shift_right_logical3A_1261 = vector.broadcast %shift_right_logical3A_1260 : i32 to vector<16xi32>
      %shift_right_logical3A_1262 = arith.shrui %select_n3A_1255, %shift_right_logical3A_1261 : vector<16xi32>
      %and3A_1263 = arith.constant 63 : i32
      %and3A_1264 = vector.broadcast %and3A_1263 : i32 to vector<16xi32>
      %and3A_1265 = arith.andi %select_n3A_1255, %and3A_1264 : vector<16xi32>
      %add3A_1266 = arith.constant 32 : i32
      %add3A_1267 = arith.addi %mul3A_1085, %add3A_1266 : i32
      %add3A_1268 = vector.broadcast %add3A_1267 : i32 to vector<16xi32>
      %add3A_1269 = arith.addi %add3A_1268, %iota3A : vector<16xi32>
      tpu.vector_store_idx %arg18[%shift_right_logical3A_1262, %and3A_1265], %add3A_1269 : memref<8x64xi32, #tpu.memory_space<vmem>>[vector<16xi32>, vector<16xi32>], vector<16xi32>,
      %reduce_sum3A_1270 = arith.constant true
      %reduce_sum3A_1271 = vector.broadcast %reduce_sum3A_1270 : i1 to vector<16xi1>
      %reduce_sum3A_1272 = tpu.scan <sum>, %select_n3A_1237 masked %reduce_sum3A_1271 : vector<16xi32>, vector<16xi1> -> vector<16xi32>
      %reduce_sum3A_1273 = vector.extract %reduce_sum3A_1272[15] : i32 from vector<16xi32>
      %add3A_1274 = arith.addi %add3A_1207, %reduce_sum3A_1273 : i32
      %reduce_sum3A_1275 = arith.constant true
      %reduce_sum3A_1276 = vector.broadcast %reduce_sum3A_1275 : i1 to vector<16xi1>
      %reduce_sum3A_1277 = tpu.scan <sum>, %select_n3A_1240 masked %reduce_sum3A_1276 : vector<16xi32>, vector<16xi1> -> vector<16xi32>
      %reduce_sum3A_1278 = vector.extract %reduce_sum3A_1277[15] : i32 from vector<16xi32>
      %add3A_1279 = arith.addi %add3A_1212, %reduce_sum3A_1278 : i32
      %get3A_1280 = arith.constant 48 : index
      %get3A_1281 = tpu.vector_load %arg11[%get3A_1280] {strides = array<i32>} : memref<512xf32, #tpu.memory_space<vmem>>, vector<16xf32>,
      %get3A_1282 = arith.constant 48 : index
      %get3A_1283 = tpu.vector_load %arg12[%get3A_1282] {strides = array<i32>} : memref<512xf32, #tpu.memory_space<vmem>>, vector<16xf32>,
      %get3A_1284 = arith.constant 48 : index
      %get3A_1285 = tpu.vector_load %arg13[%get3A_1284] {strides = array<i32>} : memref<512xf32, #tpu.memory_space<vmem>>, vector<16xf32>,
      %get3A_1286 = arith.constant 48 : index
      %get3A_1287 = tpu.vector_load %arg14[%get3A_1286] {strides = array<i32>} : memref<512xi32, #tpu.memory_space<vmem>>, vector<16xi32>,
      %gt3A_1288 = arith.constant 0.000000e+00 : f32
      %gt3A_1289 = vector.broadcast %gt3A_1288 : f32 to vector<16xf32>
      %gt3A_1290 = arith.cmpf ogt, %get3A_1283, %gt3A_1289 : vector<16xf32>
      %max3A_1291 = arith.constant 1.000000e+00 : f32
      %max3A_1292 = vector.broadcast %max3A_1291 : f32 to vector<16xf32>
      %max3A_1293 = arith.maximumf %get3A_1283, %max3A_1292 : vector<16xf32>
      %div3A_1294 = arith.divf %get3A_1281, %max3A_1293 : vector<16xf32>
      %swap3A_1295 = arith.constant 48 : index
      %swap3A_1296 = tpu.vector_load %arg15[%swap3A_1295] {strides = array<i32>} : memref<512xf32, #tpu.memory_space<vmem>>, vector<16xf32>,
      tpu.vector_store %arg15[%swap3A_1295], %div3A_1294 {strides = array<i32>} : memref<512xf32, #tpu.memory_space<vmem>>, vector<16xf32>,
      %jit3A_1297 = arith.constant 0.000000e+00 : f32
      %broadcast_in_dim3A_1298 = vector.broadcast %jit3A_1297 : f32 to vector<16xf32>
      %select_n3A_1299 = arith.select %gt3A_1290, %get3A_1285, %broadcast_in_dim3A_1298 : vector<16xi1>, vector<16xf32>
      %swap3A_1300 = arith.constant 48 : index
      %swap3A_1301 = tpu.vector_load %arg16[%swap3A_1300] {strides = array<i32>} : memref<512xf32, #tpu.memory_space<vmem>>, vector<16xf32>,
      tpu.vector_store %arg16[%swap3A_1300], %select_n3A_1299 {strides = array<i32>} : memref<512xf32, #tpu.memory_space<vmem>>, vector<16xf32>,
      %jit3A_1302 = arith.constant 1 : i32
      %broadcast_in_dim3A_1303 = vector.broadcast %jit3A_1302 : i32 to vector<16xi32>
      %select_n3A_1304 = arith.select %gt3A_1290, %broadcast_in_dim3A_1303, %broadcast_in_dim3A_3 : vector<16xi1>, vector<16xi32>
      %jit3A_1305 = arith.constant 1 : i32
      %broadcast_in_dim3A_1306 = vector.broadcast %jit3A_1305 : i32 to vector<16xi32>
      %select_n3A_1307 = arith.select %gt3A_1290, %broadcast_in_dim3A_3, %broadcast_in_dim3A_1306 : vector<16xi1>, vector<16xi32>
      %sub3A_1308 = arith.constant 1 : i32
      %sub3A_1309 = arith.subi %add3A_1274, %sub3A_1308 : i32
      %broadcast_in_dim3A_1310 = arith.constant true
      %broadcast_in_dim3A_1311 = vector.broadcast %broadcast_in_dim3A_1310 : i1 to vector<16xi1>
      %masked_cumsum3A_1312 = tpu.scan <sum>, %select_n3A_1304 masked %broadcast_in_dim3A_1311 : vector<16xi32>, vector<16xi1> -> vector<16xi32>
      %add3A_1313 = vector.broadcast %sub3A_1309 : i32 to vector<16xi32>
      %add3A_1314 = arith.addi %add3A_1313, %masked_cumsum3A_1312 : vector<16xi32>
      %sub3A_1315 = arith.constant 512 : i32
      %sub3A_1316 = arith.subi %sub3A_1315, %add3A_1279 : i32
      %broadcast_in_dim3A_1317 = arith.constant true
      %broadcast_in_dim3A_1318 = vector.broadcast %broadcast_in_dim3A_1317 : i1 to vector<16xi1>
      %masked_cumsum3A_1319 = tpu.scan <sum>, %select_n3A_1307 masked %broadcast_in_dim3A_1318 : vector<16xi32>, vector<16xi1> -> vector<16xi32>
      %sub3A_1320 = vector.broadcast %sub3A_1316 : i32 to vector<16xi32>
      %sub3A_1321 = arith.subi %sub3A_1320, %masked_cumsum3A_1319 : vector<16xi32>
      %select_n3A_1322 = arith.select %gt3A_1290, %add3A_1314, %sub3A_1321 : vector<16xi1>, vector<16xi32>
      %add3A_1323 = vector.broadcast %mul3A_1083 : i32 to vector<16xi32>
      %add3A_1324 = arith.addi %add3A_1323, %get3A_1287 : vector<16xi32>
      %broadcast_in_dim3A_1325 = vector.broadcast %mul3A_1083 : i32 to vector<16xi32>
      %select_n3A_1326 = arith.select %gt3A_1290, %add3A_1324, %broadcast_in_dim3A_1325 : vector<16xi1>, vector<16xi32>
      tpu.vector_store_idx %arg17[%select_n3A_1322], %select_n3A_1326 : memref<512xi32, #tpu.memory_space<vmem>>[vector<16xi32>], vector<16xi32>,
      %shift_right_logical3A_1327 = arith.constant 6 : i32
      %shift_right_logical3A_1328 = vector.broadcast %shift_right_logical3A_1327 : i32 to vector<16xi32>
      %shift_right_logical3A_1329 = arith.shrui %select_n3A_1322, %shift_right_logical3A_1328 : vector<16xi32>
      %and3A_1330 = arith.constant 63 : i32
      %and3A_1331 = vector.broadcast %and3A_1330 : i32 to vector<16xi32>
      %and3A_1332 = arith.andi %select_n3A_1322, %and3A_1331 : vector<16xi32>
      %add3A_1333 = arith.constant 48 : i32
      %add3A_1334 = arith.addi %mul3A_1085, %add3A_1333 : i32
      %add3A_1335 = vector.broadcast %add3A_1334 : i32 to vector<16xi32>
      %add3A_1336 = arith.addi %add3A_1335, %iota3A : vector<16xi32>
      tpu.vector_store_idx %arg18[%shift_right_logical3A_1329, %and3A_1332], %add3A_1336 : memref<8x64xi32, #tpu.memory_space<vmem>>[vector<16xi32>, vector<16xi32>], vector<16xi32>,
      %reduce_sum3A_1337 = arith.constant true
      %reduce_sum3A_1338 = vector.broadcast %reduce_sum3A_1337 : i1 to vector<16xi1>
      %reduce_sum3A_1339 = tpu.scan <sum>, %select_n3A_1304 masked %reduce_sum3A_1338 : vector<16xi32>, vector<16xi1> -> vector<16xi32>
      %reduce_sum3A_1340 = vector.extract %reduce_sum3A_1339[15] : i32 from vector<16xi32>
      %add3A_1341 = arith.addi %add3A_1274, %reduce_sum3A_1340 : i32
      %reduce_sum3A_1342 = arith.constant true
      %reduce_sum3A_1343 = vector.broadcast %reduce_sum3A_1342 : i1 to vector<16xi1>
      %reduce_sum3A_1344 = tpu.scan <sum>, %select_n3A_1307 masked %reduce_sum3A_1343 : vector<16xi32>, vector<16xi1> -> vector<16xi32>
      %reduce_sum3A_1345 = vector.extract %reduce_sum3A_1344[15] : i32 from vector<16xi32>
      %add3A_1346 = arith.addi %add3A_1279, %reduce_sum3A_1345 : i32
      %get3A_1347 = arith.constant 64 : index
      %get3A_1348 = tpu.vector_load %arg11[%get3A_1347] {strides = array<i32>} : memref<512xf32, #tpu.memory_space<vmem>>, vector<16xf32>,
      %get3A_1349 = arith.constant 64 : index
      %get3A_1350 = tpu.vector_load %arg12[%get3A_1349] {strides = array<i32>} : memref<512xf32, #tpu.memory_space<vmem>>, vector<16xf32>,
      %get3A_1351 = arith.constant 64 : index
      %get3A_1352 = tpu.vector_load %arg13[%get3A_1351] {strides = array<i32>} : memref<512xf32, #tpu.memory_space<vmem>>, vector<16xf32>,
      %get3A_1353 = arith.constant 64 : index
      %get3A_1354 = tpu.vector_load %arg14[%get3A_1353] {strides = array<i32>} : memref<512xi32, #tpu.memory_space<vmem>>, vector<16xi32>,
      %gt3A_1355 = arith.constant 0.000000e+00 : f32
      %gt3A_1356 = vector.broadcast %gt3A_1355 : f32 to vector<16xf32>
      %gt3A_1357 = arith.cmpf ogt, %get3A_1350, %gt3A_1356 : vector<16xf32>
      %max3A_1358 = arith.constant 1.000000e+00 : f32
      %max3A_1359 = vector.broadcast %max3A_1358 : f32 to vector<16xf32>
      %max3A_1360 = arith.maximumf %get3A_1350, %max3A_1359 : vector<16xf32>
      %div3A_1361 = arith.divf %get3A_1348, %max3A_1360 : vector<16xf32>
      %swap3A_1362 = arith.constant 64 : index
      %swap3A_1363 = tpu.vector_load %arg15[%swap3A_1362] {strides = array<i32>} : memref<512xf32, #tpu.memory_space<vmem>>, vector<16xf32>,
      tpu.vector_store %arg15[%swap3A_1362], %div3A_1361 {strides = array<i32>} : memref<512xf32, #tpu.memory_space<vmem>>, vector<16xf32>,
      %jit3A_1364 = arith.constant 0.000000e+00 : f32
      %broadcast_in_dim3A_1365 = vector.broadcast %jit3A_1364 : f32 to vector<16xf32>
      %select_n3A_1366 = arith.select %gt3A_1357, %get3A_1352, %broadcast_in_dim3A_1365 : vector<16xi1>, vector<16xf32>
      %swap3A_1367 = arith.constant 64 : index
      %swap3A_1368 = tpu.vector_load %arg16[%swap3A_1367] {strides = array<i32>} : memref<512xf32, #tpu.memory_space<vmem>>, vector<16xf32>,
      tpu.vector_store %arg16[%swap3A_1367], %select_n3A_1366 {strides = array<i32>} : memref<512xf32, #tpu.memory_space<vmem>>, vector<16xf32>,
      %jit3A_1369 = arith.constant 1 : i32
      %broadcast_in_dim3A_1370 = vector.broadcast %jit3A_1369 : i32 to vector<16xi32>
      %select_n3A_1371 = arith.select %gt3A_1357, %broadcast_in_dim3A_1370, %broadcast_in_dim3A_3 : vector<16xi1>, vector<16xi32>
      %jit3A_1372 = arith.constant 1 : i32
      %broadcast_in_dim3A_1373 = vector.broadcast %jit3A_1372 : i32 to vector<16xi32>
      %select_n3A_1374 = arith.select %gt3A_1357, %broadcast_in_dim3A_3, %broadcast_in_dim3A_1373 : vector<16xi1>, vector<16xi32>
      %sub3A_1375 = arith.constant 1 : i32
      %sub3A_1376 = arith.subi %add3A_1341, %sub3A_1375 : i32
      %broadcast_in_dim3A_1377 = arith.constant true
      %broadcast_in_dim3A_1378 = vector.broadcast %broadcast_in_dim3A_1377 : i1 to vector<16xi1>
      %masked_cumsum3A_1379 = tpu.scan <sum>, %select_n3A_1371 masked %broadcast_in_dim3A_1378 : vector<16xi32>, vector<16xi1> -> vector<16xi32>
      %add3A_1380 = vector.broadcast %sub3A_1376 : i32 to vector<16xi32>
      %add3A_1381 = arith.addi %add3A_1380, %masked_cumsum3A_1379 : vector<16xi32>
      %sub3A_1382 = arith.constant 512 : i32
      %sub3A_1383 = arith.subi %sub3A_1382, %add3A_1346 : i32
      %broadcast_in_dim3A_1384 = arith.constant true
      %broadcast_in_dim3A_1385 = vector.broadcast %broadcast_in_dim3A_1384 : i1 to vector<16xi1>
      %masked_cumsum3A_1386 = tpu.scan <sum>, %select_n3A_1374 masked %broadcast_in_dim3A_1385 : vector<16xi32>, vector<16xi1> -> vector<16xi32>
      %sub3A_1387 = vector.broadcast %sub3A_1383 : i32 to vector<16xi32>
      %sub3A_1388 = arith.subi %sub3A_1387, %masked_cumsum3A_1386 : vector<16xi32>
      %select_n3A_1389 = arith.select %gt3A_1357, %add3A_1381, %sub3A_1388 : vector<16xi1>, vector<16xi32>
      %add3A_1390 = vector.broadcast %mul3A_1083 : i32 to vector<16xi32>
      %add3A_1391 = arith.addi %add3A_1390, %get3A_1354 : vector<16xi32>
      %broadcast_in_dim3A_1392 = vector.broadcast %mul3A_1083 : i32 to vector<16xi32>
      %select_n3A_1393 = arith.select %gt3A_1357, %add3A_1391, %broadcast_in_dim3A_1392 : vector<16xi1>, vector<16xi32>
      tpu.vector_store_idx %arg17[%select_n3A_1389], %select_n3A_1393 : memref<512xi32, #tpu.memory_space<vmem>>[vector<16xi32>], vector<16xi32>,
      %shift_right_logical3A_1394 = arith.constant 6 : i32
      %shift_right_logical3A_1395 = vector.broadcast %shift_right_logical3A_1394 : i32 to vector<16xi32>
      %shift_right_logical3A_1396 = arith.shrui %select_n3A_1389, %shift_right_logical3A_1395 : vector<16xi32>
      %and3A_1397 = arith.constant 63 : i32
      %and3A_1398 = vector.broadcast %and3A_1397 : i32 to vector<16xi32>
      %and3A_1399 = arith.andi %select_n3A_1389, %and3A_1398 : vector<16xi32>
      %add3A_1400 = arith.constant 64 : i32
      %add3A_1401 = arith.addi %mul3A_1085, %add3A_1400 : i32
      %add3A_1402 = vector.broadcast %add3A_1401 : i32 to vector<16xi32>
      %add3A_1403 = arith.addi %add3A_1402, %iota3A : vector<16xi32>
      tpu.vector_store_idx %arg18[%shift_right_logical3A_1396, %and3A_1399], %add3A_1403 : memref<8x64xi32, #tpu.memory_space<vmem>>[vector<16xi32>, vector<16xi32>], vector<16xi32>,
      %reduce_sum3A_1404 = arith.constant true
      %reduce_sum3A_1405 = vector.broadcast %reduce_sum3A_1404 : i1 to vector<16xi1>
      %reduce_sum3A_1406 = tpu.scan <sum>, %select_n3A_1371 masked %reduce_sum3A_1405 : vector<16xi32>, vector<16xi1> -> vector<16xi32>
      %reduce_sum3A_1407 = vector.extract %reduce_sum3A_1406[15] : i32 from vector<16xi32>
      %add3A_1408 = arith.addi %add3A_1341, %reduce_sum3A_1407 : i32
      %reduce_sum3A_1409 = arith.constant true
      %reduce_sum3A_1410 = vector.broadcast %reduce_sum3A_1409 : i1 to vector<16xi1>
      %reduce_sum3A_1411 = tpu.scan <sum>, %select_n3A_1374 masked %reduce_sum3A_1410 : vector<16xi32>, vector<16xi1> -> vector<16xi32>
      %reduce_sum3A_1412 = vector.extract %reduce_sum3A_1411[15] : i32 from vector<16xi32>
      %add3A_1413 = arith.addi %add3A_1346, %reduce_sum3A_1412 : i32
      %get3A_1414 = arith.constant 80 : index
      %get3A_1415 = tpu.vector_load %arg11[%get3A_1414] {strides = array<i32>} : memref<512xf32, #tpu.memory_space<vmem>>, vector<16xf32>,
      %get3A_1416 = arith.constant 80 : index
      %get3A_1417 = tpu.vector_load %arg12[%get3A_1416] {strides = array<i32>} : memref<512xf32, #tpu.memory_space<vmem>>, vector<16xf32>,
      %get3A_1418 = arith.constant 80 : index
      %get3A_1419 = tpu.vector_load %arg13[%get3A_1418] {strides = array<i32>} : memref<512xf32, #tpu.memory_space<vmem>>, vector<16xf32>,
      %get3A_1420 = arith.constant 80 : index
      %get3A_1421 = tpu.vector_load %arg14[%get3A_1420] {strides = array<i32>} : memref<512xi32, #tpu.memory_space<vmem>>, vector<16xi32>,
      %gt3A_1422 = arith.constant 0.000000e+00 : f32
      %gt3A_1423 = vector.broadcast %gt3A_1422 : f32 to vector<16xf32>
      %gt3A_1424 = arith.cmpf ogt, %get3A_1417, %gt3A_1423 : vector<16xf32>
      %max3A_1425 = arith.constant 1.000000e+00 : f32
      %max3A_1426 = vector.broadcast %max3A_1425 : f32 to vector<16xf32>
      %max3A_1427 = arith.maximumf %get3A_1417, %max3A_1426 : vector<16xf32>
      %div3A_1428 = arith.divf %get3A_1415, %max3A_1427 : vector<16xf32>
      %swap3A_1429 = arith.constant 80 : index
      %swap3A_1430 = tpu.vector_load %arg15[%swap3A_1429] {strides = array<i32>} : memref<512xf32, #tpu.memory_space<vmem>>, vector<16xf32>,
      tpu.vector_store %arg15[%swap3A_1429], %div3A_1428 {strides = array<i32>} : memref<512xf32, #tpu.memory_space<vmem>>, vector<16xf32>,
      %jit3A_1431 = arith.constant 0.000000e+00 : f32
      %broadcast_in_dim3A_1432 = vector.broadcast %jit3A_1431 : f32 to vector<16xf32>
      %select_n3A_1433 = arith.select %gt3A_1424, %get3A_1419, %broadcast_in_dim3A_1432 : vector<16xi1>, vector<16xf32>
      %swap3A_1434 = arith.constant 80 : index
      %swap3A_1435 = tpu.vector_load %arg16[%swap3A_1434] {strides = array<i32>} : memref<512xf32, #tpu.memory_space<vmem>>, vector<16xf32>,
      tpu.vector_store %arg16[%swap3A_1434], %select_n3A_1433 {strides = array<i32>} : memref<512xf32, #tpu.memory_space<vmem>>, vector<16xf32>,
      %jit3A_1436 = arith.constant 1 : i32
      %broadcast_in_dim3A_1437 = vector.broadcast %jit3A_1436 : i32 to vector<16xi32>
      %select_n3A_1438 = arith.select %gt3A_1424, %broadcast_in_dim3A_1437, %broadcast_in_dim3A_3 : vector<16xi1>, vector<16xi32>
      %jit3A_1439 = arith.constant 1 : i32
      %broadcast_in_dim3A_1440 = vector.broadcast %jit3A_1439 : i32 to vector<16xi32>
      %select_n3A_1441 = arith.select %gt3A_1424, %broadcast_in_dim3A_3, %broadcast_in_dim3A_1440 : vector<16xi1>, vector<16xi32>
      %sub3A_1442 = arith.constant 1 : i32
      %sub3A_1443 = arith.subi %add3A_1408, %sub3A_1442 : i32
      %broadcast_in_dim3A_1444 = arith.constant true
      %broadcast_in_dim3A_1445 = vector.broadcast %broadcast_in_dim3A_1444 : i1 to vector<16xi1>
      %masked_cumsum3A_1446 = tpu.scan <sum>, %select_n3A_1438 masked %broadcast_in_dim3A_1445 : vector<16xi32>, vector<16xi1> -> vector<16xi32>
      %add3A_1447 = vector.broadcast %sub3A_1443 : i32 to vector<16xi32>
      %add3A_1448 = arith.addi %add3A_1447, %masked_cumsum3A_1446 : vector<16xi32>
      %sub3A_1449 = arith.constant 512 : i32
      %sub3A_1450 = arith.subi %sub3A_1449, %add3A_1413 : i32
      %broadcast_in_dim3A_1451 = arith.constant true
      %broadcast_in_dim3A_1452 = vector.broadcast %broadcast_in_dim3A_1451 : i1 to vector<16xi1>
      %masked_cumsum3A_1453 = tpu.scan <sum>, %select_n3A_1441 masked %broadcast_in_dim3A_1452 : vector<16xi32>, vector<16xi1> -> vector<16xi32>
      %sub3A_1454 = vector.broadcast %sub3A_1450 : i32 to vector<16xi32>
      %sub3A_1455 = arith.subi %sub3A_1454, %masked_cumsum3A_1453 : vector<16xi32>
      %select_n3A_1456 = arith.select %gt3A_1424, %add3A_1448, %sub3A_1455 : vector<16xi1>, vector<16xi32>
      %add3A_1457 = vector.broadcast %mul3A_1083 : i32 to vector<16xi32>
      %add3A_1458 = arith.addi %add3A_1457, %get3A_1421 : vector<16xi32>
      %broadcast_in_dim3A_1459 = vector.broadcast %mul3A_1083 : i32 to vector<16xi32>
      %select_n3A_1460 = arith.select %gt3A_1424, %add3A_1458, %broadcast_in_dim3A_1459 : vector<16xi1>, vector<16xi32>
      tpu.vector_store_idx %arg17[%select_n3A_1456], %select_n3A_1460 : memref<512xi32, #tpu.memory_space<vmem>>[vector<16xi32>], vector<16xi32>,
      %shift_right_logical3A_1461 = arith.constant 6 : i32
      %shift_right_logical3A_1462 = vector.broadcast %shift_right_logical3A_1461 : i32 to vector<16xi32>
      %shift_right_logical3A_1463 = arith.shrui %select_n3A_1456, %shift_right_logical3A_1462 : vector<16xi32>
      %and3A_1464 = arith.constant 63 : i32
      %and3A_1465 = vector.broadcast %and3A_1464 : i32 to vector<16xi32>
      %and3A_1466 = arith.andi %select_n3A_1456, %and3A_1465 : vector<16xi32>
      %add3A_1467 = arith.constant 80 : i32
      %add3A_1468 = arith.addi %mul3A_1085, %add3A_1467 : i32
      %add3A_1469 = vector.broadcast %add3A_1468 : i32 to vector<16xi32>
      %add3A_1470 = arith.addi %add3A_1469, %iota3A : vector<16xi32>
      tpu.vector_store_idx %arg18[%shift_right_logical3A_1463, %and3A_1466], %add3A_1470 : memref<8x64xi32, #tpu.memory_space<vmem>>[vector<16xi32>, vector<16xi32>], vector<16xi32>,
      %reduce_sum3A_1471 = arith.constant true
      %reduce_sum3A_1472 = vector.broadcast %reduce_sum3A_1471 : i1 to vector<16xi1>
      %reduce_sum3A_1473 = tpu.scan <sum>, %select_n3A_1438 masked %reduce_sum3A_1472 : vector<16xi32>, vector<16xi1> -> vector<16xi32>
      %reduce_sum3A_1474 = vector.extract %reduce_sum3A_1473[15] : i32 from vector<16xi32>
      %add3A_1475 = arith.addi %add3A_1408, %reduce_sum3A_1474 : i32
      %reduce_sum3A_1476 = arith.constant true
      %reduce_sum3A_1477 = vector.broadcast %reduce_sum3A_1476 : i1 to vector<16xi1>
      %reduce_sum3A_1478 = tpu.scan <sum>, %select_n3A_1441 masked %reduce_sum3A_1477 : vector<16xi32>, vector<16xi1> -> vector<16xi32>
      %reduce_sum3A_1479 = vector.extract %reduce_sum3A_1478[15] : i32 from vector<16xi32>
      %add3A_1480 = arith.addi %add3A_1413, %reduce_sum3A_1479 : i32
      %get3A_1481 = arith.constant 96 : index
      %get3A_1482 = tpu.vector_load %arg11[%get3A_1481] {strides = array<i32>} : memref<512xf32, #tpu.memory_space<vmem>>, vector<16xf32>,
      %get3A_1483 = arith.constant 96 : index
      %get3A_1484 = tpu.vector_load %arg12[%get3A_1483] {strides = array<i32>} : memref<512xf32, #tpu.memory_space<vmem>>, vector<16xf32>,
      %get3A_1485 = arith.constant 96 : index
      %get3A_1486 = tpu.vector_load %arg13[%get3A_1485] {strides = array<i32>} : memref<512xf32, #tpu.memory_space<vmem>>, vector<16xf32>,
      %get3A_1487 = arith.constant 96 : index
      %get3A_1488 = tpu.vector_load %arg14[%get3A_1487] {strides = array<i32>} : memref<512xi32, #tpu.memory_space<vmem>>, vector<16xi32>,
      %gt3A_1489 = arith.constant 0.000000e+00 : f32
      %gt3A_1490 = vector.broadcast %gt3A_1489 : f32 to vector<16xf32>
      %gt3A_1491 = arith.cmpf ogt, %get3A_1484, %gt3A_1490 : vector<16xf32>
      %max3A_1492 = arith.constant 1.000000e+00 : f32
      %max3A_1493 = vector.broadcast %max3A_1492 : f32 to vector<16xf32>
      %max3A_1494 = arith.maximumf %get3A_1484, %max3A_1493 : vector<16xf32>
      %div3A_1495 = arith.divf %get3A_1482, %max3A_1494 : vector<16xf32>
      %swap3A_1496 = arith.constant 96 : index
      %swap3A_1497 = tpu.vector_load %arg15[%swap3A_1496] {strides = array<i32>} : memref<512xf32, #tpu.memory_space<vmem>>, vector<16xf32>,
      tpu.vector_store %arg15[%swap3A_1496], %div3A_1495 {strides = array<i32>} : memref<512xf32, #tpu.memory_space<vmem>>, vector<16xf32>,
      %jit3A_1498 = arith.constant 0.000000e+00 : f32
      %broadcast_in_dim3A_1499 = vector.broadcast %jit3A_1498 : f32 to vector<16xf32>
      %select_n3A_1500 = arith.select %gt3A_1491, %get3A_1486, %broadcast_in_dim3A_1499 : vector<16xi1>, vector<16xf32>
      %swap3A_1501 = arith.constant 96 : index
      %swap3A_1502 = tpu.vector_load %arg16[%swap3A_1501] {strides = array<i32>} : memref<512xf32, #tpu.memory_space<vmem>>, vector<16xf32>,
      tpu.vector_store %arg16[%swap3A_1501], %select_n3A_1500 {strides = array<i32>} : memref<512xf32, #tpu.memory_space<vmem>>, vector<16xf32>,
      %jit3A_1503 = arith.constant 1 : i32
      %broadcast_in_dim3A_1504 = vector.broadcast %jit3A_1503 : i32 to vector<16xi32>
      %select_n3A_1505 = arith.select %gt3A_1491, %broadcast_in_dim3A_1504, %broadcast_in_dim3A_3 : vector<16xi1>, vector<16xi32>
      %jit3A_1506 = arith.constant 1 : i32
      %broadcast_in_dim3A_1507 = vector.broadcast %jit3A_1506 : i32 to vector<16xi32>
      %select_n3A_1508 = arith.select %gt3A_1491, %broadcast_in_dim3A_3, %broadcast_in_dim3A_1507 : vector<16xi1>, vector<16xi32>
      %sub3A_1509 = arith.constant 1 : i32
      %sub3A_1510 = arith.subi %add3A_1475, %sub3A_1509 : i32
      %broadcast_in_dim3A_1511 = arith.constant true
      %broadcast_in_dim3A_1512 = vector.broadcast %broadcast_in_dim3A_1511 : i1 to vector<16xi1>
      %masked_cumsum3A_1513 = tpu.scan <sum>, %select_n3A_1505 masked %broadcast_in_dim3A_1512 : vector<16xi32>, vector<16xi1> -> vector<16xi32>
      %add3A_1514 = vector.broadcast %sub3A_1510 : i32 to vector<16xi32>
      %add3A_1515 = arith.addi %add3A_1514, %masked_cumsum3A_1513 : vector<16xi32>
      %sub3A_1516 = arith.constant 512 : i32
      %sub3A_1517 = arith.subi %sub3A_1516, %add3A_1480 : i32
      %broadcast_in_dim3A_1518 = arith.constant true
      %broadcast_in_dim3A_1519 = vector.broadcast %broadcast_in_dim3A_1518 : i1 to vector<16xi1>
      %masked_cumsum3A_1520 = tpu.scan <sum>, %select_n3A_1508 masked %broadcast_in_dim3A_1519 : vector<16xi32>, vector<16xi1> -> vector<16xi32>
      %sub3A_1521 = vector.broadcast %sub3A_1517 : i32 to vector<16xi32>
      %sub3A_1522 = arith.subi %sub3A_1521, %masked_cumsum3A_1520 : vector<16xi32>
      %select_n3A_1523 = arith.select %gt3A_1491, %add3A_1515, %sub3A_1522 : vector<16xi1>, vector<16xi32>
      %add3A_1524 = vector.broadcast %mul3A_1083 : i32 to vector<16xi32>
      %add3A_1525 = arith.addi %add3A_1524, %get3A_1488 : vector<16xi32>
      %broadcast_in_dim3A_1526 = vector.broadcast %mul3A_1083 : i32 to vector<16xi32>
      %select_n3A_1527 = arith.select %gt3A_1491, %add3A_1525, %broadcast_in_dim3A_1526 : vector<16xi1>, vector<16xi32>
      tpu.vector_store_idx %arg17[%select_n3A_1523], %select_n3A_1527 : memref<512xi32, #tpu.memory_space<vmem>>[vector<16xi32>], vector<16xi32>,
      %shift_right_logical3A_1528 = arith.constant 6 : i32
      %shift_right_logical3A_1529 = vector.broadcast %shift_right_logical3A_1528 : i32 to vector<16xi32>
      %shift_right_logical3A_1530 = arith.shrui %select_n3A_1523, %shift_right_logical3A_1529 : vector<16xi32>
      %and3A_1531 = arith.constant 63 : i32
      %and3A_1532 = vector.broadcast %and3A_1531 : i32 to vector<16xi32>
      %and3A_1533 = arith.andi %select_n3A_1523, %and3A_1532 : vector<16xi32>
      %add3A_1534 = arith.constant 96 : i32
      %add3A_1535 = arith.addi %mul3A_1085, %add3A_1534 : i32
      %add3A_1536 = vector.broadcast %add3A_1535 : i32 to vector<16xi32>
      %add3A_1537 = arith.addi %add3A_1536, %iota3A : vector<16xi32>
      tpu.vector_store_idx %arg18[%shift_right_logical3A_1530, %and3A_1533], %add3A_1537 : memref<8x64xi32, #tpu.memory_space<vmem>>[vector<16xi32>, vector<16xi32>], vector<16xi32>,
      %reduce_sum3A_1538 = arith.constant true
      %reduce_sum3A_1539 = vector.broadcast %reduce_sum3A_1538 : i1 to vector<16xi1>
      %reduce_sum3A_1540 = tpu.scan <sum>, %select_n3A_1505 masked %reduce_sum3A_1539 : vector<16xi32>, vector<16xi1> -> vector<16xi32>
      %reduce_sum3A_1541 = vector.extract %reduce_sum3A_1540[15] : i32 from vector<16xi32>
      %add3A_1542 = arith.addi %add3A_1475, %reduce_sum3A_1541 : i32
      %reduce_sum3A_1543 = arith.constant true
      %reduce_sum3A_1544 = vector.broadcast %reduce_sum3A_1543 : i1 to vector<16xi1>
      %reduce_sum3A_1545 = tpu.scan <sum>, %select_n3A_1508 masked %reduce_sum3A_1544 : vector<16xi32>, vector<16xi1> -> vector<16xi32>
      %reduce_sum3A_1546 = vector.extract %reduce_sum3A_1545[15] : i32 from vector<16xi32>
      %add3A_1547 = arith.addi %add3A_1480, %reduce_sum3A_1546 : i32
      %get3A_1548 = arith.constant 112 : index
      %get3A_1549 = tpu.vector_load %arg11[%get3A_1548] {strides = array<i32>} : memref<512xf32, #tpu.memory_space<vmem>>, vector<16xf32>,
      %get3A_1550 = arith.constant 112 : index
      %get3A_1551 = tpu.vector_load %arg12[%get3A_1550] {strides = array<i32>} : memref<512xf32, #tpu.memory_space<vmem>>, vector<16xf32>,
      %get3A_1552 = arith.constant 112 : index
      %get3A_1553 = tpu.vector_load %arg13[%get3A_1552] {strides = array<i32>} : memref<512xf32, #tpu.memory_space<vmem>>, vector<16xf32>,
      %get3A_1554 = arith.constant 112 : index
      %get3A_1555 = tpu.vector_load %arg14[%get3A_1554] {strides = array<i32>} : memref<512xi32, #tpu.memory_space<vmem>>, vector<16xi32>,
      %gt3A_1556 = arith.constant 0.000000e+00 : f32
      %gt3A_1557 = vector.broadcast %gt3A_1556 : f32 to vector<16xf32>
      %gt3A_1558 = arith.cmpf ogt, %get3A_1551, %gt3A_1557 : vector<16xf32>
      %max3A_1559 = arith.constant 1.000000e+00 : f32
      %max3A_1560 = vector.broadcast %max3A_1559 : f32 to vector<16xf32>
      %max3A_1561 = arith.maximumf %get3A_1551, %max3A_1560 : vector<16xf32>
      %div3A_1562 = arith.divf %get3A_1549, %max3A_1561 : vector<16xf32>
      %swap3A_1563 = arith.constant 112 : index
      %swap3A_1564 = tpu.vector_load %arg15[%swap3A_1563] {strides = array<i32>} : memref<512xf32, #tpu.memory_space<vmem>>, vector<16xf32>,
      tpu.vector_store %arg15[%swap3A_1563], %div3A_1562 {strides = array<i32>} : memref<512xf32, #tpu.memory_space<vmem>>, vector<16xf32>,
      %jit3A_1565 = arith.constant 0.000000e+00 : f32
      %broadcast_in_dim3A_1566 = vector.broadcast %jit3A_1565 : f32 to vector<16xf32>
      %select_n3A_1567 = arith.select %gt3A_1558, %get3A_1553, %broadcast_in_dim3A_1566 : vector<16xi1>, vector<16xf32>
      %swap3A_1568 = arith.constant 112 : index
      %swap3A_1569 = tpu.vector_load %arg16[%swap3A_1568] {strides = array<i32>} : memref<512xf32, #tpu.memory_space<vmem>>, vector<16xf32>,
      tpu.vector_store %arg16[%swap3A_1568], %select_n3A_1567 {strides = array<i32>} : memref<512xf32, #tpu.memory_space<vmem>>, vector<16xf32>,
      %jit3A_1570 = arith.constant 1 : i32
      %broadcast_in_dim3A_1571 = vector.broadcast %jit3A_1570 : i32 to vector<16xi32>
      %select_n3A_1572 = arith.select %gt3A_1558, %broadcast_in_dim3A_1571, %broadcast_in_dim3A_3 : vector<16xi1>, vector<16xi32>
      %jit3A_1573 = arith.constant 1 : i32
      %broadcast_in_dim3A_1574 = vector.broadcast %jit3A_1573 : i32 to vector<16xi32>
      %select_n3A_1575 = arith.select %gt3A_1558, %broadcast_in_dim3A_3, %broadcast_in_dim3A_1574 : vector<16xi1>, vector<16xi32>
      %sub3A_1576 = arith.constant 1 : i32
      %sub3A_1577 = arith.subi %add3A_1542, %sub3A_1576 : i32
      %broadcast_in_dim3A_1578 = arith.constant true
      %broadcast_in_dim3A_1579 = vector.broadcast %broadcast_in_dim3A_1578 : i1 to vector<16xi1>
      %masked_cumsum3A_1580 = tpu.scan <sum>, %select_n3A_1572 masked %broadcast_in_dim3A_1579 : vector<16xi32>, vector<16xi1> -> vector<16xi32>
      %add3A_1581 = vector.broadcast %sub3A_1577 : i32 to vector<16xi32>
      %add3A_1582 = arith.addi %add3A_1581, %masked_cumsum3A_1580 : vector<16xi32>
      %sub3A_1583 = arith.constant 512 : i32
      %sub3A_1584 = arith.subi %sub3A_1583, %add3A_1547 : i32
      %broadcast_in_dim3A_1585 = arith.constant true
      %broadcast_in_dim3A_1586 = vector.broadcast %broadcast_in_dim3A_1585 : i1 to vector<16xi1>
      %masked_cumsum3A_1587 = tpu.scan <sum>, %select_n3A_1575 masked %broadcast_in_dim3A_1586 : vector<16xi32>, vector<16xi1> -> vector<16xi32>
      %sub3A_1588 = vector.broadcast %sub3A_1584 : i32 to vector<16xi32>
      %sub3A_1589 = arith.subi %sub3A_1588, %masked_cumsum3A_1587 : vector<16xi32>
      %select_n3A_1590 = arith.select %gt3A_1558, %add3A_1582, %sub3A_1589 : vector<16xi1>, vector<16xi32>
      %add3A_1591 = vector.broadcast %mul3A_1083 : i32 to vector<16xi32>
      %add3A_1592 = arith.addi %add3A_1591, %get3A_1555 : vector<16xi32>
      %broadcast_in_dim3A_1593 = vector.broadcast %mul3A_1083 : i32 to vector<16xi32>
      %select_n3A_1594 = arith.select %gt3A_1558, %add3A_1592, %broadcast_in_dim3A_1593 : vector<16xi1>, vector<16xi32>
      tpu.vector_store_idx %arg17[%select_n3A_1590], %select_n3A_1594 : memref<512xi32, #tpu.memory_space<vmem>>[vector<16xi32>], vector<16xi32>,
      %shift_right_logical3A_1595 = arith.constant 6 : i32
      %shift_right_logical3A_1596 = vector.broadcast %shift_right_logical3A_1595 : i32 to vector<16xi32>
      %shift_right_logical3A_1597 = arith.shrui %select_n3A_1590, %shift_right_logical3A_1596 : vector<16xi32>
      %and3A_1598 = arith.constant 63 : i32
      %and3A_1599 = vector.broadcast %and3A_1598 : i32 to vector<16xi32>
      %and3A_1600 = arith.andi %select_n3A_1590, %and3A_1599 : vector<16xi32>
      %add3A_1601 = arith.constant 112 : i32
      %add3A_1602 = arith.addi %mul3A_1085, %add3A_1601 : i32
      %add3A_1603 = vector.broadcast %add3A_1602 : i32 to vector<16xi32>
      %add3A_1604 = arith.addi %add3A_1603, %iota3A : vector<16xi32>
      tpu.vector_store_idx %arg18[%shift_right_logical3A_1597, %and3A_1600], %add3A_1604 : memref<8x64xi32, #tpu.memory_space<vmem>>[vector<16xi32>, vector<16xi32>], vector<16xi32>,
      %reduce_sum3A_1605 = arith.constant true
      %reduce_sum3A_1606 = vector.broadcast %reduce_sum3A_1605 : i1 to vector<16xi1>
      %reduce_sum3A_1607 = tpu.scan <sum>, %select_n3A_1572 masked %reduce_sum3A_1606 : vector<16xi32>, vector<16xi1> -> vector<16xi32>
      %reduce_sum3A_1608 = vector.extract %reduce_sum3A_1607[15] : i32 from vector<16xi32>
      %add3A_1609 = arith.addi %add3A_1542, %reduce_sum3A_1608 : i32
      %reduce_sum3A_1610 = arith.constant true
      %reduce_sum3A_1611 = vector.broadcast %reduce_sum3A_1610 : i1 to vector<16xi1>
      %reduce_sum3A_1612 = tpu.scan <sum>, %select_n3A_1575 masked %reduce_sum3A_1611 : vector<16xi32>, vector<16xi1> -> vector<16xi32>
      %reduce_sum3A_1613 = vector.extract %reduce_sum3A_1612[15] : i32 from vector<16xi32>
      %add3A_1614 = arith.addi %add3A_1547, %reduce_sum3A_1613 : i32
      %get3A_1615 = arith.constant 128 : index
      %get3A_1616 = tpu.vector_load %arg11[%get3A_1615] {strides = array<i32>} : memref<512xf32, #tpu.memory_space<vmem>>, vector<16xf32>,
      %get3A_1617 = arith.constant 128 : index
      %get3A_1618 = tpu.vector_load %arg12[%get3A_1617] {strides = array<i32>} : memref<512xf32, #tpu.memory_space<vmem>>, vector<16xf32>,
      %get3A_1619 = arith.constant 128 : index
      %get3A_1620 = tpu.vector_load %arg13[%get3A_1619] {strides = array<i32>} : memref<512xf32, #tpu.memory_space<vmem>>, vector<16xf32>,
      %get3A_1621 = arith.constant 128 : index
      %get3A_1622 = tpu.vector_load %arg14[%get3A_1621] {strides = array<i32>} : memref<512xi32, #tpu.memory_space<vmem>>, vector<16xi32>,
      %gt3A_1623 = arith.constant 0.000000e+00 : f32
      %gt3A_1624 = vector.broadcast %gt3A_1623 : f32 to vector<16xf32>
      %gt3A_1625 = arith.cmpf ogt, %get3A_1618, %gt3A_1624 : vector<16xf32>
      %max3A_1626 = arith.constant 1.000000e+00 : f32
      %max3A_1627 = vector.broadcast %max3A_1626 : f32 to vector<16xf32>
      %max3A_1628 = arith.maximumf %get3A_1618, %max3A_1627 : vector<16xf32>
      %div3A_1629 = arith.divf %get3A_1616, %max3A_1628 : vector<16xf32>
      %swap3A_1630 = arith.constant 128 : index
      %swap3A_1631 = tpu.vector_load %arg15[%swap3A_1630] {strides = array<i32>} : memref<512xf32, #tpu.memory_space<vmem>>, vector<16xf32>,
      tpu.vector_store %arg15[%swap3A_1630], %div3A_1629 {strides = array<i32>} : memref<512xf32, #tpu.memory_space<vmem>>, vector<16xf32>,
      %jit3A_1632 = arith.constant 0.000000e+00 : f32
      %broadcast_in_dim3A_1633 = vector.broadcast %jit3A_1632 : f32 to vector<16xf32>
      %select_n3A_1634 = arith.select %gt3A_1625, %get3A_1620, %broadcast_in_dim3A_1633 : vector<16xi1>, vector<16xf32>
      %swap3A_1635 = arith.constant 128 : index
      %swap3A_1636 = tpu.vector_load %arg16[%swap3A_1635] {strides = array<i32>} : memref<512xf32, #tpu.memory_space<vmem>>, vector<16xf32>,
      tpu.vector_store %arg16[%swap3A_1635], %select_n3A_1634 {strides = array<i32>} : memref<512xf32, #tpu.memory_space<vmem>>, vector<16xf32>,
      %jit3A_1637 = arith.constant 1 : i32
      %broadcast_in_dim3A_1638 = vector.broadcast %jit3A_1637 : i32 to vector<16xi32>
      %select_n3A_1639 = arith.select %gt3A_1625, %broadcast_in_dim3A_1638, %broadcast_in_dim3A_3 : vector<16xi1>, vector<16xi32>
      %jit3A_1640 = arith.constant 1 : i32
      %broadcast_in_dim3A_1641 = vector.broadcast %jit3A_1640 : i32 to vector<16xi32>
      %select_n3A_1642 = arith.select %gt3A_1625, %broadcast_in_dim3A_3, %broadcast_in_dim3A_1641 : vector<16xi1>, vector<16xi32>
      %sub3A_1643 = arith.constant 1 : i32
      %sub3A_1644 = arith.subi %add3A_1609, %sub3A_1643 : i32
      %broadcast_in_dim3A_1645 = arith.constant true
      %broadcast_in_dim3A_1646 = vector.broadcast %broadcast_in_dim3A_1645 : i1 to vector<16xi1>
      %masked_cumsum3A_1647 = tpu.scan <sum>, %select_n3A_1639 masked %broadcast_in_dim3A_1646 : vector<16xi32>, vector<16xi1> -> vector<16xi32>
      %add3A_1648 = vector.broadcast %sub3A_1644 : i32 to vector<16xi32>
      %add3A_1649 = arith.addi %add3A_1648, %masked_cumsum3A_1647 : vector<16xi32>
      %sub3A_1650 = arith.constant 512 : i32
      %sub3A_1651 = arith.subi %sub3A_1650, %add3A_1614 : i32
      %broadcast_in_dim3A_1652 = arith.constant true
      %broadcast_in_dim3A_1653 = vector.broadcast %broadcast_in_dim3A_1652 : i1 to vector<16xi1>
      %masked_cumsum3A_1654 = tpu.scan <sum>, %select_n3A_1642 masked %broadcast_in_dim3A_1653 : vector<16xi32>, vector<16xi1> -> vector<16xi32>
      %sub3A_1655 = vector.broadcast %sub3A_1651 : i32 to vector<16xi32>
      %sub3A_1656 = arith.subi %sub3A_1655, %masked_cumsum3A_1654 : vector<16xi32>
      %select_n3A_1657 = arith.select %gt3A_1625, %add3A_1649, %sub3A_1656 : vector<16xi1>, vector<16xi32>
      %add3A_1658 = vector.broadcast %mul3A_1083 : i32 to vector<16xi32>
      %add3A_1659 = arith.addi %add3A_1658, %get3A_1622 : vector<16xi32>
      %broadcast_in_dim3A_1660 = vector.broadcast %mul3A_1083 : i32 to vector<16xi32>
      %select_n3A_1661 = arith.select %gt3A_1625, %add3A_1659, %broadcast_in_dim3A_1660 : vector<16xi1>, vector<16xi32>
      tpu.vector_store_idx %arg17[%select_n3A_1657], %select_n3A_1661 : memref<512xi32, #tpu.memory_space<vmem>>[vector<16xi32>], vector<16xi32>,
      %shift_right_logical3A_1662 = arith.constant 6 : i32
      %shift_right_logical3A_1663 = vector.broadcast %shift_right_logical3A_1662 : i32 to vector<16xi32>
      %shift_right_logical3A_1664 = arith.shrui %select_n3A_1657, %shift_right_logical3A_1663 : vector<16xi32>
      %and3A_1665 = arith.constant 63 : i32
      %and3A_1666 = vector.broadcast %and3A_1665 : i32 to vector<16xi32>
      %and3A_1667 = arith.andi %select_n3A_1657, %and3A_1666 : vector<16xi32>
      %add3A_1668 = arith.constant 128 : i32
      %add3A_1669 = arith.addi %mul3A_1085, %add3A_1668 : i32
      %add3A_1670 = vector.broadcast %add3A_1669 : i32 to vector<16xi32>
      %add3A_1671 = arith.addi %add3A_1670, %iota3A : vector<16xi32>
      tpu.vector_store_idx %arg18[%shift_right_logical3A_1664, %and3A_1667], %add3A_1671 : memref<8x64xi32, #tpu.memory_space<vmem>>[vector<16xi32>, vector<16xi32>], vector<16xi32>,
      %reduce_sum3A_1672 = arith.constant true
      %reduce_sum3A_1673 = vector.broadcast %reduce_sum3A_1672 : i1 to vector<16xi1>
      %reduce_sum3A_1674 = tpu.scan <sum>, %select_n3A_1639 masked %reduce_sum3A_1673 : vector<16xi32>, vector<16xi1> -> vector<16xi32>
      %reduce_sum3A_1675 = vector.extract %reduce_sum3A_1674[15] : i32 from vector<16xi32>
      %add3A_1676 = arith.addi %add3A_1609, %reduce_sum3A_1675 : i32
      %reduce_sum3A_1677 = arith.constant true
      %reduce_sum3A_1678 = vector.broadcast %reduce_sum3A_1677 : i1 to vector<16xi1>
      %reduce_sum3A_1679 = tpu.scan <sum>, %select_n3A_1642 masked %reduce_sum3A_1678 : vector<16xi32>, vector<16xi1> -> vector<16xi32>
      %reduce_sum3A_1680 = vector.extract %reduce_sum3A_1679[15] : i32 from vector<16xi32>
      %add3A_1681 = arith.addi %add3A_1614, %reduce_sum3A_1680 : i32
      %get3A_1682 = arith.constant 144 : index
      %get3A_1683 = tpu.vector_load %arg11[%get3A_1682] {strides = array<i32>} : memref<512xf32, #tpu.memory_space<vmem>>, vector<16xf32>,
      %get3A_1684 = arith.constant 144 : index
      %get3A_1685 = tpu.vector_load %arg12[%get3A_1684] {strides = array<i32>} : memref<512xf32, #tpu.memory_space<vmem>>, vector<16xf32>,
      %get3A_1686 = arith.constant 144 : index
      %get3A_1687 = tpu.vector_load %arg13[%get3A_1686] {strides = array<i32>} : memref<512xf32, #tpu.memory_space<vmem>>, vector<16xf32>,
      %get3A_1688 = arith.constant 144 : index
      %get3A_1689 = tpu.vector_load %arg14[%get3A_1688] {strides = array<i32>} : memref<512xi32, #tpu.memory_space<vmem>>, vector<16xi32>,
      %gt3A_1690 = arith.constant 0.000000e+00 : f32
      %gt3A_1691 = vector.broadcast %gt3A_1690 : f32 to vector<16xf32>
      %gt3A_1692 = arith.cmpf ogt, %get3A_1685, %gt3A_1691 : vector<16xf32>
      %max3A_1693 = arith.constant 1.000000e+00 : f32
      %max3A_1694 = vector.broadcast %max3A_1693 : f32 to vector<16xf32>
      %max3A_1695 = arith.maximumf %get3A_1685, %max3A_1694 : vector<16xf32>
      %div3A_1696 = arith.divf %get3A_1683, %max3A_1695 : vector<16xf32>
      %swap3A_1697 = arith.constant 144 : index
      %swap3A_1698 = tpu.vector_load %arg15[%swap3A_1697] {strides = array<i32>} : memref<512xf32, #tpu.memory_space<vmem>>, vector<16xf32>,
      tpu.vector_store %arg15[%swap3A_1697], %div3A_1696 {strides = array<i32>} : memref<512xf32, #tpu.memory_space<vmem>>, vector<16xf32>,
      %jit3A_1699 = arith.constant 0.000000e+00 : f32
      %broadcast_in_dim3A_1700 = vector.broadcast %jit3A_1699 : f32 to vector<16xf32>
      %select_n3A_1701 = arith.select %gt3A_1692, %get3A_1687, %broadcast_in_dim3A_1700 : vector<16xi1>, vector<16xf32>
      %swap3A_1702 = arith.constant 144 : index
      %swap3A_1703 = tpu.vector_load %arg16[%swap3A_1702] {strides = array<i32>} : memref<512xf32, #tpu.memory_space<vmem>>, vector<16xf32>,
      tpu.vector_store %arg16[%swap3A_1702], %select_n3A_1701 {strides = array<i32>} : memref<512xf32, #tpu.memory_space<vmem>>, vector<16xf32>,
      %jit3A_1704 = arith.constant 1 : i32
      %broadcast_in_dim3A_1705 = vector.broadcast %jit3A_1704 : i32 to vector<16xi32>
      %select_n3A_1706 = arith.select %gt3A_1692, %broadcast_in_dim3A_1705, %broadcast_in_dim3A_3 : vector<16xi1>, vector<16xi32>
      %jit3A_1707 = arith.constant 1 : i32
      %broadcast_in_dim3A_1708 = vector.broadcast %jit3A_1707 : i32 to vector<16xi32>
      %select_n3A_1709 = arith.select %gt3A_1692, %broadcast_in_dim3A_3, %broadcast_in_dim3A_1708 : vector<16xi1>, vector<16xi32>
      %sub3A_1710 = arith.constant 1 : i32
      %sub3A_1711 = arith.subi %add3A_1676, %sub3A_1710 : i32
      %broadcast_in_dim3A_1712 = arith.constant true
      %broadcast_in_dim3A_1713 = vector.broadcast %broadcast_in_dim3A_1712 : i1 to vector<16xi1>
      %masked_cumsum3A_1714 = tpu.scan <sum>, %select_n3A_1706 masked %broadcast_in_dim3A_1713 : vector<16xi32>, vector<16xi1> -> vector<16xi32>
      %add3A_1715 = vector.broadcast %sub3A_1711 : i32 to vector<16xi32>
      %add3A_1716 = arith.addi %add3A_1715, %masked_cumsum3A_1714 : vector<16xi32>
      %sub3A_1717 = arith.constant 512 : i32
      %sub3A_1718 = arith.subi %sub3A_1717, %add3A_1681 : i32
      %broadcast_in_dim3A_1719 = arith.constant true
      %broadcast_in_dim3A_1720 = vector.broadcast %broadcast_in_dim3A_1719 : i1 to vector<16xi1>
      %masked_cumsum3A_1721 = tpu.scan <sum>, %select_n3A_1709 masked %broadcast_in_dim3A_1720 : vector<16xi32>, vector<16xi1> -> vector<16xi32>
      %sub3A_1722 = vector.broadcast %sub3A_1718 : i32 to vector<16xi32>
      %sub3A_1723 = arith.subi %sub3A_1722, %masked_cumsum3A_1721 : vector<16xi32>
      %select_n3A_1724 = arith.select %gt3A_1692, %add3A_1716, %sub3A_1723 : vector<16xi1>, vector<16xi32>
      %add3A_1725 = vector.broadcast %mul3A_1083 : i32 to vector<16xi32>
      %add3A_1726 = arith.addi %add3A_1725, %get3A_1689 : vector<16xi32>
      %broadcast_in_dim3A_1727 = vector.broadcast %mul3A_1083 : i32 to vector<16xi32>
      %select_n3A_1728 = arith.select %gt3A_1692, %add3A_1726, %broadcast_in_dim3A_1727 : vector<16xi1>, vector<16xi32>
      tpu.vector_store_idx %arg17[%select_n3A_1724], %select_n3A_1728 : memref<512xi32, #tpu.memory_space<vmem>>[vector<16xi32>], vector<16xi32>,
      %shift_right_logical3A_1729 = arith.constant 6 : i32
      %shift_right_logical3A_1730 = vector.broadcast %shift_right_logical3A_1729 : i32 to vector<16xi32>
      %shift_right_logical3A_1731 = arith.shrui %select_n3A_1724, %shift_right_logical3A_1730 : vector<16xi32>
      %and3A_1732 = arith.constant 63 : i32
      %and3A_1733 = vector.broadcast %and3A_1732 : i32 to vector<16xi32>
      %and3A_1734 = arith.andi %select_n3A_1724, %and3A_1733 : vector<16xi32>
      %add3A_1735 = arith.constant 144 : i32
      %add3A_1736 = arith.addi %mul3A_1085, %add3A_1735 : i32
      %add3A_1737 = vector.broadcast %add3A_1736 : i32 to vector<16xi32>
      %add3A_1738 = arith.addi %add3A_1737, %iota3A : vector<16xi32>
      tpu.vector_store_idx %arg18[%shift_right_logical3A_1731, %and3A_1734], %add3A_1738 : memref<8x64xi32, #tpu.memory_space<vmem>>[vector<16xi32>, vector<16xi32>], vector<16xi32>,
      %reduce_sum3A_1739 = arith.constant true
      %reduce_sum3A_1740 = vector.broadcast %reduce_sum3A_1739 : i1 to vector<16xi1>
      %reduce_sum3A_1741 = tpu.scan <sum>, %select_n3A_1706 masked %reduce_sum3A_1740 : vector<16xi32>, vector<16xi1> -> vector<16xi32>
      %reduce_sum3A_1742 = vector.extract %reduce_sum3A_1741[15] : i32 from vector<16xi32>
      %add3A_1743 = arith.addi %add3A_1676, %reduce_sum3A_1742 : i32
      %reduce_sum3A_1744 = arith.constant true
      %reduce_sum3A_1745 = vector.broadcast %reduce_sum3A_1744 : i1 to vector<16xi1>
      %reduce_sum3A_1746 = tpu.scan <sum>, %select_n3A_1709 masked %reduce_sum3A_1745 : vector<16xi32>, vector<16xi1> -> vector<16xi32>
      %reduce_sum3A_1747 = vector.extract %reduce_sum3A_1746[15] : i32 from vector<16xi32>
      %add3A_1748 = arith.addi %add3A_1681, %reduce_sum3A_1747 : i32
      %get3A_1749 = arith.constant 160 : index
      %get3A_1750 = tpu.vector_load %arg11[%get3A_1749] {strides = array<i32>} : memref<512xf32, #tpu.memory_space<vmem>>, vector<16xf32>,
      %get3A_1751 = arith.constant 160 : index
      %get3A_1752 = tpu.vector_load %arg12[%get3A_1751] {strides = array<i32>} : memref<512xf32, #tpu.memory_space<vmem>>, vector<16xf32>,
      %get3A_1753 = arith.constant 160 : index
      %get3A_1754 = tpu.vector_load %arg13[%get3A_1753] {strides = array<i32>} : memref<512xf32, #tpu.memory_space<vmem>>, vector<16xf32>,
      %get3A_1755 = arith.constant 160 : index
      %get3A_1756 = tpu.vector_load %arg14[%get3A_1755] {strides = array<i32>} : memref<512xi32, #tpu.memory_space<vmem>>, vector<16xi32>,
      %gt3A_1757 = arith.constant 0.000000e+00 : f32
      %gt3A_1758 = vector.broadcast %gt3A_1757 : f32 to vector<16xf32>
      %gt3A_1759 = arith.cmpf ogt, %get3A_1752, %gt3A_1758 : vector<16xf32>
      %max3A_1760 = arith.constant 1.000000e+00 : f32
      %max3A_1761 = vector.broadcast %max3A_1760 : f32 to vector<16xf32>
      %max3A_1762 = arith.maximumf %get3A_1752, %max3A_1761 : vector<16xf32>
      %div3A_1763 = arith.divf %get3A_1750, %max3A_1762 : vector<16xf32>
      %swap3A_1764 = arith.constant 160 : index
      %swap3A_1765 = tpu.vector_load %arg15[%swap3A_1764] {strides = array<i32>} : memref<512xf32, #tpu.memory_space<vmem>>, vector<16xf32>,
      tpu.vector_store %arg15[%swap3A_1764], %div3A_1763 {strides = array<i32>} : memref<512xf32, #tpu.memory_space<vmem>>, vector<16xf32>,
      %jit3A_1766 = arith.constant 0.000000e+00 : f32
      %broadcast_in_dim3A_1767 = vector.broadcast %jit3A_1766 : f32 to vector<16xf32>
      %select_n3A_1768 = arith.select %gt3A_1759, %get3A_1754, %broadcast_in_dim3A_1767 : vector<16xi1>, vector<16xf32>
      %swap3A_1769 = arith.constant 160 : index
      %swap3A_1770 = tpu.vector_load %arg16[%swap3A_1769] {strides = array<i32>} : memref<512xf32, #tpu.memory_space<vmem>>, vector<16xf32>,
      tpu.vector_store %arg16[%swap3A_1769], %select_n3A_1768 {strides = array<i32>} : memref<512xf32, #tpu.memory_space<vmem>>, vector<16xf32>,
      %jit3A_1771 = arith.constant 1 : i32
      %broadcast_in_dim3A_1772 = vector.broadcast %jit3A_1771 : i32 to vector<16xi32>
      %select_n3A_1773 = arith.select %gt3A_1759, %broadcast_in_dim3A_1772, %broadcast_in_dim3A_3 : vector<16xi1>, vector<16xi32>
      %jit3A_1774 = arith.constant 1 : i32
      %broadcast_in_dim3A_1775 = vector.broadcast %jit3A_1774 : i32 to vector<16xi32>
      %select_n3A_1776 = arith.select %gt3A_1759, %broadcast_in_dim3A_3, %broadcast_in_dim3A_1775 : vector<16xi1>, vector<16xi32>
      %sub3A_1777 = arith.constant 1 : i32
      %sub3A_1778 = arith.subi %add3A_1743, %sub3A_1777 : i32
      %broadcast_in_dim3A_1779 = arith.constant true
      %broadcast_in_dim3A_1780 = vector.broadcast %broadcast_in_dim3A_1779 : i1 to vector<16xi1>
      %masked_cumsum3A_1781 = tpu.scan <sum>, %select_n3A_1773 masked %broadcast_in_dim3A_1780 : vector<16xi32>, vector<16xi1> -> vector<16xi32>
      %add3A_1782 = vector.broadcast %sub3A_1778 : i32 to vector<16xi32>
      %add3A_1783 = arith.addi %add3A_1782, %masked_cumsum3A_1781 : vector<16xi32>
      %sub3A_1784 = arith.constant 512 : i32
      %sub3A_1785 = arith.subi %sub3A_1784, %add3A_1748 : i32
      %broadcast_in_dim3A_1786 = arith.constant true
      %broadcast_in_dim3A_1787 = vector.broadcast %broadcast_in_dim3A_1786 : i1 to vector<16xi1>
      %masked_cumsum3A_1788 = tpu.scan <sum>, %select_n3A_1776 masked %broadcast_in_dim3A_1787 : vector<16xi32>, vector<16xi1> -> vector<16xi32>
      %sub3A_1789 = vector.broadcast %sub3A_1785 : i32 to vector<16xi32>
      %sub3A_1790 = arith.subi %sub3A_1789, %masked_cumsum3A_1788 : vector<16xi32>
      %select_n3A_1791 = arith.select %gt3A_1759, %add3A_1783, %sub3A_1790 : vector<16xi1>, vector<16xi32>
      %add3A_1792 = vector.broadcast %mul3A_1083 : i32 to vector<16xi32>
      %add3A_1793 = arith.addi %add3A_1792, %get3A_1756 : vector<16xi32>
      %broadcast_in_dim3A_1794 = vector.broadcast %mul3A_1083 : i32 to vector<16xi32>
      %select_n3A_1795 = arith.select %gt3A_1759, %add3A_1793, %broadcast_in_dim3A_1794 : vector<16xi1>, vector<16xi32>
      tpu.vector_store_idx %arg17[%select_n3A_1791], %select_n3A_1795 : memref<512xi32, #tpu.memory_space<vmem>>[vector<16xi32>], vector<16xi32>,
      %shift_right_logical3A_1796 = arith.constant 6 : i32
      %shift_right_logical3A_1797 = vector.broadcast %shift_right_logical3A_1796 : i32 to vector<16xi32>
      %shift_right_logical3A_1798 = arith.shrui %select_n3A_1791, %shift_right_logical3A_1797 : vector<16xi32>
      %and3A_1799 = arith.constant 63 : i32
      %and3A_1800 = vector.broadcast %and3A_1799 : i32 to vector<16xi32>
      %and3A_1801 = arith.andi %select_n3A_1791, %and3A_1800 : vector<16xi32>
      %add3A_1802 = arith.constant 160 : i32
      %add3A_1803 = arith.addi %mul3A_1085, %add3A_1802 : i32
      %add3A_1804 = vector.broadcast %add3A_1803 : i32 to vector<16xi32>
      %add3A_1805 = arith.addi %add3A_1804, %iota3A : vector<16xi32>
      tpu.vector_store_idx %arg18[%shift_right_logical3A_1798, %and3A_1801], %add3A_1805 : memref<8x64xi32, #tpu.memory_space<vmem>>[vector<16xi32>, vector<16xi32>], vector<16xi32>,
      %reduce_sum3A_1806 = arith.constant true
      %reduce_sum3A_1807 = vector.broadcast %reduce_sum3A_1806 : i1 to vector<16xi1>
      %reduce_sum3A_1808 = tpu.scan <sum>, %select_n3A_1773 masked %reduce_sum3A_1807 : vector<16xi32>, vector<16xi1> -> vector<16xi32>
      %reduce_sum3A_1809 = vector.extract %reduce_sum3A_1808[15] : i32 from vector<16xi32>
      %add3A_1810 = arith.addi %add3A_1743, %reduce_sum3A_1809 : i32
      %reduce_sum3A_1811 = arith.constant true
      %reduce_sum3A_1812 = vector.broadcast %reduce_sum3A_1811 : i1 to vector<16xi1>
      %reduce_sum3A_1813 = tpu.scan <sum>, %select_n3A_1776 masked %reduce_sum3A_1812 : vector<16xi32>, vector<16xi1> -> vector<16xi32>
      %reduce_sum3A_1814 = vector.extract %reduce_sum3A_1813[15] : i32 from vector<16xi32>
      %add3A_1815 = arith.addi %add3A_1748, %reduce_sum3A_1814 : i32
      %get3A_1816 = arith.constant 176 : index
      %get3A_1817 = tpu.vector_load %arg11[%get3A_1816] {strides = array<i32>} : memref<512xf32, #tpu.memory_space<vmem>>, vector<16xf32>,
      %get3A_1818 = arith.constant 176 : index
      %get3A_1819 = tpu.vector_load %arg12[%get3A_1818] {strides = array<i32>} : memref<512xf32, #tpu.memory_space<vmem>>, vector<16xf32>,
      %get3A_1820 = arith.constant 176 : index
      %get3A_1821 = tpu.vector_load %arg13[%get3A_1820] {strides = array<i32>} : memref<512xf32, #tpu.memory_space<vmem>>, vector<16xf32>,
      %get3A_1822 = arith.constant 176 : index
      %get3A_1823 = tpu.vector_load %arg14[%get3A_1822] {strides = array<i32>} : memref<512xi32, #tpu.memory_space<vmem>>, vector<16xi32>,
      %gt3A_1824 = arith.constant 0.000000e+00 : f32
      %gt3A_1825 = vector.broadcast %gt3A_1824 : f32 to vector<16xf32>
      %gt3A_1826 = arith.cmpf ogt, %get3A_1819, %gt3A_1825 : vector<16xf32>
      %max3A_1827 = arith.constant 1.000000e+00 : f32
      %max3A_1828 = vector.broadcast %max3A_1827 : f32 to vector<16xf32>
      %max3A_1829 = arith.maximumf %get3A_1819, %max3A_1828 : vector<16xf32>
      %div3A_1830 = arith.divf %get3A_1817, %max3A_1829 : vector<16xf32>
      %swap3A_1831 = arith.constant 176 : index
      %swap3A_1832 = tpu.vector_load %arg15[%swap3A_1831] {strides = array<i32>} : memref<512xf32, #tpu.memory_space<vmem>>, vector<16xf32>,
      tpu.vector_store %arg15[%swap3A_1831], %div3A_1830 {strides = array<i32>} : memref<512xf32, #tpu.memory_space<vmem>>, vector<16xf32>,
      %jit3A_1833 = arith.constant 0.000000e+00 : f32
      %broadcast_in_dim3A_1834 = vector.broadcast %jit3A_1833 : f32 to vector<16xf32>
      %select_n3A_1835 = arith.select %gt3A_1826, %get3A_1821, %broadcast_in_dim3A_1834 : vector<16xi1>, vector<16xf32>
      %swap3A_1836 = arith.constant 176 : index
      %swap3A_1837 = tpu.vector_load %arg16[%swap3A_1836] {strides = array<i32>} : memref<512xf32, #tpu.memory_space<vmem>>, vector<16xf32>,
      tpu.vector_store %arg16[%swap3A_1836], %select_n3A_1835 {strides = array<i32>} : memref<512xf32, #tpu.memory_space<vmem>>, vector<16xf32>,
      %jit3A_1838 = arith.constant 1 : i32
      %broadcast_in_dim3A_1839 = vector.broadcast %jit3A_1838 : i32 to vector<16xi32>
      %select_n3A_1840 = arith.select %gt3A_1826, %broadcast_in_dim3A_1839, %broadcast_in_dim3A_3 : vector<16xi1>, vector<16xi32>
      %jit3A_1841 = arith.constant 1 : i32
      %broadcast_in_dim3A_1842 = vector.broadcast %jit3A_1841 : i32 to vector<16xi32>
      %select_n3A_1843 = arith.select %gt3A_1826, %broadcast_in_dim3A_3, %broadcast_in_dim3A_1842 : vector<16xi1>, vector<16xi32>
      %sub3A_1844 = arith.constant 1 : i32
      %sub3A_1845 = arith.subi %add3A_1810, %sub3A_1844 : i32
      %broadcast_in_dim3A_1846 = arith.constant true
      %broadcast_in_dim3A_1847 = vector.broadcast %broadcast_in_dim3A_1846 : i1 to vector<16xi1>
      %masked_cumsum3A_1848 = tpu.scan <sum>, %select_n3A_1840 masked %broadcast_in_dim3A_1847 : vector<16xi32>, vector<16xi1> -> vector<16xi32>
      %add3A_1849 = vector.broadcast %sub3A_1845 : i32 to vector<16xi32>
      %add3A_1850 = arith.addi %add3A_1849, %masked_cumsum3A_1848 : vector<16xi32>
      %sub3A_1851 = arith.constant 512 : i32
      %sub3A_1852 = arith.subi %sub3A_1851, %add3A_1815 : i32
      %broadcast_in_dim3A_1853 = arith.constant true
      %broadcast_in_dim3A_1854 = vector.broadcast %broadcast_in_dim3A_1853 : i1 to vector<16xi1>
      %masked_cumsum3A_1855 = tpu.scan <sum>, %select_n3A_1843 masked %broadcast_in_dim3A_1854 : vector<16xi32>, vector<16xi1> -> vector<16xi32>
      %sub3A_1856 = vector.broadcast %sub3A_1852 : i32 to vector<16xi32>
      %sub3A_1857 = arith.subi %sub3A_1856, %masked_cumsum3A_1855 : vector<16xi32>
      %select_n3A_1858 = arith.select %gt3A_1826, %add3A_1850, %sub3A_1857 : vector<16xi1>, vector<16xi32>
      %add3A_1859 = vector.broadcast %mul3A_1083 : i32 to vector<16xi32>
      %add3A_1860 = arith.addi %add3A_1859, %get3A_1823 : vector<16xi32>
      %broadcast_in_dim3A_1861 = vector.broadcast %mul3A_1083 : i32 to vector<16xi32>
      %select_n3A_1862 = arith.select %gt3A_1826, %add3A_1860, %broadcast_in_dim3A_1861 : vector<16xi1>, vector<16xi32>
      tpu.vector_store_idx %arg17[%select_n3A_1858], %select_n3A_1862 : memref<512xi32, #tpu.memory_space<vmem>>[vector<16xi32>], vector<16xi32>,
      %shift_right_logical3A_1863 = arith.constant 6 : i32
      %shift_right_logical3A_1864 = vector.broadcast %shift_right_logical3A_1863 : i32 to vector<16xi32>
      %shift_right_logical3A_1865 = arith.shrui %select_n3A_1858, %shift_right_logical3A_1864 : vector<16xi32>
      %and3A_1866 = arith.constant 63 : i32
      %and3A_1867 = vector.broadcast %and3A_1866 : i32 to vector<16xi32>
      %and3A_1868 = arith.andi %select_n3A_1858, %and3A_1867 : vector<16xi32>
      %add3A_1869 = arith.constant 176 : i32
      %add3A_1870 = arith.addi %mul3A_1085, %add3A_1869 : i32
      %add3A_1871 = vector.broadcast %add3A_1870 : i32 to vector<16xi32>
      %add3A_1872 = arith.addi %add3A_1871, %iota3A : vector<16xi32>
      tpu.vector_store_idx %arg18[%shift_right_logical3A_1865, %and3A_1868], %add3A_1872 : memref<8x64xi32, #tpu.memory_space<vmem>>[vector<16xi32>, vector<16xi32>], vector<16xi32>,
      %reduce_sum3A_1873 = arith.constant true
      %reduce_sum3A_1874 = vector.broadcast %reduce_sum3A_1873 : i1 to vector<16xi1>
      %reduce_sum3A_1875 = tpu.scan <sum>, %select_n3A_1840 masked %reduce_sum3A_1874 : vector<16xi32>, vector<16xi1> -> vector<16xi32>
      %reduce_sum3A_1876 = vector.extract %reduce_sum3A_1875[15] : i32 from vector<16xi32>
      %add3A_1877 = arith.addi %add3A_1810, %reduce_sum3A_1876 : i32
      %reduce_sum3A_1878 = arith.constant true
      %reduce_sum3A_1879 = vector.broadcast %reduce_sum3A_1878 : i1 to vector<16xi1>
      %reduce_sum3A_1880 = tpu.scan <sum>, %select_n3A_1843 masked %reduce_sum3A_1879 : vector<16xi32>, vector<16xi1> -> vector<16xi32>
      %reduce_sum3A_1881 = vector.extract %reduce_sum3A_1880[15] : i32 from vector<16xi32>
      %add3A_1882 = arith.addi %add3A_1815, %reduce_sum3A_1881 : i32
      %get3A_1883 = arith.constant 192 : index
      %get3A_1884 = tpu.vector_load %arg11[%get3A_1883] {strides = array<i32>} : memref<512xf32, #tpu.memory_space<vmem>>, vector<16xf32>,
      %get3A_1885 = arith.constant 192 : index
      %get3A_1886 = tpu.vector_load %arg12[%get3A_1885] {strides = array<i32>} : memref<512xf32, #tpu.memory_space<vmem>>, vector<16xf32>,
      %get3A_1887 = arith.constant 192 : index
      %get3A_1888 = tpu.vector_load %arg13[%get3A_1887] {strides = array<i32>} : memref<512xf32, #tpu.memory_space<vmem>>, vector<16xf32>,
      %get3A_1889 = arith.constant 192 : index
      %get3A_1890 = tpu.vector_load %arg14[%get3A_1889] {strides = array<i32>} : memref<512xi32, #tpu.memory_space<vmem>>, vector<16xi32>,
      %gt3A_1891 = arith.constant 0.000000e+00 : f32
      %gt3A_1892 = vector.broadcast %gt3A_1891 : f32 to vector<16xf32>
      %gt3A_1893 = arith.cmpf ogt, %get3A_1886, %gt3A_1892 : vector<16xf32>
      %max3A_1894 = arith.constant 1.000000e+00 : f32
      %max3A_1895 = vector.broadcast %max3A_1894 : f32 to vector<16xf32>
      %max3A_1896 = arith.maximumf %get3A_1886, %max3A_1895 : vector<16xf32>
      %div3A_1897 = arith.divf %get3A_1884, %max3A_1896 : vector<16xf32>
      %swap3A_1898 = arith.constant 192 : index
      %swap3A_1899 = tpu.vector_load %arg15[%swap3A_1898] {strides = array<i32>} : memref<512xf32, #tpu.memory_space<vmem>>, vector<16xf32>,
      tpu.vector_store %arg15[%swap3A_1898], %div3A_1897 {strides = array<i32>} : memref<512xf32, #tpu.memory_space<vmem>>, vector<16xf32>,
      %jit3A_1900 = arith.constant 0.000000e+00 : f32
      %broadcast_in_dim3A_1901 = vector.broadcast %jit3A_1900 : f32 to vector<16xf32>
      %select_n3A_1902 = arith.select %gt3A_1893, %get3A_1888, %broadcast_in_dim3A_1901 : vector<16xi1>, vector<16xf32>
      %swap3A_1903 = arith.constant 192 : index
      %swap3A_1904 = tpu.vector_load %arg16[%swap3A_1903] {strides = array<i32>} : memref<512xf32, #tpu.memory_space<vmem>>, vector<16xf32>,
      tpu.vector_store %arg16[%swap3A_1903], %select_n3A_1902 {strides = array<i32>} : memref<512xf32, #tpu.memory_space<vmem>>, vector<16xf32>,
      %jit3A_1905 = arith.constant 1 : i32
      %broadcast_in_dim3A_1906 = vector.broadcast %jit3A_1905 : i32 to vector<16xi32>
      %select_n3A_1907 = arith.select %gt3A_1893, %broadcast_in_dim3A_1906, %broadcast_in_dim3A_3 : vector<16xi1>, vector<16xi32>
      %jit3A_1908 = arith.constant 1 : i32
      %broadcast_in_dim3A_1909 = vector.broadcast %jit3A_1908 : i32 to vector<16xi32>
      %select_n3A_1910 = arith.select %gt3A_1893, %broadcast_in_dim3A_3, %broadcast_in_dim3A_1909 : vector<16xi1>, vector<16xi32>
      %sub3A_1911 = arith.constant 1 : i32
      %sub3A_1912 = arith.subi %add3A_1877, %sub3A_1911 : i32
      %broadcast_in_dim3A_1913 = arith.constant true
      %broadcast_in_dim3A_1914 = vector.broadcast %broadcast_in_dim3A_1913 : i1 to vector<16xi1>
      %masked_cumsum3A_1915 = tpu.scan <sum>, %select_n3A_1907 masked %broadcast_in_dim3A_1914 : vector<16xi32>, vector<16xi1> -> vector<16xi32>
      %add3A_1916 = vector.broadcast %sub3A_1912 : i32 to vector<16xi32>
      %add3A_1917 = arith.addi %add3A_1916, %masked_cumsum3A_1915 : vector<16xi32>
      %sub3A_1918 = arith.constant 512 : i32
      %sub3A_1919 = arith.subi %sub3A_1918, %add3A_1882 : i32
      %broadcast_in_dim3A_1920 = arith.constant true
      %broadcast_in_dim3A_1921 = vector.broadcast %broadcast_in_dim3A_1920 : i1 to vector<16xi1>
      %masked_cumsum3A_1922 = tpu.scan <sum>, %select_n3A_1910 masked %broadcast_in_dim3A_1921 : vector<16xi32>, vector<16xi1> -> vector<16xi32>
      %sub3A_1923 = vector.broadcast %sub3A_1919 : i32 to vector<16xi32>
      %sub3A_1924 = arith.subi %sub3A_1923, %masked_cumsum3A_1922 : vector<16xi32>
      %select_n3A_1925 = arith.select %gt3A_1893, %add3A_1917, %sub3A_1924 : vector<16xi1>, vector<16xi32>
      %add3A_1926 = vector.broadcast %mul3A_1083 : i32 to vector<16xi32>
      %add3A_1927 = arith.addi %add3A_1926, %get3A_1890 : vector<16xi32>
      %broadcast_in_dim3A_1928 = vector.broadcast %mul3A_1083 : i32 to vector<16xi32>
      %select_n3A_1929 = arith.select %gt3A_1893, %add3A_1927, %broadcast_in_dim3A_1928 : vector<16xi1>, vector<16xi32>
      tpu.vector_store_idx %arg17[%select_n3A_1925], %select_n3A_1929 : memref<512xi32, #tpu.memory_space<vmem>>[vector<16xi32>], vector<16xi32>,
      %shift_right_logical3A_1930 = arith.constant 6 : i32
      %shift_right_logical3A_1931 = vector.broadcast %shift_right_logical3A_1930 : i32 to vector<16xi32>
      %shift_right_logical3A_1932 = arith.shrui %select_n3A_1925, %shift_right_logical3A_1931 : vector<16xi32>
      %and3A_1933 = arith.constant 63 : i32
      %and3A_1934 = vector.broadcast %and3A_1933 : i32 to vector<16xi32>
      %and3A_1935 = arith.andi %select_n3A_1925, %and3A_1934 : vector<16xi32>
      %add3A_1936 = arith.constant 192 : i32
      %add3A_1937 = arith.addi %mul3A_1085, %add3A_1936 : i32
      %add3A_1938 = vector.broadcast %add3A_1937 : i32 to vector<16xi32>
      %add3A_1939 = arith.addi %add3A_1938, %iota3A : vector<16xi32>
      tpu.vector_store_idx %arg18[%shift_right_logical3A_1932, %and3A_1935], %add3A_1939 : memref<8x64xi32, #tpu.memory_space<vmem>>[vector<16xi32>, vector<16xi32>], vector<16xi32>,
      %reduce_sum3A_1940 = arith.constant true
      %reduce_sum3A_1941 = vector.broadcast %reduce_sum3A_1940 : i1 to vector<16xi1>
      %reduce_sum3A_1942 = tpu.scan <sum>, %select_n3A_1907 masked %reduce_sum3A_1941 : vector<16xi32>, vector<16xi1> -> vector<16xi32>
      %reduce_sum3A_1943 = vector.extract %reduce_sum3A_1942[15] : i32 from vector<16xi32>
      %add3A_1944 = arith.addi %add3A_1877, %reduce_sum3A_1943 : i32
      %reduce_sum3A_1945 = arith.constant true
      %reduce_sum3A_1946 = vector.broadcast %reduce_sum3A_1945 : i1 to vector<16xi1>
      %reduce_sum3A_1947 = tpu.scan <sum>, %select_n3A_1910 masked %reduce_sum3A_1946 : vector<16xi32>, vector<16xi1> -> vector<16xi32>
      %reduce_sum3A_1948 = vector.extract %reduce_sum3A_1947[15] : i32 from vector<16xi32>
      %add3A_1949 = arith.addi %add3A_1882, %reduce_sum3A_1948 : i32
      %get3A_1950 = arith.constant 208 : index
      %get3A_1951 = tpu.vector_load %arg11[%get3A_1950] {strides = array<i32>} : memref<512xf32, #tpu.memory_space<vmem>>, vector<16xf32>,
      %get3A_1952 = arith.constant 208 : index
      %get3A_1953 = tpu.vector_load %arg12[%get3A_1952] {strides = array<i32>} : memref<512xf32, #tpu.memory_space<vmem>>, vector<16xf32>,
      %get3A_1954 = arith.constant 208 : index
      %get3A_1955 = tpu.vector_load %arg13[%get3A_1954] {strides = array<i32>} : memref<512xf32, #tpu.memory_space<vmem>>, vector<16xf32>,
      %get3A_1956 = arith.constant 208 : index
      %get3A_1957 = tpu.vector_load %arg14[%get3A_1956] {strides = array<i32>} : memref<512xi32, #tpu.memory_space<vmem>>, vector<16xi32>,
      %gt3A_1958 = arith.constant 0.000000e+00 : f32
      %gt3A_1959 = vector.broadcast %gt3A_1958 : f32 to vector<16xf32>
      %gt3A_1960 = arith.cmpf ogt, %get3A_1953, %gt3A_1959 : vector<16xf32>
      %max3A_1961 = arith.constant 1.000000e+00 : f32
      %max3A_1962 = vector.broadcast %max3A_1961 : f32 to vector<16xf32>
      %max3A_1963 = arith.maximumf %get3A_1953, %max3A_1962 : vector<16xf32>
      %div3A_1964 = arith.divf %get3A_1951, %max3A_1963 : vector<16xf32>
      %swap3A_1965 = arith.constant 208 : index
      %swap3A_1966 = tpu.vector_load %arg15[%swap3A_1965] {strides = array<i32>} : memref<512xf32, #tpu.memory_space<vmem>>, vector<16xf32>,
      tpu.vector_store %arg15[%swap3A_1965], %div3A_1964 {strides = array<i32>} : memref<512xf32, #tpu.memory_space<vmem>>, vector<16xf32>,
      %jit3A_1967 = arith.constant 0.000000e+00 : f32
      %broadcast_in_dim3A_1968 = vector.broadcast %jit3A_1967 : f32 to vector<16xf32>
      %select_n3A_1969 = arith.select %gt3A_1960, %get3A_1955, %broadcast_in_dim3A_1968 : vector<16xi1>, vector<16xf32>
      %swap3A_1970 = arith.constant 208 : index
      %swap3A_1971 = tpu.vector_load %arg16[%swap3A_1970] {strides = array<i32>} : memref<512xf32, #tpu.memory_space<vmem>>, vector<16xf32>,
      tpu.vector_store %arg16[%swap3A_1970], %select_n3A_1969 {strides = array<i32>} : memref<512xf32, #tpu.memory_space<vmem>>, vector<16xf32>,
      %jit3A_1972 = arith.constant 1 : i32
      %broadcast_in_dim3A_1973 = vector.broadcast %jit3A_1972 : i32 to vector<16xi32>
      %select_n3A_1974 = arith.select %gt3A_1960, %broadcast_in_dim3A_1973, %broadcast_in_dim3A_3 : vector<16xi1>, vector<16xi32>
      %jit3A_1975 = arith.constant 1 : i32
      %broadcast_in_dim3A_1976 = vector.broadcast %jit3A_1975 : i32 to vector<16xi32>
      %select_n3A_1977 = arith.select %gt3A_1960, %broadcast_in_dim3A_3, %broadcast_in_dim3A_1976 : vector<16xi1>, vector<16xi32>
      %sub3A_1978 = arith.constant 1 : i32
      %sub3A_1979 = arith.subi %add3A_1944, %sub3A_1978 : i32
      %broadcast_in_dim3A_1980 = arith.constant true
      %broadcast_in_dim3A_1981 = vector.broadcast %broadcast_in_dim3A_1980 : i1 to vector<16xi1>
      %masked_cumsum3A_1982 = tpu.scan <sum>, %select_n3A_1974 masked %broadcast_in_dim3A_1981 : vector<16xi32>, vector<16xi1> -> vector<16xi32>
      %add3A_1983 = vector.broadcast %sub3A_1979 : i32 to vector<16xi32>
      %add3A_1984 = arith.addi %add3A_1983, %masked_cumsum3A_1982 : vector<16xi32>
      %sub3A_1985 = arith.constant 512 : i32
      %sub3A_1986 = arith.subi %sub3A_1985, %add3A_1949 : i32
      %broadcast_in_dim3A_1987 = arith.constant true
      %broadcast_in_dim3A_1988 = vector.broadcast %broadcast_in_dim3A_1987 : i1 to vector<16xi1>
      %masked_cumsum3A_1989 = tpu.scan <sum>, %select_n3A_1977 masked %broadcast_in_dim3A_1988 : vector<16xi32>, vector<16xi1> -> vector<16xi32>
      %sub3A_1990 = vector.broadcast %sub3A_1986 : i32 to vector<16xi32>
      %sub3A_1991 = arith.subi %sub3A_1990, %masked_cumsum3A_1989 : vector<16xi32>
      %select_n3A_1992 = arith.select %gt3A_1960, %add3A_1984, %sub3A_1991 : vector<16xi1>, vector<16xi32>
      %add3A_1993 = vector.broadcast %mul3A_1083 : i32 to vector<16xi32>
      %add3A_1994 = arith.addi %add3A_1993, %get3A_1957 : vector<16xi32>
      %broadcast_in_dim3A_1995 = vector.broadcast %mul3A_1083 : i32 to vector<16xi32>
      %select_n3A_1996 = arith.select %gt3A_1960, %add3A_1994, %broadcast_in_dim3A_1995 : vector<16xi1>, vector<16xi32>
      tpu.vector_store_idx %arg17[%select_n3A_1992], %select_n3A_1996 : memref<512xi32, #tpu.memory_space<vmem>>[vector<16xi32>], vector<16xi32>,
      %shift_right_logical3A_1997 = arith.constant 6 : i32
      %shift_right_logical3A_1998 = vector.broadcast %shift_right_logical3A_1997 : i32 to vector<16xi32>
      %shift_right_logical3A_1999 = arith.shrui %select_n3A_1992, %shift_right_logical3A_1998 : vector<16xi32>
      %and3A_2000 = arith.constant 63 : i32
      %and3A_2001 = vector.broadcast %and3A_2000 : i32 to vector<16xi32>
      %and3A_2002 = arith.andi %select_n3A_1992, %and3A_2001 : vector<16xi32>
      %add3A_2003 = arith.constant 208 : i32
      %add3A_2004 = arith.addi %mul3A_1085, %add3A_2003 : i32
      %add3A_2005 = vector.broadcast %add3A_2004 : i32 to vector<16xi32>
      %add3A_2006 = arith.addi %add3A_2005, %iota3A : vector<16xi32>
      tpu.vector_store_idx %arg18[%shift_right_logical3A_1999, %and3A_2002], %add3A_2006 : memref<8x64xi32, #tpu.memory_space<vmem>>[vector<16xi32>, vector<16xi32>], vector<16xi32>,
      %reduce_sum3A_2007 = arith.constant true
      %reduce_sum3A_2008 = vector.broadcast %reduce_sum3A_2007 : i1 to vector<16xi1>
      %reduce_sum3A_2009 = tpu.scan <sum>, %select_n3A_1974 masked %reduce_sum3A_2008 : vector<16xi32>, vector<16xi1> -> vector<16xi32>
      %reduce_sum3A_2010 = vector.extract %reduce_sum3A_2009[15] : i32 from vector<16xi32>
      %add3A_2011 = arith.addi %add3A_1944, %reduce_sum3A_2010 : i32
      %reduce_sum3A_2012 = arith.constant true
      %reduce_sum3A_2013 = vector.broadcast %reduce_sum3A_2012 : i1 to vector<16xi1>
      %reduce_sum3A_2014 = tpu.scan <sum>, %select_n3A_1977 masked %reduce_sum3A_2013 : vector<16xi32>, vector<16xi1> -> vector<16xi32>
      %reduce_sum3A_2015 = vector.extract %reduce_sum3A_2014[15] : i32 from vector<16xi32>
      %add3A_2016 = arith.addi %add3A_1949, %reduce_sum3A_2015 : i32
      %get3A_2017 = arith.constant 224 : index
      %get3A_2018 = tpu.vector_load %arg11[%get3A_2017] {strides = array<i32>} : memref<512xf32, #tpu.memory_space<vmem>>, vector<16xf32>,
      %get3A_2019 = arith.constant 224 : index
      %get3A_2020 = tpu.vector_load %arg12[%get3A_2019] {strides = array<i32>} : memref<512xf32, #tpu.memory_space<vmem>>, vector<16xf32>,
      %get3A_2021 = arith.constant 224 : index
      %get3A_2022 = tpu.vector_load %arg13[%get3A_2021] {strides = array<i32>} : memref<512xf32, #tpu.memory_space<vmem>>, vector<16xf32>,
      %get3A_2023 = arith.constant 224 : index
      %get3A_2024 = tpu.vector_load %arg14[%get3A_2023] {strides = array<i32>} : memref<512xi32, #tpu.memory_space<vmem>>, vector<16xi32>,
      %gt3A_2025 = arith.constant 0.000000e+00 : f32
      %gt3A_2026 = vector.broadcast %gt3A_2025 : f32 to vector<16xf32>
      %gt3A_2027 = arith.cmpf ogt, %get3A_2020, %gt3A_2026 : vector<16xf32>
      %max3A_2028 = arith.constant 1.000000e+00 : f32
      %max3A_2029 = vector.broadcast %max3A_2028 : f32 to vector<16xf32>
      %max3A_2030 = arith.maximumf %get3A_2020, %max3A_2029 : vector<16xf32>
      %div3A_2031 = arith.divf %get3A_2018, %max3A_2030 : vector<16xf32>
      %swap3A_2032 = arith.constant 224 : index
      %swap3A_2033 = tpu.vector_load %arg15[%swap3A_2032] {strides = array<i32>} : memref<512xf32, #tpu.memory_space<vmem>>, vector<16xf32>,
      tpu.vector_store %arg15[%swap3A_2032], %div3A_2031 {strides = array<i32>} : memref<512xf32, #tpu.memory_space<vmem>>, vector<16xf32>,
      %jit3A_2034 = arith.constant 0.000000e+00 : f32
      %broadcast_in_dim3A_2035 = vector.broadcast %jit3A_2034 : f32 to vector<16xf32>
      %select_n3A_2036 = arith.select %gt3A_2027, %get3A_2022, %broadcast_in_dim3A_2035 : vector<16xi1>, vector<16xf32>
      %swap3A_2037 = arith.constant 224 : index
      %swap3A_2038 = tpu.vector_load %arg16[%swap3A_2037] {strides = array<i32>} : memref<512xf32, #tpu.memory_space<vmem>>, vector<16xf32>,
      tpu.vector_store %arg16[%swap3A_2037], %select_n3A_2036 {strides = array<i32>} : memref<512xf32, #tpu.memory_space<vmem>>, vector<16xf32>,
      %jit3A_2039 = arith.constant 1 : i32
      %broadcast_in_dim3A_2040 = vector.broadcast %jit3A_2039 : i32 to vector<16xi32>
      %select_n3A_2041 = arith.select %gt3A_2027, %broadcast_in_dim3A_2040, %broadcast_in_dim3A_3 : vector<16xi1>, vector<16xi32>
      %jit3A_2042 = arith.constant 1 : i32
      %broadcast_in_dim3A_2043 = vector.broadcast %jit3A_2042 : i32 to vector<16xi32>
      %select_n3A_2044 = arith.select %gt3A_2027, %broadcast_in_dim3A_3, %broadcast_in_dim3A_2043 : vector<16xi1>, vector<16xi32>
      %sub3A_2045 = arith.constant 1 : i32
      %sub3A_2046 = arith.subi %add3A_2011, %sub3A_2045 : i32
      %broadcast_in_dim3A_2047 = arith.constant true
      %broadcast_in_dim3A_2048 = vector.broadcast %broadcast_in_dim3A_2047 : i1 to vector<16xi1>
      %masked_cumsum3A_2049 = tpu.scan <sum>, %select_n3A_2041 masked %broadcast_in_dim3A_2048 : vector<16xi32>, vector<16xi1> -> vector<16xi32>
      %add3A_2050 = vector.broadcast %sub3A_2046 : i32 to vector<16xi32>
      %add3A_2051 = arith.addi %add3A_2050, %masked_cumsum3A_2049 : vector<16xi32>
      %sub3A_2052 = arith.constant 512 : i32
      %sub3A_2053 = arith.subi %sub3A_2052, %add3A_2016 : i32
      %broadcast_in_dim3A_2054 = arith.constant true
      %broadcast_in_dim3A_2055 = vector.broadcast %broadcast_in_dim3A_2054 : i1 to vector<16xi1>
      %masked_cumsum3A_2056 = tpu.scan <sum>, %select_n3A_2044 masked %broadcast_in_dim3A_2055 : vector<16xi32>, vector<16xi1> -> vector<16xi32>
      %sub3A_2057 = vector.broadcast %sub3A_2053 : i32 to vector<16xi32>
      %sub3A_2058 = arith.subi %sub3A_2057, %masked_cumsum3A_2056 : vector<16xi32>
      %select_n3A_2059 = arith.select %gt3A_2027, %add3A_2051, %sub3A_2058 : vector<16xi1>, vector<16xi32>
      %add3A_2060 = vector.broadcast %mul3A_1083 : i32 to vector<16xi32>
      %add3A_2061 = arith.addi %add3A_2060, %get3A_2024 : vector<16xi32>
      %broadcast_in_dim3A_2062 = vector.broadcast %mul3A_1083 : i32 to vector<16xi32>
      %select_n3A_2063 = arith.select %gt3A_2027, %add3A_2061, %broadcast_in_dim3A_2062 : vector<16xi1>, vector<16xi32>
      tpu.vector_store_idx %arg17[%select_n3A_2059], %select_n3A_2063 : memref<512xi32, #tpu.memory_space<vmem>>[vector<16xi32>], vector<16xi32>,
      %shift_right_logical3A_2064 = arith.constant 6 : i32
      %shift_right_logical3A_2065 = vector.broadcast %shift_right_logical3A_2064 : i32 to vector<16xi32>
      %shift_right_logical3A_2066 = arith.shrui %select_n3A_2059, %shift_right_logical3A_2065 : vector<16xi32>
      %and3A_2067 = arith.constant 63 : i32
      %and3A_2068 = vector.broadcast %and3A_2067 : i32 to vector<16xi32>
      %and3A_2069 = arith.andi %select_n3A_2059, %and3A_2068 : vector<16xi32>
      %add3A_2070 = arith.constant 224 : i32
      %add3A_2071 = arith.addi %mul3A_1085, %add3A_2070 : i32
      %add3A_2072 = vector.broadcast %add3A_2071 : i32 to vector<16xi32>
      %add3A_2073 = arith.addi %add3A_2072, %iota3A : vector<16xi32>
      tpu.vector_store_idx %arg18[%shift_right_logical3A_2066, %and3A_2069], %add3A_2073 : memref<8x64xi32, #tpu.memory_space<vmem>>[vector<16xi32>, vector<16xi32>], vector<16xi32>,
      %reduce_sum3A_2074 = arith.constant true
      %reduce_sum3A_2075 = vector.broadcast %reduce_sum3A_2074 : i1 to vector<16xi1>
      %reduce_sum3A_2076 = tpu.scan <sum>, %select_n3A_2041 masked %reduce_sum3A_2075 : vector<16xi32>, vector<16xi1> -> vector<16xi32>
      %reduce_sum3A_2077 = vector.extract %reduce_sum3A_2076[15] : i32 from vector<16xi32>
      %add3A_2078 = arith.addi %add3A_2011, %reduce_sum3A_2077 : i32
      %reduce_sum3A_2079 = arith.constant true
      %reduce_sum3A_2080 = vector.broadcast %reduce_sum3A_2079 : i1 to vector<16xi1>
      %reduce_sum3A_2081 = tpu.scan <sum>, %select_n3A_2044 masked %reduce_sum3A_2080 : vector<16xi32>, vector<16xi1> -> vector<16xi32>
      %reduce_sum3A_2082 = vector.extract %reduce_sum3A_2081[15] : i32 from vector<16xi32>
      %add3A_2083 = arith.addi %add3A_2016, %reduce_sum3A_2082 : i32
      %get3A_2084 = arith.constant 240 : index
      %get3A_2085 = tpu.vector_load %arg11[%get3A_2084] {strides = array<i32>} : memref<512xf32, #tpu.memory_space<vmem>>, vector<16xf32>,
      %get3A_2086 = arith.constant 240 : index
      %get3A_2087 = tpu.vector_load %arg12[%get3A_2086] {strides = array<i32>} : memref<512xf32, #tpu.memory_space<vmem>>, vector<16xf32>,
      %get3A_2088 = arith.constant 240 : index
      %get3A_2089 = tpu.vector_load %arg13[%get3A_2088] {strides = array<i32>} : memref<512xf32, #tpu.memory_space<vmem>>, vector<16xf32>,
      %get3A_2090 = arith.constant 240 : index
      %get3A_2091 = tpu.vector_load %arg14[%get3A_2090] {strides = array<i32>} : memref<512xi32, #tpu.memory_space<vmem>>, vector<16xi32>,
      %gt3A_2092 = arith.constant 0.000000e+00 : f32
      %gt3A_2093 = vector.broadcast %gt3A_2092 : f32 to vector<16xf32>
      %gt3A_2094 = arith.cmpf ogt, %get3A_2087, %gt3A_2093 : vector<16xf32>
      %max3A_2095 = arith.constant 1.000000e+00 : f32
      %max3A_2096 = vector.broadcast %max3A_2095 : f32 to vector<16xf32>
      %max3A_2097 = arith.maximumf %get3A_2087, %max3A_2096 : vector<16xf32>
      %div3A_2098 = arith.divf %get3A_2085, %max3A_2097 : vector<16xf32>
      %swap3A_2099 = arith.constant 240 : index
      %swap3A_2100 = tpu.vector_load %arg15[%swap3A_2099] {strides = array<i32>} : memref<512xf32, #tpu.memory_space<vmem>>, vector<16xf32>,
      tpu.vector_store %arg15[%swap3A_2099], %div3A_2098 {strides = array<i32>} : memref<512xf32, #tpu.memory_space<vmem>>, vector<16xf32>,
      %jit3A_2101 = arith.constant 0.000000e+00 : f32
      %broadcast_in_dim3A_2102 = vector.broadcast %jit3A_2101 : f32 to vector<16xf32>
      %select_n3A_2103 = arith.select %gt3A_2094, %get3A_2089, %broadcast_in_dim3A_2102 : vector<16xi1>, vector<16xf32>
      %swap3A_2104 = arith.constant 240 : index
      %swap3A_2105 = tpu.vector_load %arg16[%swap3A_2104] {strides = array<i32>} : memref<512xf32, #tpu.memory_space<vmem>>, vector<16xf32>,
      tpu.vector_store %arg16[%swap3A_2104], %select_n3A_2103 {strides = array<i32>} : memref<512xf32, #tpu.memory_space<vmem>>, vector<16xf32>,
      %jit3A_2106 = arith.constant 1 : i32
      %broadcast_in_dim3A_2107 = vector.broadcast %jit3A_2106 : i32 to vector<16xi32>
      %select_n3A_2108 = arith.select %gt3A_2094, %broadcast_in_dim3A_2107, %broadcast_in_dim3A_3 : vector<16xi1>, vector<16xi32>
      %jit3A_2109 = arith.constant 1 : i32
      %broadcast_in_dim3A_2110 = vector.broadcast %jit3A_2109 : i32 to vector<16xi32>
      %select_n3A_2111 = arith.select %gt3A_2094, %broadcast_in_dim3A_3, %broadcast_in_dim3A_2110 : vector<16xi1>, vector<16xi32>
      %sub3A_2112 = arith.constant 1 : i32
      %sub3A_2113 = arith.subi %add3A_2078, %sub3A_2112 : i32
      %broadcast_in_dim3A_2114 = arith.constant true
      %broadcast_in_dim3A_2115 = vector.broadcast %broadcast_in_dim3A_2114 : i1 to vector<16xi1>
      %masked_cumsum3A_2116 = tpu.scan <sum>, %select_n3A_2108 masked %broadcast_in_dim3A_2115 : vector<16xi32>, vector<16xi1> -> vector<16xi32>
      %add3A_2117 = vector.broadcast %sub3A_2113 : i32 to vector<16xi32>
      %add3A_2118 = arith.addi %add3A_2117, %masked_cumsum3A_2116 : vector<16xi32>
      %sub3A_2119 = arith.constant 512 : i32
      %sub3A_2120 = arith.subi %sub3A_2119, %add3A_2083 : i32
      %broadcast_in_dim3A_2121 = arith.constant true
      %broadcast_in_dim3A_2122 = vector.broadcast %broadcast_in_dim3A_2121 : i1 to vector<16xi1>
      %masked_cumsum3A_2123 = tpu.scan <sum>, %select_n3A_2111 masked %broadcast_in_dim3A_2122 : vector<16xi32>, vector<16xi1> -> vector<16xi32>
      %sub3A_2124 = vector.broadcast %sub3A_2120 : i32 to vector<16xi32>
      %sub3A_2125 = arith.subi %sub3A_2124, %masked_cumsum3A_2123 : vector<16xi32>
      %select_n3A_2126 = arith.select %gt3A_2094, %add3A_2118, %sub3A_2125 : vector<16xi1>, vector<16xi32>
      %add3A_2127 = vector.broadcast %mul3A_1083 : i32 to vector<16xi32>
      %add3A_2128 = arith.addi %add3A_2127, %get3A_2091 : vector<16xi32>
      %broadcast_in_dim3A_2129 = vector.broadcast %mul3A_1083 : i32 to vector<16xi32>
      %select_n3A_2130 = arith.select %gt3A_2094, %add3A_2128, %broadcast_in_dim3A_2129 : vector<16xi1>, vector<16xi32>
      tpu.vector_store_idx %arg17[%select_n3A_2126], %select_n3A_2130 : memref<512xi32, #tpu.memory_space<vmem>>[vector<16xi32>], vector<16xi32>,
      %shift_right_logical3A_2131 = arith.constant 6 : i32
      %shift_right_logical3A_2132 = vector.broadcast %shift_right_logical3A_2131 : i32 to vector<16xi32>
      %shift_right_logical3A_2133 = arith.shrui %select_n3A_2126, %shift_right_logical3A_2132 : vector<16xi32>
      %and3A_2134 = arith.constant 63 : i32
      %and3A_2135 = vector.broadcast %and3A_2134 : i32 to vector<16xi32>
      %and3A_2136 = arith.andi %select_n3A_2126, %and3A_2135 : vector<16xi32>
      %add3A_2137 = arith.constant 240 : i32
      %add3A_2138 = arith.addi %mul3A_1085, %add3A_2137 : i32
      %add3A_2139 = vector.broadcast %add3A_2138 : i32 to vector<16xi32>
      %add3A_2140 = arith.addi %add3A_2139, %iota3A : vector<16xi32>
      tpu.vector_store_idx %arg18[%shift_right_logical3A_2133, %and3A_2136], %add3A_2140 : memref<8x64xi32, #tpu.memory_space<vmem>>[vector<16xi32>, vector<16xi32>], vector<16xi32>,
      %reduce_sum3A_2141 = arith.constant true
      %reduce_sum3A_2142 = vector.broadcast %reduce_sum3A_2141 : i1 to vector<16xi1>
      %reduce_sum3A_2143 = tpu.scan <sum>, %select_n3A_2108 masked %reduce_sum3A_2142 : vector<16xi32>, vector<16xi1> -> vector<16xi32>
      %reduce_sum3A_2144 = vector.extract %reduce_sum3A_2143[15] : i32 from vector<16xi32>
      %add3A_2145 = arith.addi %add3A_2078, %reduce_sum3A_2144 : i32
      %reduce_sum3A_2146 = arith.constant true
      %reduce_sum3A_2147 = vector.broadcast %reduce_sum3A_2146 : i1 to vector<16xi1>
      %reduce_sum3A_2148 = tpu.scan <sum>, %select_n3A_2111 masked %reduce_sum3A_2147 : vector<16xi32>, vector<16xi1> -> vector<16xi32>
      %reduce_sum3A_2149 = vector.extract %reduce_sum3A_2148[15] : i32 from vector<16xi32>
      %add3A_2150 = arith.addi %add3A_2083, %reduce_sum3A_2149 : i32
      %get3A_2151 = arith.constant 256 : index
      %get3A_2152 = tpu.vector_load %arg11[%get3A_2151] {strides = array<i32>} : memref<512xf32, #tpu.memory_space<vmem>>, vector<16xf32>,
      %get3A_2153 = arith.constant 256 : index
      %get3A_2154 = tpu.vector_load %arg12[%get3A_2153] {strides = array<i32>} : memref<512xf32, #tpu.memory_space<vmem>>, vector<16xf32>,
      %get3A_2155 = arith.constant 256 : index
      %get3A_2156 = tpu.vector_load %arg13[%get3A_2155] {strides = array<i32>} : memref<512xf32, #tpu.memory_space<vmem>>, vector<16xf32>,
      %get3A_2157 = arith.constant 256 : index
      %get3A_2158 = tpu.vector_load %arg14[%get3A_2157] {strides = array<i32>} : memref<512xi32, #tpu.memory_space<vmem>>, vector<16xi32>,
      %gt3A_2159 = arith.constant 0.000000e+00 : f32
      %gt3A_2160 = vector.broadcast %gt3A_2159 : f32 to vector<16xf32>
      %gt3A_2161 = arith.cmpf ogt, %get3A_2154, %gt3A_2160 : vector<16xf32>
      %max3A_2162 = arith.constant 1.000000e+00 : f32
      %max3A_2163 = vector.broadcast %max3A_2162 : f32 to vector<16xf32>
      %max3A_2164 = arith.maximumf %get3A_2154, %max3A_2163 : vector<16xf32>
      %div3A_2165 = arith.divf %get3A_2152, %max3A_2164 : vector<16xf32>
      %swap3A_2166 = arith.constant 256 : index
      %swap3A_2167 = tpu.vector_load %arg15[%swap3A_2166] {strides = array<i32>} : memref<512xf32, #tpu.memory_space<vmem>>, vector<16xf32>,
      tpu.vector_store %arg15[%swap3A_2166], %div3A_2165 {strides = array<i32>} : memref<512xf32, #tpu.memory_space<vmem>>, vector<16xf32>,
      %jit3A_2168 = arith.constant 0.000000e+00 : f32
      %broadcast_in_dim3A_2169 = vector.broadcast %jit3A_2168 : f32 to vector<16xf32>
      %select_n3A_2170 = arith.select %gt3A_2161, %get3A_2156, %broadcast_in_dim3A_2169 : vector<16xi1>, vector<16xf32>
      %swap3A_2171 = arith.constant 256 : index
      %swap3A_2172 = tpu.vector_load %arg16[%swap3A_2171] {strides = array<i32>} : memref<512xf32, #tpu.memory_space<vmem>>, vector<16xf32>,
      tpu.vector_store %arg16[%swap3A_2171], %select_n3A_2170 {strides = array<i32>} : memref<512xf32, #tpu.memory_space<vmem>>, vector<16xf32>,
      %jit3A_2173 = arith.constant 1 : i32
      %broadcast_in_dim3A_2174 = vector.broadcast %jit3A_2173 : i32 to vector<16xi32>
      %select_n3A_2175 = arith.select %gt3A_2161, %broadcast_in_dim3A_2174, %broadcast_in_dim3A_3 : vector<16xi1>, vector<16xi32>
      %jit3A_2176 = arith.constant 1 : i32
      %broadcast_in_dim3A_2177 = vector.broadcast %jit3A_2176 : i32 to vector<16xi32>
      %select_n3A_2178 = arith.select %gt3A_2161, %broadcast_in_dim3A_3, %broadcast_in_dim3A_2177 : vector<16xi1>, vector<16xi32>
      %sub3A_2179 = arith.constant 1 : i32
      %sub3A_2180 = arith.subi %add3A_2145, %sub3A_2179 : i32
      %broadcast_in_dim3A_2181 = arith.constant true
      %broadcast_in_dim3A_2182 = vector.broadcast %broadcast_in_dim3A_2181 : i1 to vector<16xi1>
      %masked_cumsum3A_2183 = tpu.scan <sum>, %select_n3A_2175 masked %broadcast_in_dim3A_2182 : vector<16xi32>, vector<16xi1> -> vector<16xi32>
      %add3A_2184 = vector.broadcast %sub3A_2180 : i32 to vector<16xi32>
      %add3A_2185 = arith.addi %add3A_2184, %masked_cumsum3A_2183 : vector<16xi32>
      %sub3A_2186 = arith.constant 512 : i32
      %sub3A_2187 = arith.subi %sub3A_2186, %add3A_2150 : i32
      %broadcast_in_dim3A_2188 = arith.constant true
      %broadcast_in_dim3A_2189 = vector.broadcast %broadcast_in_dim3A_2188 : i1 to vector<16xi1>
      %masked_cumsum3A_2190 = tpu.scan <sum>, %select_n3A_2178 masked %broadcast_in_dim3A_2189 : vector<16xi32>, vector<16xi1> -> vector<16xi32>
      %sub3A_2191 = vector.broadcast %sub3A_2187 : i32 to vector<16xi32>
      %sub3A_2192 = arith.subi %sub3A_2191, %masked_cumsum3A_2190 : vector<16xi32>
      %select_n3A_2193 = arith.select %gt3A_2161, %add3A_2185, %sub3A_2192 : vector<16xi1>, vector<16xi32>
      %add3A_2194 = vector.broadcast %mul3A_1083 : i32 to vector<16xi32>
      %add3A_2195 = arith.addi %add3A_2194, %get3A_2158 : vector<16xi32>
      %broadcast_in_dim3A_2196 = vector.broadcast %mul3A_1083 : i32 to vector<16xi32>
      %select_n3A_2197 = arith.select %gt3A_2161, %add3A_2195, %broadcast_in_dim3A_2196 : vector<16xi1>, vector<16xi32>
      tpu.vector_store_idx %arg17[%select_n3A_2193], %select_n3A_2197 : memref<512xi32, #tpu.memory_space<vmem>>[vector<16xi32>], vector<16xi32>,
      %shift_right_logical3A_2198 = arith.constant 6 : i32
      %shift_right_logical3A_2199 = vector.broadcast %shift_right_logical3A_2198 : i32 to vector<16xi32>
      %shift_right_logical3A_2200 = arith.shrui %select_n3A_2193, %shift_right_logical3A_2199 : vector<16xi32>
      %and3A_2201 = arith.constant 63 : i32
      %and3A_2202 = vector.broadcast %and3A_2201 : i32 to vector<16xi32>
      %and3A_2203 = arith.andi %select_n3A_2193, %and3A_2202 : vector<16xi32>
      %add3A_2204 = arith.constant 256 : i32
      %add3A_2205 = arith.addi %mul3A_1085, %add3A_2204 : i32
      %add3A_2206 = vector.broadcast %add3A_2205 : i32 to vector<16xi32>
      %add3A_2207 = arith.addi %add3A_2206, %iota3A : vector<16xi32>
      tpu.vector_store_idx %arg18[%shift_right_logical3A_2200, %and3A_2203], %add3A_2207 : memref<8x64xi32, #tpu.memory_space<vmem>>[vector<16xi32>, vector<16xi32>], vector<16xi32>,
      %reduce_sum3A_2208 = arith.constant true
      %reduce_sum3A_2209 = vector.broadcast %reduce_sum3A_2208 : i1 to vector<16xi1>
      %reduce_sum3A_2210 = tpu.scan <sum>, %select_n3A_2175 masked %reduce_sum3A_2209 : vector<16xi32>, vector<16xi1> -> vector<16xi32>
      %reduce_sum3A_2211 = vector.extract %reduce_sum3A_2210[15] : i32 from vector<16xi32>
      %add3A_2212 = arith.addi %add3A_2145, %reduce_sum3A_2211 : i32
      %reduce_sum3A_2213 = arith.constant true
      %reduce_sum3A_2214 = vector.broadcast %reduce_sum3A_2213 : i1 to vector<16xi1>
      %reduce_sum3A_2215 = tpu.scan <sum>, %select_n3A_2178 masked %reduce_sum3A_2214 : vector<16xi32>, vector<16xi1> -> vector<16xi32>
      %reduce_sum3A_2216 = vector.extract %reduce_sum3A_2215[15] : i32 from vector<16xi32>
      %add3A_2217 = arith.addi %add3A_2150, %reduce_sum3A_2216 : i32
      %get3A_2218 = arith.constant 272 : index
      %get3A_2219 = tpu.vector_load %arg11[%get3A_2218] {strides = array<i32>} : memref<512xf32, #tpu.memory_space<vmem>>, vector<16xf32>,
      %get3A_2220 = arith.constant 272 : index
      %get3A_2221 = tpu.vector_load %arg12[%get3A_2220] {strides = array<i32>} : memref<512xf32, #tpu.memory_space<vmem>>, vector<16xf32>,
      %get3A_2222 = arith.constant 272 : index
      %get3A_2223 = tpu.vector_load %arg13[%get3A_2222] {strides = array<i32>} : memref<512xf32, #tpu.memory_space<vmem>>, vector<16xf32>,
      %get3A_2224 = arith.constant 272 : index
      %get3A_2225 = tpu.vector_load %arg14[%get3A_2224] {strides = array<i32>} : memref<512xi32, #tpu.memory_space<vmem>>, vector<16xi32>,
      %gt3A_2226 = arith.constant 0.000000e+00 : f32
      %gt3A_2227 = vector.broadcast %gt3A_2226 : f32 to vector<16xf32>
      %gt3A_2228 = arith.cmpf ogt, %get3A_2221, %gt3A_2227 : vector<16xf32>
      %max3A_2229 = arith.constant 1.000000e+00 : f32
      %max3A_2230 = vector.broadcast %max3A_2229 : f32 to vector<16xf32>
      %max3A_2231 = arith.maximumf %get3A_2221, %max3A_2230 : vector<16xf32>
      %div3A_2232 = arith.divf %get3A_2219, %max3A_2231 : vector<16xf32>
      %swap3A_2233 = arith.constant 272 : index
      %swap3A_2234 = tpu.vector_load %arg15[%swap3A_2233] {strides = array<i32>} : memref<512xf32, #tpu.memory_space<vmem>>, vector<16xf32>,
      tpu.vector_store %arg15[%swap3A_2233], %div3A_2232 {strides = array<i32>} : memref<512xf32, #tpu.memory_space<vmem>>, vector<16xf32>,
      %jit3A_2235 = arith.constant 0.000000e+00 : f32
      %broadcast_in_dim3A_2236 = vector.broadcast %jit3A_2235 : f32 to vector<16xf32>
      %select_n3A_2237 = arith.select %gt3A_2228, %get3A_2223, %broadcast_in_dim3A_2236 : vector<16xi1>, vector<16xf32>
      %swap3A_2238 = arith.constant 272 : index
      %swap3A_2239 = tpu.vector_load %arg16[%swap3A_2238] {strides = array<i32>} : memref<512xf32, #tpu.memory_space<vmem>>, vector<16xf32>,
      tpu.vector_store %arg16[%swap3A_2238], %select_n3A_2237 {strides = array<i32>} : memref<512xf32, #tpu.memory_space<vmem>>, vector<16xf32>,
      %jit3A_2240 = arith.constant 1 : i32
      %broadcast_in_dim3A_2241 = vector.broadcast %jit3A_2240 : i32 to vector<16xi32>
      %select_n3A_2242 = arith.select %gt3A_2228, %broadcast_in_dim3A_2241, %broadcast_in_dim3A_3 : vector<16xi1>, vector<16xi32>
      %jit3A_2243 = arith.constant 1 : i32
      %broadcast_in_dim3A_2244 = vector.broadcast %jit3A_2243 : i32 to vector<16xi32>
      %select_n3A_2245 = arith.select %gt3A_2228, %broadcast_in_dim3A_3, %broadcast_in_dim3A_2244 : vector<16xi1>, vector<16xi32>
      %sub3A_2246 = arith.constant 1 : i32
      %sub3A_2247 = arith.subi %add3A_2212, %sub3A_2246 : i32
      %broadcast_in_dim3A_2248 = arith.constant true
      %broadcast_in_dim3A_2249 = vector.broadcast %broadcast_in_dim3A_2248 : i1 to vector<16xi1>
      %masked_cumsum3A_2250 = tpu.scan <sum>, %select_n3A_2242 masked %broadcast_in_dim3A_2249 : vector<16xi32>, vector<16xi1> -> vector<16xi32>
      %add3A_2251 = vector.broadcast %sub3A_2247 : i32 to vector<16xi32>
      %add3A_2252 = arith.addi %add3A_2251, %masked_cumsum3A_2250 : vector<16xi32>
      %sub3A_2253 = arith.constant 512 : i32
      %sub3A_2254 = arith.subi %sub3A_2253, %add3A_2217 : i32
      %broadcast_in_dim3A_2255 = arith.constant true
      %broadcast_in_dim3A_2256 = vector.broadcast %broadcast_in_dim3A_2255 : i1 to vector<16xi1>
      %masked_cumsum3A_2257 = tpu.scan <sum>, %select_n3A_2245 masked %broadcast_in_dim3A_2256 : vector<16xi32>, vector<16xi1> -> vector<16xi32>
      %sub3A_2258 = vector.broadcast %sub3A_2254 : i32 to vector<16xi32>
      %sub3A_2259 = arith.subi %sub3A_2258, %masked_cumsum3A_2257 : vector<16xi32>
      %select_n3A_2260 = arith.select %gt3A_2228, %add3A_2252, %sub3A_2259 : vector<16xi1>, vector<16xi32>
      %add3A_2261 = vector.broadcast %mul3A_1083 : i32 to vector<16xi32>
      %add3A_2262 = arith.addi %add3A_2261, %get3A_2225 : vector<16xi32>
      %broadcast_in_dim3A_2263 = vector.broadcast %mul3A_1083 : i32 to vector<16xi32>
      %select_n3A_2264 = arith.select %gt3A_2228, %add3A_2262, %broadcast_in_dim3A_2263 : vector<16xi1>, vector<16xi32>
      tpu.vector_store_idx %arg17[%select_n3A_2260], %select_n3A_2264 : memref<512xi32, #tpu.memory_space<vmem>>[vector<16xi32>], vector<16xi32>,
      %shift_right_logical3A_2265 = arith.constant 6 : i32
      %shift_right_logical3A_2266 = vector.broadcast %shift_right_logical3A_2265 : i32 to vector<16xi32>
      %shift_right_logical3A_2267 = arith.shrui %select_n3A_2260, %shift_right_logical3A_2266 : vector<16xi32>
      %and3A_2268 = arith.constant 63 : i32
      %and3A_2269 = vector.broadcast %and3A_2268 : i32 to vector<16xi32>
      %and3A_2270 = arith.andi %select_n3A_2260, %and3A_2269 : vector<16xi32>
      %add3A_2271 = arith.constant 272 : i32
      %add3A_2272 = arith.addi %mul3A_1085, %add3A_2271 : i32
      %add3A_2273 = vector.broadcast %add3A_2272 : i32 to vector<16xi32>
      %add3A_2274 = arith.addi %add3A_2273, %iota3A : vector<16xi32>
      tpu.vector_store_idx %arg18[%shift_right_logical3A_2267, %and3A_2270], %add3A_2274 : memref<8x64xi32, #tpu.memory_space<vmem>>[vector<16xi32>, vector<16xi32>], vector<16xi32>,
      %reduce_sum3A_2275 = arith.constant true
      %reduce_sum3A_2276 = vector.broadcast %reduce_sum3A_2275 : i1 to vector<16xi1>
      %reduce_sum3A_2277 = tpu.scan <sum>, %select_n3A_2242 masked %reduce_sum3A_2276 : vector<16xi32>, vector<16xi1> -> vector<16xi32>
      %reduce_sum3A_2278 = vector.extract %reduce_sum3A_2277[15] : i32 from vector<16xi32>
      %add3A_2279 = arith.addi %add3A_2212, %reduce_sum3A_2278 : i32
      %reduce_sum3A_2280 = arith.constant true
      %reduce_sum3A_2281 = vector.broadcast %reduce_sum3A_2280 : i1 to vector<16xi1>
      %reduce_sum3A_2282 = tpu.scan <sum>, %select_n3A_2245 masked %reduce_sum3A_2281 : vector<16xi32>, vector<16xi1> -> vector<16xi32>
      %reduce_sum3A_2283 = vector.extract %reduce_sum3A_2282[15] : i32 from vector<16xi32>
      %add3A_2284 = arith.addi %add3A_2217, %reduce_sum3A_2283 : i32
      %get3A_2285 = arith.constant 288 : index
      %get3A_2286 = tpu.vector_load %arg11[%get3A_2285] {strides = array<i32>} : memref<512xf32, #tpu.memory_space<vmem>>, vector<16xf32>,
      %get3A_2287 = arith.constant 288 : index
      %get3A_2288 = tpu.vector_load %arg12[%get3A_2287] {strides = array<i32>} : memref<512xf32, #tpu.memory_space<vmem>>, vector<16xf32>,
      %get3A_2289 = arith.constant 288 : index
      %get3A_2290 = tpu.vector_load %arg13[%get3A_2289] {strides = array<i32>} : memref<512xf32, #tpu.memory_space<vmem>>, vector<16xf32>,
      %get3A_2291 = arith.constant 288 : index
      %get3A_2292 = tpu.vector_load %arg14[%get3A_2291] {strides = array<i32>} : memref<512xi32, #tpu.memory_space<vmem>>, vector<16xi32>,
      %gt3A_2293 = arith.constant 0.000000e+00 : f32
      %gt3A_2294 = vector.broadcast %gt3A_2293 : f32 to vector<16xf32>
      %gt3A_2295 = arith.cmpf ogt, %get3A_2288, %gt3A_2294 : vector<16xf32>
      %max3A_2296 = arith.constant 1.000000e+00 : f32
      %max3A_2297 = vector.broadcast %max3A_2296 : f32 to vector<16xf32>
      %max3A_2298 = arith.maximumf %get3A_2288, %max3A_2297 : vector<16xf32>
      %div3A_2299 = arith.divf %get3A_2286, %max3A_2298 : vector<16xf32>
      %swap3A_2300 = arith.constant 288 : index
      %swap3A_2301 = tpu.vector_load %arg15[%swap3A_2300] {strides = array<i32>} : memref<512xf32, #tpu.memory_space<vmem>>, vector<16xf32>,
      tpu.vector_store %arg15[%swap3A_2300], %div3A_2299 {strides = array<i32>} : memref<512xf32, #tpu.memory_space<vmem>>, vector<16xf32>,
      %jit3A_2302 = arith.constant 0.000000e+00 : f32
      %broadcast_in_dim3A_2303 = vector.broadcast %jit3A_2302 : f32 to vector<16xf32>
      %select_n3A_2304 = arith.select %gt3A_2295, %get3A_2290, %broadcast_in_dim3A_2303 : vector<16xi1>, vector<16xf32>
      %swap3A_2305 = arith.constant 288 : index
      %swap3A_2306 = tpu.vector_load %arg16[%swap3A_2305] {strides = array<i32>} : memref<512xf32, #tpu.memory_space<vmem>>, vector<16xf32>,
      tpu.vector_store %arg16[%swap3A_2305], %select_n3A_2304 {strides = array<i32>} : memref<512xf32, #tpu.memory_space<vmem>>, vector<16xf32>,
      %jit3A_2307 = arith.constant 1 : i32
      %broadcast_in_dim3A_2308 = vector.broadcast %jit3A_2307 : i32 to vector<16xi32>
      %select_n3A_2309 = arith.select %gt3A_2295, %broadcast_in_dim3A_2308, %broadcast_in_dim3A_3 : vector<16xi1>, vector<16xi32>
      %jit3A_2310 = arith.constant 1 : i32
      %broadcast_in_dim3A_2311 = vector.broadcast %jit3A_2310 : i32 to vector<16xi32>
      %select_n3A_2312 = arith.select %gt3A_2295, %broadcast_in_dim3A_3, %broadcast_in_dim3A_2311 : vector<16xi1>, vector<16xi32>
      %sub3A_2313 = arith.constant 1 : i32
      %sub3A_2314 = arith.subi %add3A_2279, %sub3A_2313 : i32
      %broadcast_in_dim3A_2315 = arith.constant true
      %broadcast_in_dim3A_2316 = vector.broadcast %broadcast_in_dim3A_2315 : i1 to vector<16xi1>
      %masked_cumsum3A_2317 = tpu.scan <sum>, %select_n3A_2309 masked %broadcast_in_dim3A_2316 : vector<16xi32>, vector<16xi1> -> vector<16xi32>
      %add3A_2318 = vector.broadcast %sub3A_2314 : i32 to vector<16xi32>
      %add3A_2319 = arith.addi %add3A_2318, %masked_cumsum3A_2317 : vector<16xi32>
      %sub3A_2320 = arith.constant 512 : i32
      %sub3A_2321 = arith.subi %sub3A_2320, %add3A_2284 : i32
      %broadcast_in_dim3A_2322 = arith.constant true
      %broadcast_in_dim3A_2323 = vector.broadcast %broadcast_in_dim3A_2322 : i1 to vector<16xi1>
      %masked_cumsum3A_2324 = tpu.scan <sum>, %select_n3A_2312 masked %broadcast_in_dim3A_2323 : vector<16xi32>, vector<16xi1> -> vector<16xi32>
      %sub3A_2325 = vector.broadcast %sub3A_2321 : i32 to vector<16xi32>
      %sub3A_2326 = arith.subi %sub3A_2325, %masked_cumsum3A_2324 : vector<16xi32>
      %select_n3A_2327 = arith.select %gt3A_2295, %add3A_2319, %sub3A_2326 : vector<16xi1>, vector<16xi32>
      %add3A_2328 = vector.broadcast %mul3A_1083 : i32 to vector<16xi32>
      %add3A_2329 = arith.addi %add3A_2328, %get3A_2292 : vector<16xi32>
      %broadcast_in_dim3A_2330 = vector.broadcast %mul3A_1083 : i32 to vector<16xi32>
      %select_n3A_2331 = arith.select %gt3A_2295, %add3A_2329, %broadcast_in_dim3A_2330 : vector<16xi1>, vector<16xi32>
      tpu.vector_store_idx %arg17[%select_n3A_2327], %select_n3A_2331 : memref<512xi32, #tpu.memory_space<vmem>>[vector<16xi32>], vector<16xi32>,
      %shift_right_logical3A_2332 = arith.constant 6 : i32
      %shift_right_logical3A_2333 = vector.broadcast %shift_right_logical3A_2332 : i32 to vector<16xi32>
      %shift_right_logical3A_2334 = arith.shrui %select_n3A_2327, %shift_right_logical3A_2333 : vector<16xi32>
      %and3A_2335 = arith.constant 63 : i32
      %and3A_2336 = vector.broadcast %and3A_2335 : i32 to vector<16xi32>
      %and3A_2337 = arith.andi %select_n3A_2327, %and3A_2336 : vector<16xi32>
      %add3A_2338 = arith.constant 288 : i32
      %add3A_2339 = arith.addi %mul3A_1085, %add3A_2338 : i32
      %add3A_2340 = vector.broadcast %add3A_2339 : i32 to vector<16xi32>
      %add3A_2341 = arith.addi %add3A_2340, %iota3A : vector<16xi32>
      tpu.vector_store_idx %arg18[%shift_right_logical3A_2334, %and3A_2337], %add3A_2341 : memref<8x64xi32, #tpu.memory_space<vmem>>[vector<16xi32>, vector<16xi32>], vector<16xi32>,
      %reduce_sum3A_2342 = arith.constant true
      %reduce_sum3A_2343 = vector.broadcast %reduce_sum3A_2342 : i1 to vector<16xi1>
      %reduce_sum3A_2344 = tpu.scan <sum>, %select_n3A_2309 masked %reduce_sum3A_2343 : vector<16xi32>, vector<16xi1> -> vector<16xi32>
      %reduce_sum3A_2345 = vector.extract %reduce_sum3A_2344[15] : i32 from vector<16xi32>
      %add3A_2346 = arith.addi %add3A_2279, %reduce_sum3A_2345 : i32
      %reduce_sum3A_2347 = arith.constant true
      %reduce_sum3A_2348 = vector.broadcast %reduce_sum3A_2347 : i1 to vector<16xi1>
      %reduce_sum3A_2349 = tpu.scan <sum>, %select_n3A_2312 masked %reduce_sum3A_2348 : vector<16xi32>, vector<16xi1> -> vector<16xi32>
      %reduce_sum3A_2350 = vector.extract %reduce_sum3A_2349[15] : i32 from vector<16xi32>
      %add3A_2351 = arith.addi %add3A_2284, %reduce_sum3A_2350 : i32
      %get3A_2352 = arith.constant 304 : index
      %get3A_2353 = tpu.vector_load %arg11[%get3A_2352] {strides = array<i32>} : memref<512xf32, #tpu.memory_space<vmem>>, vector<16xf32>,
      %get3A_2354 = arith.constant 304 : index
      %get3A_2355 = tpu.vector_load %arg12[%get3A_2354] {strides = array<i32>} : memref<512xf32, #tpu.memory_space<vmem>>, vector<16xf32>,
      %get3A_2356 = arith.constant 304 : index
      %get3A_2357 = tpu.vector_load %arg13[%get3A_2356] {strides = array<i32>} : memref<512xf32, #tpu.memory_space<vmem>>, vector<16xf32>,
      %get3A_2358 = arith.constant 304 : index
      %get3A_2359 = tpu.vector_load %arg14[%get3A_2358] {strides = array<i32>} : memref<512xi32, #tpu.memory_space<vmem>>, vector<16xi32>,
      %gt3A_2360 = arith.constant 0.000000e+00 : f32
      %gt3A_2361 = vector.broadcast %gt3A_2360 : f32 to vector<16xf32>
      %gt3A_2362 = arith.cmpf ogt, %get3A_2355, %gt3A_2361 : vector<16xf32>
      %max3A_2363 = arith.constant 1.000000e+00 : f32
      %max3A_2364 = vector.broadcast %max3A_2363 : f32 to vector<16xf32>
      %max3A_2365 = arith.maximumf %get3A_2355, %max3A_2364 : vector<16xf32>
      %div3A_2366 = arith.divf %get3A_2353, %max3A_2365 : vector<16xf32>
      %swap3A_2367 = arith.constant 304 : index
      %swap3A_2368 = tpu.vector_load %arg15[%swap3A_2367] {strides = array<i32>} : memref<512xf32, #tpu.memory_space<vmem>>, vector<16xf32>,
      tpu.vector_store %arg15[%swap3A_2367], %div3A_2366 {strides = array<i32>} : memref<512xf32, #tpu.memory_space<vmem>>, vector<16xf32>,
      %jit3A_2369 = arith.constant 0.000000e+00 : f32
      %broadcast_in_dim3A_2370 = vector.broadcast %jit3A_2369 : f32 to vector<16xf32>
      %select_n3A_2371 = arith.select %gt3A_2362, %get3A_2357, %broadcast_in_dim3A_2370 : vector<16xi1>, vector<16xf32>
      %swap3A_2372 = arith.constant 304 : index
      %swap3A_2373 = tpu.vector_load %arg16[%swap3A_2372] {strides = array<i32>} : memref<512xf32, #tpu.memory_space<vmem>>, vector<16xf32>,
      tpu.vector_store %arg16[%swap3A_2372], %select_n3A_2371 {strides = array<i32>} : memref<512xf32, #tpu.memory_space<vmem>>, vector<16xf32>,
      %jit3A_2374 = arith.constant 1 : i32
      %broadcast_in_dim3A_2375 = vector.broadcast %jit3A_2374 : i32 to vector<16xi32>
      %select_n3A_2376 = arith.select %gt3A_2362, %broadcast_in_dim3A_2375, %broadcast_in_dim3A_3 : vector<16xi1>, vector<16xi32>
      %jit3A_2377 = arith.constant 1 : i32
      %broadcast_in_dim3A_2378 = vector.broadcast %jit3A_2377 : i32 to vector<16xi32>
      %select_n3A_2379 = arith.select %gt3A_2362, %broadcast_in_dim3A_3, %broadcast_in_dim3A_2378 : vector<16xi1>, vector<16xi32>
      %sub3A_2380 = arith.constant 1 : i32
      %sub3A_2381 = arith.subi %add3A_2346, %sub3A_2380 : i32
      %broadcast_in_dim3A_2382 = arith.constant true
      %broadcast_in_dim3A_2383 = vector.broadcast %broadcast_in_dim3A_2382 : i1 to vector<16xi1>
      %masked_cumsum3A_2384 = tpu.scan <sum>, %select_n3A_2376 masked %broadcast_in_dim3A_2383 : vector<16xi32>, vector<16xi1> -> vector<16xi32>
      %add3A_2385 = vector.broadcast %sub3A_2381 : i32 to vector<16xi32>
      %add3A_2386 = arith.addi %add3A_2385, %masked_cumsum3A_2384 : vector<16xi32>
      %sub3A_2387 = arith.constant 512 : i32
      %sub3A_2388 = arith.subi %sub3A_2387, %add3A_2351 : i32
      %broadcast_in_dim3A_2389 = arith.constant true
      %broadcast_in_dim3A_2390 = vector.broadcast %broadcast_in_dim3A_2389 : i1 to vector<16xi1>
      %masked_cumsum3A_2391 = tpu.scan <sum>, %select_n3A_2379 masked %broadcast_in_dim3A_2390 : vector<16xi32>, vector<16xi1> -> vector<16xi32>
      %sub3A_2392 = vector.broadcast %sub3A_2388 : i32 to vector<16xi32>
      %sub3A_2393 = arith.subi %sub3A_2392, %masked_cumsum3A_2391 : vector<16xi32>
      %select_n3A_2394 = arith.select %gt3A_2362, %add3A_2386, %sub3A_2393 : vector<16xi1>, vector<16xi32>
      %add3A_2395 = vector.broadcast %mul3A_1083 : i32 to vector<16xi32>
      %add3A_2396 = arith.addi %add3A_2395, %get3A_2359 : vector<16xi32>
      %broadcast_in_dim3A_2397 = vector.broadcast %mul3A_1083 : i32 to vector<16xi32>
      %select_n3A_2398 = arith.select %gt3A_2362, %add3A_2396, %broadcast_in_dim3A_2397 : vector<16xi1>, vector<16xi32>
      tpu.vector_store_idx %arg17[%select_n3A_2394], %select_n3A_2398 : memref<512xi32, #tpu.memory_space<vmem>>[vector<16xi32>], vector<16xi32>,
      %shift_right_logical3A_2399 = arith.constant 6 : i32
      %shift_right_logical3A_2400 = vector.broadcast %shift_right_logical3A_2399 : i32 to vector<16xi32>
      %shift_right_logical3A_2401 = arith.shrui %select_n3A_2394, %shift_right_logical3A_2400 : vector<16xi32>
      %and3A_2402 = arith.constant 63 : i32
      %and3A_2403 = vector.broadcast %and3A_2402 : i32 to vector<16xi32>
      %and3A_2404 = arith.andi %select_n3A_2394, %and3A_2403 : vector<16xi32>
      %add3A_2405 = arith.constant 304 : i32
      %add3A_2406 = arith.addi %mul3A_1085, %add3A_2405 : i32
      %add3A_2407 = vector.broadcast %add3A_2406 : i32 to vector<16xi32>
      %add3A_2408 = arith.addi %add3A_2407, %iota3A : vector<16xi32>
      tpu.vector_store_idx %arg18[%shift_right_logical3A_2401, %and3A_2404], %add3A_2408 : memref<8x64xi32, #tpu.memory_space<vmem>>[vector<16xi32>, vector<16xi32>], vector<16xi32>,
      %reduce_sum3A_2409 = arith.constant true
      %reduce_sum3A_2410 = vector.broadcast %reduce_sum3A_2409 : i1 to vector<16xi1>
      %reduce_sum3A_2411 = tpu.scan <sum>, %select_n3A_2376 masked %reduce_sum3A_2410 : vector<16xi32>, vector<16xi1> -> vector<16xi32>
      %reduce_sum3A_2412 = vector.extract %reduce_sum3A_2411[15] : i32 from vector<16xi32>
      %add3A_2413 = arith.addi %add3A_2346, %reduce_sum3A_2412 : i32
      %reduce_sum3A_2414 = arith.constant true
      %reduce_sum3A_2415 = vector.broadcast %reduce_sum3A_2414 : i1 to vector<16xi1>
      %reduce_sum3A_2416 = tpu.scan <sum>, %select_n3A_2379 masked %reduce_sum3A_2415 : vector<16xi32>, vector<16xi1> -> vector<16xi32>
      %reduce_sum3A_2417 = vector.extract %reduce_sum3A_2416[15] : i32 from vector<16xi32>
      %add3A_2418 = arith.addi %add3A_2351, %reduce_sum3A_2417 : i32
      %get3A_2419 = arith.constant 320 : index
      %get3A_2420 = tpu.vector_load %arg11[%get3A_2419] {strides = array<i32>} : memref<512xf32, #tpu.memory_space<vmem>>, vector<16xf32>,
      %get3A_2421 = arith.constant 320 : index
      %get3A_2422 = tpu.vector_load %arg12[%get3A_2421] {strides = array<i32>} : memref<512xf32, #tpu.memory_space<vmem>>, vector<16xf32>,
      %get3A_2423 = arith.constant 320 : index
      %get3A_2424 = tpu.vector_load %arg13[%get3A_2423] {strides = array<i32>} : memref<512xf32, #tpu.memory_space<vmem>>, vector<16xf32>,
      %get3A_2425 = arith.constant 320 : index
      %get3A_2426 = tpu.vector_load %arg14[%get3A_2425] {strides = array<i32>} : memref<512xi32, #tpu.memory_space<vmem>>, vector<16xi32>,
      %gt3A_2427 = arith.constant 0.000000e+00 : f32
      %gt3A_2428 = vector.broadcast %gt3A_2427 : f32 to vector<16xf32>
      %gt3A_2429 = arith.cmpf ogt, %get3A_2422, %gt3A_2428 : vector<16xf32>
      %max3A_2430 = arith.constant 1.000000e+00 : f32
      %max3A_2431 = vector.broadcast %max3A_2430 : f32 to vector<16xf32>
      %max3A_2432 = arith.maximumf %get3A_2422, %max3A_2431 : vector<16xf32>
      %div3A_2433 = arith.divf %get3A_2420, %max3A_2432 : vector<16xf32>
      %swap3A_2434 = arith.constant 320 : index
      %swap3A_2435 = tpu.vector_load %arg15[%swap3A_2434] {strides = array<i32>} : memref<512xf32, #tpu.memory_space<vmem>>, vector<16xf32>,
      tpu.vector_store %arg15[%swap3A_2434], %div3A_2433 {strides = array<i32>} : memref<512xf32, #tpu.memory_space<vmem>>, vector<16xf32>,
      %jit3A_2436 = arith.constant 0.000000e+00 : f32
      %broadcast_in_dim3A_2437 = vector.broadcast %jit3A_2436 : f32 to vector<16xf32>
      %select_n3A_2438 = arith.select %gt3A_2429, %get3A_2424, %broadcast_in_dim3A_2437 : vector<16xi1>, vector<16xf32>
      %swap3A_2439 = arith.constant 320 : index
      %swap3A_2440 = tpu.vector_load %arg16[%swap3A_2439] {strides = array<i32>} : memref<512xf32, #tpu.memory_space<vmem>>, vector<16xf32>,
      tpu.vector_store %arg16[%swap3A_2439], %select_n3A_2438 {strides = array<i32>} : memref<512xf32, #tpu.memory_space<vmem>>, vector<16xf32>,
      %jit3A_2441 = arith.constant 1 : i32
      %broadcast_in_dim3A_2442 = vector.broadcast %jit3A_2441 : i32 to vector<16xi32>
      %select_n3A_2443 = arith.select %gt3A_2429, %broadcast_in_dim3A_2442, %broadcast_in_dim3A_3 : vector<16xi1>, vector<16xi32>
      %jit3A_2444 = arith.constant 1 : i32
      %broadcast_in_dim3A_2445 = vector.broadcast %jit3A_2444 : i32 to vector<16xi32>
      %select_n3A_2446 = arith.select %gt3A_2429, %broadcast_in_dim3A_3, %broadcast_in_dim3A_2445 : vector<16xi1>, vector<16xi32>
      %sub3A_2447 = arith.constant 1 : i32
      %sub3A_2448 = arith.subi %add3A_2413, %sub3A_2447 : i32
      %broadcast_in_dim3A_2449 = arith.constant true
      %broadcast_in_dim3A_2450 = vector.broadcast %broadcast_in_dim3A_2449 : i1 to vector<16xi1>
      %masked_cumsum3A_2451 = tpu.scan <sum>, %select_n3A_2443 masked %broadcast_in_dim3A_2450 : vector<16xi32>, vector<16xi1> -> vector<16xi32>
      %add3A_2452 = vector.broadcast %sub3A_2448 : i32 to vector<16xi32>
      %add3A_2453 = arith.addi %add3A_2452, %masked_cumsum3A_2451 : vector<16xi32>
      %sub3A_2454 = arith.constant 512 : i32
      %sub3A_2455 = arith.subi %sub3A_2454, %add3A_2418 : i32
      %broadcast_in_dim3A_2456 = arith.constant true
      %broadcast_in_dim3A_2457 = vector.broadcast %broadcast_in_dim3A_2456 : i1 to vector<16xi1>
      %masked_cumsum3A_2458 = tpu.scan <sum>, %select_n3A_2446 masked %broadcast_in_dim3A_2457 : vector<16xi32>, vector<16xi1> -> vector<16xi32>
      %sub3A_2459 = vector.broadcast %sub3A_2455 : i32 to vector<16xi32>
      %sub3A_2460 = arith.subi %sub3A_2459, %masked_cumsum3A_2458 : vector<16xi32>
      %select_n3A_2461 = arith.select %gt3A_2429, %add3A_2453, %sub3A_2460 : vector<16xi1>, vector<16xi32>
      %add3A_2462 = vector.broadcast %mul3A_1083 : i32 to vector<16xi32>
      %add3A_2463 = arith.addi %add3A_2462, %get3A_2426 : vector<16xi32>
      %broadcast_in_dim3A_2464 = vector.broadcast %mul3A_1083 : i32 to vector<16xi32>
      %select_n3A_2465 = arith.select %gt3A_2429, %add3A_2463, %broadcast_in_dim3A_2464 : vector<16xi1>, vector<16xi32>
      tpu.vector_store_idx %arg17[%select_n3A_2461], %select_n3A_2465 : memref<512xi32, #tpu.memory_space<vmem>>[vector<16xi32>], vector<16xi32>,
      %shift_right_logical3A_2466 = arith.constant 6 : i32
      %shift_right_logical3A_2467 = vector.broadcast %shift_right_logical3A_2466 : i32 to vector<16xi32>
      %shift_right_logical3A_2468 = arith.shrui %select_n3A_2461, %shift_right_logical3A_2467 : vector<16xi32>
      %and3A_2469 = arith.constant 63 : i32
      %and3A_2470 = vector.broadcast %and3A_2469 : i32 to vector<16xi32>
      %and3A_2471 = arith.andi %select_n3A_2461, %and3A_2470 : vector<16xi32>
      %add3A_2472 = arith.constant 320 : i32
      %add3A_2473 = arith.addi %mul3A_1085, %add3A_2472 : i32
      %add3A_2474 = vector.broadcast %add3A_2473 : i32 to vector<16xi32>
      %add3A_2475 = arith.addi %add3A_2474, %iota3A : vector<16xi32>
      tpu.vector_store_idx %arg18[%shift_right_logical3A_2468, %and3A_2471], %add3A_2475 : memref<8x64xi32, #tpu.memory_space<vmem>>[vector<16xi32>, vector<16xi32>], vector<16xi32>,
      %reduce_sum3A_2476 = arith.constant true
      %reduce_sum3A_2477 = vector.broadcast %reduce_sum3A_2476 : i1 to vector<16xi1>
      %reduce_sum3A_2478 = tpu.scan <sum>, %select_n3A_2443 masked %reduce_sum3A_2477 : vector<16xi32>, vector<16xi1> -> vector<16xi32>
      %reduce_sum3A_2479 = vector.extract %reduce_sum3A_2478[15] : i32 from vector<16xi32>
      %add3A_2480 = arith.addi %add3A_2413, %reduce_sum3A_2479 : i32
      %reduce_sum3A_2481 = arith.constant true
      %reduce_sum3A_2482 = vector.broadcast %reduce_sum3A_2481 : i1 to vector<16xi1>
      %reduce_sum3A_2483 = tpu.scan <sum>, %select_n3A_2446 masked %reduce_sum3A_2482 : vector<16xi32>, vector<16xi1> -> vector<16xi32>
      %reduce_sum3A_2484 = vector.extract %reduce_sum3A_2483[15] : i32 from vector<16xi32>
      %add3A_2485 = arith.addi %add3A_2418, %reduce_sum3A_2484 : i32
      %get3A_2486 = arith.constant 336 : index
      %get3A_2487 = tpu.vector_load %arg11[%get3A_2486] {strides = array<i32>} : memref<512xf32, #tpu.memory_space<vmem>>, vector<16xf32>,
      %get3A_2488 = arith.constant 336 : index
      %get3A_2489 = tpu.vector_load %arg12[%get3A_2488] {strides = array<i32>} : memref<512xf32, #tpu.memory_space<vmem>>, vector<16xf32>,
      %get3A_2490 = arith.constant 336 : index
      %get3A_2491 = tpu.vector_load %arg13[%get3A_2490] {strides = array<i32>} : memref<512xf32, #tpu.memory_space<vmem>>, vector<16xf32>,
      %get3A_2492 = arith.constant 336 : index
      %get3A_2493 = tpu.vector_load %arg14[%get3A_2492] {strides = array<i32>} : memref<512xi32, #tpu.memory_space<vmem>>, vector<16xi32>,
      %gt3A_2494 = arith.constant 0.000000e+00 : f32
      %gt3A_2495 = vector.broadcast %gt3A_2494 : f32 to vector<16xf32>
      %gt3A_2496 = arith.cmpf ogt, %get3A_2489, %gt3A_2495 : vector<16xf32>
      %max3A_2497 = arith.constant 1.000000e+00 : f32
      %max3A_2498 = vector.broadcast %max3A_2497 : f32 to vector<16xf32>
      %max3A_2499 = arith.maximumf %get3A_2489, %max3A_2498 : vector<16xf32>
      %div3A_2500 = arith.divf %get3A_2487, %max3A_2499 : vector<16xf32>
      %swap3A_2501 = arith.constant 336 : index
      %swap3A_2502 = tpu.vector_load %arg15[%swap3A_2501] {strides = array<i32>} : memref<512xf32, #tpu.memory_space<vmem>>, vector<16xf32>,
      tpu.vector_store %arg15[%swap3A_2501], %div3A_2500 {strides = array<i32>} : memref<512xf32, #tpu.memory_space<vmem>>, vector<16xf32>,
      %jit3A_2503 = arith.constant 0.000000e+00 : f32
      %broadcast_in_dim3A_2504 = vector.broadcast %jit3A_2503 : f32 to vector<16xf32>
      %select_n3A_2505 = arith.select %gt3A_2496, %get3A_2491, %broadcast_in_dim3A_2504 : vector<16xi1>, vector<16xf32>
      %swap3A_2506 = arith.constant 336 : index
      %swap3A_2507 = tpu.vector_load %arg16[%swap3A_2506] {strides = array<i32>} : memref<512xf32, #tpu.memory_space<vmem>>, vector<16xf32>,
      tpu.vector_store %arg16[%swap3A_2506], %select_n3A_2505 {strides = array<i32>} : memref<512xf32, #tpu.memory_space<vmem>>, vector<16xf32>,
      %jit3A_2508 = arith.constant 1 : i32
      %broadcast_in_dim3A_2509 = vector.broadcast %jit3A_2508 : i32 to vector<16xi32>
      %select_n3A_2510 = arith.select %gt3A_2496, %broadcast_in_dim3A_2509, %broadcast_in_dim3A_3 : vector<16xi1>, vector<16xi32>
      %jit3A_2511 = arith.constant 1 : i32
      %broadcast_in_dim3A_2512 = vector.broadcast %jit3A_2511 : i32 to vector<16xi32>
      %select_n3A_2513 = arith.select %gt3A_2496, %broadcast_in_dim3A_3, %broadcast_in_dim3A_2512 : vector<16xi1>, vector<16xi32>
      %sub3A_2514 = arith.constant 1 : i32
      %sub3A_2515 = arith.subi %add3A_2480, %sub3A_2514 : i32
      %broadcast_in_dim3A_2516 = arith.constant true
      %broadcast_in_dim3A_2517 = vector.broadcast %broadcast_in_dim3A_2516 : i1 to vector<16xi1>
      %masked_cumsum3A_2518 = tpu.scan <sum>, %select_n3A_2510 masked %broadcast_in_dim3A_2517 : vector<16xi32>, vector<16xi1> -> vector<16xi32>
      %add3A_2519 = vector.broadcast %sub3A_2515 : i32 to vector<16xi32>
      %add3A_2520 = arith.addi %add3A_2519, %masked_cumsum3A_2518 : vector<16xi32>
      %sub3A_2521 = arith.constant 512 : i32
      %sub3A_2522 = arith.subi %sub3A_2521, %add3A_2485 : i32
      %broadcast_in_dim3A_2523 = arith.constant true
      %broadcast_in_dim3A_2524 = vector.broadcast %broadcast_in_dim3A_2523 : i1 to vector<16xi1>
      %masked_cumsum3A_2525 = tpu.scan <sum>, %select_n3A_2513 masked %broadcast_in_dim3A_2524 : vector<16xi32>, vector<16xi1> -> vector<16xi32>
      %sub3A_2526 = vector.broadcast %sub3A_2522 : i32 to vector<16xi32>
      %sub3A_2527 = arith.subi %sub3A_2526, %masked_cumsum3A_2525 : vector<16xi32>
      %select_n3A_2528 = arith.select %gt3A_2496, %add3A_2520, %sub3A_2527 : vector<16xi1>, vector<16xi32>
      %add3A_2529 = vector.broadcast %mul3A_1083 : i32 to vector<16xi32>
      %add3A_2530 = arith.addi %add3A_2529, %get3A_2493 : vector<16xi32>
      %broadcast_in_dim3A_2531 = vector.broadcast %mul3A_1083 : i32 to vector<16xi32>
      %select_n3A_2532 = arith.select %gt3A_2496, %add3A_2530, %broadcast_in_dim3A_2531 : vector<16xi1>, vector<16xi32>
      tpu.vector_store_idx %arg17[%select_n3A_2528], %select_n3A_2532 : memref<512xi32, #tpu.memory_space<vmem>>[vector<16xi32>], vector<16xi32>,
      %shift_right_logical3A_2533 = arith.constant 6 : i32
      %shift_right_logical3A_2534 = vector.broadcast %shift_right_logical3A_2533 : i32 to vector<16xi32>
      %shift_right_logical3A_2535 = arith.shrui %select_n3A_2528, %shift_right_logical3A_2534 : vector<16xi32>
      %and3A_2536 = arith.constant 63 : i32
      %and3A_2537 = vector.broadcast %and3A_2536 : i32 to vector<16xi32>
      %and3A_2538 = arith.andi %select_n3A_2528, %and3A_2537 : vector<16xi32>
      %add3A_2539 = arith.constant 336 : i32
      %add3A_2540 = arith.addi %mul3A_1085, %add3A_2539 : i32
      %add3A_2541 = vector.broadcast %add3A_2540 : i32 to vector<16xi32>
      %add3A_2542 = arith.addi %add3A_2541, %iota3A : vector<16xi32>
      tpu.vector_store_idx %arg18[%shift_right_logical3A_2535, %and3A_2538], %add3A_2542 : memref<8x64xi32, #tpu.memory_space<vmem>>[vector<16xi32>, vector<16xi32>], vector<16xi32>,
      %reduce_sum3A_2543 = arith.constant true
      %reduce_sum3A_2544 = vector.broadcast %reduce_sum3A_2543 : i1 to vector<16xi1>
      %reduce_sum3A_2545 = tpu.scan <sum>, %select_n3A_2510 masked %reduce_sum3A_2544 : vector<16xi32>, vector<16xi1> -> vector<16xi32>
      %reduce_sum3A_2546 = vector.extract %reduce_sum3A_2545[15] : i32 from vector<16xi32>
      %add3A_2547 = arith.addi %add3A_2480, %reduce_sum3A_2546 : i32
      %reduce_sum3A_2548 = arith.constant true
      %reduce_sum3A_2549 = vector.broadcast %reduce_sum3A_2548 : i1 to vector<16xi1>
      %reduce_sum3A_2550 = tpu.scan <sum>, %select_n3A_2513 masked %reduce_sum3A_2549 : vector<16xi32>, vector<16xi1> -> vector<16xi32>
      %reduce_sum3A_2551 = vector.extract %reduce_sum3A_2550[15] : i32 from vector<16xi32>
      %add3A_2552 = arith.addi %add3A_2485, %reduce_sum3A_2551 : i32
      %get3A_2553 = arith.constant 352 : index
      %get3A_2554 = tpu.vector_load %arg11[%get3A_2553] {strides = array<i32>} : memref<512xf32, #tpu.memory_space<vmem>>, vector<16xf32>,
      %get3A_2555 = arith.constant 352 : index
      %get3A_2556 = tpu.vector_load %arg12[%get3A_2555] {strides = array<i32>} : memref<512xf32, #tpu.memory_space<vmem>>, vector<16xf32>,
      %get3A_2557 = arith.constant 352 : index
      %get3A_2558 = tpu.vector_load %arg13[%get3A_2557] {strides = array<i32>} : memref<512xf32, #tpu.memory_space<vmem>>, vector<16xf32>,
      %get3A_2559 = arith.constant 352 : index
      %get3A_2560 = tpu.vector_load %arg14[%get3A_2559] {strides = array<i32>} : memref<512xi32, #tpu.memory_space<vmem>>, vector<16xi32>,
      %gt3A_2561 = arith.constant 0.000000e+00 : f32
      %gt3A_2562 = vector.broadcast %gt3A_2561 : f32 to vector<16xf32>
      %gt3A_2563 = arith.cmpf ogt, %get3A_2556, %gt3A_2562 : vector<16xf32>
      %max3A_2564 = arith.constant 1.000000e+00 : f32
      %max3A_2565 = vector.broadcast %max3A_2564 : f32 to vector<16xf32>
      %max3A_2566 = arith.maximumf %get3A_2556, %max3A_2565 : vector<16xf32>
      %div3A_2567 = arith.divf %get3A_2554, %max3A_2566 : vector<16xf32>
      %swap3A_2568 = arith.constant 352 : index
      %swap3A_2569 = tpu.vector_load %arg15[%swap3A_2568] {strides = array<i32>} : memref<512xf32, #tpu.memory_space<vmem>>, vector<16xf32>,
      tpu.vector_store %arg15[%swap3A_2568], %div3A_2567 {strides = array<i32>} : memref<512xf32, #tpu.memory_space<vmem>>, vector<16xf32>,
      %jit3A_2570 = arith.constant 0.000000e+00 : f32
      %broadcast_in_dim3A_2571 = vector.broadcast %jit3A_2570 : f32 to vector<16xf32>
      %select_n3A_2572 = arith.select %gt3A_2563, %get3A_2558, %broadcast_in_dim3A_2571 : vector<16xi1>, vector<16xf32>
      %swap3A_2573 = arith.constant 352 : index
      %swap3A_2574 = tpu.vector_load %arg16[%swap3A_2573] {strides = array<i32>} : memref<512xf32, #tpu.memory_space<vmem>>, vector<16xf32>,
      tpu.vector_store %arg16[%swap3A_2573], %select_n3A_2572 {strides = array<i32>} : memref<512xf32, #tpu.memory_space<vmem>>, vector<16xf32>,
      %jit3A_2575 = arith.constant 1 : i32
      %broadcast_in_dim3A_2576 = vector.broadcast %jit3A_2575 : i32 to vector<16xi32>
      %select_n3A_2577 = arith.select %gt3A_2563, %broadcast_in_dim3A_2576, %broadcast_in_dim3A_3 : vector<16xi1>, vector<16xi32>
      %jit3A_2578 = arith.constant 1 : i32
      %broadcast_in_dim3A_2579 = vector.broadcast %jit3A_2578 : i32 to vector<16xi32>
      %select_n3A_2580 = arith.select %gt3A_2563, %broadcast_in_dim3A_3, %broadcast_in_dim3A_2579 : vector<16xi1>, vector<16xi32>
      %sub3A_2581 = arith.constant 1 : i32
      %sub3A_2582 = arith.subi %add3A_2547, %sub3A_2581 : i32
      %broadcast_in_dim3A_2583 = arith.constant true
      %broadcast_in_dim3A_2584 = vector.broadcast %broadcast_in_dim3A_2583 : i1 to vector<16xi1>
      %masked_cumsum3A_2585 = tpu.scan <sum>, %select_n3A_2577 masked %broadcast_in_dim3A_2584 : vector<16xi32>, vector<16xi1> -> vector<16xi32>
      %add3A_2586 = vector.broadcast %sub3A_2582 : i32 to vector<16xi32>
      %add3A_2587 = arith.addi %add3A_2586, %masked_cumsum3A_2585 : vector<16xi32>
      %sub3A_2588 = arith.constant 512 : i32
      %sub3A_2589 = arith.subi %sub3A_2588, %add3A_2552 : i32
      %broadcast_in_dim3A_2590 = arith.constant true
      %broadcast_in_dim3A_2591 = vector.broadcast %broadcast_in_dim3A_2590 : i1 to vector<16xi1>
      %masked_cumsum3A_2592 = tpu.scan <sum>, %select_n3A_2580 masked %broadcast_in_dim3A_2591 : vector<16xi32>, vector<16xi1> -> vector<16xi32>
      %sub3A_2593 = vector.broadcast %sub3A_2589 : i32 to vector<16xi32>
      %sub3A_2594 = arith.subi %sub3A_2593, %masked_cumsum3A_2592 : vector<16xi32>
      %select_n3A_2595 = arith.select %gt3A_2563, %add3A_2587, %sub3A_2594 : vector<16xi1>, vector<16xi32>
      %add3A_2596 = vector.broadcast %mul3A_1083 : i32 to vector<16xi32>
      %add3A_2597 = arith.addi %add3A_2596, %get3A_2560 : vector<16xi32>
      %broadcast_in_dim3A_2598 = vector.broadcast %mul3A_1083 : i32 to vector<16xi32>
      %select_n3A_2599 = arith.select %gt3A_2563, %add3A_2597, %broadcast_in_dim3A_2598 : vector<16xi1>, vector<16xi32>
      tpu.vector_store_idx %arg17[%select_n3A_2595], %select_n3A_2599 : memref<512xi32, #tpu.memory_space<vmem>>[vector<16xi32>], vector<16xi32>,
      %shift_right_logical3A_2600 = arith.constant 6 : i32
      %shift_right_logical3A_2601 = vector.broadcast %shift_right_logical3A_2600 : i32 to vector<16xi32>
      %shift_right_logical3A_2602 = arith.shrui %select_n3A_2595, %shift_right_logical3A_2601 : vector<16xi32>
      %and3A_2603 = arith.constant 63 : i32
      %and3A_2604 = vector.broadcast %and3A_2603 : i32 to vector<16xi32>
      %and3A_2605 = arith.andi %select_n3A_2595, %and3A_2604 : vector<16xi32>
      %add3A_2606 = arith.constant 352 : i32
      %add3A_2607 = arith.addi %mul3A_1085, %add3A_2606 : i32
      %add3A_2608 = vector.broadcast %add3A_2607 : i32 to vector<16xi32>
      %add3A_2609 = arith.addi %add3A_2608, %iota3A : vector<16xi32>
      tpu.vector_store_idx %arg18[%shift_right_logical3A_2602, %and3A_2605], %add3A_2609 : memref<8x64xi32, #tpu.memory_space<vmem>>[vector<16xi32>, vector<16xi32>], vector<16xi32>,
      %reduce_sum3A_2610 = arith.constant true
      %reduce_sum3A_2611 = vector.broadcast %reduce_sum3A_2610 : i1 to vector<16xi1>
      %reduce_sum3A_2612 = tpu.scan <sum>, %select_n3A_2577 masked %reduce_sum3A_2611 : vector<16xi32>, vector<16xi1> -> vector<16xi32>
      %reduce_sum3A_2613 = vector.extract %reduce_sum3A_2612[15] : i32 from vector<16xi32>
      %add3A_2614 = arith.addi %add3A_2547, %reduce_sum3A_2613 : i32
      %reduce_sum3A_2615 = arith.constant true
      %reduce_sum3A_2616 = vector.broadcast %reduce_sum3A_2615 : i1 to vector<16xi1>
      %reduce_sum3A_2617 = tpu.scan <sum>, %select_n3A_2580 masked %reduce_sum3A_2616 : vector<16xi32>, vector<16xi1> -> vector<16xi32>
      %reduce_sum3A_2618 = vector.extract %reduce_sum3A_2617[15] : i32 from vector<16xi32>
      %add3A_2619 = arith.addi %add3A_2552, %reduce_sum3A_2618 : i32
      %get3A_2620 = arith.constant 368 : index
      %get3A_2621 = tpu.vector_load %arg11[%get3A_2620] {strides = array<i32>} : memref<512xf32, #tpu.memory_space<vmem>>, vector<16xf32>,
      %get3A_2622 = arith.constant 368 : index
      %get3A_2623 = tpu.vector_load %arg12[%get3A_2622] {strides = array<i32>} : memref<512xf32, #tpu.memory_space<vmem>>, vector<16xf32>,
      %get3A_2624 = arith.constant 368 : index
      %get3A_2625 = tpu.vector_load %arg13[%get3A_2624] {strides = array<i32>} : memref<512xf32, #tpu.memory_space<vmem>>, vector<16xf32>,
      %get3A_2626 = arith.constant 368 : index
      %get3A_2627 = tpu.vector_load %arg14[%get3A_2626] {strides = array<i32>} : memref<512xi32, #tpu.memory_space<vmem>>, vector<16xi32>,
      %gt3A_2628 = arith.constant 0.000000e+00 : f32
      %gt3A_2629 = vector.broadcast %gt3A_2628 : f32 to vector<16xf32>
      %gt3A_2630 = arith.cmpf ogt, %get3A_2623, %gt3A_2629 : vector<16xf32>
      %max3A_2631 = arith.constant 1.000000e+00 : f32
      %max3A_2632 = vector.broadcast %max3A_2631 : f32 to vector<16xf32>
      %max3A_2633 = arith.maximumf %get3A_2623, %max3A_2632 : vector<16xf32>
      %div3A_2634 = arith.divf %get3A_2621, %max3A_2633 : vector<16xf32>
      %swap3A_2635 = arith.constant 368 : index
      %swap3A_2636 = tpu.vector_load %arg15[%swap3A_2635] {strides = array<i32>} : memref<512xf32, #tpu.memory_space<vmem>>, vector<16xf32>,
      tpu.vector_store %arg15[%swap3A_2635], %div3A_2634 {strides = array<i32>} : memref<512xf32, #tpu.memory_space<vmem>>, vector<16xf32>,
      %jit3A_2637 = arith.constant 0.000000e+00 : f32
      %broadcast_in_dim3A_2638 = vector.broadcast %jit3A_2637 : f32 to vector<16xf32>
      %select_n3A_2639 = arith.select %gt3A_2630, %get3A_2625, %broadcast_in_dim3A_2638 : vector<16xi1>, vector<16xf32>
      %swap3A_2640 = arith.constant 368 : index
      %swap3A_2641 = tpu.vector_load %arg16[%swap3A_2640] {strides = array<i32>} : memref<512xf32, #tpu.memory_space<vmem>>, vector<16xf32>,
      tpu.vector_store %arg16[%swap3A_2640], %select_n3A_2639 {strides = array<i32>} : memref<512xf32, #tpu.memory_space<vmem>>, vector<16xf32>,
      %jit3A_2642 = arith.constant 1 : i32
      %broadcast_in_dim3A_2643 = vector.broadcast %jit3A_2642 : i32 to vector<16xi32>
      %select_n3A_2644 = arith.select %gt3A_2630, %broadcast_in_dim3A_2643, %broadcast_in_dim3A_3 : vector<16xi1>, vector<16xi32>
      %jit3A_2645 = arith.constant 1 : i32
      %broadcast_in_dim3A_2646 = vector.broadcast %jit3A_2645 : i32 to vector<16xi32>
      %select_n3A_2647 = arith.select %gt3A_2630, %broadcast_in_dim3A_3, %broadcast_in_dim3A_2646 : vector<16xi1>, vector<16xi32>
      %sub3A_2648 = arith.constant 1 : i32
      %sub3A_2649 = arith.subi %add3A_2614, %sub3A_2648 : i32
      %broadcast_in_dim3A_2650 = arith.constant true
      %broadcast_in_dim3A_2651 = vector.broadcast %broadcast_in_dim3A_2650 : i1 to vector<16xi1>
      %masked_cumsum3A_2652 = tpu.scan <sum>, %select_n3A_2644 masked %broadcast_in_dim3A_2651 : vector<16xi32>, vector<16xi1> -> vector<16xi32>
      %add3A_2653 = vector.broadcast %sub3A_2649 : i32 to vector<16xi32>
      %add3A_2654 = arith.addi %add3A_2653, %masked_cumsum3A_2652 : vector<16xi32>
      %sub3A_2655 = arith.constant 512 : i32
      %sub3A_2656 = arith.subi %sub3A_2655, %add3A_2619 : i32
      %broadcast_in_dim3A_2657 = arith.constant true
      %broadcast_in_dim3A_2658 = vector.broadcast %broadcast_in_dim3A_2657 : i1 to vector<16xi1>
      %masked_cumsum3A_2659 = tpu.scan <sum>, %select_n3A_2647 masked %broadcast_in_dim3A_2658 : vector<16xi32>, vector<16xi1> -> vector<16xi32>
      %sub3A_2660 = vector.broadcast %sub3A_2656 : i32 to vector<16xi32>
      %sub3A_2661 = arith.subi %sub3A_2660, %masked_cumsum3A_2659 : vector<16xi32>
      %select_n3A_2662 = arith.select %gt3A_2630, %add3A_2654, %sub3A_2661 : vector<16xi1>, vector<16xi32>
      %add3A_2663 = vector.broadcast %mul3A_1083 : i32 to vector<16xi32>
      %add3A_2664 = arith.addi %add3A_2663, %get3A_2627 : vector<16xi32>
      %broadcast_in_dim3A_2665 = vector.broadcast %mul3A_1083 : i32 to vector<16xi32>
      %select_n3A_2666 = arith.select %gt3A_2630, %add3A_2664, %broadcast_in_dim3A_2665 : vector<16xi1>, vector<16xi32>
      tpu.vector_store_idx %arg17[%select_n3A_2662], %select_n3A_2666 : memref<512xi32, #tpu.memory_space<vmem>>[vector<16xi32>], vector<16xi32>,
      %shift_right_logical3A_2667 = arith.constant 6 : i32
      %shift_right_logical3A_2668 = vector.broadcast %shift_right_logical3A_2667 : i32 to vector<16xi32>
      %shift_right_logical3A_2669 = arith.shrui %select_n3A_2662, %shift_right_logical3A_2668 : vector<16xi32>
      %and3A_2670 = arith.constant 63 : i32
      %and3A_2671 = vector.broadcast %and3A_2670 : i32 to vector<16xi32>
      %and3A_2672 = arith.andi %select_n3A_2662, %and3A_2671 : vector<16xi32>
      %add3A_2673 = arith.constant 368 : i32
      %add3A_2674 = arith.addi %mul3A_1085, %add3A_2673 : i32
      %add3A_2675 = vector.broadcast %add3A_2674 : i32 to vector<16xi32>
      %add3A_2676 = arith.addi %add3A_2675, %iota3A : vector<16xi32>
      tpu.vector_store_idx %arg18[%shift_right_logical3A_2669, %and3A_2672], %add3A_2676 : memref<8x64xi32, #tpu.memory_space<vmem>>[vector<16xi32>, vector<16xi32>], vector<16xi32>,
      %reduce_sum3A_2677 = arith.constant true
      %reduce_sum3A_2678 = vector.broadcast %reduce_sum3A_2677 : i1 to vector<16xi1>
      %reduce_sum3A_2679 = tpu.scan <sum>, %select_n3A_2644 masked %reduce_sum3A_2678 : vector<16xi32>, vector<16xi1> -> vector<16xi32>
      %reduce_sum3A_2680 = vector.extract %reduce_sum3A_2679[15] : i32 from vector<16xi32>
      %add3A_2681 = arith.addi %add3A_2614, %reduce_sum3A_2680 : i32
      %reduce_sum3A_2682 = arith.constant true
      %reduce_sum3A_2683 = vector.broadcast %reduce_sum3A_2682 : i1 to vector<16xi1>
      %reduce_sum3A_2684 = tpu.scan <sum>, %select_n3A_2647 masked %reduce_sum3A_2683 : vector<16xi32>, vector<16xi1> -> vector<16xi32>
      %reduce_sum3A_2685 = vector.extract %reduce_sum3A_2684[15] : i32 from vector<16xi32>
      %add3A_2686 = arith.addi %add3A_2619, %reduce_sum3A_2685 : i32
      %get3A_2687 = arith.constant 384 : index
      %get3A_2688 = tpu.vector_load %arg11[%get3A_2687] {strides = array<i32>} : memref<512xf32, #tpu.memory_space<vmem>>, vector<16xf32>,
      %get3A_2689 = arith.constant 384 : index
      %get3A_2690 = tpu.vector_load %arg12[%get3A_2689] {strides = array<i32>} : memref<512xf32, #tpu.memory_space<vmem>>, vector<16xf32>,
      %get3A_2691 = arith.constant 384 : index
      %get3A_2692 = tpu.vector_load %arg13[%get3A_2691] {strides = array<i32>} : memref<512xf32, #tpu.memory_space<vmem>>, vector<16xf32>,
      %get3A_2693 = arith.constant 384 : index
      %get3A_2694 = tpu.vector_load %arg14[%get3A_2693] {strides = array<i32>} : memref<512xi32, #tpu.memory_space<vmem>>, vector<16xi32>,
      %gt3A_2695 = arith.constant 0.000000e+00 : f32
      %gt3A_2696 = vector.broadcast %gt3A_2695 : f32 to vector<16xf32>
      %gt3A_2697 = arith.cmpf ogt, %get3A_2690, %gt3A_2696 : vector<16xf32>
      %max3A_2698 = arith.constant 1.000000e+00 : f32
      %max3A_2699 = vector.broadcast %max3A_2698 : f32 to vector<16xf32>
      %max3A_2700 = arith.maximumf %get3A_2690, %max3A_2699 : vector<16xf32>
      %div3A_2701 = arith.divf %get3A_2688, %max3A_2700 : vector<16xf32>
      %swap3A_2702 = arith.constant 384 : index
      %swap3A_2703 = tpu.vector_load %arg15[%swap3A_2702] {strides = array<i32>} : memref<512xf32, #tpu.memory_space<vmem>>, vector<16xf32>,
      tpu.vector_store %arg15[%swap3A_2702], %div3A_2701 {strides = array<i32>} : memref<512xf32, #tpu.memory_space<vmem>>, vector<16xf32>,
      %jit3A_2704 = arith.constant 0.000000e+00 : f32
      %broadcast_in_dim3A_2705 = vector.broadcast %jit3A_2704 : f32 to vector<16xf32>
      %select_n3A_2706 = arith.select %gt3A_2697, %get3A_2692, %broadcast_in_dim3A_2705 : vector<16xi1>, vector<16xf32>
      %swap3A_2707 = arith.constant 384 : index
      %swap3A_2708 = tpu.vector_load %arg16[%swap3A_2707] {strides = array<i32>} : memref<512xf32, #tpu.memory_space<vmem>>, vector<16xf32>,
      tpu.vector_store %arg16[%swap3A_2707], %select_n3A_2706 {strides = array<i32>} : memref<512xf32, #tpu.memory_space<vmem>>, vector<16xf32>,
      %jit3A_2709 = arith.constant 1 : i32
      %broadcast_in_dim3A_2710 = vector.broadcast %jit3A_2709 : i32 to vector<16xi32>
      %select_n3A_2711 = arith.select %gt3A_2697, %broadcast_in_dim3A_2710, %broadcast_in_dim3A_3 : vector<16xi1>, vector<16xi32>
      %jit3A_2712 = arith.constant 1 : i32
      %broadcast_in_dim3A_2713 = vector.broadcast %jit3A_2712 : i32 to vector<16xi32>
      %select_n3A_2714 = arith.select %gt3A_2697, %broadcast_in_dim3A_3, %broadcast_in_dim3A_2713 : vector<16xi1>, vector<16xi32>
      %sub3A_2715 = arith.constant 1 : i32
      %sub3A_2716 = arith.subi %add3A_2681, %sub3A_2715 : i32
      %broadcast_in_dim3A_2717 = arith.constant true
      %broadcast_in_dim3A_2718 = vector.broadcast %broadcast_in_dim3A_2717 : i1 to vector<16xi1>
      %masked_cumsum3A_2719 = tpu.scan <sum>, %select_n3A_2711 masked %broadcast_in_dim3A_2718 : vector<16xi32>, vector<16xi1> -> vector<16xi32>
      %add3A_2720 = vector.broadcast %sub3A_2716 : i32 to vector<16xi32>
      %add3A_2721 = arith.addi %add3A_2720, %masked_cumsum3A_2719 : vector<16xi32>
      %sub3A_2722 = arith.constant 512 : i32
      %sub3A_2723 = arith.subi %sub3A_2722, %add3A_2686 : i32
      %broadcast_in_dim3A_2724 = arith.constant true
      %broadcast_in_dim3A_2725 = vector.broadcast %broadcast_in_dim3A_2724 : i1 to vector<16xi1>
      %masked_cumsum3A_2726 = tpu.scan <sum>, %select_n3A_2714 masked %broadcast_in_dim3A_2725 : vector<16xi32>, vector<16xi1> -> vector<16xi32>
      %sub3A_2727 = vector.broadcast %sub3A_2723 : i32 to vector<16xi32>
      %sub3A_2728 = arith.subi %sub3A_2727, %masked_cumsum3A_2726 : vector<16xi32>
      %select_n3A_2729 = arith.select %gt3A_2697, %add3A_2721, %sub3A_2728 : vector<16xi1>, vector<16xi32>
      %add3A_2730 = vector.broadcast %mul3A_1083 : i32 to vector<16xi32>
      %add3A_2731 = arith.addi %add3A_2730, %get3A_2694 : vector<16xi32>
      %broadcast_in_dim3A_2732 = vector.broadcast %mul3A_1083 : i32 to vector<16xi32>
      %select_n3A_2733 = arith.select %gt3A_2697, %add3A_2731, %broadcast_in_dim3A_2732 : vector<16xi1>, vector<16xi32>
      tpu.vector_store_idx %arg17[%select_n3A_2729], %select_n3A_2733 : memref<512xi32, #tpu.memory_space<vmem>>[vector<16xi32>], vector<16xi32>,
      %shift_right_logical3A_2734 = arith.constant 6 : i32
      %shift_right_logical3A_2735 = vector.broadcast %shift_right_logical3A_2734 : i32 to vector<16xi32>
      %shift_right_logical3A_2736 = arith.shrui %select_n3A_2729, %shift_right_logical3A_2735 : vector<16xi32>
      %and3A_2737 = arith.constant 63 : i32
      %and3A_2738 = vector.broadcast %and3A_2737 : i32 to vector<16xi32>
      %and3A_2739 = arith.andi %select_n3A_2729, %and3A_2738 : vector<16xi32>
      %add3A_2740 = arith.constant 384 : i32
      %add3A_2741 = arith.addi %mul3A_1085, %add3A_2740 : i32
      %add3A_2742 = vector.broadcast %add3A_2741 : i32 to vector<16xi32>
      %add3A_2743 = arith.addi %add3A_2742, %iota3A : vector<16xi32>
      tpu.vector_store_idx %arg18[%shift_right_logical3A_2736, %and3A_2739], %add3A_2743 : memref<8x64xi32, #tpu.memory_space<vmem>>[vector<16xi32>, vector<16xi32>], vector<16xi32>,
      %reduce_sum3A_2744 = arith.constant true
      %reduce_sum3A_2745 = vector.broadcast %reduce_sum3A_2744 : i1 to vector<16xi1>
      %reduce_sum3A_2746 = tpu.scan <sum>, %select_n3A_2711 masked %reduce_sum3A_2745 : vector<16xi32>, vector<16xi1> -> vector<16xi32>
      %reduce_sum3A_2747 = vector.extract %reduce_sum3A_2746[15] : i32 from vector<16xi32>
      %add3A_2748 = arith.addi %add3A_2681, %reduce_sum3A_2747 : i32
      %reduce_sum3A_2749 = arith.constant true
      %reduce_sum3A_2750 = vector.broadcast %reduce_sum3A_2749 : i1 to vector<16xi1>
      %reduce_sum3A_2751 = tpu.scan <sum>, %select_n3A_2714 masked %reduce_sum3A_2750 : vector<16xi32>, vector<16xi1> -> vector<16xi32>
      %reduce_sum3A_2752 = vector.extract %reduce_sum3A_2751[15] : i32 from vector<16xi32>
      %add3A_2753 = arith.addi %add3A_2686, %reduce_sum3A_2752 : i32
      %get3A_2754 = arith.constant 400 : index
      %get3A_2755 = tpu.vector_load %arg11[%get3A_2754] {strides = array<i32>} : memref<512xf32, #tpu.memory_space<vmem>>, vector<16xf32>,
      %get3A_2756 = arith.constant 400 : index
      %get3A_2757 = tpu.vector_load %arg12[%get3A_2756] {strides = array<i32>} : memref<512xf32, #tpu.memory_space<vmem>>, vector<16xf32>,
      %get3A_2758 = arith.constant 400 : index
      %get3A_2759 = tpu.vector_load %arg13[%get3A_2758] {strides = array<i32>} : memref<512xf32, #tpu.memory_space<vmem>>, vector<16xf32>,
      %get3A_2760 = arith.constant 400 : index
      %get3A_2761 = tpu.vector_load %arg14[%get3A_2760] {strides = array<i32>} : memref<512xi32, #tpu.memory_space<vmem>>, vector<16xi32>,
      %gt3A_2762 = arith.constant 0.000000e+00 : f32
      %gt3A_2763 = vector.broadcast %gt3A_2762 : f32 to vector<16xf32>
      %gt3A_2764 = arith.cmpf ogt, %get3A_2757, %gt3A_2763 : vector<16xf32>
      %max3A_2765 = arith.constant 1.000000e+00 : f32
      %max3A_2766 = vector.broadcast %max3A_2765 : f32 to vector<16xf32>
      %max3A_2767 = arith.maximumf %get3A_2757, %max3A_2766 : vector<16xf32>
      %div3A_2768 = arith.divf %get3A_2755, %max3A_2767 : vector<16xf32>
      %swap3A_2769 = arith.constant 400 : index
      %swap3A_2770 = tpu.vector_load %arg15[%swap3A_2769] {strides = array<i32>} : memref<512xf32, #tpu.memory_space<vmem>>, vector<16xf32>,
      tpu.vector_store %arg15[%swap3A_2769], %div3A_2768 {strides = array<i32>} : memref<512xf32, #tpu.memory_space<vmem>>, vector<16xf32>,
      %jit3A_2771 = arith.constant 0.000000e+00 : f32
      %broadcast_in_dim3A_2772 = vector.broadcast %jit3A_2771 : f32 to vector<16xf32>
      %select_n3A_2773 = arith.select %gt3A_2764, %get3A_2759, %broadcast_in_dim3A_2772 : vector<16xi1>, vector<16xf32>
      %swap3A_2774 = arith.constant 400 : index
      %swap3A_2775 = tpu.vector_load %arg16[%swap3A_2774] {strides = array<i32>} : memref<512xf32, #tpu.memory_space<vmem>>, vector<16xf32>,
      tpu.vector_store %arg16[%swap3A_2774], %select_n3A_2773 {strides = array<i32>} : memref<512xf32, #tpu.memory_space<vmem>>, vector<16xf32>,
      %jit3A_2776 = arith.constant 1 : i32
      %broadcast_in_dim3A_2777 = vector.broadcast %jit3A_2776 : i32 to vector<16xi32>
      %select_n3A_2778 = arith.select %gt3A_2764, %broadcast_in_dim3A_2777, %broadcast_in_dim3A_3 : vector<16xi1>, vector<16xi32>
      %jit3A_2779 = arith.constant 1 : i32
      %broadcast_in_dim3A_2780 = vector.broadcast %jit3A_2779 : i32 to vector<16xi32>
      %select_n3A_2781 = arith.select %gt3A_2764, %broadcast_in_dim3A_3, %broadcast_in_dim3A_2780 : vector<16xi1>, vector<16xi32>
      %sub3A_2782 = arith.constant 1 : i32
      %sub3A_2783 = arith.subi %add3A_2748, %sub3A_2782 : i32
      %broadcast_in_dim3A_2784 = arith.constant true
      %broadcast_in_dim3A_2785 = vector.broadcast %broadcast_in_dim3A_2784 : i1 to vector<16xi1>
      %masked_cumsum3A_2786 = tpu.scan <sum>, %select_n3A_2778 masked %broadcast_in_dim3A_2785 : vector<16xi32>, vector<16xi1> -> vector<16xi32>
      %add3A_2787 = vector.broadcast %sub3A_2783 : i32 to vector<16xi32>
      %add3A_2788 = arith.addi %add3A_2787, %masked_cumsum3A_2786 : vector<16xi32>
      %sub3A_2789 = arith.constant 512 : i32
      %sub3A_2790 = arith.subi %sub3A_2789, %add3A_2753 : i32
      %broadcast_in_dim3A_2791 = arith.constant true
      %broadcast_in_dim3A_2792 = vector.broadcast %broadcast_in_dim3A_2791 : i1 to vector<16xi1>
      %masked_cumsum3A_2793 = tpu.scan <sum>, %select_n3A_2781 masked %broadcast_in_dim3A_2792 : vector<16xi32>, vector<16xi1> -> vector<16xi32>
      %sub3A_2794 = vector.broadcast %sub3A_2790 : i32 to vector<16xi32>
      %sub3A_2795 = arith.subi %sub3A_2794, %masked_cumsum3A_2793 : vector<16xi32>
      %select_n3A_2796 = arith.select %gt3A_2764, %add3A_2788, %sub3A_2795 : vector<16xi1>, vector<16xi32>
      %add3A_2797 = vector.broadcast %mul3A_1083 : i32 to vector<16xi32>
      %add3A_2798 = arith.addi %add3A_2797, %get3A_2761 : vector<16xi32>
      %broadcast_in_dim3A_2799 = vector.broadcast %mul3A_1083 : i32 to vector<16xi32>
      %select_n3A_2800 = arith.select %gt3A_2764, %add3A_2798, %broadcast_in_dim3A_2799 : vector<16xi1>, vector<16xi32>
      tpu.vector_store_idx %arg17[%select_n3A_2796], %select_n3A_2800 : memref<512xi32, #tpu.memory_space<vmem>>[vector<16xi32>], vector<16xi32>,
      %shift_right_logical3A_2801 = arith.constant 6 : i32
      %shift_right_logical3A_2802 = vector.broadcast %shift_right_logical3A_2801 : i32 to vector<16xi32>
      %shift_right_logical3A_2803 = arith.shrui %select_n3A_2796, %shift_right_logical3A_2802 : vector<16xi32>
      %and3A_2804 = arith.constant 63 : i32
      %and3A_2805 = vector.broadcast %and3A_2804 : i32 to vector<16xi32>
      %and3A_2806 = arith.andi %select_n3A_2796, %and3A_2805 : vector<16xi32>
      %add3A_2807 = arith.constant 400 : i32
      %add3A_2808 = arith.addi %mul3A_1085, %add3A_2807 : i32
      %add3A_2809 = vector.broadcast %add3A_2808 : i32 to vector<16xi32>
      %add3A_2810 = arith.addi %add3A_2809, %iota3A : vector<16xi32>
      tpu.vector_store_idx %arg18[%shift_right_logical3A_2803, %and3A_2806], %add3A_2810 : memref<8x64xi32, #tpu.memory_space<vmem>>[vector<16xi32>, vector<16xi32>], vector<16xi32>,
      %reduce_sum3A_2811 = arith.constant true
      %reduce_sum3A_2812 = vector.broadcast %reduce_sum3A_2811 : i1 to vector<16xi1>
      %reduce_sum3A_2813 = tpu.scan <sum>, %select_n3A_2778 masked %reduce_sum3A_2812 : vector<16xi32>, vector<16xi1> -> vector<16xi32>
      %reduce_sum3A_2814 = vector.extract %reduce_sum3A_2813[15] : i32 from vector<16xi32>
      %add3A_2815 = arith.addi %add3A_2748, %reduce_sum3A_2814 : i32
      %reduce_sum3A_2816 = arith.constant true
      %reduce_sum3A_2817 = vector.broadcast %reduce_sum3A_2816 : i1 to vector<16xi1>
      %reduce_sum3A_2818 = tpu.scan <sum>, %select_n3A_2781 masked %reduce_sum3A_2817 : vector<16xi32>, vector<16xi1> -> vector<16xi32>
      %reduce_sum3A_2819 = vector.extract %reduce_sum3A_2818[15] : i32 from vector<16xi32>
      %add3A_2820 = arith.addi %add3A_2753, %reduce_sum3A_2819 : i32
      %get3A_2821 = arith.constant 416 : index
      %get3A_2822 = tpu.vector_load %arg11[%get3A_2821] {strides = array<i32>} : memref<512xf32, #tpu.memory_space<vmem>>, vector<16xf32>,
      %get3A_2823 = arith.constant 416 : index
      %get3A_2824 = tpu.vector_load %arg12[%get3A_2823] {strides = array<i32>} : memref<512xf32, #tpu.memory_space<vmem>>, vector<16xf32>,
      %get3A_2825 = arith.constant 416 : index
      %get3A_2826 = tpu.vector_load %arg13[%get3A_2825] {strides = array<i32>} : memref<512xf32, #tpu.memory_space<vmem>>, vector<16xf32>,
      %get3A_2827 = arith.constant 416 : index
      %get3A_2828 = tpu.vector_load %arg14[%get3A_2827] {strides = array<i32>} : memref<512xi32, #tpu.memory_space<vmem>>, vector<16xi32>,
      %gt3A_2829 = arith.constant 0.000000e+00 : f32
      %gt3A_2830 = vector.broadcast %gt3A_2829 : f32 to vector<16xf32>
      %gt3A_2831 = arith.cmpf ogt, %get3A_2824, %gt3A_2830 : vector<16xf32>
      %max3A_2832 = arith.constant 1.000000e+00 : f32
      %max3A_2833 = vector.broadcast %max3A_2832 : f32 to vector<16xf32>
      %max3A_2834 = arith.maximumf %get3A_2824, %max3A_2833 : vector<16xf32>
      %div3A_2835 = arith.divf %get3A_2822, %max3A_2834 : vector<16xf32>
      %swap3A_2836 = arith.constant 416 : index
      %swap3A_2837 = tpu.vector_load %arg15[%swap3A_2836] {strides = array<i32>} : memref<512xf32, #tpu.memory_space<vmem>>, vector<16xf32>,
      tpu.vector_store %arg15[%swap3A_2836], %div3A_2835 {strides = array<i32>} : memref<512xf32, #tpu.memory_space<vmem>>, vector<16xf32>,
      %jit3A_2838 = arith.constant 0.000000e+00 : f32
      %broadcast_in_dim3A_2839 = vector.broadcast %jit3A_2838 : f32 to vector<16xf32>
      %select_n3A_2840 = arith.select %gt3A_2831, %get3A_2826, %broadcast_in_dim3A_2839 : vector<16xi1>, vector<16xf32>
      %swap3A_2841 = arith.constant 416 : index
      %swap3A_2842 = tpu.vector_load %arg16[%swap3A_2841] {strides = array<i32>} : memref<512xf32, #tpu.memory_space<vmem>>, vector<16xf32>,
      tpu.vector_store %arg16[%swap3A_2841], %select_n3A_2840 {strides = array<i32>} : memref<512xf32, #tpu.memory_space<vmem>>, vector<16xf32>,
      %jit3A_2843 = arith.constant 1 : i32
      %broadcast_in_dim3A_2844 = vector.broadcast %jit3A_2843 : i32 to vector<16xi32>
      %select_n3A_2845 = arith.select %gt3A_2831, %broadcast_in_dim3A_2844, %broadcast_in_dim3A_3 : vector<16xi1>, vector<16xi32>
      %jit3A_2846 = arith.constant 1 : i32
      %broadcast_in_dim3A_2847 = vector.broadcast %jit3A_2846 : i32 to vector<16xi32>
      %select_n3A_2848 = arith.select %gt3A_2831, %broadcast_in_dim3A_3, %broadcast_in_dim3A_2847 : vector<16xi1>, vector<16xi32>
      %sub3A_2849 = arith.constant 1 : i32
      %sub3A_2850 = arith.subi %add3A_2815, %sub3A_2849 : i32
      %broadcast_in_dim3A_2851 = arith.constant true
      %broadcast_in_dim3A_2852 = vector.broadcast %broadcast_in_dim3A_2851 : i1 to vector<16xi1>
      %masked_cumsum3A_2853 = tpu.scan <sum>, %select_n3A_2845 masked %broadcast_in_dim3A_2852 : vector<16xi32>, vector<16xi1> -> vector<16xi32>
      %add3A_2854 = vector.broadcast %sub3A_2850 : i32 to vector<16xi32>
      %add3A_2855 = arith.addi %add3A_2854, %masked_cumsum3A_2853 : vector<16xi32>
      %sub3A_2856 = arith.constant 512 : i32
      %sub3A_2857 = arith.subi %sub3A_2856, %add3A_2820 : i32
      %broadcast_in_dim3A_2858 = arith.constant true
      %broadcast_in_dim3A_2859 = vector.broadcast %broadcast_in_dim3A_2858 : i1 to vector<16xi1>
      %masked_cumsum3A_2860 = tpu.scan <sum>, %select_n3A_2848 masked %broadcast_in_dim3A_2859 : vector<16xi32>, vector<16xi1> -> vector<16xi32>
      %sub3A_2861 = vector.broadcast %sub3A_2857 : i32 to vector<16xi32>
      %sub3A_2862 = arith.subi %sub3A_2861, %masked_cumsum3A_2860 : vector<16xi32>
      %select_n3A_2863 = arith.select %gt3A_2831, %add3A_2855, %sub3A_2862 : vector<16xi1>, vector<16xi32>
      %add3A_2864 = vector.broadcast %mul3A_1083 : i32 to vector<16xi32>
      %add3A_2865 = arith.addi %add3A_2864, %get3A_2828 : vector<16xi32>
      %broadcast_in_dim3A_2866 = vector.broadcast %mul3A_1083 : i32 to vector<16xi32>
      %select_n3A_2867 = arith.select %gt3A_2831, %add3A_2865, %broadcast_in_dim3A_2866 : vector<16xi1>, vector<16xi32>
      tpu.vector_store_idx %arg17[%select_n3A_2863], %select_n3A_2867 : memref<512xi32, #tpu.memory_space<vmem>>[vector<16xi32>], vector<16xi32>,
      %shift_right_logical3A_2868 = arith.constant 6 : i32
      %shift_right_logical3A_2869 = vector.broadcast %shift_right_logical3A_2868 : i32 to vector<16xi32>
      %shift_right_logical3A_2870 = arith.shrui %select_n3A_2863, %shift_right_logical3A_2869 : vector<16xi32>
      %and3A_2871 = arith.constant 63 : i32
      %and3A_2872 = vector.broadcast %and3A_2871 : i32 to vector<16xi32>
      %and3A_2873 = arith.andi %select_n3A_2863, %and3A_2872 : vector<16xi32>
      %add3A_2874 = arith.constant 416 : i32
      %add3A_2875 = arith.addi %mul3A_1085, %add3A_2874 : i32
      %add3A_2876 = vector.broadcast %add3A_2875 : i32 to vector<16xi32>
      %add3A_2877 = arith.addi %add3A_2876, %iota3A : vector<16xi32>
      tpu.vector_store_idx %arg18[%shift_right_logical3A_2870, %and3A_2873], %add3A_2877 : memref<8x64xi32, #tpu.memory_space<vmem>>[vector<16xi32>, vector<16xi32>], vector<16xi32>,
      %reduce_sum3A_2878 = arith.constant true
      %reduce_sum3A_2879 = vector.broadcast %reduce_sum3A_2878 : i1 to vector<16xi1>
      %reduce_sum3A_2880 = tpu.scan <sum>, %select_n3A_2845 masked %reduce_sum3A_2879 : vector<16xi32>, vector<16xi1> -> vector<16xi32>
      %reduce_sum3A_2881 = vector.extract %reduce_sum3A_2880[15] : i32 from vector<16xi32>
      %add3A_2882 = arith.addi %add3A_2815, %reduce_sum3A_2881 : i32
      %reduce_sum3A_2883 = arith.constant true
      %reduce_sum3A_2884 = vector.broadcast %reduce_sum3A_2883 : i1 to vector<16xi1>
      %reduce_sum3A_2885 = tpu.scan <sum>, %select_n3A_2848 masked %reduce_sum3A_2884 : vector<16xi32>, vector<16xi1> -> vector<16xi32>
      %reduce_sum3A_2886 = vector.extract %reduce_sum3A_2885[15] : i32 from vector<16xi32>
      %add3A_2887 = arith.addi %add3A_2820, %reduce_sum3A_2886 : i32
      %get3A_2888 = arith.constant 432 : index
      %get3A_2889 = tpu.vector_load %arg11[%get3A_2888] {strides = array<i32>} : memref<512xf32, #tpu.memory_space<vmem>>, vector<16xf32>,
      %get3A_2890 = arith.constant 432 : index
      %get3A_2891 = tpu.vector_load %arg12[%get3A_2890] {strides = array<i32>} : memref<512xf32, #tpu.memory_space<vmem>>, vector<16xf32>,
      %get3A_2892 = arith.constant 432 : index
      %get3A_2893 = tpu.vector_load %arg13[%get3A_2892] {strides = array<i32>} : memref<512xf32, #tpu.memory_space<vmem>>, vector<16xf32>,
      %get3A_2894 = arith.constant 432 : index
      %get3A_2895 = tpu.vector_load %arg14[%get3A_2894] {strides = array<i32>} : memref<512xi32, #tpu.memory_space<vmem>>, vector<16xi32>,
      %gt3A_2896 = arith.constant 0.000000e+00 : f32
      %gt3A_2897 = vector.broadcast %gt3A_2896 : f32 to vector<16xf32>
      %gt3A_2898 = arith.cmpf ogt, %get3A_2891, %gt3A_2897 : vector<16xf32>
      %max3A_2899 = arith.constant 1.000000e+00 : f32
      %max3A_2900 = vector.broadcast %max3A_2899 : f32 to vector<16xf32>
      %max3A_2901 = arith.maximumf %get3A_2891, %max3A_2900 : vector<16xf32>
      %div3A_2902 = arith.divf %get3A_2889, %max3A_2901 : vector<16xf32>
      %swap3A_2903 = arith.constant 432 : index
      %swap3A_2904 = tpu.vector_load %arg15[%swap3A_2903] {strides = array<i32>} : memref<512xf32, #tpu.memory_space<vmem>>, vector<16xf32>,
      tpu.vector_store %arg15[%swap3A_2903], %div3A_2902 {strides = array<i32>} : memref<512xf32, #tpu.memory_space<vmem>>, vector<16xf32>,
      %jit3A_2905 = arith.constant 0.000000e+00 : f32
      %broadcast_in_dim3A_2906 = vector.broadcast %jit3A_2905 : f32 to vector<16xf32>
      %select_n3A_2907 = arith.select %gt3A_2898, %get3A_2893, %broadcast_in_dim3A_2906 : vector<16xi1>, vector<16xf32>
      %swap3A_2908 = arith.constant 432 : index
      %swap3A_2909 = tpu.vector_load %arg16[%swap3A_2908] {strides = array<i32>} : memref<512xf32, #tpu.memory_space<vmem>>, vector<16xf32>,
      tpu.vector_store %arg16[%swap3A_2908], %select_n3A_2907 {strides = array<i32>} : memref<512xf32, #tpu.memory_space<vmem>>, vector<16xf32>,
      %jit3A_2910 = arith.constant 1 : i32
      %broadcast_in_dim3A_2911 = vector.broadcast %jit3A_2910 : i32 to vector<16xi32>
      %select_n3A_2912 = arith.select %gt3A_2898, %broadcast_in_dim3A_2911, %broadcast_in_dim3A_3 : vector<16xi1>, vector<16xi32>
      %jit3A_2913 = arith.constant 1 : i32
      %broadcast_in_dim3A_2914 = vector.broadcast %jit3A_2913 : i32 to vector<16xi32>
      %select_n3A_2915 = arith.select %gt3A_2898, %broadcast_in_dim3A_3, %broadcast_in_dim3A_2914 : vector<16xi1>, vector<16xi32>
      %sub3A_2916 = arith.constant 1 : i32
      %sub3A_2917 = arith.subi %add3A_2882, %sub3A_2916 : i32
      %broadcast_in_dim3A_2918 = arith.constant true
      %broadcast_in_dim3A_2919 = vector.broadcast %broadcast_in_dim3A_2918 : i1 to vector<16xi1>
      %masked_cumsum3A_2920 = tpu.scan <sum>, %select_n3A_2912 masked %broadcast_in_dim3A_2919 : vector<16xi32>, vector<16xi1> -> vector<16xi32>
      %add3A_2921 = vector.broadcast %sub3A_2917 : i32 to vector<16xi32>
      %add3A_2922 = arith.addi %add3A_2921, %masked_cumsum3A_2920 : vector<16xi32>
      %sub3A_2923 = arith.constant 512 : i32
      %sub3A_2924 = arith.subi %sub3A_2923, %add3A_2887 : i32
      %broadcast_in_dim3A_2925 = arith.constant true
      %broadcast_in_dim3A_2926 = vector.broadcast %broadcast_in_dim3A_2925 : i1 to vector<16xi1>
      %masked_cumsum3A_2927 = tpu.scan <sum>, %select_n3A_2915 masked %broadcast_in_dim3A_2926 : vector<16xi32>, vector<16xi1> -> vector<16xi32>
      %sub3A_2928 = vector.broadcast %sub3A_2924 : i32 to vector<16xi32>
      %sub3A_2929 = arith.subi %sub3A_2928, %masked_cumsum3A_2927 : vector<16xi32>
      %select_n3A_2930 = arith.select %gt3A_2898, %add3A_2922, %sub3A_2929 : vector<16xi1>, vector<16xi32>
      %add3A_2931 = vector.broadcast %mul3A_1083 : i32 to vector<16xi32>
      %add3A_2932 = arith.addi %add3A_2931, %get3A_2895 : vector<16xi32>
      %broadcast_in_dim3A_2933 = vector.broadcast %mul3A_1083 : i32 to vector<16xi32>
      %select_n3A_2934 = arith.select %gt3A_2898, %add3A_2932, %broadcast_in_dim3A_2933 : vector<16xi1>, vector<16xi32>
      tpu.vector_store_idx %arg17[%select_n3A_2930], %select_n3A_2934 : memref<512xi32, #tpu.memory_space<vmem>>[vector<16xi32>], vector<16xi32>,
      %shift_right_logical3A_2935 = arith.constant 6 : i32
      %shift_right_logical3A_2936 = vector.broadcast %shift_right_logical3A_2935 : i32 to vector<16xi32>
      %shift_right_logical3A_2937 = arith.shrui %select_n3A_2930, %shift_right_logical3A_2936 : vector<16xi32>
      %and3A_2938 = arith.constant 63 : i32
      %and3A_2939 = vector.broadcast %and3A_2938 : i32 to vector<16xi32>
      %and3A_2940 = arith.andi %select_n3A_2930, %and3A_2939 : vector<16xi32>
      %add3A_2941 = arith.constant 432 : i32
      %add3A_2942 = arith.addi %mul3A_1085, %add3A_2941 : i32
      %add3A_2943 = vector.broadcast %add3A_2942 : i32 to vector<16xi32>
      %add3A_2944 = arith.addi %add3A_2943, %iota3A : vector<16xi32>
      tpu.vector_store_idx %arg18[%shift_right_logical3A_2937, %and3A_2940], %add3A_2944 : memref<8x64xi32, #tpu.memory_space<vmem>>[vector<16xi32>, vector<16xi32>], vector<16xi32>,
      %reduce_sum3A_2945 = arith.constant true
      %reduce_sum3A_2946 = vector.broadcast %reduce_sum3A_2945 : i1 to vector<16xi1>
      %reduce_sum3A_2947 = tpu.scan <sum>, %select_n3A_2912 masked %reduce_sum3A_2946 : vector<16xi32>, vector<16xi1> -> vector<16xi32>
      %reduce_sum3A_2948 = vector.extract %reduce_sum3A_2947[15] : i32 from vector<16xi32>
      %add3A_2949 = arith.addi %add3A_2882, %reduce_sum3A_2948 : i32
      %reduce_sum3A_2950 = arith.constant true
      %reduce_sum3A_2951 = vector.broadcast %reduce_sum3A_2950 : i1 to vector<16xi1>
      %reduce_sum3A_2952 = tpu.scan <sum>, %select_n3A_2915 masked %reduce_sum3A_2951 : vector<16xi32>, vector<16xi1> -> vector<16xi32>
      %reduce_sum3A_2953 = vector.extract %reduce_sum3A_2952[15] : i32 from vector<16xi32>
      %add3A_2954 = arith.addi %add3A_2887, %reduce_sum3A_2953 : i32
      %get3A_2955 = arith.constant 448 : index
      %get3A_2956 = tpu.vector_load %arg11[%get3A_2955] {strides = array<i32>} : memref<512xf32, #tpu.memory_space<vmem>>, vector<16xf32>,
      %get3A_2957 = arith.constant 448 : index
      %get3A_2958 = tpu.vector_load %arg12[%get3A_2957] {strides = array<i32>} : memref<512xf32, #tpu.memory_space<vmem>>, vector<16xf32>,
      %get3A_2959 = arith.constant 448 : index
      %get3A_2960 = tpu.vector_load %arg13[%get3A_2959] {strides = array<i32>} : memref<512xf32, #tpu.memory_space<vmem>>, vector<16xf32>,
      %get3A_2961 = arith.constant 448 : index
      %get3A_2962 = tpu.vector_load %arg14[%get3A_2961] {strides = array<i32>} : memref<512xi32, #tpu.memory_space<vmem>>, vector<16xi32>,
      %gt3A_2963 = arith.constant 0.000000e+00 : f32
      %gt3A_2964 = vector.broadcast %gt3A_2963 : f32 to vector<16xf32>
      %gt3A_2965 = arith.cmpf ogt, %get3A_2958, %gt3A_2964 : vector<16xf32>
      %max3A_2966 = arith.constant 1.000000e+00 : f32
      %max3A_2967 = vector.broadcast %max3A_2966 : f32 to vector<16xf32>
      %max3A_2968 = arith.maximumf %get3A_2958, %max3A_2967 : vector<16xf32>
      %div3A_2969 = arith.divf %get3A_2956, %max3A_2968 : vector<16xf32>
      %swap3A_2970 = arith.constant 448 : index
      %swap3A_2971 = tpu.vector_load %arg15[%swap3A_2970] {strides = array<i32>} : memref<512xf32, #tpu.memory_space<vmem>>, vector<16xf32>,
      tpu.vector_store %arg15[%swap3A_2970], %div3A_2969 {strides = array<i32>} : memref<512xf32, #tpu.memory_space<vmem>>, vector<16xf32>,
      %jit3A_2972 = arith.constant 0.000000e+00 : f32
      %broadcast_in_dim3A_2973 = vector.broadcast %jit3A_2972 : f32 to vector<16xf32>
      %select_n3A_2974 = arith.select %gt3A_2965, %get3A_2960, %broadcast_in_dim3A_2973 : vector<16xi1>, vector<16xf32>
      %swap3A_2975 = arith.constant 448 : index
      %swap3A_2976 = tpu.vector_load %arg16[%swap3A_2975] {strides = array<i32>} : memref<512xf32, #tpu.memory_space<vmem>>, vector<16xf32>,
      tpu.vector_store %arg16[%swap3A_2975], %select_n3A_2974 {strides = array<i32>} : memref<512xf32, #tpu.memory_space<vmem>>, vector<16xf32>,
      %jit3A_2977 = arith.constant 1 : i32
      %broadcast_in_dim3A_2978 = vector.broadcast %jit3A_2977 : i32 to vector<16xi32>
      %select_n3A_2979 = arith.select %gt3A_2965, %broadcast_in_dim3A_2978, %broadcast_in_dim3A_3 : vector<16xi1>, vector<16xi32>
      %jit3A_2980 = arith.constant 1 : i32
      %broadcast_in_dim3A_2981 = vector.broadcast %jit3A_2980 : i32 to vector<16xi32>
      %select_n3A_2982 = arith.select %gt3A_2965, %broadcast_in_dim3A_3, %broadcast_in_dim3A_2981 : vector<16xi1>, vector<16xi32>
      %sub3A_2983 = arith.constant 1 : i32
      %sub3A_2984 = arith.subi %add3A_2949, %sub3A_2983 : i32
      %broadcast_in_dim3A_2985 = arith.constant true
      %broadcast_in_dim3A_2986 = vector.broadcast %broadcast_in_dim3A_2985 : i1 to vector<16xi1>
      %masked_cumsum3A_2987 = tpu.scan <sum>, %select_n3A_2979 masked %broadcast_in_dim3A_2986 : vector<16xi32>, vector<16xi1> -> vector<16xi32>
      %add3A_2988 = vector.broadcast %sub3A_2984 : i32 to vector<16xi32>
      %add3A_2989 = arith.addi %add3A_2988, %masked_cumsum3A_2987 : vector<16xi32>
      %sub3A_2990 = arith.constant 512 : i32
      %sub3A_2991 = arith.subi %sub3A_2990, %add3A_2954 : i32
      %broadcast_in_dim3A_2992 = arith.constant true
      %broadcast_in_dim3A_2993 = vector.broadcast %broadcast_in_dim3A_2992 : i1 to vector<16xi1>
      %masked_cumsum3A_2994 = tpu.scan <sum>, %select_n3A_2982 masked %broadcast_in_dim3A_2993 : vector<16xi32>, vector<16xi1> -> vector<16xi32>
      %sub3A_2995 = vector.broadcast %sub3A_2991 : i32 to vector<16xi32>
      %sub3A_2996 = arith.subi %sub3A_2995, %masked_cumsum3A_2994 : vector<16xi32>
      %select_n3A_2997 = arith.select %gt3A_2965, %add3A_2989, %sub3A_2996 : vector<16xi1>, vector<16xi32>
      %add3A_2998 = vector.broadcast %mul3A_1083 : i32 to vector<16xi32>
      %add3A_2999 = arith.addi %add3A_2998, %get3A_2962 : vector<16xi32>
      %broadcast_in_dim3A_3000 = vector.broadcast %mul3A_1083 : i32 to vector<16xi32>
      %select_n3A_3001 = arith.select %gt3A_2965, %add3A_2999, %broadcast_in_dim3A_3000 : vector<16xi1>, vector<16xi32>
      tpu.vector_store_idx %arg17[%select_n3A_2997], %select_n3A_3001 : memref<512xi32, #tpu.memory_space<vmem>>[vector<16xi32>], vector<16xi32>,
      %shift_right_logical3A_3002 = arith.constant 6 : i32
      %shift_right_logical3A_3003 = vector.broadcast %shift_right_logical3A_3002 : i32 to vector<16xi32>
      %shift_right_logical3A_3004 = arith.shrui %select_n3A_2997, %shift_right_logical3A_3003 : vector<16xi32>
      %and3A_3005 = arith.constant 63 : i32
      %and3A_3006 = vector.broadcast %and3A_3005 : i32 to vector<16xi32>
      %and3A_3007 = arith.andi %select_n3A_2997, %and3A_3006 : vector<16xi32>
      %add3A_3008 = arith.constant 448 : i32
      %add3A_3009 = arith.addi %mul3A_1085, %add3A_3008 : i32
      %add3A_3010 = vector.broadcast %add3A_3009 : i32 to vector<16xi32>
      %add3A_3011 = arith.addi %add3A_3010, %iota3A : vector<16xi32>
      tpu.vector_store_idx %arg18[%shift_right_logical3A_3004, %and3A_3007], %add3A_3011 : memref<8x64xi32, #tpu.memory_space<vmem>>[vector<16xi32>, vector<16xi32>], vector<16xi32>,
      %reduce_sum3A_3012 = arith.constant true
      %reduce_sum3A_3013 = vector.broadcast %reduce_sum3A_3012 : i1 to vector<16xi1>
      %reduce_sum3A_3014 = tpu.scan <sum>, %select_n3A_2979 masked %reduce_sum3A_3013 : vector<16xi32>, vector<16xi1> -> vector<16xi32>
      %reduce_sum3A_3015 = vector.extract %reduce_sum3A_3014[15] : i32 from vector<16xi32>
      %add3A_3016 = arith.addi %add3A_2949, %reduce_sum3A_3015 : i32
      %reduce_sum3A_3017 = arith.constant true
      %reduce_sum3A_3018 = vector.broadcast %reduce_sum3A_3017 : i1 to vector<16xi1>
      %reduce_sum3A_3019 = tpu.scan <sum>, %select_n3A_2982 masked %reduce_sum3A_3018 : vector<16xi32>, vector<16xi1> -> vector<16xi32>
      %reduce_sum3A_3020 = vector.extract %reduce_sum3A_3019[15] : i32 from vector<16xi32>
      %add3A_3021 = arith.addi %add3A_2954, %reduce_sum3A_3020 : i32
      %get3A_3022 = arith.constant 464 : index
      %get3A_3023 = tpu.vector_load %arg11[%get3A_3022] {strides = array<i32>} : memref<512xf32, #tpu.memory_space<vmem>>, vector<16xf32>,
      %get3A_3024 = arith.constant 464 : index
      %get3A_3025 = tpu.vector_load %arg12[%get3A_3024] {strides = array<i32>} : memref<512xf32, #tpu.memory_space<vmem>>, vector<16xf32>,
      %get3A_3026 = arith.constant 464 : index
      %get3A_3027 = tpu.vector_load %arg13[%get3A_3026] {strides = array<i32>} : memref<512xf32, #tpu.memory_space<vmem>>, vector<16xf32>,
      %get3A_3028 = arith.constant 464 : index
      %get3A_3029 = tpu.vector_load %arg14[%get3A_3028] {strides = array<i32>} : memref<512xi32, #tpu.memory_space<vmem>>, vector<16xi32>,
      %gt3A_3030 = arith.constant 0.000000e+00 : f32
      %gt3A_3031 = vector.broadcast %gt3A_3030 : f32 to vector<16xf32>
      %gt3A_3032 = arith.cmpf ogt, %get3A_3025, %gt3A_3031 : vector<16xf32>
      %max3A_3033 = arith.constant 1.000000e+00 : f32
      %max3A_3034 = vector.broadcast %max3A_3033 : f32 to vector<16xf32>
      %max3A_3035 = arith.maximumf %get3A_3025, %max3A_3034 : vector<16xf32>
      %div3A_3036 = arith.divf %get3A_3023, %max3A_3035 : vector<16xf32>
      %swap3A_3037 = arith.constant 464 : index
      %swap3A_3038 = tpu.vector_load %arg15[%swap3A_3037] {strides = array<i32>} : memref<512xf32, #tpu.memory_space<vmem>>, vector<16xf32>,
      tpu.vector_store %arg15[%swap3A_3037], %div3A_3036 {strides = array<i32>} : memref<512xf32, #tpu.memory_space<vmem>>, vector<16xf32>,
      %jit3A_3039 = arith.constant 0.000000e+00 : f32
      %broadcast_in_dim3A_3040 = vector.broadcast %jit3A_3039 : f32 to vector<16xf32>
      %select_n3A_3041 = arith.select %gt3A_3032, %get3A_3027, %broadcast_in_dim3A_3040 : vector<16xi1>, vector<16xf32>
      %swap3A_3042 = arith.constant 464 : index
      %swap3A_3043 = tpu.vector_load %arg16[%swap3A_3042] {strides = array<i32>} : memref<512xf32, #tpu.memory_space<vmem>>, vector<16xf32>,
      tpu.vector_store %arg16[%swap3A_3042], %select_n3A_3041 {strides = array<i32>} : memref<512xf32, #tpu.memory_space<vmem>>, vector<16xf32>,
      %jit3A_3044 = arith.constant 1 : i32
      %broadcast_in_dim3A_3045 = vector.broadcast %jit3A_3044 : i32 to vector<16xi32>
      %select_n3A_3046 = arith.select %gt3A_3032, %broadcast_in_dim3A_3045, %broadcast_in_dim3A_3 : vector<16xi1>, vector<16xi32>
      %jit3A_3047 = arith.constant 1 : i32
      %broadcast_in_dim3A_3048 = vector.broadcast %jit3A_3047 : i32 to vector<16xi32>
      %select_n3A_3049 = arith.select %gt3A_3032, %broadcast_in_dim3A_3, %broadcast_in_dim3A_3048 : vector<16xi1>, vector<16xi32>
      %sub3A_3050 = arith.constant 1 : i32
      %sub3A_3051 = arith.subi %add3A_3016, %sub3A_3050 : i32
      %broadcast_in_dim3A_3052 = arith.constant true
      %broadcast_in_dim3A_3053 = vector.broadcast %broadcast_in_dim3A_3052 : i1 to vector<16xi1>
      %masked_cumsum3A_3054 = tpu.scan <sum>, %select_n3A_3046 masked %broadcast_in_dim3A_3053 : vector<16xi32>, vector<16xi1> -> vector<16xi32>
      %add3A_3055 = vector.broadcast %sub3A_3051 : i32 to vector<16xi32>
      %add3A_3056 = arith.addi %add3A_3055, %masked_cumsum3A_3054 : vector<16xi32>
      %sub3A_3057 = arith.constant 512 : i32
      %sub3A_3058 = arith.subi %sub3A_3057, %add3A_3021 : i32
      %broadcast_in_dim3A_3059 = arith.constant true
      %broadcast_in_dim3A_3060 = vector.broadcast %broadcast_in_dim3A_3059 : i1 to vector<16xi1>
      %masked_cumsum3A_3061 = tpu.scan <sum>, %select_n3A_3049 masked %broadcast_in_dim3A_3060 : vector<16xi32>, vector<16xi1> -> vector<16xi32>
      %sub3A_3062 = vector.broadcast %sub3A_3058 : i32 to vector<16xi32>
      %sub3A_3063 = arith.subi %sub3A_3062, %masked_cumsum3A_3061 : vector<16xi32>
      %select_n3A_3064 = arith.select %gt3A_3032, %add3A_3056, %sub3A_3063 : vector<16xi1>, vector<16xi32>
      %add3A_3065 = vector.broadcast %mul3A_1083 : i32 to vector<16xi32>
      %add3A_3066 = arith.addi %add3A_3065, %get3A_3029 : vector<16xi32>
      %broadcast_in_dim3A_3067 = vector.broadcast %mul3A_1083 : i32 to vector<16xi32>
      %select_n3A_3068 = arith.select %gt3A_3032, %add3A_3066, %broadcast_in_dim3A_3067 : vector<16xi1>, vector<16xi32>
      tpu.vector_store_idx %arg17[%select_n3A_3064], %select_n3A_3068 : memref<512xi32, #tpu.memory_space<vmem>>[vector<16xi32>], vector<16xi32>,
      %shift_right_logical3A_3069 = arith.constant 6 : i32
      %shift_right_logical3A_3070 = vector.broadcast %shift_right_logical3A_3069 : i32 to vector<16xi32>
      %shift_right_logical3A_3071 = arith.shrui %select_n3A_3064, %shift_right_logical3A_3070 : vector<16xi32>
      %and3A_3072 = arith.constant 63 : i32
      %and3A_3073 = vector.broadcast %and3A_3072 : i32 to vector<16xi32>
      %and3A_3074 = arith.andi %select_n3A_3064, %and3A_3073 : vector<16xi32>
      %add3A_3075 = arith.constant 464 : i32
      %add3A_3076 = arith.addi %mul3A_1085, %add3A_3075 : i32
      %add3A_3077 = vector.broadcast %add3A_3076 : i32 to vector<16xi32>
      %add3A_3078 = arith.addi %add3A_3077, %iota3A : vector<16xi32>
      tpu.vector_store_idx %arg18[%shift_right_logical3A_3071, %and3A_3074], %add3A_3078 : memref<8x64xi32, #tpu.memory_space<vmem>>[vector<16xi32>, vector<16xi32>], vector<16xi32>,
      %reduce_sum3A_3079 = arith.constant true
      %reduce_sum3A_3080 = vector.broadcast %reduce_sum3A_3079 : i1 to vector<16xi1>
      %reduce_sum3A_3081 = tpu.scan <sum>, %select_n3A_3046 masked %reduce_sum3A_3080 : vector<16xi32>, vector<16xi1> -> vector<16xi32>
      %reduce_sum3A_3082 = vector.extract %reduce_sum3A_3081[15] : i32 from vector<16xi32>
      %add3A_3083 = arith.addi %add3A_3016, %reduce_sum3A_3082 : i32
      %reduce_sum3A_3084 = arith.constant true
      %reduce_sum3A_3085 = vector.broadcast %reduce_sum3A_3084 : i1 to vector<16xi1>
      %reduce_sum3A_3086 = tpu.scan <sum>, %select_n3A_3049 masked %reduce_sum3A_3085 : vector<16xi32>, vector<16xi1> -> vector<16xi32>
      %reduce_sum3A_3087 = vector.extract %reduce_sum3A_3086[15] : i32 from vector<16xi32>
      %add3A_3088 = arith.addi %add3A_3021, %reduce_sum3A_3087 : i32
      %get3A_3089 = arith.constant 480 : index
      %get3A_3090 = tpu.vector_load %arg11[%get3A_3089] {strides = array<i32>} : memref<512xf32, #tpu.memory_space<vmem>>, vector<16xf32>,
      %get3A_3091 = arith.constant 480 : index
      %get3A_3092 = tpu.vector_load %arg12[%get3A_3091] {strides = array<i32>} : memref<512xf32, #tpu.memory_space<vmem>>, vector<16xf32>,
      %get3A_3093 = arith.constant 480 : index
      %get3A_3094 = tpu.vector_load %arg13[%get3A_3093] {strides = array<i32>} : memref<512xf32, #tpu.memory_space<vmem>>, vector<16xf32>,
      %get3A_3095 = arith.constant 480 : index
      %get3A_3096 = tpu.vector_load %arg14[%get3A_3095] {strides = array<i32>} : memref<512xi32, #tpu.memory_space<vmem>>, vector<16xi32>,
      %gt3A_3097 = arith.constant 0.000000e+00 : f32
      %gt3A_3098 = vector.broadcast %gt3A_3097 : f32 to vector<16xf32>
      %gt3A_3099 = arith.cmpf ogt, %get3A_3092, %gt3A_3098 : vector<16xf32>
      %max3A_3100 = arith.constant 1.000000e+00 : f32
      %max3A_3101 = vector.broadcast %max3A_3100 : f32 to vector<16xf32>
      %max3A_3102 = arith.maximumf %get3A_3092, %max3A_3101 : vector<16xf32>
      %div3A_3103 = arith.divf %get3A_3090, %max3A_3102 : vector<16xf32>
      %swap3A_3104 = arith.constant 480 : index
      %swap3A_3105 = tpu.vector_load %arg15[%swap3A_3104] {strides = array<i32>} : memref<512xf32, #tpu.memory_space<vmem>>, vector<16xf32>,
      tpu.vector_store %arg15[%swap3A_3104], %div3A_3103 {strides = array<i32>} : memref<512xf32, #tpu.memory_space<vmem>>, vector<16xf32>,
      %jit3A_3106 = arith.constant 0.000000e+00 : f32
      %broadcast_in_dim3A_3107 = vector.broadcast %jit3A_3106 : f32 to vector<16xf32>
      %select_n3A_3108 = arith.select %gt3A_3099, %get3A_3094, %broadcast_in_dim3A_3107 : vector<16xi1>, vector<16xf32>
      %swap3A_3109 = arith.constant 480 : index
      %swap3A_3110 = tpu.vector_load %arg16[%swap3A_3109] {strides = array<i32>} : memref<512xf32, #tpu.memory_space<vmem>>, vector<16xf32>,
      tpu.vector_store %arg16[%swap3A_3109], %select_n3A_3108 {strides = array<i32>} : memref<512xf32, #tpu.memory_space<vmem>>, vector<16xf32>,
      %jit3A_3111 = arith.constant 1 : i32
      %broadcast_in_dim3A_3112 = vector.broadcast %jit3A_3111 : i32 to vector<16xi32>
      %select_n3A_3113 = arith.select %gt3A_3099, %broadcast_in_dim3A_3112, %broadcast_in_dim3A_3 : vector<16xi1>, vector<16xi32>
      %jit3A_3114 = arith.constant 1 : i32
      %broadcast_in_dim3A_3115 = vector.broadcast %jit3A_3114 : i32 to vector<16xi32>
      %select_n3A_3116 = arith.select %gt3A_3099, %broadcast_in_dim3A_3, %broadcast_in_dim3A_3115 : vector<16xi1>, vector<16xi32>
      %sub3A_3117 = arith.constant 1 : i32
      %sub3A_3118 = arith.subi %add3A_3083, %sub3A_3117 : i32
      %broadcast_in_dim3A_3119 = arith.constant true
      %broadcast_in_dim3A_3120 = vector.broadcast %broadcast_in_dim3A_3119 : i1 to vector<16xi1>
      %masked_cumsum3A_3121 = tpu.scan <sum>, %select_n3A_3113 masked %broadcast_in_dim3A_3120 : vector<16xi32>, vector<16xi1> -> vector<16xi32>
      %add3A_3122 = vector.broadcast %sub3A_3118 : i32 to vector<16xi32>
      %add3A_3123 = arith.addi %add3A_3122, %masked_cumsum3A_3121 : vector<16xi32>
      %sub3A_3124 = arith.constant 512 : i32
      %sub3A_3125 = arith.subi %sub3A_3124, %add3A_3088 : i32
      %broadcast_in_dim3A_3126 = arith.constant true
      %broadcast_in_dim3A_3127 = vector.broadcast %broadcast_in_dim3A_3126 : i1 to vector<16xi1>
      %masked_cumsum3A_3128 = tpu.scan <sum>, %select_n3A_3116 masked %broadcast_in_dim3A_3127 : vector<16xi32>, vector<16xi1> -> vector<16xi32>
      %sub3A_3129 = vector.broadcast %sub3A_3125 : i32 to vector<16xi32>
      %sub3A_3130 = arith.subi %sub3A_3129, %masked_cumsum3A_3128 : vector<16xi32>
      %select_n3A_3131 = arith.select %gt3A_3099, %add3A_3123, %sub3A_3130 : vector<16xi1>, vector<16xi32>
      %add3A_3132 = vector.broadcast %mul3A_1083 : i32 to vector<16xi32>
      %add3A_3133 = arith.addi %add3A_3132, %get3A_3096 : vector<16xi32>
      %broadcast_in_dim3A_3134 = vector.broadcast %mul3A_1083 : i32 to vector<16xi32>
      %select_n3A_3135 = arith.select %gt3A_3099, %add3A_3133, %broadcast_in_dim3A_3134 : vector<16xi1>, vector<16xi32>
      tpu.vector_store_idx %arg17[%select_n3A_3131], %select_n3A_3135 : memref<512xi32, #tpu.memory_space<vmem>>[vector<16xi32>], vector<16xi32>,
      %shift_right_logical3A_3136 = arith.constant 6 : i32
      %shift_right_logical3A_3137 = vector.broadcast %shift_right_logical3A_3136 : i32 to vector<16xi32>
      %shift_right_logical3A_3138 = arith.shrui %select_n3A_3131, %shift_right_logical3A_3137 : vector<16xi32>
      %and3A_3139 = arith.constant 63 : i32
      %and3A_3140 = vector.broadcast %and3A_3139 : i32 to vector<16xi32>
      %and3A_3141 = arith.andi %select_n3A_3131, %and3A_3140 : vector<16xi32>
      %add3A_3142 = arith.constant 480 : i32
      %add3A_3143 = arith.addi %mul3A_1085, %add3A_3142 : i32
      %add3A_3144 = vector.broadcast %add3A_3143 : i32 to vector<16xi32>
      %add3A_3145 = arith.addi %add3A_3144, %iota3A : vector<16xi32>
      tpu.vector_store_idx %arg18[%shift_right_logical3A_3138, %and3A_3141], %add3A_3145 : memref<8x64xi32, #tpu.memory_space<vmem>>[vector<16xi32>, vector<16xi32>], vector<16xi32>,
      %reduce_sum3A_3146 = arith.constant true
      %reduce_sum3A_3147 = vector.broadcast %reduce_sum3A_3146 : i1 to vector<16xi1>
      %reduce_sum3A_3148 = tpu.scan <sum>, %select_n3A_3113 masked %reduce_sum3A_3147 : vector<16xi32>, vector<16xi1> -> vector<16xi32>
      %reduce_sum3A_3149 = vector.extract %reduce_sum3A_3148[15] : i32 from vector<16xi32>
      %add3A_3150 = arith.addi %add3A_3083, %reduce_sum3A_3149 : i32
      %reduce_sum3A_3151 = arith.constant true
      %reduce_sum3A_3152 = vector.broadcast %reduce_sum3A_3151 : i1 to vector<16xi1>
      %reduce_sum3A_3153 = tpu.scan <sum>, %select_n3A_3116 masked %reduce_sum3A_3152 : vector<16xi32>, vector<16xi1> -> vector<16xi32>
      %reduce_sum3A_3154 = vector.extract %reduce_sum3A_3153[15] : i32 from vector<16xi32>
      %add3A_3155 = arith.addi %add3A_3088, %reduce_sum3A_3154 : i32
      %get3A_3156 = arith.constant 496 : index
      %get3A_3157 = tpu.vector_load %arg11[%get3A_3156] {strides = array<i32>} : memref<512xf32, #tpu.memory_space<vmem>>, vector<16xf32>,
      %get3A_3158 = arith.constant 496 : index
      %get3A_3159 = tpu.vector_load %arg12[%get3A_3158] {strides = array<i32>} : memref<512xf32, #tpu.memory_space<vmem>>, vector<16xf32>,
      %get3A_3160 = arith.constant 496 : index
      %get3A_3161 = tpu.vector_load %arg13[%get3A_3160] {strides = array<i32>} : memref<512xf32, #tpu.memory_space<vmem>>, vector<16xf32>,
      %get3A_3162 = arith.constant 496 : index
      %get3A_3163 = tpu.vector_load %arg14[%get3A_3162] {strides = array<i32>} : memref<512xi32, #tpu.memory_space<vmem>>, vector<16xi32>,
      %gt3A_3164 = arith.constant 0.000000e+00 : f32
      %gt3A_3165 = vector.broadcast %gt3A_3164 : f32 to vector<16xf32>
      %gt3A_3166 = arith.cmpf ogt, %get3A_3159, %gt3A_3165 : vector<16xf32>
      %max3A_3167 = arith.constant 1.000000e+00 : f32
      %max3A_3168 = vector.broadcast %max3A_3167 : f32 to vector<16xf32>
      %max3A_3169 = arith.maximumf %get3A_3159, %max3A_3168 : vector<16xf32>
      %div3A_3170 = arith.divf %get3A_3157, %max3A_3169 : vector<16xf32>
      %swap3A_3171 = arith.constant 496 : index
      %swap3A_3172 = tpu.vector_load %arg15[%swap3A_3171] {strides = array<i32>} : memref<512xf32, #tpu.memory_space<vmem>>, vector<16xf32>,
      tpu.vector_store %arg15[%swap3A_3171], %div3A_3170 {strides = array<i32>} : memref<512xf32, #tpu.memory_space<vmem>>, vector<16xf32>,
      %jit3A_3173 = arith.constant 0.000000e+00 : f32
      %broadcast_in_dim3A_3174 = vector.broadcast %jit3A_3173 : f32 to vector<16xf32>
      %select_n3A_3175 = arith.select %gt3A_3166, %get3A_3161, %broadcast_in_dim3A_3174 : vector<16xi1>, vector<16xf32>
      %swap3A_3176 = arith.constant 496 : index
      %swap3A_3177 = tpu.vector_load %arg16[%swap3A_3176] {strides = array<i32>} : memref<512xf32, #tpu.memory_space<vmem>>, vector<16xf32>,
      tpu.vector_store %arg16[%swap3A_3176], %select_n3A_3175 {strides = array<i32>} : memref<512xf32, #tpu.memory_space<vmem>>, vector<16xf32>,
      %jit3A_3178 = arith.constant 1 : i32
      %broadcast_in_dim3A_3179 = vector.broadcast %jit3A_3178 : i32 to vector<16xi32>
      %select_n3A_3180 = arith.select %gt3A_3166, %broadcast_in_dim3A_3179, %broadcast_in_dim3A_3 : vector<16xi1>, vector<16xi32>
      %jit3A_3181 = arith.constant 1 : i32
      %broadcast_in_dim3A_3182 = vector.broadcast %jit3A_3181 : i32 to vector<16xi32>
      %select_n3A_3183 = arith.select %gt3A_3166, %broadcast_in_dim3A_3, %broadcast_in_dim3A_3182 : vector<16xi1>, vector<16xi32>
      %sub3A_3184 = arith.constant 1 : i32
      %sub3A_3185 = arith.subi %add3A_3150, %sub3A_3184 : i32
      %broadcast_in_dim3A_3186 = arith.constant true
      %broadcast_in_dim3A_3187 = vector.broadcast %broadcast_in_dim3A_3186 : i1 to vector<16xi1>
      %masked_cumsum3A_3188 = tpu.scan <sum>, %select_n3A_3180 masked %broadcast_in_dim3A_3187 : vector<16xi32>, vector<16xi1> -> vector<16xi32>
      %add3A_3189 = vector.broadcast %sub3A_3185 : i32 to vector<16xi32>
      %add3A_3190 = arith.addi %add3A_3189, %masked_cumsum3A_3188 : vector<16xi32>
      %sub3A_3191 = arith.constant 512 : i32
      %sub3A_3192 = arith.subi %sub3A_3191, %add3A_3155 : i32
      %broadcast_in_dim3A_3193 = arith.constant true
      %broadcast_in_dim3A_3194 = vector.broadcast %broadcast_in_dim3A_3193 : i1 to vector<16xi1>
      %masked_cumsum3A_3195 = tpu.scan <sum>, %select_n3A_3183 masked %broadcast_in_dim3A_3194 : vector<16xi32>, vector<16xi1> -> vector<16xi32>
      %sub3A_3196 = vector.broadcast %sub3A_3192 : i32 to vector<16xi32>
      %sub3A_3197 = arith.subi %sub3A_3196, %masked_cumsum3A_3195 : vector<16xi32>
      %select_n3A_3198 = arith.select %gt3A_3166, %add3A_3190, %sub3A_3197 : vector<16xi1>, vector<16xi32>
      %add3A_3199 = vector.broadcast %mul3A_1083 : i32 to vector<16xi32>
      %add3A_3200 = arith.addi %add3A_3199, %get3A_3163 : vector<16xi32>
      %broadcast_in_dim3A_3201 = vector.broadcast %mul3A_1083 : i32 to vector<16xi32>
      %select_n3A_3202 = arith.select %gt3A_3166, %add3A_3200, %broadcast_in_dim3A_3201 : vector<16xi1>, vector<16xi32>
      tpu.vector_store_idx %arg17[%select_n3A_3198], %select_n3A_3202 : memref<512xi32, #tpu.memory_space<vmem>>[vector<16xi32>], vector<16xi32>,
      %shift_right_logical3A_3203 = arith.constant 6 : i32
      %shift_right_logical3A_3204 = vector.broadcast %shift_right_logical3A_3203 : i32 to vector<16xi32>
      %shift_right_logical3A_3205 = arith.shrui %select_n3A_3198, %shift_right_logical3A_3204 : vector<16xi32>
      %and3A_3206 = arith.constant 63 : i32
      %and3A_3207 = vector.broadcast %and3A_3206 : i32 to vector<16xi32>
      %and3A_3208 = arith.andi %select_n3A_3198, %and3A_3207 : vector<16xi32>
      %add3A_3209 = arith.constant 496 : i32
      %add3A_3210 = arith.addi %mul3A_1085, %add3A_3209 : i32
      %add3A_3211 = vector.broadcast %add3A_3210 : i32 to vector<16xi32>
      %add3A_3212 = arith.addi %add3A_3211, %iota3A : vector<16xi32>
      tpu.vector_store_idx %arg18[%shift_right_logical3A_3205, %and3A_3208], %add3A_3212 : memref<8x64xi32, #tpu.memory_space<vmem>>[vector<16xi32>, vector<16xi32>], vector<16xi32>,
      %reduce_sum3A_3213 = arith.constant true
      %reduce_sum3A_3214 = vector.broadcast %reduce_sum3A_3213 : i1 to vector<16xi1>
      %reduce_sum3A_3215 = tpu.scan <sum>, %select_n3A_3180 masked %reduce_sum3A_3214 : vector<16xi32>, vector<16xi1> -> vector<16xi32>
      %reduce_sum3A_3216 = vector.extract %reduce_sum3A_3215[15] : i32 from vector<16xi32>
      %add3A_3217 = arith.addi %add3A_3150, %reduce_sum3A_3216 : i32
      %reduce_sum3A_3218 = arith.constant true
      %reduce_sum3A_3219 = vector.broadcast %reduce_sum3A_3218 : i1 to vector<16xi1>
      %reduce_sum3A_3220 = tpu.scan <sum>, %select_n3A_3183 masked %reduce_sum3A_3219 : vector<16xi32>, vector<16xi1> -> vector<16xi32>
      %reduce_sum3A_3221 = vector.extract %reduce_sum3A_3220[15] : i32 from vector<16xi32>
      %add3A_3222 = arith.addi %add3A_3155, %reduce_sum3A_3221 : i32
      %gt3A_3223 = arith.constant 0 : i32
      %gt3A_3224 = arith.cmpi sgt, %add3A_3217, %gt3A_3223 : i32
      %convert_element_type3A = arith.extui %gt3A_3224 : i1 to i32
      %cond3A = arith.constant 0 : i32
      %cond3A_3225 = arith.cmpi ne, %convert_element_type3A, %cond3A : i32
      scf.if %cond3A_3225 {
        %dma_start3A_3445 = arith.constant 0 : i32
        %dma_start3A_3446 = arith.constant 0 : i32
        %dma_start3A_3447 = tpu.memref_slice %arg19[%dma_start3A_3445, %dma_start3A_3446] : memref<576x64xf32, #tpu.memory_space<vmem>> -> memref<128x64xf32, #tpu.memory_space<vmem>>
        %dma_start3A_3448 = arith.constant 0 : i32
        %dma_start3A_3449 = tpu.memref_slice %arg17[%dma_start3A_3448] : memref<512xi32, #tpu.memory_space<vmem>> -> memref<128xi32, #tpu.memory_space<vmem>>
        %dma_start3A_3450 = arith.constant 0 : i32
        %dma_start3A_3451 = arith.constant 0 : i32
        %dma_start3A_3452 = tpu.memref_slice %arg3[%dma_start3A_3450, %dma_start3A_3451] : memref<524288x64xf32, #tpu.memory_space<hbm>> -> memref<524288x64xf32, #tpu.memory_space<hbm>>
        tpu.enqueue_indirect_dma source(%dma_start3A_3452 : memref<524288x64xf32, #tpu.memory_space<hbm>>) target(%dma_start3A_3447 : memref<128x64xf32, #tpu.memory_space<vmem>>) offsets(%dma_start3A_3449 : memref<128xi32, #tpu.memory_space<vmem>>) semaphore(%arg21 : memref<!tpu.dma_semaphore, #tpu.memory_space<semaphore_mem>>)
      } else {
      }
      %gt3A_3226 = arith.constant 128 : i32
      %gt3A_3227 = arith.cmpi sgt, %add3A_3217, %gt3A_3226 : i32
      %convert_element_type3A_3228 = arith.extui %gt3A_3227 : i1 to i32
      %cond3A_3229 = arith.constant 0 : i32
      %cond3A_3230 = arith.cmpi ne, %convert_element_type3A_3228, %cond3A_3229 : i32
      scf.if %cond3A_3230 {
        %dma_start3A_3445 = arith.constant 128 : i32
        %dma_start3A_3446 = arith.constant 0 : i32
        %dma_start3A_3447 = tpu.memref_slice %arg19[%dma_start3A_3445, %dma_start3A_3446] : memref<576x64xf32, #tpu.memory_space<vmem>> -> memref<128x64xf32, #tpu.memory_space<vmem>>
        %dma_start3A_3448 = arith.constant 128 : i32
        %dma_start3A_3449 = tpu.memref_slice %arg17[%dma_start3A_3448] : memref<512xi32, #tpu.memory_space<vmem>> -> memref<128xi32, #tpu.memory_space<vmem>>
        %dma_start3A_3450 = arith.constant 0 : i32
        %dma_start3A_3451 = arith.constant 0 : i32
        %dma_start3A_3452 = tpu.memref_slice %arg3[%dma_start3A_3450, %dma_start3A_3451] : memref<524288x64xf32, #tpu.memory_space<hbm>> -> memref<524288x64xf32, #tpu.memory_space<hbm>>
        tpu.enqueue_indirect_dma source(%dma_start3A_3452 : memref<524288x64xf32, #tpu.memory_space<hbm>>) target(%dma_start3A_3447 : memref<128x64xf32, #tpu.memory_space<vmem>>) offsets(%dma_start3A_3449 : memref<128xi32, #tpu.memory_space<vmem>>) semaphore(%arg21 : memref<!tpu.dma_semaphore, #tpu.memory_space<semaphore_mem>>)
      } else {
      }
      %gt3A_3231 = arith.constant 256 : i32
      %gt3A_3232 = arith.cmpi sgt, %add3A_3217, %gt3A_3231 : i32
      %convert_element_type3A_3233 = arith.extui %gt3A_3232 : i1 to i32
      %cond3A_3234 = arith.constant 0 : i32
      %cond3A_3235 = arith.cmpi ne, %convert_element_type3A_3233, %cond3A_3234 : i32
      scf.if %cond3A_3235 {
        %dma_start3A_3445 = arith.constant 256 : i32
        %dma_start3A_3446 = arith.constant 0 : i32
        %dma_start3A_3447 = tpu.memref_slice %arg19[%dma_start3A_3445, %dma_start3A_3446] : memref<576x64xf32, #tpu.memory_space<vmem>> -> memref<128x64xf32, #tpu.memory_space<vmem>>
        %dma_start3A_3448 = arith.constant 256 : i32
        %dma_start3A_3449 = tpu.memref_slice %arg17[%dma_start3A_3448] : memref<512xi32, #tpu.memory_space<vmem>> -> memref<128xi32, #tpu.memory_space<vmem>>
        %dma_start3A_3450 = arith.constant 0 : i32
        %dma_start3A_3451 = arith.constant 0 : i32
        %dma_start3A_3452 = tpu.memref_slice %arg3[%dma_start3A_3450, %dma_start3A_3451] : memref<524288x64xf32, #tpu.memory_space<hbm>> -> memref<524288x64xf32, #tpu.memory_space<hbm>>
        tpu.enqueue_indirect_dma source(%dma_start3A_3452 : memref<524288x64xf32, #tpu.memory_space<hbm>>) target(%dma_start3A_3447 : memref<128x64xf32, #tpu.memory_space<vmem>>) offsets(%dma_start3A_3449 : memref<128xi32, #tpu.memory_space<vmem>>) semaphore(%arg21 : memref<!tpu.dma_semaphore, #tpu.memory_space<semaphore_mem>>)
      } else {
      }
      %gt3A_3236 = arith.constant 384 : i32
      %gt3A_3237 = arith.cmpi sgt, %add3A_3217, %gt3A_3236 : i32
      %convert_element_type3A_3238 = arith.extui %gt3A_3237 : i1 to i32
      %cond3A_3239 = arith.constant 0 : i32
      %cond3A_3240 = arith.cmpi ne, %convert_element_type3A_3238, %cond3A_3239 : i32
      scf.if %cond3A_3240 {
        %dma_start3A_3445 = arith.constant 384 : i32
        %dma_start3A_3446 = arith.constant 0 : i32
        %dma_start3A_3447 = tpu.memref_slice %arg19[%dma_start3A_3445, %dma_start3A_3446] : memref<576x64xf32, #tpu.memory_space<vmem>> -> memref<128x64xf32, #tpu.memory_space<vmem>>
        %dma_start3A_3448 = arith.constant 384 : i32
        %dma_start3A_3449 = tpu.memref_slice %arg17[%dma_start3A_3448] : memref<512xi32, #tpu.memory_space<vmem>> -> memref<128xi32, #tpu.memory_space<vmem>>
        %dma_start3A_3450 = arith.constant 0 : i32
        %dma_start3A_3451 = arith.constant 0 : i32
        %dma_start3A_3452 = tpu.memref_slice %arg3[%dma_start3A_3450, %dma_start3A_3451] : memref<524288x64xf32, #tpu.memory_space<hbm>> -> memref<524288x64xf32, #tpu.memory_space<hbm>>
        tpu.enqueue_indirect_dma source(%dma_start3A_3452 : memref<524288x64xf32, #tpu.memory_space<hbm>>) target(%dma_start3A_3447 : memref<128x64xf32, #tpu.memory_space<vmem>>) offsets(%dma_start3A_3449 : memref<128xi32, #tpu.memory_space<vmem>>) semaphore(%arg21 : memref<!tpu.dma_semaphore, #tpu.memory_space<semaphore_mem>>)
      } else {
      }
      %gt3A_3241 = arith.constant 0 : i32
      %gt3A_3242 = arith.cmpi sgt, %add3A_3217, %gt3A_3241 : i32
      %convert_element_type3A_3243 = arith.extui %gt3A_3242 : i1 to i32
      %cond3A_3244 = arith.constant 0 : i32
      %cond3A_3245 = arith.cmpi ne, %convert_element_type3A_3243, %cond3A_3244 : i32
      scf.if %cond3A_3245 {
        %dma_wait3A_3445 = arith.constant 0 : i32
        %dma_wait3A_3446 = arith.constant 0 : i32
        %dma_wait3A_3447 = tpu.memref_slice %arg19[%dma_wait3A_3445, %dma_wait3A_3446] : memref<576x64xf32, #tpu.memory_space<vmem>> -> memref<128x64xf32, #tpu.memory_space<vmem>>
        %dma_wait3A_3448 = arith.constant 0 : i32
        %dma_wait3A_3449 = tpu.memref_slice %arg17[%dma_wait3A_3448] : memref<512xi32, #tpu.memory_space<vmem>> -> memref<128xi32, #tpu.memory_space<vmem>>
        %dma_wait3A_3450 = arith.constant 0 : i32
        %dma_wait3A_3451 = arith.constant 0 : i32
        %dma_wait3A_3452 = tpu.memref_slice %arg3[%dma_wait3A_3450, %dma_wait3A_3451] : memref<524288x64xf32, #tpu.memory_space<hbm>> -> memref<524288x64xf32, #tpu.memory_space<hbm>>
        tpu.wait_indirect_dma semaphore(%arg21 : memref<!tpu.dma_semaphore, #tpu.memory_space<semaphore_mem>>) src(%dma_wait3A_3452 : memref<524288x64xf32, #tpu.memory_space<hbm>>) dst(%dma_wait3A_3447 : memref<128x64xf32, #tpu.memory_space<vmem>>)
      } else {
      }
      %gt3A_3246 = arith.constant 128 : i32
      %gt3A_3247 = arith.cmpi sgt, %add3A_3217, %gt3A_3246 : i32
      %convert_element_type3A_3248 = arith.extui %gt3A_3247 : i1 to i32
      %cond3A_3249 = arith.constant 0 : i32
      %cond3A_3250 = arith.cmpi ne, %convert_element_type3A_3248, %cond3A_3249 : i32
      scf.if %cond3A_3250 {
        %dma_wait3A_3445 = arith.constant 128 : i32
        %dma_wait3A_3446 = arith.constant 0 : i32
        %dma_wait3A_3447 = tpu.memref_slice %arg19[%dma_wait3A_3445, %dma_wait3A_3446] : memref<576x64xf32, #tpu.memory_space<vmem>> -> memref<128x64xf32, #tpu.memory_space<vmem>>
        %dma_wait3A_3448 = arith.constant 128 : i32
        %dma_wait3A_3449 = tpu.memref_slice %arg17[%dma_wait3A_3448] : memref<512xi32, #tpu.memory_space<vmem>> -> memref<128xi32, #tpu.memory_space<vmem>>
        %dma_wait3A_3450 = arith.constant 0 : i32
        %dma_wait3A_3451 = arith.constant 0 : i32
        %dma_wait3A_3452 = tpu.memref_slice %arg3[%dma_wait3A_3450, %dma_wait3A_3451] : memref<524288x64xf32, #tpu.memory_space<hbm>> -> memref<524288x64xf32, #tpu.memory_space<hbm>>
        tpu.wait_indirect_dma semaphore(%arg21 : memref<!tpu.dma_semaphore, #tpu.memory_space<semaphore_mem>>) src(%dma_wait3A_3452 : memref<524288x64xf32, #tpu.memory_space<hbm>>) dst(%dma_wait3A_3447 : memref<128x64xf32, #tpu.memory_space<vmem>>)
      } else {
      }
      %gt3A_3251 = arith.constant 256 : i32
      %gt3A_3252 = arith.cmpi sgt, %add3A_3217, %gt3A_3251 : i32
      %convert_element_type3A_3253 = arith.extui %gt3A_3252 : i1 to i32
      %cond3A_3254 = arith.constant 0 : i32
      %cond3A_3255 = arith.cmpi ne, %convert_element_type3A_3253, %cond3A_3254 : i32
      scf.if %cond3A_3255 {
        %dma_wait3A_3445 = arith.constant 256 : i32
        %dma_wait3A_3446 = arith.constant 0 : i32
        %dma_wait3A_3447 = tpu.memref_slice %arg19[%dma_wait3A_3445, %dma_wait3A_3446] : memref<576x64xf32, #tpu.memory_space<vmem>> -> memref<128x64xf32, #tpu.memory_space<vmem>>
        %dma_wait3A_3448 = arith.constant 256 : i32
        %dma_wait3A_3449 = tpu.memref_slice %arg17[%dma_wait3A_3448] : memref<512xi32, #tpu.memory_space<vmem>> -> memref<128xi32, #tpu.memory_space<vmem>>
        %dma_wait3A_3450 = arith.constant 0 : i32
        %dma_wait3A_3451 = arith.constant 0 : i32
        %dma_wait3A_3452 = tpu.memref_slice %arg3[%dma_wait3A_3450, %dma_wait3A_3451] : memref<524288x64xf32, #tpu.memory_space<hbm>> -> memref<524288x64xf32, #tpu.memory_space<hbm>>
        tpu.wait_indirect_dma semaphore(%arg21 : memref<!tpu.dma_semaphore, #tpu.memory_space<semaphore_mem>>) src(%dma_wait3A_3452 : memref<524288x64xf32, #tpu.memory_space<hbm>>) dst(%dma_wait3A_3447 : memref<128x64xf32, #tpu.memory_space<vmem>>)
      } else {
      }
      %gt3A_3256 = arith.constant 384 : i32
      %gt3A_3257 = arith.cmpi sgt, %add3A_3217, %gt3A_3256 : i32
      %convert_element_type3A_3258 = arith.extui %gt3A_3257 : i1 to i32
      %cond3A_3259 = arith.constant 0 : i32
      %cond3A_3260 = arith.cmpi ne, %convert_element_type3A_3258, %cond3A_3259 : i32
      scf.if %cond3A_3260 {
        %dma_wait3A_3445 = arith.constant 384 : i32
        %dma_wait3A_3446 = arith.constant 0 : i32
        %dma_wait3A_3447 = tpu.memref_slice %arg19[%dma_wait3A_3445, %dma_wait3A_3446] : memref<576x64xf32, #tpu.memory_space<vmem>> -> memref<128x64xf32, #tpu.memory_space<vmem>>
        %dma_wait3A_3448 = arith.constant 384 : i32
        %dma_wait3A_3449 = tpu.memref_slice %arg17[%dma_wait3A_3448] : memref<512xi32, #tpu.memory_space<vmem>> -> memref<128xi32, #tpu.memory_space<vmem>>
        %dma_wait3A_3450 = arith.constant 0 : i32
        %dma_wait3A_3451 = arith.constant 0 : i32
        %dma_wait3A_3452 = tpu.memref_slice %arg3[%dma_wait3A_3450, %dma_wait3A_3451] : memref<524288x64xf32, #tpu.memory_space<hbm>> -> memref<524288x64xf32, #tpu.memory_space<hbm>>
        tpu.wait_indirect_dma semaphore(%arg21 : memref<!tpu.dma_semaphore, #tpu.memory_space<semaphore_mem>>) src(%dma_wait3A_3452 : memref<524288x64xf32, #tpu.memory_space<hbm>>) dst(%dma_wait3A_3447 : memref<128x64xf32, #tpu.memory_space<vmem>>)
      } else {
      }
      "tpu.region"() ({
        %run_scoped3A = tpu.sem_alloc : memref<!tpu.dma_semaphore, #tpu.memory_space<semaphore_mem>>
        %dma_start3A_3445 = arith.constant 0 : i32
        %dma_start3A_3446 = tpu.memref_slice %arg19[%add3A_3217, %dma_start3A_3445] : memref<576x64xf32, #tpu.memory_space<vmem>> -> memref<64x64xf32, #tpu.memory_space<vmem>>
        %dma_start3A_3447 = arith.constant 0 : i32
        %dma_start3A_3448 = tpu.memref_slice %arg19[%add3A_3217, %dma_start3A_3447] : memref<576x64xf32, #tpu.memory_space<vmem>> -> memref<64x64xf32, #tpu.memory_space<vmem>>
        tpu.enqueue_dma source(%arg8 : memref<64x64xf32, #tpu.memory_space<hbm>>) target(%dma_start3A_3448 : memref<64x64xf32, #tpu.memory_space<vmem>>) target_semaphore(%run_scoped3A : memref<!tpu.dma_semaphore, #tpu.memory_space<semaphore_mem>>)
        %dma_wait3A_3449 = arith.constant 0 : i32
        %dma_wait3A_3450 = tpu.memref_slice %arg19[%add3A_3217, %dma_wait3A_3449] : memref<576x64xf32, #tpu.memory_space<vmem>> -> memref<64x64xf32, #tpu.memory_space<vmem>>
        %dma_wait3A_3451 = arith.constant 0 : i32
        %dma_wait3A_3452 = tpu.memref_slice %arg19[%add3A_3217, %dma_wait3A_3451] : memref<576x64xf32, #tpu.memory_space<vmem>> -> memref<64x64xf32, #tpu.memory_space<vmem>>
        tpu.wait_dma2 semaphore(%run_scoped3A : memref<!tpu.dma_semaphore, #tpu.memory_space<semaphore_mem>>) src(%arg8 : memref<64x64xf32, #tpu.memory_space<hbm>>) dst(%dma_wait3A_3452 : memref<64x64xf32, #tpu.memory_space<vmem>>)
        tpu.yield
      }) : () -> ()
      %gt3A_3261 = arith.constant 0 : i32
      %gt3A_3262 = arith.cmpi sgt, %add3A_3217, %gt3A_3261 : i32
      %convert_element_type3A_3263 = arith.extui %gt3A_3262 : i1 to i32
      %cond3A_3264 = arith.constant 0 : i32
      %cond3A_3265 = arith.cmpi ne, %convert_element_type3A_3263, %cond3A_3264 : i32
      scf.if %cond3A_3265 {
        %dma_start3A_3445 = arith.constant 0 : i32
        %dma_start3A_3446 = arith.constant 0 : i32
        %dma_start3A_3447 = arith.constant 0 : i32
        %dma_start3A_3448 = tpu.memref_slice %arg19[%dma_start3A_3446, %dma_start3A_3447] : memref<576x64xf32, #tpu.memory_space<vmem>> -> memref<64x64xf32, #tpu.memory_space<vmem>>
        %dma_start3A_3449 = arith.constant 0 : i32
        %dma_start3A_3450 = tpu.memref_slice %arg18[%dma_start3A_3445, %dma_start3A_3449] : memref<8x64xi32, #tpu.memory_space<vmem>> -> memref<1x64xi32, #tpu.memory_space<vmem>>
        %dma_start3A_3451 = tpu.memref_squeeze %dma_start3A_3450 : memref<1x64xi32, #tpu.memory_space<vmem>> -> memref<64xi32, #tpu.memory_space<vmem>>
        %dma_start3A_3452 = arith.constant 0 : i32
        %dma_start3A_3453 = arith.constant 0 : i32
        %dma_start3A_3454 = tpu.memref_slice %arg7[%dma_start3A_3452, %dma_start3A_3453] : memref<524288x64xf32, #tpu.memory_space<hbm>> -> memref<524288x64xf32, #tpu.memory_space<hbm>>
        tpu.enqueue_indirect_dma source(%dma_start3A_3448 : memref<64x64xf32, #tpu.memory_space<vmem>>) target(%dma_start3A_3454 : memref<524288x64xf32, #tpu.memory_space<hbm>>) offsets(%dma_start3A_3451 : memref<64xi32, #tpu.memory_space<vmem>>) semaphore(%arg22 : memref<!tpu.dma_semaphore, #tpu.memory_space<semaphore_mem>>)
      } else {
      }
      %not3A = arith.constant true
      %not3A_3266 = arith.xori %gt3A_3262, %not3A : i1
      %convert_element_type3A_3267 = arith.extui %not3A_3266 : i1 to i32
      %cond3A_3268 = arith.constant 0 : i32
      %cond3A_3269 = arith.cmpi ne, %convert_element_type3A_3267, %cond3A_3268 : i32
      scf.if %cond3A_3269 {
        %dma_start3A_3445 = arith.constant 0 : i32
        %dma_start3A_3446 = arith.constant 0 : i32
        %dma_start3A_3447 = tpu.memref_slice %arg18[%dma_start3A_3445, %dma_start3A_3446] : memref<8x64xi32, #tpu.memory_space<vmem>> -> memref<1x64xi32, #tpu.memory_space<vmem>>
        %dma_start3A_3448 = tpu.memref_squeeze %dma_start3A_3447 : memref<1x64xi32, #tpu.memory_space<vmem>> -> memref<64xi32, #tpu.memory_space<vmem>>
        %dma_start3A_3449 = arith.constant 0 : i32
        %dma_start3A_3450 = arith.constant 0 : i32
        %dma_start3A_3451 = tpu.memref_slice %arg7[%dma_start3A_3449, %dma_start3A_3450] : memref<524288x64xf32, #tpu.memory_space<hbm>> -> memref<524288x64xf32, #tpu.memory_space<hbm>>
        tpu.enqueue_indirect_dma source(%arg20 : memref<64x64xf32, #tpu.memory_space<vmem>>) target(%dma_start3A_3451 : memref<524288x64xf32, #tpu.memory_space<hbm>>) offsets(%dma_start3A_3448 : memref<64xi32, #tpu.memory_space<vmem>>) semaphore(%arg22 : memref<!tpu.dma_semaphore, #tpu.memory_space<semaphore_mem>>)
      } else {
      }
      %gt3A_3270 = arith.constant 64 : i32
      %gt3A_3271 = arith.cmpi sgt, %add3A_3217, %gt3A_3270 : i32
      %convert_element_type3A_3272 = arith.extui %gt3A_3271 : i1 to i32
      %cond3A_3273 = arith.constant 0 : i32
      %cond3A_3274 = arith.cmpi ne, %convert_element_type3A_3272, %cond3A_3273 : i32
      scf.if %cond3A_3274 {
        %dma_start3A_3445 = arith.constant 1 : i32
        %dma_start3A_3446 = arith.constant 64 : i32
        %dma_start3A_3447 = arith.constant 0 : i32
        %dma_start3A_3448 = tpu.memref_slice %arg19[%dma_start3A_3446, %dma_start3A_3447] : memref<576x64xf32, #tpu.memory_space<vmem>> -> memref<64x64xf32, #tpu.memory_space<vmem>>
        %dma_start3A_3449 = arith.constant 0 : i32
        %dma_start3A_3450 = tpu.memref_slice %arg18[%dma_start3A_3445, %dma_start3A_3449] : memref<8x64xi32, #tpu.memory_space<vmem>> -> memref<1x64xi32, #tpu.memory_space<vmem>>
        %dma_start3A_3451 = tpu.memref_squeeze %dma_start3A_3450 : memref<1x64xi32, #tpu.memory_space<vmem>> -> memref<64xi32, #tpu.memory_space<vmem>>
        %dma_start3A_3452 = arith.constant 0 : i32
        %dma_start3A_3453 = arith.constant 0 : i32
        %dma_start3A_3454 = tpu.memref_slice %arg7[%dma_start3A_3452, %dma_start3A_3453] : memref<524288x64xf32, #tpu.memory_space<hbm>> -> memref<524288x64xf32, #tpu.memory_space<hbm>>
        tpu.enqueue_indirect_dma source(%dma_start3A_3448 : memref<64x64xf32, #tpu.memory_space<vmem>>) target(%dma_start3A_3454 : memref<524288x64xf32, #tpu.memory_space<hbm>>) offsets(%dma_start3A_3451 : memref<64xi32, #tpu.memory_space<vmem>>) semaphore(%arg22 : memref<!tpu.dma_semaphore, #tpu.memory_space<semaphore_mem>>)
      } else {
      }
      %not3A_3275 = arith.constant true
      %not3A_3276 = arith.xori %gt3A_3271, %not3A_3275 : i1
      %convert_element_type3A_3277 = arith.extui %not3A_3276 : i1 to i32
      %cond3A_3278 = arith.constant 0 : i32
      %cond3A_3279 = arith.cmpi ne, %convert_element_type3A_3277, %cond3A_3278 : i32
      scf.if %cond3A_3279 {
        %dma_start3A_3445 = arith.constant 1 : i32
        %dma_start3A_3446 = arith.constant 0 : i32
        %dma_start3A_3447 = tpu.memref_slice %arg18[%dma_start3A_3445, %dma_start3A_3446] : memref<8x64xi32, #tpu.memory_space<vmem>> -> memref<1x64xi32, #tpu.memory_space<vmem>>
        %dma_start3A_3448 = tpu.memref_squeeze %dma_start3A_3447 : memref<1x64xi32, #tpu.memory_space<vmem>> -> memref<64xi32, #tpu.memory_space<vmem>>
        %dma_start3A_3449 = arith.constant 0 : i32
        %dma_start3A_3450 = arith.constant 0 : i32
        %dma_start3A_3451 = tpu.memref_slice %arg7[%dma_start3A_3449, %dma_start3A_3450] : memref<524288x64xf32, #tpu.memory_space<hbm>> -> memref<524288x64xf32, #tpu.memory_space<hbm>>
        tpu.enqueue_indirect_dma source(%arg20 : memref<64x64xf32, #tpu.memory_space<vmem>>) target(%dma_start3A_3451 : memref<524288x64xf32, #tpu.memory_space<hbm>>) offsets(%dma_start3A_3448 : memref<64xi32, #tpu.memory_space<vmem>>) semaphore(%arg22 : memref<!tpu.dma_semaphore, #tpu.memory_space<semaphore_mem>>)
      } else {
      }
      %gt3A_3280 = arith.constant 128 : i32
      %gt3A_3281 = arith.cmpi sgt, %add3A_3217, %gt3A_3280 : i32
      %convert_element_type3A_3282 = arith.extui %gt3A_3281 : i1 to i32
      %cond3A_3283 = arith.constant 0 : i32
      %cond3A_3284 = arith.cmpi ne, %convert_element_type3A_3282, %cond3A_3283 : i32
      scf.if %cond3A_3284 {
        %dma_start3A_3445 = arith.constant 2 : i32
        %dma_start3A_3446 = arith.constant 128 : i32
        %dma_start3A_3447 = arith.constant 0 : i32
        %dma_start3A_3448 = tpu.memref_slice %arg19[%dma_start3A_3446, %dma_start3A_3447] : memref<576x64xf32, #tpu.memory_space<vmem>> -> memref<64x64xf32, #tpu.memory_space<vmem>>
        %dma_start3A_3449 = arith.constant 0 : i32
        %dma_start3A_3450 = tpu.memref_slice %arg18[%dma_start3A_3445, %dma_start3A_3449] : memref<8x64xi32, #tpu.memory_space<vmem>> -> memref<1x64xi32, #tpu.memory_space<vmem>>
        %dma_start3A_3451 = tpu.memref_squeeze %dma_start3A_3450 : memref<1x64xi32, #tpu.memory_space<vmem>> -> memref<64xi32, #tpu.memory_space<vmem>>
        %dma_start3A_3452 = arith.constant 0 : i32
        %dma_start3A_3453 = arith.constant 0 : i32
        %dma_start3A_3454 = tpu.memref_slice %arg7[%dma_start3A_3452, %dma_start3A_3453] : memref<524288x64xf32, #tpu.memory_space<hbm>> -> memref<524288x64xf32, #tpu.memory_space<hbm>>
        tpu.enqueue_indirect_dma source(%dma_start3A_3448 : memref<64x64xf32, #tpu.memory_space<vmem>>) target(%dma_start3A_3454 : memref<524288x64xf32, #tpu.memory_space<hbm>>) offsets(%dma_start3A_3451 : memref<64xi32, #tpu.memory_space<vmem>>) semaphore(%arg22 : memref<!tpu.dma_semaphore, #tpu.memory_space<semaphore_mem>>)
      } else {
      }
      %not3A_3285 = arith.constant true
      %not3A_3286 = arith.xori %gt3A_3281, %not3A_3285 : i1
      %convert_element_type3A_3287 = arith.extui %not3A_3286 : i1 to i32
      %cond3A_3288 = arith.constant 0 : i32
      %cond3A_3289 = arith.cmpi ne, %convert_element_type3A_3287, %cond3A_3288 : i32
      scf.if %cond3A_3289 {
        %dma_start3A_3445 = arith.constant 2 : i32
        %dma_start3A_3446 = arith.constant 0 : i32
        %dma_start3A_3447 = tpu.memref_slice %arg18[%dma_start3A_3445, %dma_start3A_3446] : memref<8x64xi32, #tpu.memory_space<vmem>> -> memref<1x64xi32, #tpu.memory_space<vmem>>
        %dma_start3A_3448 = tpu.memref_squeeze %dma_start3A_3447 : memref<1x64xi32, #tpu.memory_space<vmem>> -> memref<64xi32, #tpu.memory_space<vmem>>
        %dma_start3A_3449 = arith.constant 0 : i32
        %dma_start3A_3450 = arith.constant 0 : i32
        %dma_start3A_3451 = tpu.memref_slice %arg7[%dma_start3A_3449, %dma_start3A_3450] : memref<524288x64xf32, #tpu.memory_space<hbm>> -> memref<524288x64xf32, #tpu.memory_space<hbm>>
        tpu.enqueue_indirect_dma source(%arg20 : memref<64x64xf32, #tpu.memory_space<vmem>>) target(%dma_start3A_3451 : memref<524288x64xf32, #tpu.memory_space<hbm>>) offsets(%dma_start3A_3448 : memref<64xi32, #tpu.memory_space<vmem>>) semaphore(%arg22 : memref<!tpu.dma_semaphore, #tpu.memory_space<semaphore_mem>>)
      } else {
      }
      %gt3A_3290 = arith.constant 192 : i32
      %gt3A_3291 = arith.cmpi sgt, %add3A_3217, %gt3A_3290 : i32
      %convert_element_type3A_3292 = arith.extui %gt3A_3291 : i1 to i32
      %cond3A_3293 = arith.constant 0 : i32
      %cond3A_3294 = arith.cmpi ne, %convert_element_type3A_3292, %cond3A_3293 : i32
      scf.if %cond3A_3294 {
        %dma_start3A_3445 = arith.constant 3 : i32
        %dma_start3A_3446 = arith.constant 192 : i32
        %dma_start3A_3447 = arith.constant 0 : i32
        %dma_start3A_3448 = tpu.memref_slice %arg19[%dma_start3A_3446, %dma_start3A_3447] : memref<576x64xf32, #tpu.memory_space<vmem>> -> memref<64x64xf32, #tpu.memory_space<vmem>>
        %dma_start3A_3449 = arith.constant 0 : i32
        %dma_start3A_3450 = tpu.memref_slice %arg18[%dma_start3A_3445, %dma_start3A_3449] : memref<8x64xi32, #tpu.memory_space<vmem>> -> memref<1x64xi32, #tpu.memory_space<vmem>>
        %dma_start3A_3451 = tpu.memref_squeeze %dma_start3A_3450 : memref<1x64xi32, #tpu.memory_space<vmem>> -> memref<64xi32, #tpu.memory_space<vmem>>
        %dma_start3A_3452 = arith.constant 0 : i32
        %dma_start3A_3453 = arith.constant 0 : i32
        %dma_start3A_3454 = tpu.memref_slice %arg7[%dma_start3A_3452, %dma_start3A_3453] : memref<524288x64xf32, #tpu.memory_space<hbm>> -> memref<524288x64xf32, #tpu.memory_space<hbm>>
        tpu.enqueue_indirect_dma source(%dma_start3A_3448 : memref<64x64xf32, #tpu.memory_space<vmem>>) target(%dma_start3A_3454 : memref<524288x64xf32, #tpu.memory_space<hbm>>) offsets(%dma_start3A_3451 : memref<64xi32, #tpu.memory_space<vmem>>) semaphore(%arg22 : memref<!tpu.dma_semaphore, #tpu.memory_space<semaphore_mem>>)
      } else {
      }
      %not3A_3295 = arith.constant true
      %not3A_3296 = arith.xori %gt3A_3291, %not3A_3295 : i1
      %convert_element_type3A_3297 = arith.extui %not3A_3296 : i1 to i32
      %cond3A_3298 = arith.constant 0 : i32
      %cond3A_3299 = arith.cmpi ne, %convert_element_type3A_3297, %cond3A_3298 : i32
      scf.if %cond3A_3299 {
        %dma_start3A_3445 = arith.constant 3 : i32
        %dma_start3A_3446 = arith.constant 0 : i32
        %dma_start3A_3447 = tpu.memref_slice %arg18[%dma_start3A_3445, %dma_start3A_3446] : memref<8x64xi32, #tpu.memory_space<vmem>> -> memref<1x64xi32, #tpu.memory_space<vmem>>
        %dma_start3A_3448 = tpu.memref_squeeze %dma_start3A_3447 : memref<1x64xi32, #tpu.memory_space<vmem>> -> memref<64xi32, #tpu.memory_space<vmem>>
        %dma_start3A_3449 = arith.constant 0 : i32
        %dma_start3A_3450 = arith.constant 0 : i32
        %dma_start3A_3451 = tpu.memref_slice %arg7[%dma_start3A_3449, %dma_start3A_3450] : memref<524288x64xf32, #tpu.memory_space<hbm>> -> memref<524288x64xf32, #tpu.memory_space<hbm>>
        tpu.enqueue_indirect_dma source(%arg20 : memref<64x64xf32, #tpu.memory_space<vmem>>) target(%dma_start3A_3451 : memref<524288x64xf32, #tpu.memory_space<hbm>>) offsets(%dma_start3A_3448 : memref<64xi32, #tpu.memory_space<vmem>>) semaphore(%arg22 : memref<!tpu.dma_semaphore, #tpu.memory_space<semaphore_mem>>)
      } else {
      }
      %gt3A_3300 = arith.constant 256 : i32
      %gt3A_3301 = arith.cmpi sgt, %add3A_3217, %gt3A_3300 : i32
      %convert_element_type3A_3302 = arith.extui %gt3A_3301 : i1 to i32
      %cond3A_3303 = arith.constant 0 : i32
      %cond3A_3304 = arith.cmpi ne, %convert_element_type3A_3302, %cond3A_3303 : i32
      scf.if %cond3A_3304 {
        %dma_start3A_3445 = arith.constant 4 : i32
        %dma_start3A_3446 = arith.constant 256 : i32
        %dma_start3A_3447 = arith.constant 0 : i32
        %dma_start3A_3448 = tpu.memref_slice %arg19[%dma_start3A_3446, %dma_start3A_3447] : memref<576x64xf32, #tpu.memory_space<vmem>> -> memref<64x64xf32, #tpu.memory_space<vmem>>
        %dma_start3A_3449 = arith.constant 0 : i32
        %dma_start3A_3450 = tpu.memref_slice %arg18[%dma_start3A_3445, %dma_start3A_3449] : memref<8x64xi32, #tpu.memory_space<vmem>> -> memref<1x64xi32, #tpu.memory_space<vmem>>
        %dma_start3A_3451 = tpu.memref_squeeze %dma_start3A_3450 : memref<1x64xi32, #tpu.memory_space<vmem>> -> memref<64xi32, #tpu.memory_space<vmem>>
        %dma_start3A_3452 = arith.constant 0 : i32
        %dma_start3A_3453 = arith.constant 0 : i32
        %dma_start3A_3454 = tpu.memref_slice %arg7[%dma_start3A_3452, %dma_start3A_3453] : memref<524288x64xf32, #tpu.memory_space<hbm>> -> memref<524288x64xf32, #tpu.memory_space<hbm>>
        tpu.enqueue_indirect_dma source(%dma_start3A_3448 : memref<64x64xf32, #tpu.memory_space<vmem>>) target(%dma_start3A_3454 : memref<524288x64xf32, #tpu.memory_space<hbm>>) offsets(%dma_start3A_3451 : memref<64xi32, #tpu.memory_space<vmem>>) semaphore(%arg22 : memref<!tpu.dma_semaphore, #tpu.memory_space<semaphore_mem>>)
      } else {
      }
      %not3A_3305 = arith.constant true
      %not3A_3306 = arith.xori %gt3A_3301, %not3A_3305 : i1
      %convert_element_type3A_3307 = arith.extui %not3A_3306 : i1 to i32
      %cond3A_3308 = arith.constant 0 : i32
      %cond3A_3309 = arith.cmpi ne, %convert_element_type3A_3307, %cond3A_3308 : i32
      scf.if %cond3A_3309 {
        %dma_start3A_3445 = arith.constant 4 : i32
        %dma_start3A_3446 = arith.constant 0 : i32
        %dma_start3A_3447 = tpu.memref_slice %arg18[%dma_start3A_3445, %dma_start3A_3446] : memref<8x64xi32, #tpu.memory_space<vmem>> -> memref<1x64xi32, #tpu.memory_space<vmem>>
        %dma_start3A_3448 = tpu.memref_squeeze %dma_start3A_3447 : memref<1x64xi32, #tpu.memory_space<vmem>> -> memref<64xi32, #tpu.memory_space<vmem>>
        %dma_start3A_3449 = arith.constant 0 : i32
        %dma_start3A_3450 = arith.constant 0 : i32
        %dma_start3A_3451 = tpu.memref_slice %arg7[%dma_start3A_3449, %dma_start3A_3450] : memref<524288x64xf32, #tpu.memory_space<hbm>> -> memref<524288x64xf32, #tpu.memory_space<hbm>>
        tpu.enqueue_indirect_dma source(%arg20 : memref<64x64xf32, #tpu.memory_space<vmem>>) target(%dma_start3A_3451 : memref<524288x64xf32, #tpu.memory_space<hbm>>) offsets(%dma_start3A_3448 : memref<64xi32, #tpu.memory_space<vmem>>) semaphore(%arg22 : memref<!tpu.dma_semaphore, #tpu.memory_space<semaphore_mem>>)
      } else {
      }
      %gt3A_3310 = arith.constant 320 : i32
      %gt3A_3311 = arith.cmpi sgt, %add3A_3217, %gt3A_3310 : i32
      %convert_element_type3A_3312 = arith.extui %gt3A_3311 : i1 to i32
      %cond3A_3313 = arith.constant 0 : i32
      %cond3A_3314 = arith.cmpi ne, %convert_element_type3A_3312, %cond3A_3313 : i32
      scf.if %cond3A_3314 {
        %dma_start3A_3445 = arith.constant 5 : i32
        %dma_start3A_3446 = arith.constant 320 : i32
        %dma_start3A_3447 = arith.constant 0 : i32
        %dma_start3A_3448 = tpu.memref_slice %arg19[%dma_start3A_3446, %dma_start3A_3447] : memref<576x64xf32, #tpu.memory_space<vmem>> -> memref<64x64xf32, #tpu.memory_space<vmem>>
        %dma_start3A_3449 = arith.constant 0 : i32
        %dma_start3A_3450 = tpu.memref_slice %arg18[%dma_start3A_3445, %dma_start3A_3449] : memref<8x64xi32, #tpu.memory_space<vmem>> -> memref<1x64xi32, #tpu.memory_space<vmem>>
        %dma_start3A_3451 = tpu.memref_squeeze %dma_start3A_3450 : memref<1x64xi32, #tpu.memory_space<vmem>> -> memref<64xi32, #tpu.memory_space<vmem>>
        %dma_start3A_3452 = arith.constant 0 : i32
        %dma_start3A_3453 = arith.constant 0 : i32
        %dma_start3A_3454 = tpu.memref_slice %arg7[%dma_start3A_3452, %dma_start3A_3453] : memref<524288x64xf32, #tpu.memory_space<hbm>> -> memref<524288x64xf32, #tpu.memory_space<hbm>>
        tpu.enqueue_indirect_dma source(%dma_start3A_3448 : memref<64x64xf32, #tpu.memory_space<vmem>>) target(%dma_start3A_3454 : memref<524288x64xf32, #tpu.memory_space<hbm>>) offsets(%dma_start3A_3451 : memref<64xi32, #tpu.memory_space<vmem>>) semaphore(%arg22 : memref<!tpu.dma_semaphore, #tpu.memory_space<semaphore_mem>>)
      } else {
      }
      %not3A_3315 = arith.constant true
      %not3A_3316 = arith.xori %gt3A_3311, %not3A_3315 : i1
      %convert_element_type3A_3317 = arith.extui %not3A_3316 : i1 to i32
      %cond3A_3318 = arith.constant 0 : i32
      %cond3A_3319 = arith.cmpi ne, %convert_element_type3A_3317, %cond3A_3318 : i32
      scf.if %cond3A_3319 {
        %dma_start3A_3445 = arith.constant 5 : i32
        %dma_start3A_3446 = arith.constant 0 : i32
        %dma_start3A_3447 = tpu.memref_slice %arg18[%dma_start3A_3445, %dma_start3A_3446] : memref<8x64xi32, #tpu.memory_space<vmem>> -> memref<1x64xi32, #tpu.memory_space<vmem>>
        %dma_start3A_3448 = tpu.memref_squeeze %dma_start3A_3447 : memref<1x64xi32, #tpu.memory_space<vmem>> -> memref<64xi32, #tpu.memory_space<vmem>>
        %dma_start3A_3449 = arith.constant 0 : i32
        %dma_start3A_3450 = arith.constant 0 : i32
        %dma_start3A_3451 = tpu.memref_slice %arg7[%dma_start3A_3449, %dma_start3A_3450] : memref<524288x64xf32, #tpu.memory_space<hbm>> -> memref<524288x64xf32, #tpu.memory_space<hbm>>
        tpu.enqueue_indirect_dma source(%arg20 : memref<64x64xf32, #tpu.memory_space<vmem>>) target(%dma_start3A_3451 : memref<524288x64xf32, #tpu.memory_space<hbm>>) offsets(%dma_start3A_3448 : memref<64xi32, #tpu.memory_space<vmem>>) semaphore(%arg22 : memref<!tpu.dma_semaphore, #tpu.memory_space<semaphore_mem>>)
      } else {
      }
      %gt3A_3320 = arith.constant 384 : i32
      %gt3A_3321 = arith.cmpi sgt, %add3A_3217, %gt3A_3320 : i32
      %convert_element_type3A_3322 = arith.extui %gt3A_3321 : i1 to i32
      %cond3A_3323 = arith.constant 0 : i32
      %cond3A_3324 = arith.cmpi ne, %convert_element_type3A_3322, %cond3A_3323 : i32
      scf.if %cond3A_3324 {
        %dma_start3A_3445 = arith.constant 6 : i32
        %dma_start3A_3446 = arith.constant 384 : i32
        %dma_start3A_3447 = arith.constant 0 : i32
        %dma_start3A_3448 = tpu.memref_slice %arg19[%dma_start3A_3446, %dma_start3A_3447] : memref<576x64xf32, #tpu.memory_space<vmem>> -> memref<64x64xf32, #tpu.memory_space<vmem>>
        %dma_start3A_3449 = arith.constant 0 : i32
        %dma_start3A_3450 = tpu.memref_slice %arg18[%dma_start3A_3445, %dma_start3A_3449] : memref<8x64xi32, #tpu.memory_space<vmem>> -> memref<1x64xi32, #tpu.memory_space<vmem>>
        %dma_start3A_3451 = tpu.memref_squeeze %dma_start3A_3450 : memref<1x64xi32, #tpu.memory_space<vmem>> -> memref<64xi32, #tpu.memory_space<vmem>>
        %dma_start3A_3452 = arith.constant 0 : i32
        %dma_start3A_3453 = arith.constant 0 : i32
        %dma_start3A_3454 = tpu.memref_slice %arg7[%dma_start3A_3452, %dma_start3A_3453] : memref<524288x64xf32, #tpu.memory_space<hbm>> -> memref<524288x64xf32, #tpu.memory_space<hbm>>
        tpu.enqueue_indirect_dma source(%dma_start3A_3448 : memref<64x64xf32, #tpu.memory_space<vmem>>) target(%dma_start3A_3454 : memref<524288x64xf32, #tpu.memory_space<hbm>>) offsets(%dma_start3A_3451 : memref<64xi32, #tpu.memory_space<vmem>>) semaphore(%arg22 : memref<!tpu.dma_semaphore, #tpu.memory_space<semaphore_mem>>)
      } else {
      }
      %not3A_3325 = arith.constant true
      %not3A_3326 = arith.xori %gt3A_3321, %not3A_3325 : i1
      %convert_element_type3A_3327 = arith.extui %not3A_3326 : i1 to i32
      %cond3A_3328 = arith.constant 0 : i32
      %cond3A_3329 = arith.cmpi ne, %convert_element_type3A_3327, %cond3A_3328 : i32
      scf.if %cond3A_3329 {
        %dma_start3A_3445 = arith.constant 6 : i32
        %dma_start3A_3446 = arith.constant 0 : i32
        %dma_start3A_3447 = tpu.memref_slice %arg18[%dma_start3A_3445, %dma_start3A_3446] : memref<8x64xi32, #tpu.memory_space<vmem>> -> memref<1x64xi32, #tpu.memory_space<vmem>>
        %dma_start3A_3448 = tpu.memref_squeeze %dma_start3A_3447 : memref<1x64xi32, #tpu.memory_space<vmem>> -> memref<64xi32, #tpu.memory_space<vmem>>
        %dma_start3A_3449 = arith.constant 0 : i32
        %dma_start3A_3450 = arith.constant 0 : i32
        %dma_start3A_3451 = tpu.memref_slice %arg7[%dma_start3A_3449, %dma_start3A_3450] : memref<524288x64xf32, #tpu.memory_space<hbm>> -> memref<524288x64xf32, #tpu.memory_space<hbm>>
        tpu.enqueue_indirect_dma source(%arg20 : memref<64x64xf32, #tpu.memory_space<vmem>>) target(%dma_start3A_3451 : memref<524288x64xf32, #tpu.memory_space<hbm>>) offsets(%dma_start3A_3448 : memref<64xi32, #tpu.memory_space<vmem>>) semaphore(%arg22 : memref<!tpu.dma_semaphore, #tpu.memory_space<semaphore_mem>>)
      } else {
      }
      %gt3A_3330 = arith.constant 448 : i32
      %gt3A_3331 = arith.cmpi sgt, %add3A_3217, %gt3A_3330 : i32
      %convert_element_type3A_3332 = arith.extui %gt3A_3331 : i1 to i32
      %cond3A_3333 = arith.constant 0 : i32
      %cond3A_3334 = arith.cmpi ne, %convert_element_type3A_3332, %cond3A_3333 : i32
      scf.if %cond3A_3334 {
        %dma_start3A_3445 = arith.constant 7 : i32
        %dma_start3A_3446 = arith.constant 448 : i32
        %dma_start3A_3447 = arith.constant 0 : i32
        %dma_start3A_3448 = tpu.memref_slice %arg19[%dma_start3A_3446, %dma_start3A_3447] : memref<576x64xf32, #tpu.memory_space<vmem>> -> memref<64x64xf32, #tpu.memory_space<vmem>>
        %dma_start3A_3449 = arith.constant 0 : i32
        %dma_start3A_3450 = tpu.memref_slice %arg18[%dma_start3A_3445, %dma_start3A_3449] : memref<8x64xi32, #tpu.memory_space<vmem>> -> memref<1x64xi32, #tpu.memory_space<vmem>>
        %dma_start3A_3451 = tpu.memref_squeeze %dma_start3A_3450 : memref<1x64xi32, #tpu.memory_space<vmem>> -> memref<64xi32, #tpu.memory_space<vmem>>
        %dma_start3A_3452 = arith.constant 0 : i32
        %dma_start3A_3453 = arith.constant 0 : i32
        %dma_start3A_3454 = tpu.memref_slice %arg7[%dma_start3A_3452, %dma_start3A_3453] : memref<524288x64xf32, #tpu.memory_space<hbm>> -> memref<524288x64xf32, #tpu.memory_space<hbm>>
        tpu.enqueue_indirect_dma source(%dma_start3A_3448 : memref<64x64xf32, #tpu.memory_space<vmem>>) target(%dma_start3A_3454 : memref<524288x64xf32, #tpu.memory_space<hbm>>) offsets(%dma_start3A_3451 : memref<64xi32, #tpu.memory_space<vmem>>) semaphore(%arg22 : memref<!tpu.dma_semaphore, #tpu.memory_space<semaphore_mem>>)
      } else {
      }
      %not3A_3335 = arith.constant true
      %not3A_3336 = arith.xori %gt3A_3331, %not3A_3335 : i1
      %convert_element_type3A_3337 = arith.extui %not3A_3336 : i1 to i32
      %cond3A_3338 = arith.constant 0 : i32
      %cond3A_3339 = arith.cmpi ne, %convert_element_type3A_3337, %cond3A_3338 : i32
      scf.if %cond3A_3339 {
        %dma_start3A_3445 = arith.constant 7 : i32
        %dma_start3A_3446 = arith.constant 0 : i32
        %dma_start3A_3447 = tpu.memref_slice %arg18[%dma_start3A_3445, %dma_start3A_3446] : memref<8x64xi32, #tpu.memory_space<vmem>> -> memref<1x64xi32, #tpu.memory_space<vmem>>
        %dma_start3A_3448 = tpu.memref_squeeze %dma_start3A_3447 : memref<1x64xi32, #tpu.memory_space<vmem>> -> memref<64xi32, #tpu.memory_space<vmem>>
        %dma_start3A_3449 = arith.constant 0 : i32
        %dma_start3A_3450 = arith.constant 0 : i32
        %dma_start3A_3451 = tpu.memref_slice %arg7[%dma_start3A_3449, %dma_start3A_3450] : memref<524288x64xf32, #tpu.memory_space<hbm>> -> memref<524288x64xf32, #tpu.memory_space<hbm>>
        tpu.enqueue_indirect_dma source(%arg20 : memref<64x64xf32, #tpu.memory_space<vmem>>) target(%dma_start3A_3451 : memref<524288x64xf32, #tpu.memory_space<hbm>>) offsets(%dma_start3A_3448 : memref<64xi32, #tpu.memory_space<vmem>>) semaphore(%arg22 : memref<!tpu.dma_semaphore, #tpu.memory_space<semaphore_mem>>)
      } else {
      }
      %dma_start3A_3340 = arith.constant 0 : i32
      %dma_start3A_3341 = tpu.memref_slice %arg5[%add3A_1045, %dma_start3A_3340] : memref<1024x512xf32, #tpu.memory_space<hbm>> -> memref<1x512xf32, #tpu.memory_space<hbm>>
      %dma_start3A_3342 = tpu.memref_squeeze %dma_start3A_3341 : memref<1x512xf32, #tpu.memory_space<hbm>> -> memref<512xf32, #tpu.memory_space<hbm>>
      %dma_start3A_3343 = arith.constant 0 : i32
      %dma_start3A_3344 = tpu.memref_slice %arg5[%add3A_1045, %dma_start3A_3343] : memref<1024x512xf32, #tpu.memory_space<hbm>> -> memref<1x512xf32, #tpu.memory_space<hbm>>
      %dma_start3A_3345 = tpu.memref_squeeze %dma_start3A_3344 : memref<1x512xf32, #tpu.memory_space<hbm>> -> memref<512xf32, #tpu.memory_space<hbm>>
      tpu.enqueue_dma source(%arg15 : memref<512xf32, #tpu.memory_space<vmem>>) target(%dma_start3A_3345 : memref<512xf32, #tpu.memory_space<hbm>>) target_semaphore(%arg22 : memref<!tpu.dma_semaphore, #tpu.memory_space<semaphore_mem>>)
      %dma_start3A_3346 = arith.constant 0 : i32
      %dma_start3A_3347 = tpu.memref_slice %arg6[%add3A_1045, %dma_start3A_3346] : memref<1024x512xf32, #tpu.memory_space<hbm>> -> memref<1x512xf32, #tpu.memory_space<hbm>>
      %dma_start3A_3348 = tpu.memref_squeeze %dma_start3A_3347 : memref<1x512xf32, #tpu.memory_space<hbm>> -> memref<512xf32, #tpu.memory_space<hbm>>
      %dma_start3A_3349 = arith.constant 0 : i32
      %dma_start3A_3350 = tpu.memref_slice %arg6[%add3A_1045, %dma_start3A_3349] : memref<1024x512xf32, #tpu.memory_space<hbm>> -> memref<1x512xf32, #tpu.memory_space<hbm>>
      %dma_start3A_3351 = tpu.memref_squeeze %dma_start3A_3350 : memref<1x512xf32, #tpu.memory_space<hbm>> -> memref<512xf32, #tpu.memory_space<hbm>>
      tpu.enqueue_dma source(%arg16 : memref<512xf32, #tpu.memory_space<vmem>>) target(%dma_start3A_3351 : memref<512xf32, #tpu.memory_space<hbm>>) target_semaphore(%arg22 : memref<!tpu.dma_semaphore, #tpu.memory_space<semaphore_mem>>)
      %gt3A_3352 = arith.constant 0 : i32
      %gt3A_3353 = arith.cmpi sgt, %add3A_3217, %gt3A_3352 : i32
      %convert_element_type3A_3354 = arith.extui %gt3A_3353 : i1 to i32
      %cond3A_3355 = arith.constant 0 : i32
      %cond3A_3356 = arith.cmpi ne, %convert_element_type3A_3354, %cond3A_3355 : i32
      scf.if %cond3A_3356 {
        %dma_wait3A_3445 = arith.constant 0 : i32
        %dma_wait3A_3446 = arith.constant 0 : i32
        %dma_wait3A_3447 = arith.constant 0 : i32
        %dma_wait3A_3448 = tpu.memref_slice %arg19[%dma_wait3A_3446, %dma_wait3A_3447] : memref<576x64xf32, #tpu.memory_space<vmem>> -> memref<64x64xf32, #tpu.memory_space<vmem>>
        %dma_wait3A_3449 = arith.constant 0 : i32
        %dma_wait3A_3450 = tpu.memref_slice %arg18[%dma_wait3A_3445, %dma_wait3A_3449] : memref<8x64xi32, #tpu.memory_space<vmem>> -> memref<1x64xi32, #tpu.memory_space<vmem>>
        %dma_wait3A_3451 = tpu.memref_squeeze %dma_wait3A_3450 : memref<1x64xi32, #tpu.memory_space<vmem>> -> memref<64xi32, #tpu.memory_space<vmem>>
        %dma_wait3A_3452 = arith.constant 0 : i32
        %dma_wait3A_3453 = arith.constant 0 : i32
        %dma_wait3A_3454 = tpu.memref_slice %arg7[%dma_wait3A_3452, %dma_wait3A_3453] : memref<524288x64xf32, #tpu.memory_space<hbm>> -> memref<524288x64xf32, #tpu.memory_space<hbm>>
        tpu.wait_indirect_dma semaphore(%arg22 : memref<!tpu.dma_semaphore, #tpu.memory_space<semaphore_mem>>) src(%dma_wait3A_3448 : memref<64x64xf32, #tpu.memory_space<vmem>>) dst(%dma_wait3A_3454 : memref<524288x64xf32, #tpu.memory_space<hbm>>)
      } else {
      }
      %not3A_3357 = arith.constant true
      %not3A_3358 = arith.xori %gt3A_3353, %not3A_3357 : i1
      %convert_element_type3A_3359 = arith.extui %not3A_3358 : i1 to i32
      %cond3A_3360 = arith.constant 0 : i32
      %cond3A_3361 = arith.cmpi ne, %convert_element_type3A_3359, %cond3A_3360 : i32
      scf.if %cond3A_3361 {
        %dma_wait3A_3445 = arith.constant 0 : i32
        %dma_wait3A_3446 = arith.constant 0 : i32
        %dma_wait3A_3447 = tpu.memref_slice %arg18[%dma_wait3A_3445, %dma_wait3A_3446] : memref<8x64xi32, #tpu.memory_space<vmem>> -> memref<1x64xi32, #tpu.memory_space<vmem>>
        %dma_wait3A_3448 = tpu.memref_squeeze %dma_wait3A_3447 : memref<1x64xi32, #tpu.memory_space<vmem>> -> memref<64xi32, #tpu.memory_space<vmem>>
        %dma_wait3A_3449 = arith.constant 0 : i32
        %dma_wait3A_3450 = arith.constant 0 : i32
        %dma_wait3A_3451 = tpu.memref_slice %arg7[%dma_wait3A_3449, %dma_wait3A_3450] : memref<524288x64xf32, #tpu.memory_space<hbm>> -> memref<524288x64xf32, #tpu.memory_space<hbm>>
        tpu.wait_indirect_dma semaphore(%arg22 : memref<!tpu.dma_semaphore, #tpu.memory_space<semaphore_mem>>) src(%arg20 : memref<64x64xf32, #tpu.memory_space<vmem>>) dst(%dma_wait3A_3451 : memref<524288x64xf32, #tpu.memory_space<hbm>>)
      } else {
      }
      %gt3A_3362 = arith.constant 64 : i32
      %gt3A_3363 = arith.cmpi sgt, %add3A_3217, %gt3A_3362 : i32
      %convert_element_type3A_3364 = arith.extui %gt3A_3363 : i1 to i32
      %cond3A_3365 = arith.constant 0 : i32
      %cond3A_3366 = arith.cmpi ne, %convert_element_type3A_3364, %cond3A_3365 : i32
      scf.if %cond3A_3366 {
        %dma_wait3A_3445 = arith.constant 1 : i32
        %dma_wait3A_3446 = arith.constant 64 : i32
        %dma_wait3A_3447 = arith.constant 0 : i32
        %dma_wait3A_3448 = tpu.memref_slice %arg19[%dma_wait3A_3446, %dma_wait3A_3447] : memref<576x64xf32, #tpu.memory_space<vmem>> -> memref<64x64xf32, #tpu.memory_space<vmem>>
        %dma_wait3A_3449 = arith.constant 0 : i32
        %dma_wait3A_3450 = tpu.memref_slice %arg18[%dma_wait3A_3445, %dma_wait3A_3449] : memref<8x64xi32, #tpu.memory_space<vmem>> -> memref<1x64xi32, #tpu.memory_space<vmem>>
        %dma_wait3A_3451 = tpu.memref_squeeze %dma_wait3A_3450 : memref<1x64xi32, #tpu.memory_space<vmem>> -> memref<64xi32, #tpu.memory_space<vmem>>
        %dma_wait3A_3452 = arith.constant 0 : i32
        %dma_wait3A_3453 = arith.constant 0 : i32
        %dma_wait3A_3454 = tpu.memref_slice %arg7[%dma_wait3A_3452, %dma_wait3A_3453] : memref<524288x64xf32, #tpu.memory_space<hbm>> -> memref<524288x64xf32, #tpu.memory_space<hbm>>
        tpu.wait_indirect_dma semaphore(%arg22 : memref<!tpu.dma_semaphore, #tpu.memory_space<semaphore_mem>>) src(%dma_wait3A_3448 : memref<64x64xf32, #tpu.memory_space<vmem>>) dst(%dma_wait3A_3454 : memref<524288x64xf32, #tpu.memory_space<hbm>>)
      } else {
      }
      %not3A_3367 = arith.constant true
      %not3A_3368 = arith.xori %gt3A_3363, %not3A_3367 : i1
      %convert_element_type3A_3369 = arith.extui %not3A_3368 : i1 to i32
      %cond3A_3370 = arith.constant 0 : i32
      %cond3A_3371 = arith.cmpi ne, %convert_element_type3A_3369, %cond3A_3370 : i32
      scf.if %cond3A_3371 {
        %dma_wait3A_3445 = arith.constant 1 : i32
        %dma_wait3A_3446 = arith.constant 0 : i32
        %dma_wait3A_3447 = tpu.memref_slice %arg18[%dma_wait3A_3445, %dma_wait3A_3446] : memref<8x64xi32, #tpu.memory_space<vmem>> -> memref<1x64xi32, #tpu.memory_space<vmem>>
        %dma_wait3A_3448 = tpu.memref_squeeze %dma_wait3A_3447 : memref<1x64xi32, #tpu.memory_space<vmem>> -> memref<64xi32, #tpu.memory_space<vmem>>
        %dma_wait3A_3449 = arith.constant 0 : i32
        %dma_wait3A_3450 = arith.constant 0 : i32
        %dma_wait3A_3451 = tpu.memref_slice %arg7[%dma_wait3A_3449, %dma_wait3A_3450] : memref<524288x64xf32, #tpu.memory_space<hbm>> -> memref<524288x64xf32, #tpu.memory_space<hbm>>
        tpu.wait_indirect_dma semaphore(%arg22 : memref<!tpu.dma_semaphore, #tpu.memory_space<semaphore_mem>>) src(%arg20 : memref<64x64xf32, #tpu.memory_space<vmem>>) dst(%dma_wait3A_3451 : memref<524288x64xf32, #tpu.memory_space<hbm>>)
      } else {
      }
      %gt3A_3372 = arith.constant 128 : i32
      %gt3A_3373 = arith.cmpi sgt, %add3A_3217, %gt3A_3372 : i32
      %convert_element_type3A_3374 = arith.extui %gt3A_3373 : i1 to i32
      %cond3A_3375 = arith.constant 0 : i32
      %cond3A_3376 = arith.cmpi ne, %convert_element_type3A_3374, %cond3A_3375 : i32
      scf.if %cond3A_3376 {
        %dma_wait3A_3445 = arith.constant 2 : i32
        %dma_wait3A_3446 = arith.constant 128 : i32
        %dma_wait3A_3447 = arith.constant 0 : i32
        %dma_wait3A_3448 = tpu.memref_slice %arg19[%dma_wait3A_3446, %dma_wait3A_3447] : memref<576x64xf32, #tpu.memory_space<vmem>> -> memref<64x64xf32, #tpu.memory_space<vmem>>
        %dma_wait3A_3449 = arith.constant 0 : i32
        %dma_wait3A_3450 = tpu.memref_slice %arg18[%dma_wait3A_3445, %dma_wait3A_3449] : memref<8x64xi32, #tpu.memory_space<vmem>> -> memref<1x64xi32, #tpu.memory_space<vmem>>
        %dma_wait3A_3451 = tpu.memref_squeeze %dma_wait3A_3450 : memref<1x64xi32, #tpu.memory_space<vmem>> -> memref<64xi32, #tpu.memory_space<vmem>>
        %dma_wait3A_3452 = arith.constant 0 : i32
        %dma_wait3A_3453 = arith.constant 0 : i32
        %dma_wait3A_3454 = tpu.memref_slice %arg7[%dma_wait3A_3452, %dma_wait3A_3453] : memref<524288x64xf32, #tpu.memory_space<hbm>> -> memref<524288x64xf32, #tpu.memory_space<hbm>>
        tpu.wait_indirect_dma semaphore(%arg22 : memref<!tpu.dma_semaphore, #tpu.memory_space<semaphore_mem>>) src(%dma_wait3A_3448 : memref<64x64xf32, #tpu.memory_space<vmem>>) dst(%dma_wait3A_3454 : memref<524288x64xf32, #tpu.memory_space<hbm>>)
      } else {
      }
      %not3A_3377 = arith.constant true
      %not3A_3378 = arith.xori %gt3A_3373, %not3A_3377 : i1
      %convert_element_type3A_3379 = arith.extui %not3A_3378 : i1 to i32
      %cond3A_3380 = arith.constant 0 : i32
      %cond3A_3381 = arith.cmpi ne, %convert_element_type3A_3379, %cond3A_3380 : i32
      scf.if %cond3A_3381 {
        %dma_wait3A_3445 = arith.constant 2 : i32
        %dma_wait3A_3446 = arith.constant 0 : i32
        %dma_wait3A_3447 = tpu.memref_slice %arg18[%dma_wait3A_3445, %dma_wait3A_3446] : memref<8x64xi32, #tpu.memory_space<vmem>> -> memref<1x64xi32, #tpu.memory_space<vmem>>
        %dma_wait3A_3448 = tpu.memref_squeeze %dma_wait3A_3447 : memref<1x64xi32, #tpu.memory_space<vmem>> -> memref<64xi32, #tpu.memory_space<vmem>>
        %dma_wait3A_3449 = arith.constant 0 : i32
        %dma_wait3A_3450 = arith.constant 0 : i32
        %dma_wait3A_3451 = tpu.memref_slice %arg7[%dma_wait3A_3449, %dma_wait3A_3450] : memref<524288x64xf32, #tpu.memory_space<hbm>> -> memref<524288x64xf32, #tpu.memory_space<hbm>>
        tpu.wait_indirect_dma semaphore(%arg22 : memref<!tpu.dma_semaphore, #tpu.memory_space<semaphore_mem>>) src(%arg20 : memref<64x64xf32, #tpu.memory_space<vmem>>) dst(%dma_wait3A_3451 : memref<524288x64xf32, #tpu.memory_space<hbm>>)
      } else {
      }
      %gt3A_3382 = arith.constant 192 : i32
      %gt3A_3383 = arith.cmpi sgt, %add3A_3217, %gt3A_3382 : i32
      %convert_element_type3A_3384 = arith.extui %gt3A_3383 : i1 to i32
      %cond3A_3385 = arith.constant 0 : i32
      %cond3A_3386 = arith.cmpi ne, %convert_element_type3A_3384, %cond3A_3385 : i32
      scf.if %cond3A_3386 {
        %dma_wait3A_3445 = arith.constant 3 : i32
        %dma_wait3A_3446 = arith.constant 192 : i32
        %dma_wait3A_3447 = arith.constant 0 : i32
        %dma_wait3A_3448 = tpu.memref_slice %arg19[%dma_wait3A_3446, %dma_wait3A_3447] : memref<576x64xf32, #tpu.memory_space<vmem>> -> memref<64x64xf32, #tpu.memory_space<vmem>>
        %dma_wait3A_3449 = arith.constant 0 : i32
        %dma_wait3A_3450 = tpu.memref_slice %arg18[%dma_wait3A_3445, %dma_wait3A_3449] : memref<8x64xi32, #tpu.memory_space<vmem>> -> memref<1x64xi32, #tpu.memory_space<vmem>>
        %dma_wait3A_3451 = tpu.memref_squeeze %dma_wait3A_3450 : memref<1x64xi32, #tpu.memory_space<vmem>> -> memref<64xi32, #tpu.memory_space<vmem>>
        %dma_wait3A_3452 = arith.constant 0 : i32
        %dma_wait3A_3453 = arith.constant 0 : i32
        %dma_wait3A_3454 = tpu.memref_slice %arg7[%dma_wait3A_3452, %dma_wait3A_3453] : memref<524288x64xf32, #tpu.memory_space<hbm>> -> memref<524288x64xf32, #tpu.memory_space<hbm>>
        tpu.wait_indirect_dma semaphore(%arg22 : memref<!tpu.dma_semaphore, #tpu.memory_space<semaphore_mem>>) src(%dma_wait3A_3448 : memref<64x64xf32, #tpu.memory_space<vmem>>) dst(%dma_wait3A_3454 : memref<524288x64xf32, #tpu.memory_space<hbm>>)
      } else {
      }
      %not3A_3387 = arith.constant true
      %not3A_3388 = arith.xori %gt3A_3383, %not3A_3387 : i1
      %convert_element_type3A_3389 = arith.extui %not3A_3388 : i1 to i32
      %cond3A_3390 = arith.constant 0 : i32
      %cond3A_3391 = arith.cmpi ne, %convert_element_type3A_3389, %cond3A_3390 : i32
      scf.if %cond3A_3391 {
        %dma_wait3A_3445 = arith.constant 3 : i32
        %dma_wait3A_3446 = arith.constant 0 : i32
        %dma_wait3A_3447 = tpu.memref_slice %arg18[%dma_wait3A_3445, %dma_wait3A_3446] : memref<8x64xi32, #tpu.memory_space<vmem>> -> memref<1x64xi32, #tpu.memory_space<vmem>>
        %dma_wait3A_3448 = tpu.memref_squeeze %dma_wait3A_3447 : memref<1x64xi32, #tpu.memory_space<vmem>> -> memref<64xi32, #tpu.memory_space<vmem>>
        %dma_wait3A_3449 = arith.constant 0 : i32
        %dma_wait3A_3450 = arith.constant 0 : i32
        %dma_wait3A_3451 = tpu.memref_slice %arg7[%dma_wait3A_3449, %dma_wait3A_3450] : memref<524288x64xf32, #tpu.memory_space<hbm>> -> memref<524288x64xf32, #tpu.memory_space<hbm>>
        tpu.wait_indirect_dma semaphore(%arg22 : memref<!tpu.dma_semaphore, #tpu.memory_space<semaphore_mem>>) src(%arg20 : memref<64x64xf32, #tpu.memory_space<vmem>>) dst(%dma_wait3A_3451 : memref<524288x64xf32, #tpu.memory_space<hbm>>)
      } else {
      }
      %gt3A_3392 = arith.constant 256 : i32
      %gt3A_3393 = arith.cmpi sgt, %add3A_3217, %gt3A_3392 : i32
      %convert_element_type3A_3394 = arith.extui %gt3A_3393 : i1 to i32
      %cond3A_3395 = arith.constant 0 : i32
      %cond3A_3396 = arith.cmpi ne, %convert_element_type3A_3394, %cond3A_3395 : i32
      scf.if %cond3A_3396 {
        %dma_wait3A_3445 = arith.constant 4 : i32
        %dma_wait3A_3446 = arith.constant 256 : i32
        %dma_wait3A_3447 = arith.constant 0 : i32
        %dma_wait3A_3448 = tpu.memref_slice %arg19[%dma_wait3A_3446, %dma_wait3A_3447] : memref<576x64xf32, #tpu.memory_space<vmem>> -> memref<64x64xf32, #tpu.memory_space<vmem>>
        %dma_wait3A_3449 = arith.constant 0 : i32
        %dma_wait3A_3450 = tpu.memref_slice %arg18[%dma_wait3A_3445, %dma_wait3A_3449] : memref<8x64xi32, #tpu.memory_space<vmem>> -> memref<1x64xi32, #tpu.memory_space<vmem>>
        %dma_wait3A_3451 = tpu.memref_squeeze %dma_wait3A_3450 : memref<1x64xi32, #tpu.memory_space<vmem>> -> memref<64xi32, #tpu.memory_space<vmem>>
        %dma_wait3A_3452 = arith.constant 0 : i32
        %dma_wait3A_3453 = arith.constant 0 : i32
        %dma_wait3A_3454 = tpu.memref_slice %arg7[%dma_wait3A_3452, %dma_wait3A_3453] : memref<524288x64xf32, #tpu.memory_space<hbm>> -> memref<524288x64xf32, #tpu.memory_space<hbm>>
        tpu.wait_indirect_dma semaphore(%arg22 : memref<!tpu.dma_semaphore, #tpu.memory_space<semaphore_mem>>) src(%dma_wait3A_3448 : memref<64x64xf32, #tpu.memory_space<vmem>>) dst(%dma_wait3A_3454 : memref<524288x64xf32, #tpu.memory_space<hbm>>)
      } else {
      }
      %not3A_3397 = arith.constant true
      %not3A_3398 = arith.xori %gt3A_3393, %not3A_3397 : i1
      %convert_element_type3A_3399 = arith.extui %not3A_3398 : i1 to i32
      %cond3A_3400 = arith.constant 0 : i32
      %cond3A_3401 = arith.cmpi ne, %convert_element_type3A_3399, %cond3A_3400 : i32
      scf.if %cond3A_3401 {
        %dma_wait3A_3445 = arith.constant 4 : i32
        %dma_wait3A_3446 = arith.constant 0 : i32
        %dma_wait3A_3447 = tpu.memref_slice %arg18[%dma_wait3A_3445, %dma_wait3A_3446] : memref<8x64xi32, #tpu.memory_space<vmem>> -> memref<1x64xi32, #tpu.memory_space<vmem>>
        %dma_wait3A_3448 = tpu.memref_squeeze %dma_wait3A_3447 : memref<1x64xi32, #tpu.memory_space<vmem>> -> memref<64xi32, #tpu.memory_space<vmem>>
        %dma_wait3A_3449 = arith.constant 0 : i32
        %dma_wait3A_3450 = arith.constant 0 : i32
        %dma_wait3A_3451 = tpu.memref_slice %arg7[%dma_wait3A_3449, %dma_wait3A_3450] : memref<524288x64xf32, #tpu.memory_space<hbm>> -> memref<524288x64xf32, #tpu.memory_space<hbm>>
        tpu.wait_indirect_dma semaphore(%arg22 : memref<!tpu.dma_semaphore, #tpu.memory_space<semaphore_mem>>) src(%arg20 : memref<64x64xf32, #tpu.memory_space<vmem>>) dst(%dma_wait3A_3451 : memref<524288x64xf32, #tpu.memory_space<hbm>>)
      } else {
      }
      %gt3A_3402 = arith.constant 320 : i32
      %gt3A_3403 = arith.cmpi sgt, %add3A_3217, %gt3A_3402 : i32
      %convert_element_type3A_3404 = arith.extui %gt3A_3403 : i1 to i32
      %cond3A_3405 = arith.constant 0 : i32
      %cond3A_3406 = arith.cmpi ne, %convert_element_type3A_3404, %cond3A_3405 : i32
      scf.if %cond3A_3406 {
        %dma_wait3A_3445 = arith.constant 5 : i32
        %dma_wait3A_3446 = arith.constant 320 : i32
        %dma_wait3A_3447 = arith.constant 0 : i32
        %dma_wait3A_3448 = tpu.memref_slice %arg19[%dma_wait3A_3446, %dma_wait3A_3447] : memref<576x64xf32, #tpu.memory_space<vmem>> -> memref<64x64xf32, #tpu.memory_space<vmem>>
        %dma_wait3A_3449 = arith.constant 0 : i32
        %dma_wait3A_3450 = tpu.memref_slice %arg18[%dma_wait3A_3445, %dma_wait3A_3449] : memref<8x64xi32, #tpu.memory_space<vmem>> -> memref<1x64xi32, #tpu.memory_space<vmem>>
        %dma_wait3A_3451 = tpu.memref_squeeze %dma_wait3A_3450 : memref<1x64xi32, #tpu.memory_space<vmem>> -> memref<64xi32, #tpu.memory_space<vmem>>
        %dma_wait3A_3452 = arith.constant 0 : i32
        %dma_wait3A_3453 = arith.constant 0 : i32
        %dma_wait3A_3454 = tpu.memref_slice %arg7[%dma_wait3A_3452, %dma_wait3A_3453] : memref<524288x64xf32, #tpu.memory_space<hbm>> -> memref<524288x64xf32, #tpu.memory_space<hbm>>
        tpu.wait_indirect_dma semaphore(%arg22 : memref<!tpu.dma_semaphore, #tpu.memory_space<semaphore_mem>>) src(%dma_wait3A_3448 : memref<64x64xf32, #tpu.memory_space<vmem>>) dst(%dma_wait3A_3454 : memref<524288x64xf32, #tpu.memory_space<hbm>>)
      } else {
      }
      %not3A_3407 = arith.constant true
      %not3A_3408 = arith.xori %gt3A_3403, %not3A_3407 : i1
      %convert_element_type3A_3409 = arith.extui %not3A_3408 : i1 to i32
      %cond3A_3410 = arith.constant 0 : i32
      %cond3A_3411 = arith.cmpi ne, %convert_element_type3A_3409, %cond3A_3410 : i32
      scf.if %cond3A_3411 {
        %dma_wait3A_3445 = arith.constant 5 : i32
        %dma_wait3A_3446 = arith.constant 0 : i32
        %dma_wait3A_3447 = tpu.memref_slice %arg18[%dma_wait3A_3445, %dma_wait3A_3446] : memref<8x64xi32, #tpu.memory_space<vmem>> -> memref<1x64xi32, #tpu.memory_space<vmem>>
        %dma_wait3A_3448 = tpu.memref_squeeze %dma_wait3A_3447 : memref<1x64xi32, #tpu.memory_space<vmem>> -> memref<64xi32, #tpu.memory_space<vmem>>
        %dma_wait3A_3449 = arith.constant 0 : i32
        %dma_wait3A_3450 = arith.constant 0 : i32
        %dma_wait3A_3451 = tpu.memref_slice %arg7[%dma_wait3A_3449, %dma_wait3A_3450] : memref<524288x64xf32, #tpu.memory_space<hbm>> -> memref<524288x64xf32, #tpu.memory_space<hbm>>
        tpu.wait_indirect_dma semaphore(%arg22 : memref<!tpu.dma_semaphore, #tpu.memory_space<semaphore_mem>>) src(%arg20 : memref<64x64xf32, #tpu.memory_space<vmem>>) dst(%dma_wait3A_3451 : memref<524288x64xf32, #tpu.memory_space<hbm>>)
      } else {
      }
      %gt3A_3412 = arith.constant 384 : i32
      %gt3A_3413 = arith.cmpi sgt, %add3A_3217, %gt3A_3412 : i32
      %convert_element_type3A_3414 = arith.extui %gt3A_3413 : i1 to i32
      %cond3A_3415 = arith.constant 0 : i32
      %cond3A_3416 = arith.cmpi ne, %convert_element_type3A_3414, %cond3A_3415 : i32
      scf.if %cond3A_3416 {
        %dma_wait3A_3445 = arith.constant 6 : i32
        %dma_wait3A_3446 = arith.constant 384 : i32
        %dma_wait3A_3447 = arith.constant 0 : i32
        %dma_wait3A_3448 = tpu.memref_slice %arg19[%dma_wait3A_3446, %dma_wait3A_3447] : memref<576x64xf32, #tpu.memory_space<vmem>> -> memref<64x64xf32, #tpu.memory_space<vmem>>
        %dma_wait3A_3449 = arith.constant 0 : i32
        %dma_wait3A_3450 = tpu.memref_slice %arg18[%dma_wait3A_3445, %dma_wait3A_3449] : memref<8x64xi32, #tpu.memory_space<vmem>> -> memref<1x64xi32, #tpu.memory_space<vmem>>
        %dma_wait3A_3451 = tpu.memref_squeeze %dma_wait3A_3450 : memref<1x64xi32, #tpu.memory_space<vmem>> -> memref<64xi32, #tpu.memory_space<vmem>>
        %dma_wait3A_3452 = arith.constant 0 : i32
        %dma_wait3A_3453 = arith.constant 0 : i32
        %dma_wait3A_3454 = tpu.memref_slice %arg7[%dma_wait3A_3452, %dma_wait3A_3453] : memref<524288x64xf32, #tpu.memory_space<hbm>> -> memref<524288x64xf32, #tpu.memory_space<hbm>>
        tpu.wait_indirect_dma semaphore(%arg22 : memref<!tpu.dma_semaphore, #tpu.memory_space<semaphore_mem>>) src(%dma_wait3A_3448 : memref<64x64xf32, #tpu.memory_space<vmem>>) dst(%dma_wait3A_3454 : memref<524288x64xf32, #tpu.memory_space<hbm>>)
      } else {
      }
      %not3A_3417 = arith.constant true
      %not3A_3418 = arith.xori %gt3A_3413, %not3A_3417 : i1
      %convert_element_type3A_3419 = arith.extui %not3A_3418 : i1 to i32
      %cond3A_3420 = arith.constant 0 : i32
      %cond3A_3421 = arith.cmpi ne, %convert_element_type3A_3419, %cond3A_3420 : i32
      scf.if %cond3A_3421 {
        %dma_wait3A_3445 = arith.constant 6 : i32
        %dma_wait3A_3446 = arith.constant 0 : i32
        %dma_wait3A_3447 = tpu.memref_slice %arg18[%dma_wait3A_3445, %dma_wait3A_3446] : memref<8x64xi32, #tpu.memory_space<vmem>> -> memref<1x64xi32, #tpu.memory_space<vmem>>
        %dma_wait3A_3448 = tpu.memref_squeeze %dma_wait3A_3447 : memref<1x64xi32, #tpu.memory_space<vmem>> -> memref<64xi32, #tpu.memory_space<vmem>>
        %dma_wait3A_3449 = arith.constant 0 : i32
        %dma_wait3A_3450 = arith.constant 0 : i32
        %dma_wait3A_3451 = tpu.memref_slice %arg7[%dma_wait3A_3449, %dma_wait3A_3450] : memref<524288x64xf32, #tpu.memory_space<hbm>> -> memref<524288x64xf32, #tpu.memory_space<hbm>>
        tpu.wait_indirect_dma semaphore(%arg22 : memref<!tpu.dma_semaphore, #tpu.memory_space<semaphore_mem>>) src(%arg20 : memref<64x64xf32, #tpu.memory_space<vmem>>) dst(%dma_wait3A_3451 : memref<524288x64xf32, #tpu.memory_space<hbm>>)
      } else {
      }
      %gt3A_3422 = arith.constant 448 : i32
      %gt3A_3423 = arith.cmpi sgt, %add3A_3217, %gt3A_3422 : i32
      %convert_element_type3A_3424 = arith.extui %gt3A_3423 : i1 to i32
      %cond3A_3425 = arith.constant 0 : i32
      %cond3A_3426 = arith.cmpi ne, %convert_element_type3A_3424, %cond3A_3425 : i32
      scf.if %cond3A_3426 {
        %dma_wait3A_3445 = arith.constant 7 : i32
        %dma_wait3A_3446 = arith.constant 448 : i32
        %dma_wait3A_3447 = arith.constant 0 : i32
        %dma_wait3A_3448 = tpu.memref_slice %arg19[%dma_wait3A_3446, %dma_wait3A_3447] : memref<576x64xf32, #tpu.memory_space<vmem>> -> memref<64x64xf32, #tpu.memory_space<vmem>>
        %dma_wait3A_3449 = arith.constant 0 : i32
        %dma_wait3A_3450 = tpu.memref_slice %arg18[%dma_wait3A_3445, %dma_wait3A_3449] : memref<8x64xi32, #tpu.memory_space<vmem>> -> memref<1x64xi32, #tpu.memory_space<vmem>>
        %dma_wait3A_3451 = tpu.memref_squeeze %dma_wait3A_3450 : memref<1x64xi32, #tpu.memory_space<vmem>> -> memref<64xi32, #tpu.memory_space<vmem>>
        %dma_wait3A_3452 = arith.constant 0 : i32
        %dma_wait3A_3453 = arith.constant 0 : i32
        %dma_wait3A_3454 = tpu.memref_slice %arg7[%dma_wait3A_3452, %dma_wait3A_3453] : memref<524288x64xf32, #tpu.memory_space<hbm>> -> memref<524288x64xf32, #tpu.memory_space<hbm>>
        tpu.wait_indirect_dma semaphore(%arg22 : memref<!tpu.dma_semaphore, #tpu.memory_space<semaphore_mem>>) src(%dma_wait3A_3448 : memref<64x64xf32, #tpu.memory_space<vmem>>) dst(%dma_wait3A_3454 : memref<524288x64xf32, #tpu.memory_space<hbm>>)
      } else {
      }
      %not3A_3427 = arith.constant true
      %not3A_3428 = arith.xori %gt3A_3423, %not3A_3427 : i1
      %convert_element_type3A_3429 = arith.extui %not3A_3428 : i1 to i32
      %cond3A_3430 = arith.constant 0 : i32
      %cond3A_3431 = arith.cmpi ne, %convert_element_type3A_3429, %cond3A_3430 : i32
      scf.if %cond3A_3431 {
        %dma_wait3A_3445 = arith.constant 7 : i32
        %dma_wait3A_3446 = arith.constant 0 : i32
        %dma_wait3A_3447 = tpu.memref_slice %arg18[%dma_wait3A_3445, %dma_wait3A_3446] : memref<8x64xi32, #tpu.memory_space<vmem>> -> memref<1x64xi32, #tpu.memory_space<vmem>>
        %dma_wait3A_3448 = tpu.memref_squeeze %dma_wait3A_3447 : memref<1x64xi32, #tpu.memory_space<vmem>> -> memref<64xi32, #tpu.memory_space<vmem>>
        %dma_wait3A_3449 = arith.constant 0 : i32
        %dma_wait3A_3450 = arith.constant 0 : i32
        %dma_wait3A_3451 = tpu.memref_slice %arg7[%dma_wait3A_3449, %dma_wait3A_3450] : memref<524288x64xf32, #tpu.memory_space<hbm>> -> memref<524288x64xf32, #tpu.memory_space<hbm>>
        tpu.wait_indirect_dma semaphore(%arg22 : memref<!tpu.dma_semaphore, #tpu.memory_space<semaphore_mem>>) src(%arg20 : memref<64x64xf32, #tpu.memory_space<vmem>>) dst(%dma_wait3A_3451 : memref<524288x64xf32, #tpu.memory_space<hbm>>)
      } else {
      }
      %dma_wait3A_3432 = arith.constant 0 : i32
      %dma_wait3A_3433 = tpu.memref_slice %arg5[%add3A_1045, %dma_wait3A_3432] : memref<1024x512xf32, #tpu.memory_space<hbm>> -> memref<1x512xf32, #tpu.memory_space<hbm>>
      %dma_wait3A_3434 = tpu.memref_squeeze %dma_wait3A_3433 : memref<1x512xf32, #tpu.memory_space<hbm>> -> memref<512xf32, #tpu.memory_space<hbm>>
      %dma_wait3A_3435 = arith.constant 0 : i32
      %dma_wait3A_3436 = tpu.memref_slice %arg5[%add3A_1045, %dma_wait3A_3435] : memref<1024x512xf32, #tpu.memory_space<hbm>> -> memref<1x512xf32, #tpu.memory_space<hbm>>
      %dma_wait3A_3437 = tpu.memref_squeeze %dma_wait3A_3436 : memref<1x512xf32, #tpu.memory_space<hbm>> -> memref<512xf32, #tpu.memory_space<hbm>>
      tpu.wait_dma2 semaphore(%arg22 : memref<!tpu.dma_semaphore, #tpu.memory_space<semaphore_mem>>) src(%arg15 : memref<512xf32, #tpu.memory_space<vmem>>) dst(%dma_wait3A_3437 : memref<512xf32, #tpu.memory_space<hbm>>)
      %dma_wait3A_3438 = arith.constant 0 : i32
      %dma_wait3A_3439 = tpu.memref_slice %arg6[%add3A_1045, %dma_wait3A_3438] : memref<1024x512xf32, #tpu.memory_space<hbm>> -> memref<1x512xf32, #tpu.memory_space<hbm>>
      %dma_wait3A_3440 = tpu.memref_squeeze %dma_wait3A_3439 : memref<1x512xf32, #tpu.memory_space<hbm>> -> memref<512xf32, #tpu.memory_space<hbm>>
      %dma_wait3A_3441 = arith.constant 0 : i32
      %dma_wait3A_3442 = tpu.memref_slice %arg6[%add3A_1045, %dma_wait3A_3441] : memref<1024x512xf32, #tpu.memory_space<hbm>> -> memref<1x512xf32, #tpu.memory_space<hbm>>
      %dma_wait3A_3443 = tpu.memref_squeeze %dma_wait3A_3442 : memref<1x512xf32, #tpu.memory_space<hbm>> -> memref<512xf32, #tpu.memory_space<hbm>>
      tpu.wait_dma2 semaphore(%arg22 : memref<!tpu.dma_semaphore, #tpu.memory_space<semaphore_mem>>) src(%arg16 : memref<512xf32, #tpu.memory_space<vmem>>) dst(%dma_wait3A_3443 : memref<512xf32, #tpu.memory_space<hbm>>)
      %scan3A_3444 = arith.constant 0 : i32
      scf.yield %scan3A_3444 : i32
    }
    %scan3A_1040 = arith.constant 32 : i32
    return
  }
}

</mosaic_0001>

<sc_bundles>
// kernel: kernel.3.cloned.1.call-start
scs
__scs_entry_jumppad:
0x0: {  	(pc) =	sbr.rel $0x88, $3  }
0x1: {  	(tag) =	ssettag $0x0;
	lr =	simm.s32 $0x1  }
0x2: {  	[smem:$0x3F9E] =	sst lr;
	_ =	strace $0xD0000000  }
0x3: {  	_ = 	snop  }
0x4: {  	_ = 	snop  }
0x5: {  	_ = 	snop  }
0x6: {  	_ = 	snop  }
0x7: {  	_ = 	snop  }
__scs_overlays_trampoline_lowered:
0x8: {  	[smem:$0x3FAD] =	sst s0  }
0x9: {  	[smem:$0x3FAE] =	sst s1  }
0xa: {  	[smem:$0x3FAF] =	sst s2  }
0xb: {  	[smem:$0x3FB0] =	sst s3  }
0xc: {  	[smem:$0x3FB1] =	sst s4  }
0xd: {  	[smem:$0x3FB2] =	sst s5  }
0xe: {  	[smem:$0x3FB3] =	sst s6  }
0xf: {  	[smem:$0x3FB4] =	sst s7  }
0x10: {  	[smem:$0x3FB5] =	sst s8  }
0x11: {  	[smem:$0x3FB6] =	sst s9;
	s0 =	simm.s32 @!p0 $0x0  }
0x12: {  	s1 =	sld [smem:$0x3F9C];
	s0 =	simm.s32 @p0 $0x1  }
0x13: {  	[smem:$0x3FB7] =	sst s0;
	s0 =	simm.s32 @!p1 $0x0  }
0x14: {  	s2 =	sld [smem:$0x3F9B];
	s0 =	simm.s32 @p1 $0x1  }
0x15: {  	[smem:$0x3FB8] =	sst s0;
	s0 =	simm.s32 @!p2 $0x0  }
0x16: {  	s3 =	sld [smem:$0x3FDB];
	s0 =	simm.s32 @p2 $0x1  }
0x17: {  	s4 =	simm.s32 $0x1BF5;
	[smem:$0x3FBA] =	sst s0  }
0x18: {  	s0 =	sld [smem:$0x3F9D];
	_ =	swait.ge [sflag:s4], $0x0  }
0x19: {  	s7 =	sld [smem:$0x3F9E]  }
0x1a: {  	s8 =	sadd.s32 $0xFFFFE003, lr  }
0x1b: {  	s9 =	sadd.s32 $0xFFFFFEF7, lr;
	s5 =	simm.s32 $0xFFFFFFFF;
	p2 =	slt.u32 s8, $0xFFFFF086  }
0x1c: {  	p1 =	slt.u32 s9, $0xF7A;
	s5 =	simm.s32 @!p2 $0x0  }
0x1d: {  	s5 =	simm.s32 @p1 $0x1;
	p0 =	seq.s32 s7, s2  }
0x1e: {  	s7 =	smul.u32 @!p0 $0xF7A, s2;
	p2 =	seq.s32 @!p0 s5, $0x0  }
0x1f: {  	s9 =	smul.u32 $0xF7A, s1;
	s8 =	simm.s32 @!p0 $0x1BF5;
	p2 =	por !p2, p0  }
0x20: {  	[sflag:s8] =	ssyncset.s32 @!p0 $0xFFFFF086;
	s6 =	sadd.s32 @!p0 s3, s7;
	s7 =	simm.s32 @!p0 $0x108  }
0x21: {  	s3 =	sadd.s32 s3, s9;
	s6 =	sadd.s32 @!p0 $0x88, s6;
	s7 =	simm.s32 @p2 $0x1082  }
0x22: {  	[simem:s7], [sflag:s8] =	dma.local @!p0 [hbm:s6], $0xF7A  }
0x23: {  	s9 =	sor.u32 $0xD0000000, s2;
	s6 =	simm.s32 $0x108;
	_ =	swait.ge @!p0 [sflag:s8], $0x0  }
0x24: {  	s3 =	sadd.s32 $0x88, s3;
	s6 =	simm.s32 @!p1 $0x1082;
	[sflag:s4] =	ssyncset.s32 $0xFFFFF086  }
0x25: {  	[simem:s6], [sflag:s4] =	dma.local [hbm:s3], $0xF7A  }
0x26: {  	[smem:$0x3F9E] =	sst s1;
	(tag) =	ssettag s2;
	_ =	strace s9  }
0x27: {  	s1 =	sld [smem:$0x3FAE]  }
0x28: {  	s2 =	sld [smem:$0x3FAF]  }
0x29: {  	s4 =	sld [smem:$0x3FB1]  }
0x2a: {  	p0 =	seq.s32 s5, $0x0;
	s5 =	sld [smem:$0x3FB2]  }
0x2b: {  	s6 =	sld [smem:$0x3FB3]  }
0x2c: {  	s7 =	sld [smem:$0x3FB4]  }
0x2d: {  	s3 =	simm.s32 $0x108;
	s8 =	sld [smem:$0x3FB5]  }
0x2e: {  	s3 =	simm.s32 @!p0 $0x1082;
	s9 =	sld [smem:$0x3FB6]  }
0x2f: {  	lr =	sadd.s32 s0, s3;
	s0 =	sld [smem:$0x3FAD]  }
0x30: {  	s3 =	sld [smem:$0x3FB0]  }
0x31: {  	[smem:$0x3FB9] =	sst s10  }
0x32: {  	s10 =	sld [smem:$0x3FB7];
	_ =	sdelay $0x3  }
0x33: {  	p0 =	seq.s32 s10, $0x1;
	s10 =	sld [smem:$0x3FB9];
	_ =	sdelay $0x3  }
0x34: {  	[smem:$0x3FB9] =	sst s10  }
0x35: {  	s10 =	sld [smem:$0x3FB8];
	_ =	sdelay $0x3  }
0x36: {  	p1 =	seq.s32 s10, $0x1;
	s10 =	sld [smem:$0x3FB9];
	_ =	sdelay $0x3  }
0x37: {  	[smem:$0x3FB9] =	sst s10  }
0x38: {  	s10 =	sld [smem:$0x3FBA]  }
0x39: {  	_ = 	snop;
	(pc) =	sbr.ind lr, $3  }
0x3a: {  	_ = 	snop  }
0x3b: {  	_ = 	snop  }
0x3c: {  	p2 =	seq.s32 s10, $0x1;
	s10 =	sld [smem:$0x3FB9]  }
0x3d: {  	_ =	shalt  }
0x3e: {  	_ =	shalt  }
0x3f: {  	_ =	shalt  }
0x40: {  	_ =	shalt  }
0x41: {  	_ =	shalt  }
0x42: {  	_ =	shalt  }
0x43: {  	_ =	shalt  }
0x44: {  	_ =	shalt  }
0x45: {  	_ =	shalt  }
0x46: {  	_ =	shalt  }
0x47: {  	_ =	shalt  }
0x48: {  	_ =	shalt  }
0x49: {  	_ =	shalt  }
0x4a: {  	_ =	shalt  }
0x4b: {  	_ =	shalt  }
0x4c: {  	_ =	shalt  }
0x4d: {  	_ =	shalt  }
0x4e: {  	_ =	shalt  }
0x4f: {  	_ =	shalt  }
0x50: {  	_ =	shalt  }
0x51: {  	_ =	shalt  }
0x52: {  	_ =	shalt  }
0x53: {  	_ =	shalt  }
0x54: {  	_ =	shalt  }
0x55: {  	_ =	shalt  }
0x56: {  	_ =	shalt  }
0x57: {  	_ =	shalt  }
0x58: {  	_ =	shalt  }
0x59: {  	_ =	shalt  }
0x5a: {  	_ =	shalt  }
0x5b: {  	_ =	shalt  }
0x5c: {  	_ =	shalt  }
0x5d: {  	_ =	shalt  }
0x5e: {  	_ =	shalt  }
0x5f: {  	_ =	shalt  }
0x60: {  	_ =	shalt  }
0x61: {  	_ =	shalt  }
0x62: {  	_ =	shalt  }
0x63: {  	_ =	shalt  }
0x64: {  	_ =	shalt  }
0x65: {  	_ =	shalt  }
0x66: {  	_ =	shalt  }
0x67: {  	_ =	shalt  }
0x68: {  	_ =	shalt  }
0x69: {  	_ =	shalt  }
0x6a: {  	_ =	shalt  }
0x6b: {  	_ =	shalt  }
0x6c: {  	_ =	shalt  }
0x6d: {  	_ =	shalt  }
0x6e: {  	_ =	shalt  }
0x6f: {  	_ =	shalt  }
0x70: {  	_ =	shalt  }
0x71: {  	_ =	shalt  }
0x72: {  	_ =	shalt  }
0x73: {  	_ =	shalt  }
0x74: {  	_ =	shalt  }
0x75: {  	_ =	shalt  }
0x76: {  	_ =	shalt  }
0x77: {  	_ =	shalt  }
0x78: {  	_ =	shalt  }
0x79: {  	_ =	shalt  }
0x7a: {  	_ =	shalt  }
0x7b: {  	_ =	shalt  }
0x7c: {  	_ =	shalt  }
0x7d: {  	_ =	shalt  }
0x7e: {  	_ =	shalt  }
0x7f: {  	_ =	shalt  }
0x80: {  	_ =	shalt  }
0x81: {  	_ =	shalt  }
0x82: {  	_ =	shalt  }
0x83: {  	_ =	shalt  }
0x84: {  	_ =	shalt  }
0x85: {  	_ =	shalt  }
0x86: {  	_ =	shalt  }
0x87: {  	_ =	shalt  }
.Lfunc_end0:
.L_simem_size_0:
called_computation.1_lowered:
.L_overlay_start_0:
0x88: {  	s2 =	sld [smem:$0x3FD9]  }
0x89: {  	s3 =	sld [smem:$0x3FFE];
	_ =	sdelay $0x1  }
0x8a: {  	s1 =	srdreg.scid  }
0x8b: {  	s0 =	sand.u32 $0x1, s1  }
0x8c: {  	s14 =	sshll.u32 s0, $0xA;
	s2 =	sadd.s32 s3, s2  }
0x8d: {  	s2 =	sadd.s32 s2, s14  }
0x8e: {  	[smem:$0x3FC5] =	sst s2  }
0x8f: {  	_ = 	snop  }
0x90: {  	s2 =	sld [smem:$0x3FD0];
	_ =	sdelay $0x2  }
0x91: {  	s15 =	simm.s32 $0xA;
	s4 =	simm.s32 $0x10  }
0x92: {  	[smem:s4], [sflag:s15] =	dma.local [hbm:s2], $0x1  }
0x93: {  	_ =	swait.eq [sflag:s15], $0x1  }
0x94: {  	s16 =	sld [smem:$0x10];
	[sflag:s15] =	ssyncset.done $0x0  }
0x95: {  	s17 =	sld [smem:$0x11];
	[sflag:s15] =	ssyncadd.s32 $0xFFFFFFFF  }
0x96: {  	s18 =	sld [smem:$0x12];
	(tm) =	ssettm $0x1  }
0x97: {  	s5 =	sld [smem:$0x3FFB];
	_ =	sdelay $0x3  }
0x98: {  	_ =	strace s5  }
0x99: {  	s5 =	sld [smem:$0x3FFC];
	_ =	sdelay $0x3  }
0x9a: {  	_ =	strace s5  }
0x9b: {  	s5 =	sld [smem:$0x3FFD];
	_ =	sdelay $0x3  }
0x9c: {  	_ =	strace s5  }
0x9d: {  	_ =	strace $0x8FFFFFFF  }
0x9e: {  	s19 =	sld [smem:$0x3FDB];
	_ =	sdelay $0x1  }
0x9f: {  	s6 =	simm.s32 $_scs_section_size  }
0xa0: {  	s7 =	simm.s32 $_size__tile_overlayer_lowered;
	s8 =	simm.s32 $_tile_overlayer_lowered  }
0xa1: {  	s22 =	simm.s32 $0x1BFF;
	s21 =	sshll.u32 s8, $0x1;
	s5 =	sadd.s32 s6, s19  }
0xa2: {  	s9 =	simm.s32 $0x0;
	s20 =	sshll.u32 s7, $0x1;
	s7 =	sadd.s32 s21, s5  }
0xa3: {  	[timem:s9], [sflag:s22] =	dma.local [hbm:s7], s20  }
0xa4: {  	_ =	swait.ge [sflag:s22], s20  }
0xa5: {  	s6 =	ssub.s32 $0x0, s20;
	[sflag:s22] =	ssyncset.done $0x0  }
0xa6: {  	[sflag:s22] =	ssyncadd.s32 s6;
	_ =	sdelay $0x1  }
0xa7: {  	s23 =	simm.s32 $0x1B8B  }
0xa8: {  	_ =	swait.ge [sflag:s23], $0x1  }
0xa9: {  	[sflag:s23] =	ssyncset.done $0x0  }
0xaa: {  	s25 =	simm.s32 $0x1B8E;
	s24 =	sld [smem:$0x3FFE];
	[sflag:s23] =	ssyncadd.s32 $0xFFFFFFFF  }
0xab: {  	s26 =	simm.s32 $execute0_lowered;
	[smem:$0x3FD2] =	sst s25  }
0xac: {  	s7 =	sshll.u32 s26, $0x1;
	_ =	strace $0x80000046;
	[dreg:$0x1] =	wrdreg $0xFFFFFFFF  }
0xad: {  	s28 =	simm.s32 $_size_execute0_lowered;
	s5 =	sadd.s32 s5, s7;
	[dreg:$0x0] =	wrdreg $0x0  }
0xae: {  	s7 =	sshll.u32 s28, $0x1;
	[dreg:$0x2] =	wrdreg s5  }
0xaf: {  	[dreg:$0x3] =	wrdreg s7  }
0xb0: {  	[dreg:$0x4] =	wrdreg $0xC0  }
0xb1: {  	_ =	task [dreg:s9], $0x5FFFF  }
0xb2: {  	[dreg:$0x1] =	wrdreg $0xFFFFFFFF  }
0xb3: {  	[dreg:$0x0] =	wrdreg $0x60  }
0xb4: {  	[dreg:$0x2] =	wrdreg s17  }
0xb5: {  	[dreg:$0x3] =	wrdreg s18  }
0xb6: {  	[dreg:$0x4] =	wrdreg s16  }
0xb7: {  	[dreg:$0x5] =	wrdreg s24  }
0xb8: {  	[dreg:$0x6] =	wrdreg $0x9  }
0xb9: {  	_ =	task.clear_ibuf [dreg:s9], $0x7FFFF;
	_ =	strace $0x90000046  }
0xba: {  	s29 =	simm.s32 $0x9;
	_ =	strace $0x80000048  }
0xbb: {  	_ =	swait.ge [sflag:s29], $0x1  }
0xbc: {  	[sflag:s29] =	ssyncadd.s32 $0xFFFFFFFF  }
0xbd: {  	_ =	strace $0x90000048  }
0xbe: {  	_ =	sfence  }
0xbf: {  	s30 =	sld [smem:$0x0];
	_ =	sdelay $0x2  }
0xc0: {  	s31 =	sshll.u32 s1, $0xD;
	s1 =	sshrl.u32 s1, $0x2  }
0xc1: {  	s3 =	sand.u32 $0x4000, s31;
	s1 =	sadd.s32 s1, s30  }
0xc2: {  	s0 =	sor.u32 s3, s0;
	s1 =	sshll.u32 s1, $0x11  }
0xc3: {  	s0 =	sor.u32 s1, s0  }
0xc4: {  	s0 =	sadd.s32 $0x8F2B, s0  }
0xc5: {  	[sflag:s0] =	ssyncadd.remote.s32 $0x1  }
0xc6: {  	_ =	sfence.sel $0xFFFF  }
0xc7: {  	[dreg:$0x0] =	wrdreg $0xFFFFFFFF;
	(pc) =	sbr.abs _section_cstart, $3  }
0xc8: {  	[dreg:$0x1] =	wrdreg $0xFFFFFFFF  }
0xc9: {  	_ =	task.clear_ibuf [dreg:s9], $0x2FFFF;
	_ =	strace $0x9FFFFFFF  }
0xca: {  	(tm) =	ssettm $0x7FFFFFFF  }
0xcb: {  	_ =	shalt  }
tec
execute0_lowered:
.L_overlay_start_1:
0x0: {  	(tag) =	ssettag $0x1  }
0x1: {  	v0 =	vimm.s32 $0xEDCBA987;
	v1 =	vimm.s32 $0x65432100;
	v4 =	vimm.s32 $0xDCBA9876  }
0x2: {  	s2 =	rddreg [dreg:$0x1];
	vm0 =	vcmask $0x3F04;
	v2 =	vunpack.c.l.s4.s8 v0;
	v3 =	vunpack.c.l.s4.s8 v1  }
0x3: {  	s0 =	rddreg [dreg:$0x3];
	s4 =	simm.s32 $0x0;
	v9 =	vimm.s32 $0xE40000;
	vm1 =	vcmask $0x3F08;
	v4 =	vunpack.c.l.s4.s8 v4  }
0x4: {  	s1 =	srdreg.scid;
	s10 =	stileid.u32;
	s14 =	simm.s32 $0x3;
	v5 =	vunpack.c.0.s8.s32 v2;
	v6 =	vunpack.c.0.s8.s32 v3;
	v3 =	vimm.s32 $0x54321000  }
0x5: {  	s16 =	simm.s32 $0x1;
	s17 =	simm.s32 $0x800;
	s18 =	simm.s32 $0xA00;
	v10 =	vimm.s32 $0x87654321;
	vm2 =	vcmask $0x3F10;
	v7 =	vunpack.c.l.s4.s8 v3  }
0x6: {  	s19 =	simm.s32 $0x400;
	s20 =	simm.s32 $0x600;
	s21 =	simm.s32 $0x1000;
	vm3 =	vcmask $0x3F30;
	v8 =	vunpack.c.0.s8.s32 v4;
	v5 =	vand.u32 $0xF, v5  }
0x7: {  	s22 =	simm.s32 $0x1200;
	s23 =	simm.s32 $0x40;
	s24 =	simm.s32 $0xA400;
	v4 =	vcombine.low v6, v5;
	v5 =	vunpack.c.0.s8.s32 v7;
	v7 =	vimm.s32 $0xBA987654  }
0x8: {  	s28 =	simm.s32 $0x12C0;
	s30 =	simm.s32 $0x1340;
	s11 =	simm.s32 $0x2;
	v6 =	vand.u32 $0xF, v8;
	v8 =	vimm.s32 $0x32100000;
	v7 =	vunpack.c.l.s4.s8 v7  }
0x9: {  	s13 =	simm.s32 $0x1400;
	[smem:$0x7FF] =	sst s4;
	s1 =	sand.u32 $0x1, s1;
	v5 =	vcombine.low v5, v6;
	v6 =	vunpack.c.l.s4.s8 v8;
	v8 =	vunpack.c.l.s2.s4 v9  }
0xa: {  	vm4 =	vcmask $0x3F3C;
	v0 =	vimm.f32 $0.0e+00;
	s5 =	sadd.s32 $0x401400, s0;
	s6 =	sadd.s32 $0x411400, s0;
	s8 =	sadd.s32 $0x1400, s0;
	v7 =	vunpack.c.0.s8.s32 v7  }
0xb: {  	s9 =	sadd.s32 $0x1200, s0;
	s26 =	sshll.u32 s10, $0x5;
	s29 =	sshll.u32 s10, $0x8;
	v9 =	vimm.s32 $0xFFEDCBA9;
	v6 =	vunpack.c.0.s8.s32 v6;
	v8 =	vunpack.c.l.s4.s8 v8  }
0xc: {  	s10 =	sshll.u32 s10, $0x6;
	v10 =	vunpack.c.l.s4.s8 v10;
	_ =	strace $0x80000047;
	s3 =	ssub.s32 $0x2, s1;
	v9 =	vunpack.c.l.s4.s8 v9;
	v7 =	vand.u32 $0xF, v7  }
.Ltmp0:
0xd: {  	s1 =	sshll.u32 s1, $0x5;
	s31 =	sadd.s32 $0xA400, s29;
	v6 =	vcombine.low v6, v7;
	v7 =	vimm.s32 $0x7060504;
	v8 =	vunpack.c.0.s8.s32 v8;
	(pc) =	sbr.rel .LBB2_1-.Ltmp0, $4  }
0xe: {  	v1 =	vimm.f32 $-Inf;
	v2 =	vlaneseq.u32;
	s7 =	sshrl.u32 s3, $0x1;
	[dreg:$0x6] =	wrdreg s31;
	s12 =	sor.u32 s1, s10;
	v7 =	vunpack.c.0.s8.s32 v7  }
0xf: {  	v10 =	vunpack.c.0.s8.s32 v10;
	s10 =	simm.s32 $0xE00;
	s25 =	ssub.s32 s3, s7;
	s3 =	sadd.s32 s9, s26;
	v9 =	vunpack.c.0.s8.s32 v9;
	v8 =	vand.u32 $0x3, v8  }
0x10: {  	v3 =	vor.u32 $0x80000000, v2;
	s7 =	simm.s32 $0xC00;
	[dreg:$0x5] =	wrdreg s3;
	s0 =	smax.u32 s25, $0x1;
	v7 =	vsel vm3, v7, v8;
	vm3 =	vcmask $0x3F20  }
0x11: {  	s3 =	simm.s32 $0x0;
	[dreg:$0x7] =	wrdreg s0;
	s0 =	simm.s32 $0x13C0;
	v8 =	vcombine.low v10, v9;
	v9 =	vimm.f32 $1.000000000e+00;
	v10 =	vimm.s32 $0x0  }
.LBB2_34:
0x12: {  	s3 =	rddreg [dreg:$0x8]  }
0x13: {  	s1 =	rddreg [dreg:$0x7];
	s3 =	sadd.s32 $0x1, s3  }
0x14: {  	p0 =	sne.s32 s3, s1  }
.Ltmp1:
0x15: {  	_ = 	snop;
	(pc) =	sbr.rel @!p0 .LBB2_35-.Ltmp1, $1  }
0x16: {  	_ =	sdelay $0x3  }
.LBB2_1:
0x17: {  	[tilespmem:$0xA400] =	vst v0  }
0x18: {  	[tilespmem:$0xA410] =	vst v0  }
0x19: {  	[tilespmem:$0xA420] =	vst v0  }
0x1a: {  	[tilespmem:$0xA430] =	vst v0  }
0x1b: {  	[tilespmem:$0xA440] =	vst v0  }
0x1c: {  	[tilespmem:$0xA450] =	vst v0  }
0x1d: {  	[tilespmem:$0xA460] =	vst v0  }
0x1e: {  	[tilespmem:$0xA470] =	vst v0  }
0x1f: {  	[tilespmem:$0xA480] =	vst v0  }
0x20: {  	[tilespmem:$0xA490] =	vst v0  }
0x21: {  	[tilespmem:$0xA4A0] =	vst v0  }
0x22: {  	[tilespmem:$0xA4B0] =	vst v0  }
0x23: {  	[tilespmem:$0xA4C0] =	vst v0  }
0x24: {  	[tilespmem:$0xA4D0] =	vst v0  }
0x25: {  	[tilespmem:$0xA4E0] =	vst v0  }
0x26: {  	[tilespmem:$0xA4F0] =	vst v0  }
0x27: {  	[tilespmem:$0xA500] =	vst v0  }
0x28: {  	[tilespmem:$0xA510] =	vst v0  }
0x29: {  	[tilespmem:$0xA520] =	vst v0  }
0x2a: {  	[tilespmem:$0xA530] =	vst v0  }
0x2b: {  	[tilespmem:$0xA540] =	vst v0  }
0x2c: {  	[tilespmem:$0xA550] =	vst v0  }
0x2d: {  	[tilespmem:$0xA560] =	vst v0  }
0x2e: {  	[tilespmem:$0xA570] =	vst v0  }
0x2f: {  	[tilespmem:$0xA580] =	vst v0  }
0x30: {  	[tilespmem:$0xA590] =	vst v0  }
0x31: {  	[tilespmem:$0xA5A0] =	vst v0  }
0x32: {  	[tilespmem:$0xA5B0] =	vst v0  }
0x33: {  	[tilespmem:$0xA5C0] =	vst v0  }
0x34: {  	[tilespmem:$0xA5D0] =	vst v0  }
0x35: {  	[tilespmem:$0xA5E0] =	vst v0  }
0x36: {  	[tilespmem:$0xA5F0] =	vst v0  }
0x37: {  	[tilespmem:$0xA600] =	vst v0  }
0x38: {  	[tilespmem:$0xA610] =	vst v0  }
0x39: {  	[tilespmem:$0xA620] =	vst v0  }
0x3a: {  	[tilespmem:$0xA630] =	vst v0  }
0x3b: {  	[tilespmem:$0xA640] =	vst v0  }
0x3c: {  	[tilespmem:$0xA650] =	vst v0  }
0x3d: {  	[tilespmem:$0xA660] =	vst v0  }
0x3e: {  	[tilespmem:$0xA670] =	vst v0  }
0x3f: {  	[tilespmem:$0xA680] =	vst v0  }
0x40: {  	[tilespmem:$0xA690] =	vst v0  }
0x41: {  	[tilespmem:$0xA6A0] =	vst v0  }
0x42: {  	[tilespmem:$0xA6B0] =	vst v0  }
0x43: {  	[tilespmem:$0xA6C0] =	vst v0  }
0x44: {  	[tilespmem:$0xA6D0] =	vst v0  }
0x45: {  	[tilespmem:$0xA6E0] =	vst v0  }
0x46: {  	[tilespmem:$0xA6F0] =	vst v0  }
0x47: {  	[tilespmem:$0xA700] =	vst v0  }
0x48: {  	[tilespmem:$0xA710] =	vst v0  }
0x49: {  	[tilespmem:$0xA720] =	vst v0  }
0x4a: {  	[tilespmem:$0xA730] =	vst v0  }
0x4b: {  	[tilespmem:$0xA740] =	vst v0  }
0x4c: {  	[tilespmem:$0xA750] =	vst v0  }
0x4d: {  	[tilespmem:$0xA760] =	vst v0  }
0x4e: {  	[tilespmem:$0xA770] =	vst v0  }
0x4f: {  	[tilespmem:$0xA780] =	vst v0  }
0x50: {  	[tilespmem:$0xA790] =	vst v0  }
0x51: {  	[tilespmem:$0xA7A0] =	vst v0  }
0x52: {  	[tilespmem:$0xA7B0] =	vst v0  }
0x53: {  	[tilespmem:$0xA7C0] =	vst v0  }
0x54: {  	[tilespmem:$0xA7D0] =	vst v0  }
0x55: {  	[tilespmem:$0xA7E0] =	vst v0  }
0x56: {  	[tilespmem:$0xA7F0] =	vst v0  }
0x57: {  	[tilespmem:$0xA800] =	vst v0  }
0x58: {  	[tilespmem:$0xA810] =	vst v0  }
0x59: {  	[tilespmem:$0xA820] =	vst v0  }
0x5a: {  	[tilespmem:$0xA830] =	vst v0  }
0x5b: {  	[tilespmem:$0xA840] =	vst v0  }
0x5c: {  	[tilespmem:$0xA850] =	vst v0  }
0x5d: {  	[tilespmem:$0xA860] =	vst v0  }
0x5e: {  	[tilespmem:$0xA870] =	vst v0  }
0x5f: {  	[tilespmem:$0xA880] =	vst v0  }
0x60: {  	[tilespmem:$0xA890] =	vst v0  }
0x61: {  	[tilespmem:$0xA8A0] =	vst v0  }
0x62: {  	[tilespmem:$0xA8B0] =	vst v0  }
0x63: {  	[tilespmem:$0xA8C0] =	vst v0  }
0x64: {  	[tilespmem:$0xA8D0] =	vst v0  }
0x65: {  	[tilespmem:$0xA8E0] =	vst v0  }
0x66: {  	[tilespmem:$0xA8F0] =	vst v0  }
0x67: {  	[tilespmem:$0xA900] =	vst v0  }
0x68: {  	[tilespmem:$0xA910] =	vst v0  }
0x69: {  	[tilespmem:$0xA920] =	vst v0  }
0x6a: {  	[tilespmem:$0xA930] =	vst v0  }
0x6b: {  	[tilespmem:$0xA940] =	vst v0  }
0x6c: {  	[tilespmem:$0xA950] =	vst v0  }
0x6d: {  	[tilespmem:$0xA960] =	vst v0  }
0x6e: {  	[tilespmem:$0xA970] =	vst v0  }
0x6f: {  	[tilespmem:$0xA980] =	vst v0  }
0x70: {  	[tilespmem:$0xA990] =	vst v0  }
0x71: {  	[tilespmem:$0xA9A0] =	vst v0  }
0x72: {  	[tilespmem:$0xA9B0] =	vst v0  }
0x73: {  	[tilespmem:$0xA9C0] =	vst v0  }
0x74: {  	[tilespmem:$0xA9D0] =	vst v0  }
0x75: {  	[tilespmem:$0xA9E0] =	vst v0  }
0x76: {  	[tilespmem:$0xA9F0] =	vst v0  }
0x77: {  	[tilespmem:$0xAA00] =	vst v0  }
0x78: {  	[tilespmem:$0xAA10] =	vst v0  }
0x79: {  	[tilespmem:$0xAA20] =	vst v0  }
0x7a: {  	[tilespmem:$0xAA30] =	vst v0  }
0x7b: {  	[tilespmem:$0xAA40] =	vst v0  }
0x7c: {  	[tilespmem:$0xAA50] =	vst v0  }
0x7d: {  	[tilespmem:$0xAA60] =	vst v0  }
0x7e: {  	[tilespmem:$0xAA70] =	vst v0  }
0x7f: {  	[tilespmem:$0xAA80] =	vst v0  }
0x80: {  	[tilespmem:$0xAA90] =	vst v0  }
0x81: {  	[tilespmem:$0xAAA0] =	vst v0  }
0x82: {  	[tilespmem:$0xAAB0] =	vst v0  }
0x83: {  	[tilespmem:$0xAAC0] =	vst v0  }
0x84: {  	[tilespmem:$0xAAD0] =	vst v0  }
0x85: {  	[tilespmem:$0xAAE0] =	vst v0  }
0x86: {  	[tilespmem:$0xAAF0] =	vst v0  }
0x87: {  	[tilespmem:$0xAB00] =	vst v0  }
0x88: {  	[tilespmem:$0xAB10] =	vst v0  }
0x89: {  	[tilespmem:$0xAB20] =	vst v0  }
0x8a: {  	[tilespmem:$0xAB30] =	vst v0  }
0x8b: {  	[tilespmem:$0xAB40] =	vst v0  }
0x8c: {  	[tilespmem:$0xAB50] =	vst v0  }
0x8d: {  	[tilespmem:$0xAB60] =	vst v0  }
0x8e: {  	[tilespmem:$0xAB70] =	vst v0  }
0x8f: {  	[tilespmem:$0xAB80] =	vst v0  }
0x90: {  	[tilespmem:$0xAB90] =	vst v0  }
0x91: {  	[tilespmem:$0xABA0] =	vst v0  }
0x92: {  	[tilespmem:$0xABB0] =	vst v0  }
0x93: {  	[tilespmem:$0xABC0] =	vst v0  }
0x94: {  	[tilespmem:$0xABD0] =	vst v0  }
0x95: {  	[tilespmem:$0xABE0] =	vst v0  }
0x96: {  	[tilespmem:$0xABF0] =	vst v0  }
0x97: {  	[tilespmem:$0xAC00] =	vst v0  }
0x98: {  	[tilespmem:$0xAC10] =	vst v0  }
0x99: {  	[tilespmem:$0xAC20] =	vst v0  }
0x9a: {  	[tilespmem:$0xAC30] =	vst v0  }
0x9b: {  	[tilespmem:$0xAC40] =	vst v0  }
0x9c: {  	[tilespmem:$0xAC50] =	vst v0  }
0x9d: {  	[tilespmem:$0xAC60] =	vst v0  }
0x9e: {  	[tilespmem:$0xAC70] =	vst v0  }
0x9f: {  	[tilespmem:$0xAC80] =	vst v0  }
0xa0: {  	[tilespmem:$0xAC90] =	vst v0  }
0xa1: {  	[tilespmem:$0xACA0] =	vst v0  }
0xa2: {  	[tilespmem:$0xACB0] =	vst v0  }
0xa3: {  	[tilespmem:$0xACC0] =	vst v0  }
0xa4: {  	[tilespmem:$0xACD0] =	vst v0  }
0xa5: {  	[tilespmem:$0xACE0] =	vst v0  }
0xa6: {  	[tilespmem:$0xACF0] =	vst v0  }
0xa7: {  	[tilespmem:$0xAD00] =	vst v0  }
0xa8: {  	[tilespmem:$0xAD10] =	vst v0  }
0xa9: {  	[tilespmem:$0xAD20] =	vst v0  }
0xaa: {  	[tilespmem:$0xAD30] =	vst v0  }
0xab: {  	[tilespmem:$0xAD40] =	vst v0  }
0xac: {  	[tilespmem:$0xAD50] =	vst v0  }
0xad: {  	[tilespmem:$0xAD60] =	vst v0  }
0xae: {  	[tilespmem:$0xAD70] =	vst v0  }
0xaf: {  	[tilespmem:$0xAD80] =	vst v0  }
0xb0: {  	[tilespmem:$0xAD90] =	vst v0  }
0xb1: {  	[tilespmem:$0xADA0] =	vst v0  }
0xb2: {  	[tilespmem:$0xADB0] =	vst v0  }
0xb3: {  	[tilespmem:$0xADC0] =	vst v0  }
0xb4: {  	[tilespmem:$0xADD0] =	vst v0  }
0xb5: {  	[tilespmem:$0xADE0] =	vst v0  }
0xb6: {  	[tilespmem:$0xADF0] =	vst v0  }
0xb7: {  	[tilespmem:$0xAE00] =	vst v0  }
0xb8: {  	[tilespmem:$0xAE10] =	vst v0  }
0xb9: {  	[tilespmem:$0xAE20] =	vst v0  }
0xba: {  	[tilespmem:$0xAE30] =	vst v0  }
0xbb: {  	[tilespmem:$0xAE40] =	vst v0  }
0xbc: {  	[tilespmem:$0xAE50] =	vst v0  }
0xbd: {  	[tilespmem:$0xAE60] =	vst v0  }
0xbe: {  	[tilespmem:$0xAE70] =	vst v0  }
0xbf: {  	[tilespmem:$0xAE80] =	vst v0  }
0xc0: {  	[tilespmem:$0xAE90] =	vst v0  }
0xc1: {  	[tilespmem:$0xAEA0] =	vst v0  }
0xc2: {  	[tilespmem:$0xAEB0] =	vst v0  }
0xc3: {  	[tilespmem:$0xAEC0] =	vst v0  }
0xc4: {  	[tilespmem:$0xAED0] =	vst v0  }
0xc5: {  	[tilespmem:$0xAEE0] =	vst v0  }
0xc6: {  	[tilespmem:$0xAEF0] =	vst v0  }
0xc7: {  	[tilespmem:$0xAF00] =	vst v0  }
0xc8: {  	[tilespmem:$0xAF10] =	vst v0  }
0xc9: {  	[tilespmem:$0xAF20] =	vst v0  }
0xca: {  	[tilespmem:$0xAF30] =	vst v0  }
0xcb: {  	[tilespmem:$0xAF40] =	vst v0  }
0xcc: {  	[tilespmem:$0xAF50] =	vst v0  }
0xcd: {  	[tilespmem:$0xAF60] =	vst v0  }
0xce: {  	[tilespmem:$0xAF70] =	vst v0  }
0xcf: {  	[tilespmem:$0xAF80] =	vst v0  }
0xd0: {  	[tilespmem:$0xAF90] =	vst v0  }
0xd1: {  	[tilespmem:$0xAFA0] =	vst v0  }
0xd2: {  	[tilespmem:$0xAFB0] =	vst v0  }
0xd3: {  	[tilespmem:$0xAFC0] =	vst v0  }
0xd4: {  	[tilespmem:$0xAFD0] =	vst v0  }
0xd5: {  	[tilespmem:$0xAFE0] =	vst v0  }
0xd6: {  	[tilespmem:$0xAFF0] =	vst v0  }
0xd7: {  	[tilespmem:$0xB000] =	vst v0  }
0xd8: {  	[tilespmem:$0xB010] =	vst v0  }
0xd9: {  	[tilespmem:$0xB020] =	vst v0  }
0xda: {  	[tilespmem:$0xB030] =	vst v0  }
0xdb: {  	[tilespmem:$0xB040] =	vst v0  }
0xdc: {  	[tilespmem:$0xB050] =	vst v0  }
0xdd: {  	[tilespmem:$0xB060] =	vst v0  }
0xde: {  	[tilespmem:$0xB070] =	vst v0  }
0xdf: {  	[tilespmem:$0xB080] =	vst v0  }
0xe0: {  	[tilespmem:$0xB090] =	vst v0  }
0xe1: {  	[tilespmem:$0xB0A0] =	vst v0  }
0xe2: {  	[tilespmem:$0xB0B0] =	vst v0  }
0xe3: {  	[tilespmem:$0xB0C0] =	vst v0  }
0xe4: {  	[tilespmem:$0xB0D0] =	vst v0  }
0xe5: {  	[tilespmem:$0xB0E0] =	vst v0  }
0xe6: {  	[tilespmem:$0xB0F0] =	vst v0  }
0xe7: {  	[tilespmem:$0xB100] =	vst v0  }
0xe8: {  	[tilespmem:$0xB110] =	vst v0  }
0xe9: {  	[tilespmem:$0xB120] =	vst v0  }
0xea: {  	[tilespmem:$0xB130] =	vst v0  }
0xeb: {  	[tilespmem:$0xB140] =	vst v0  }
0xec: {  	[tilespmem:$0xB150] =	vst v0  }
0xed: {  	[tilespmem:$0xB160] =	vst v0  }
0xee: {  	[tilespmem:$0xB170] =	vst v0  }
0xef: {  	[tilespmem:$0xB180] =	vst v0  }
0xf0: {  	[tilespmem:$0xB190] =	vst v0  }
0xf1: {  	[tilespmem:$0xB1A0] =	vst v0  }
0xf2: {  	[tilespmem:$0xB1B0] =	vst v0  }
0xf3: {  	[tilespmem:$0xB1C0] =	vst v0  }
0xf4: {  	[tilespmem:$0xB1D0] =	vst v0  }
0xf5: {  	[tilespmem:$0xB1E0] =	vst v0  }
0xf6: {  	[tilespmem:$0xB1F0] =	vst v0  }
0xf7: {  	[tilespmem:$0xB200] =	vst v0  }
0xf8: {  	[tilespmem:$0xB210] =	vst v0  }
0xf9: {  	[tilespmem:$0xB220] =	vst v0  }
0xfa: {  	[tilespmem:$0xB230] =	vst v0  }
0xfb: {  	[tilespmem:$0xB240] =	vst v0  }
0xfc: {  	[tilespmem:$0xB250] =	vst v0  }
0xfd: {  	[tilespmem:$0xB260] =	vst v0  }
0xfe: {  	[tilespmem:$0xB270] =	vst v0  }
0xff: {  	[tilespmem:$0xB280] =	vst v0  }
0x100: {  	[tilespmem:$0xB290] =	vst v0  }
0x101: {  	[tilespmem:$0xB2A0] =	vst v0  }
0x102: {  	[tilespmem:$0xB2B0] =	vst v0  }
0x103: {  	[tilespmem:$0xB2C0] =	vst v0  }
0x104: {  	[tilespmem:$0xB2D0] =	vst v0  }
0x105: {  	[tilespmem:$0xB2E0] =	vst v0  }
0x106: {  	[tilespmem:$0xB2F0] =	vst v0  }
0x107: {  	[tilespmem:$0xB300] =	vst v0  }
0x108: {  	[tilespmem:$0xB310] =	vst v0  }
0x109: {  	[tilespmem:$0xB320] =	vst v0  }
0x10a: {  	[tilespmem:$0xB330] =	vst v0  }
0x10b: {  	[tilespmem:$0xB340] =	vst v0  }
0x10c: {  	[tilespmem:$0xB350] =	vst v0  }
0x10d: {  	[tilespmem:$0xB360] =	vst v0  }
0x10e: {  	[tilespmem:$0xB370] =	vst v0  }
0x10f: {  	[tilespmem:$0xB380] =	vst v0  }
0x110: {  	[tilespmem:$0xB390] =	vst v0  }
0x111: {  	[tilespmem:$0xB3A0] =	vst v0  }
0x112: {  	[tilespmem:$0xB3B0] =	vst v0  }
0x113: {  	[tilespmem:$0xB3C0] =	vst v0  }
0x114: {  	[dreg:$0x8] =	wrdreg s3;
	[tilespmem:$0xB3D0] =	vst v0  }
0x115: {  	s1 =	rddreg [dreg:$0x5];
	[tilespmem:$0xB3F0] =	vst v0  }
0x116: {  	[tilespmem:$0xB3E0] =	vst v0;
	s31 =	rddreg [dreg:$0x6]  }
0x117: {  	[hbm4b:s1+s4] =	stream.linear.scatter [tilespmem:s31], [sflag:$0x3], $0x100, $0x38;
	[tilespmem:$0xB400] =	vst v63  }
.Ltmp2:
0x118: {  	_ =	swait.ge [sflag:s14], $0x100;
	(pc) =	sbr.rel .LBB2_2-.Ltmp2, $4  }
0x119: {  	[sflag:s14] =	ssyncset.done $0x0  }
0x11a: {  	[sflag:s14] =	ssyncadd.s32 $0xFFFFFF00  }
0x11b: {  	[bflag:$0x0] =	sbarrier.arrive $0xFFFF  }
0x11c: {  	s29 =	simm.s32 $0x0  }
.LBB2_32:
0x11d: {  	p0 =	por $0x1, $0x1;
	p3 =	por $0x0, $0x0;
	s1 =	simm.s32 $0x8400  }
.LBB2_33:
0x11e: {  	[hbm4b:s8+s23] =	stream.indirect.scatter [tilespmem:s1], [sflag:$0x2], $0x40, s0, s23, $0xb8;
	[tilespmem:$0xB400] =	vst v63  }
0x11f: {  	s3 =	sadd.s32 s5, s31  }
0x120: {  	[hbm4b:s3+s4] =	stream.linear.scatter [tilespmem:s7], [sflag:$0x2], $0x200, $0x38;
	[tilespmem:$0xB400] =	vst v63  }
0x121: {  	s15 =	sadd.s32 s6, s31  }
0x122: {  	[hbm4b:s15+s4] =	stream.linear.scatter [tilespmem:s10], [sflag:$0x2], $0x200, $0x38;
	[tilespmem:$0xB400] =	vst v63  }
0x123: {  	_ =	swait.ge [sflag:s11], $0x1000  }
0x124: {  	s25 =	sld [smem:$0x7FC];
	_ =	sdelay $0x2  }
0x125: {  	[sflag:s11] =	ssyncset.done $0x0;
	p1 =	seq.s32 s25, $0x1  }
0x126: {  	[sflag:s11] =	ssyncadd.s32 $0xFFFFF000;
	s1 =	simm.s32 @p1 $0x2  }
0x127: {  	_ =	swait.ge @p1 [sflag:s1], $0x1000  }
0x128: {  	s26 =	sld [smem:$0x7FD];
	_ =	sdelay $0x1  }
0x129: {  	[sflag:s1] =	ssyncset.done @p1 $0x0  }
0x12a: {  	[sflag:s1] =	ssyncadd.s32 @p1 $0xFFFFF000;
	p1 =	seq.s32 s26, $0x1  }
0x12b: {  	s1 =	simm.s32 @p1 $0x2  }
0x12c: {  	_ =	swait.ge @p1 [sflag:s1], $0x1000  }
0x12d: {  	[sflag:s1] =	ssyncset.done @p1 $0x0  }
0x12e: {  	[sflag:s1] =	ssyncadd.s32 @p1 $0xFFFFF000;
	s1 =	simm.s32 @p2 $0x2  }
0x12f: {  	_ =	swait.ge @p2 [sflag:s1], $0x1000  }
0x130: {  	[sflag:s1] =	ssyncset.done @p2 $0x0  }
0x131: {  	[sflag:s1] =	ssyncadd.s32 @p2 $0xFFFFF000;
	s1 =	simm.s32 @!p5 $0x2  }
0x132: {  	_ =	swait.ge @!p5 [sflag:s1], $0x1000  }
0x133: {  	s31 =	sld [smem:$0x7FA];
	_ =	sdelay $0x2  }
0x134: {  	[sflag:s1] =	ssyncset.done @!p5 $0x0;
	p1 =	seq.s32 s31, $0x1  }
0x135: {  	[sflag:s1] =	ssyncadd.s32 @!p5 $0xFFFFF000;
	s1 =	simm.s32 @p1 $0x2  }
0x136: {  	_ =	swait.ge @p1 [sflag:s1], $0x1000  }
0x137: {  	s3 =	sld [smem:$0x7FB];
	_ =	sdelay $0x1  }
0x138: {  	[sflag:s1] =	ssyncset.done @p1 $0x0  }
0x139: {  	[sflag:s1] =	ssyncadd.s32 @p1 $0xFFFFF000;
	p1 =	seq.s32 s3, $0x1  }
0x13a: {  	s1 =	simm.s32 @p1 $0x2  }
0x13b: {  	_ =	swait.ge @p1 [sflag:s1], $0x1000  }
0x13c: {  	s15 =	sld [smem:$0x7F7];
	_ =	sdelay $0x1  }
0x13d: {  	[sflag:s1] =	ssyncset.done @p1 $0x0  }
0x13e: {  	[sflag:s1] =	ssyncadd.s32 @p1 $0xFFFFF000;
	p1 =	seq.s32 s15, $0x1  }
0x13f: {  	s1 =	simm.s32 @p1 $0x2  }
0x140: {  	_ =	swait.ge @p1 [sflag:s1], $0x1000  }
0x141: {  	[sflag:s1] =	ssyncset.done @p1 $0x0  }
0x142: {  	[sflag:s1] =	ssyncadd.s32 @p1 $0xFFFFF000;
	s1 =	simm.s32 @!p4 $0x2  }
0x143: {  	_ =	swait.ge @!p4 [sflag:s1], $0x1000  }
0x144: {  	s25 =	sld [smem:$0x7F8];
	_ =	sdelay $0x2  }
0x145: {  	[sflag:s1] =	ssyncset.done @!p4 $0x0;
	p1 =	seq.s32 s25, $0x1  }
0x146: {  	[sflag:s1] =	ssyncadd.s32 @!p4 $0xFFFFF000;
	s1 =	simm.s32 @p1 $0x2  }
0x147: {  	_ =	swait.ge @p1 [sflag:s1], $0x1000  }
0x148: {  	s26 =	sld [smem:$0x7F9];
	_ =	sdelay $0x1  }
0x149: {  	[sflag:s1] =	ssyncset.done @p1 $0x0  }
0x14a: {  	[sflag:s1] =	ssyncadd.s32 @p1 $0xFFFFF000;
	p1 =	seq.s32 s26, $0x1  }
0x14b: {  	s1 =	simm.s32 @p1 $0x2  }
0x14c: {  	_ =	swait.ge @p1 [sflag:s1], $0x1000  }
0x14d: {  	s31 =	sld [smem:$0x7F6];
	_ =	sdelay $0x1  }
0x14e: {  	[sflag:s1] =	ssyncset.done @p1 $0x0  }
0x14f: {  	[sflag:s1] =	ssyncadd.s32 @p1 $0xFFFFF000;
	p1 =	seq.s32 s31, $0x1  }
0x150: {  	s1 =	simm.s32 @p1 $0x2  }
0x151: {  	_ =	swait.ge @p1 [sflag:s1], $0x1000  }
0x152: {  	[sflag:s1] =	ssyncset.done @p1 $0x0  }
0x153: {  	[sflag:s1] =	ssyncadd.s32 @p1 $0xFFFFF000;
	s1 =	simm.s32 @!p6 $0x2  }
0x154: {  	_ =	swait.ge @!p6 [sflag:s1], $0x1000  }
0x155: {  	[sflag:s1] =	ssyncset.done @!p6 $0x0  }
0x156: {  	[sflag:s1] =	ssyncadd.s32 @!p6 $0xFFFFF000;
	s1 =	simm.s32 @p0 $0x2  }
0x157: {  	_ =	swait.ge @p0 [sflag:s1], $0x1000  }
0x158: {  	[sflag:s1] =	ssyncset.done @p0 $0x0  }
0x159: {  	[sflag:s1] =	ssyncadd.s32 @p0 $0xFFFFF000;
	s1 =	simm.s32 @p3 $0x2  }
0x15a: {  	_ =	swait.ge @p3 [sflag:s1], $0x1000  }
0x15b: {  	[sflag:s1] =	ssyncset.done @p3 $0x0  }
0x15c: {  	s29 =	sadd.s32 $0x1, s29;
	[sflag:s1] =	ssyncadd.s32 @p3 $0xFFFFF000  }
0x15d: {  	p0 =	sne.s32 s29, $0x20;
	_ =	swait.ge [sflag:s11], $0x200  }
.Ltmp3:
0x15e: {  	[sflag:s11] =	ssyncset.done $0x0;
	(pc) =	sbr.rel @!p0 .LBB2_34-.Ltmp3, $4  }
0x15f: {  	[sflag:s11] =	ssyncadd.s32 $0xFFFFFE00  }
0x160: {  	_ =	swait.ge [sflag:s11], $0x200  }
0x161: {  	[sflag:s11] =	ssyncset.done $0x0  }
0x162: {  	[sflag:s11] =	ssyncadd.s32 $0xFFFFFE00  }
.LBB2_2:
0x163: {  	s26 =	sadd.s32 s12, s29  }
0x164: {  	s1 =	rddreg [dreg:$0x2];
	s31 =	sshll.u32 s26, $0x6  }
0x165: {  	s25 =	rddreg [dreg:$0x0];
	s3 =	sadd.s32 s1, s31;
	s1 =	simm.s32 $0x0  }
0x166: {  	[tilespmem:s1], [sflag:$0x1] =	stream.linear.gather [hbm4b:s3+s1], $0x200, $0x38;
	[tilespmem:$0xB400] =	vst v63  }
0x167: {  	s15 =	simm.s32 $0x200;
	s3 =	sadd.s32 s25, s31  }
0x168: {  	[tilespmem:s15], [sflag:$0x1] =	stream.linear.gather [hbm4b:s3+s1], $0x200, $0x38;
	[tilespmem:$0xB400] =	vst v63  }
0x169: {  	_ =	swait.ge [sflag:s16], $0x200  }
0x16a: {  	[sflag:s16] =	ssyncset.done $0x0  }
0x16b: {  	[sflag:s16] =	ssyncadd.s32 $0xFFFFFE00  }
0x16c: {  	_ =	swait.ge [sflag:s16], $0x200  }
0x16d: {  	[sflag:s16] =	ssyncset.done $0x0  }
0x16e: {  	s3 =	simm.s32 $0x0;
	[sflag:s16] =	ssyncadd.s32 $0xFFFFFE00  }
.LBB2_3:
0x16f: {  	p0 =	sne.s32 s3, $0x7C0  }
.Ltmp4:
0x170: {  	_ = 	snop;
	(pc) =	sbr.rel @p0 .LBB2_3-.Ltmp4, $4  }
0x171: {  	s15 =	sshra.s32 s3, $0x2  }
0x172: {  	[tilespmem:s15+$0x400] =	vst v0  }
0x173: {  	[tilespmem:s15+$0x600] =	vst v0  }
0x174: {  	s3 =	sadd.s32 $0x40, s3;
	[tilespmem:s15+$0x800] =	vst v1  }
0x175: {  	v11 =	vld [tilespmem:s1+$0x0];
	_ =	sdelay $0x4  }
0x176: {  	v12 =	vshll.u32 v11, $0x4  }
0x177: {  	v12 =	vxor.u32 v3, v12  }
0x178: {  	(xrf1) =	vsort.ascd.msk.u32 $0xffff, v12, v2;
	_ =	sdelay $0x8  }
0x179: {  	s3 =	simm.s32 $0x200  }
0x17a: {  	v52 =	vld [tilespmem:s3+$0x0];
	_ =	sdelay $0x3  }
0x17b: {  	v13, v14, _ =	vpop (xrf1)  }
0x17c: {  	v13 =	vshrl.u32 v13, $0x4;
	v15 =	vperm.xlane v52, v14  }
0x17d: {  	v16 =	vxor.u32 $0x8000000, v13  }
0x17e: {  	v17 =	vperm.xlane v15, v4;
	v18 =	vperm.xlane v16, v4;
	_ =	sdelay $0x1  }
0x17f: {  	vm5 =	veq.s32 v18, v16;
	vm6 =	vgt.f32 v17, v15  }
0x180: {  	vm5 =	vmand vm5, vm6  }
0x181: {  	vm5 =	vmand vm5, vm0  }
0x182: {  	v15 =	vsel vm5, v17, v15  }
0x183: {  	v53 =	vperm.xlane v16, v5;
	v54 =	vperm.xlane v15, v5;
	_ =	sdelay $0x1  }
0x184: {  	vm6 =	veq.s32 v53, v16;
	vm7 =	vgt.f32 v54, v15  }
0x185: {  	vm6 =	vmand vm6, vm7  }
0x186: {  	v55 =	vperm.xlane v16, v8;
	vm6 =	vmand vm6, vm1  }
0x187: {  	v19 =	vperm.xlane v14, v4;
	v15 =	vsel vm6, v54, v15  }
0x188: {  	v56 =	vperm.xlane v16, v6;
	vm7 =	vne.s32 v16, v55;
	v57 =	vperm.xlane v15, v6  }
0x189: {  	v13 =	vand.u32 $0x7, v13;
	v20 =	vand.u32 $0xFFFFFF8, v16;
	vm7 =	vmor vm7, vm4  }
0x18a: {  	v13 =	vor.u32 v13, v20;
	vm8 =	veq.s32 v56, v16;
	vm9 =	vgt.f32 v57, v15  }
0x18b: {  	v14 =	vsel vm5, v19, v14;
	vm5 =	vmand vm8, vm9  }
0x18c: {  	v58 =	vperm.xlane v14, v5;
	vm5 =	vmand vm5, vm2  }
0x18d: {  	v15 =	vsel vm5, v57, v15  }
0x18e: {  	v59 =	vperm.xlane v16, v7;
	v14 =	vsel vm6, v58, v14;
	v60 =	vperm.xlane v15, v7  }
0x18f: {  	v61 =	vperm.xlane v14, v6;
	v20 =	vld.idx.msk [tilespmem:v13+s17+$0x0], vm7  }
0x190: {  	vm6 =	veq.s32 v59, v16;
	vm15 =	vgt.f32 v60, v15  }
0x191: {  	v62 =	vld.idx.msk [tilespmem:v13+s18+$0x0], vm7;
	v14 =	vsel vm5, v61, v14;
	vm5 =	vmand vm6, vm15  }
0x192: {  	v63 =	vperm.xlane v14, v7;
	vm5 =	vmand vm5, vm3  }
0x193: {  	v15 =	vsel vm5, v60, v15  }
0x194: {  	v14 =	vsel vm5, v63, v14;
	vm5 =	vge.f32 v15, v20  }
0x195: {  	v14 =	vadd.s32 s1, v14;
	v15 =	vsel vm5, v15, v20  }
0x196: {  	v14 =	vsel vm5, v14, v62;
	[tilespmem:v13+s17+$0x0] =	vst.idx.msk vm7, v15  }
0x197: {  	[tilespmem:v13+s18+$0x0] =	vst.idx.msk vm7, v14  }
0x198: {  	s15 =	simm.s32 $0x10;
	[tilespmem:v11+s19+$0x0] =	vst.idx.add.f32.msk $0xffff, v52  }
.LBB2_5:
0x199: {  	p0 =	sne.s32 s15, $0x1F0;
	[tilespmem:v11+s20+$0x0] =	vst.idx.add.f32.msk $0xffff, v9;
	s1 =	sadd.s32 $0x10, s1;
	s3 =	sadd.s32 $0x10, s3  }
0x19a: {  	s25 =	smov.u32 s15;
	s15 =	sadd.s32 $0x10, s15;
	v11 =	vld [tilespmem:s1+$0x0];
	_ =	sdelay $0x4  }
0x19b: {  	v12 =	vshll.u32 v11, $0x4  }
0x19c: {  	v12 =	vxor.u32 v3, v12  }
0x19d: {  	(xrf1) =	vsort.ascd.msk.u32 $0xffff, v12, v2;
	_ =	sdelay $0x9  }
0x19e: {  	v12 =	vld [tilespmem:s3+$0x0];
	_ =	sdelay $0x3  }
0x19f: {  	v13, v14, _ =	vpop (xrf1)  }
0x1a0: {  	v13 =	vshrl.u32 v13, $0x4;
	v15 =	vperm.xlane v12, v14  }
0x1a1: {  	v17 =	vperm.xlane v14, v4;
	v16 =	vxor.u32 $0x8000000, v13  }
0x1a2: {  	v18 =	vperm.xlane v15, v4;
	v19 =	vperm.xlane v16, v4;
	v20 =	vand.u32 $0xFFFFFF8, v16  }
0x1a3: {  	v21 =	vperm.xlane v16, v5;
	v22 =	vperm.xlane v16, v8  }
0x1a4: {  	vm5 =	veq.s32 v19, v16;
	vm6 =	vgt.f32 v18, v15;
	v19 =	vperm.xlane v16, v6  }
0x1a5: {  	vm7 =	veq.s32 v21, v16;
	vm8 =	vne.s32 v16, v22;
	vm5 =	vmand vm5, vm6  }
0x1a6: {  	vm5 =	vmand vm5, vm0;
	vm9 =	veq.s32 v19, v16;
	v19 =	vperm.xlane v16, v7  }
0x1a7: {  	v15 =	vsel vm5, v18, v15;
	v14 =	vsel vm5, v17, v14  }
0x1a8: {  	v17 =	vperm.xlane v15, v5;
	vm6 =	veq.s32 v19, v16;
	_ =	sdelay $0x1  }
0x1a9: {  	vm5 =	vgt.f32 v17, v15  }
0x1aa: {  	vm5 =	vmand vm7, vm5  }
0x1ab: {  	vm7 =	vmand vm5, vm1  }
0x1ac: {  	v15 =	vsel vm7, v17, v15  }
0x1ad: {  	v13 =	vand.u32 $0x7, v13;
	vm5 =	vmor vm8, vm4;
	v16 =	vperm.xlane v15, v6  }
0x1ae: {  	v13 =	vor.u32 v13, v20  }
0x1af: {  	vm8 =	vgt.f32 v16, v15  }
0x1b0: {  	v17 =	vperm.xlane v14, v5;
	vm8 =	vmand vm9, vm8  }
0x1b1: {  	vm8 =	vmand vm8, vm2  }
0x1b2: {  	v14 =	vsel vm7, v17, v14;
	v15 =	vsel vm8, v16, v15  }
0x1b3: {  	v16 =	vperm.xlane v14, v6;
	v17 =	vperm.xlane v15, v7;
	v18 =	vld.idx.msk [tilespmem:v13+s17+$0x0], vm5  }
0x1b4: {  	v19 =	vld.idx.msk [tilespmem:v13+s18+$0x0], vm5  }
0x1b5: {  	v14 =	vsel vm8, v16, v14;
	vm7 =	vgt.f32 v17, v15  }
0x1b6: {  	v16 =	vperm.xlane v14, v7;
	vm6 =	vmand vm6, vm7  }
0x1b7: {  	vm6 =	vmand vm6, vm3  }
0x1b8: {  	v15 =	vsel vm6, v17, v15;
	v14 =	vsel vm6, v16, v14  }
.Ltmp5:
0x1b9: {  	vm6 =	vge.f32 v15, v18;
	v14 =	vadd.s32 s25, v14;
	(pc) =	sbr.rel @p0 .LBB2_5-.Ltmp5, $4  }
0x1ba: {  	v15 =	vsel vm6, v15, v18;
	v14 =	vsel vm6, v14, v19  }
0x1bb: {  	[tilespmem:v13+s17+$0x0] =	vst.idx.msk vm5, v15  }
0x1bc: {  	[tilespmem:v13+s18+$0x0] =	vst.idx.msk vm5, v14  }
0x1bd: {  	[tilespmem:v11+s19+$0x0] =	vst.idx.add.f32.msk $0xffff, v12  }
0x1be: {  	_ =	sdelay $0x3  }
0x1bf: {  	[tilespmem:v11+s20+$0x0] =	vst.idx.add.f32.msk $0xffff, v9  }
0x1c0: {  	v11 =	vld [tilespmem:$0x600];
	_ =	sdelay $0x4  }
0x1c1: {  	vm5 =	vgt.f32 v11, $0.0e+00  }
0x1c2: {  	v11 =	vmax.f32 v11, $1.000000000e+00;
	vm6 =	vmneg vm5;
	v12 =	vsel vm5, $0x1, v10  }
0x1c3: {  	(erf) = vrcp.f32 v11;
	v11 =	vsel vm6, $0x1, v10;
	(xrf0) =	vadd.scan.msk.s32 $0xffff, v12  }
0x1c4: {  	(xrf0) =	vadd.scan.msk.s32 $0xffff, v11;
	_ =	sdelay $0x3  }
0x1c5: {  	v11 =	vld [tilespmem:$0x400]  }
0x1c6: {  	v53 =	vld [tilespmem:$0x800];
	v13, _, _ =	vpop (xrf0)  }
0x1c7: {  	v14 =	vld [tilespmem:$0xA00];
	v15, _, _ =	vpop (xrf0)  }
0x1c8: {  	v16 =	vadd.s32 $0xFFFFFFFF, v13;
	v17 =	vsub.s32 $0x200, v15  }
0x1c9: {  	v54 =	vpop (erf);
	v16 =	vsel vm5, v16, v17  }
0x1ca: {  	v11 =	vmul.f32 v54, v11;
	_ =	sdelay $0x1  }
0x1cb: {  	s26 =	sshll.u32 s26, $0x9;
	v55 =	vnsel vm5, $0x0, v14;
	[tilespmem:$0xC00] =	vst v11;
	v11 =	vnsel vm5, $0x0, v53  }
0x1cc: {  	(v2sf) =	vpush v13, $0xF;
	[tilespmem:$0xE00] =	vst v11;
	v11 =	vadd.s32 s26, v55  }
0x1cd: {  	(v2sf) =	vpush v15, $0xF;
	[tilespmem:v16+s21+$0x0] =	vst.idx.msk $0xffff, v11;
	v11 =	vor.u32 s26, v2  }
0x1ce: {  	[tilespmem:v16+s22+$0x0] =	vst.idx.msk $0xffff, v11  }
0x1cf: {  	v11 =	vld [tilespmem:$0x610];
	_ =	sdelay $0x4  }
0x1d0: {  	vm5 =	vgt.f32 v11, $0.0e+00  }
0x1d1: {  	v11 =	vmax.f32 v11, $1.000000000e+00;
	vm6 =	vmneg vm5;
	v56 =	vsel vm5, $0x1, v10  }
0x1d2: {  	(erf) = vrcp.f32 v11;
	v11 =	vsel vm6, $0x1, v10;
	(xrf0) =	vadd.scan.msk.s32 $0xffff, v56  }
0x1d3: {  	(xrf0) =	vadd.scan.msk.s32 $0xffff, v11;
	_ =	sdelay $0x3  }
0x1d4: {  	s1 =	spop (v2sf);
	v11 =	vld [tilespmem:$0x410]  }
0x1d5: {  	v57 =	vld [tilespmem:$0x810];
	s3 =	spop (v2sf);
	v58, _, _ =	vpop (xrf0)  }
0x1d6: {  	v59 =	vld [tilespmem:$0xA10];
	s15 =	sadd.s32 $0xFFFFFFFF, s1;
	s25 =	ssub.s32 $0x200, s3;
	v60, _, _ =	vpop (xrf0)  }
0x1d7: {  	v61 =	vadd.s32 s15, v58;
	v62 =	vsub.s32 s25, v60  }
0x1d8: {  	v63 =	vpop (erf);
	v16 =	vsel vm5, v61, v62  }
0x1d9: {  	v11 =	vmul.f32 v63, v11;
	_ =	sdelay $0x1  }
0x1da: {  	v18 =	vnsel vm5, $0x0, v59;
	(v2sf) =	vpush v58, $0xF;
	[tilespmem:$0xC10] =	vst v11;
	v11 =	vnsel vm5, $0x0, v57  }
0x1db: {  	s25 =	sor.u32 $0x10, s26;
	(v2sf) =	vpush v60, $0xF;
	[tilespmem:$0xE10] =	vst v11;
	v11 =	vadd.s32 s26, v18  }
0x1dc: {  	[tilespmem:v16+s21+$0x0] =	vst.idx.msk $0xffff, v11;
	v11 =	vor.u32 s25, v2  }
0x1dd: {  	[tilespmem:v16+s22+$0x0] =	vst.idx.msk $0xffff, v11  }
0x1de: {  	v11 =	vld [tilespmem:$0x620];
	_ =	sdelay $0x4  }
0x1df: {  	vm5 =	vgt.f32 v11, $0.0e+00  }
0x1e0: {  	v11 =	vmax.f32 v11, $1.000000000e+00;
	vm6 =	vmneg vm5;
	v19 =	vsel vm5, $0x1, v10  }
0x1e1: {  	(erf) = vrcp.f32 v11;
	v11 =	vsel vm6, $0x1, v10;
	(xrf0) =	vadd.scan.msk.s32 $0xffff, v19  }
0x1e2: {  	(xrf0) =	vadd.scan.msk.s32 $0xffff, v11;
	_ =	sdelay $0x2  }
0x1e3: {  	s15 =	spop (v2sf)  }
0x1e4: {  	s25 =	spop (v2sf);
	v11 =	vld [tilespmem:$0x420]  }
0x1e5: {  	v20 =	vld [tilespmem:$0x820];
	s1 =	sadd.s32 s1, s15;
	s3 =	sadd.s32 s3, s25;
	v21, _, _ =	vpop (xrf0)  }
0x1e6: {  	v22 =	vld [tilespmem:$0xA20];
	s15 =	sadd.s32 $0xFFFFFFFF, s1;
	s25 =	ssub.s32 $0x200, s3;
	v23, _, _ =	vpop (xrf0)  }
0x1e7: {  	v24 =	vadd.s32 s15, v21;
	v25 =	vsub.s32 s25, v23  }
0x1e8: {  	v26 =	vpop (erf);
	v16 =	vsel vm5, v24, v25  }
0x1e9: {  	v11 =	vmul.f32 v26, v11;
	_ =	sdelay $0x1  }
0x1ea: {  	v27 =	vnsel vm5, $0x0, v22;
	[tilespmem:$0xC20] =	vst v11;
	v11 =	vnsel vm5, $0x0, v20  }
0x1eb: {  	(v2sf) =	vpush v21, $0xF;
	s25 =	sor.u32 $0x20, s26;
	[tilespmem:$0xE20] =	vst v11;
	v11 =	vadd.s32 s26, v27  }
0x1ec: {  	(v2sf) =	vpush v23, $0xF;
	[tilespmem:v16+s21+$0x0] =	vst.idx.msk $0xffff, v11;
	v11 =	vor.u32 s25, v2  }
0x1ed: {  	[tilespmem:v16+s22+$0x0] =	vst.idx.msk $0xffff, v11  }
0x1ee: {  	v11 =	vld [tilespmem:$0x630];
	_ =	sdelay $0x4  }
0x1ef: {  	vm5 =	vgt.f32 v11, $0.0e+00  }
0x1f0: {  	vm6 =	vmneg vm5;
	v28 =	vsel vm5, $0x1, v10  }
0x1f1: {  	v29 =	vsel vm6, $0x1, v10;
	(xrf0) =	vadd.scan.msk.s32 $0xffff, v28  }
0x1f2: {  	v11 =	vmax.f32 v11, $1.000000000e+00;
	(xrf0) =	vadd.scan.msk.s32 $0xffff, v29  }
0x1f3: {  	(erf) = vrcp.f32 v11;
	_ =	sdelay $0x2  }
0x1f4: {  	s15 =	spop (v2sf)  }
0x1f5: {  	v30 =	vld [tilespmem:$0x430];
	s25 =	spop (v2sf);
	v11, _, _ =	vpop (xrf0)  }
0x1f6: {  	v31 =	vld [tilespmem:$0x830];
	s1 =	sadd.s32 s1, s15;
	s3 =	sadd.s32 s3, s25;
	v13, _, _ =	vpop (xrf0);
	(v2sf) =	vpush v11, $0xF  }
0x1f7: {  	v32 =	vld [tilespmem:$0xA30];
	s15 =	sadd.s32 $0xFFFFFFFF, s1;
	s25 =	ssub.s32 $0x200, s3;
	(v2sf) =	vpush v13, $0xF  }
0x1f8: {  	v11 =	vadd.s32 s15, v11;
	v13 =	vsub.s32 s25, v13  }
0x1f9: {  	v11 =	vsel vm5, v11, v13  }
0x1fa: {  	v33 =	vpop (erf)  }
0x1fb: {  	v34 =	vnsel vm5, $0x0, v31;
	v12 =	vmul.f32 v33, v30  }
0x1fc: {  	v35 =	vnsel vm5, $0x0, v32;
	[tilespmem:$0xE30] =	vst v34  }
0x1fd: {  	v36 =	vadd.s32 s26, v35;
	s25 =	sor.u32 $0x30, s26;
	[tilespmem:$0xC30] =	vst v12  }
0x1fe: {  	v37 =	vor.u32 s25, v2;
	[tilespmem:v11+s21+$0x0] =	vst.idx.msk $0xffff, v36  }
0x1ff: {  	[tilespmem:v11+s22+$0x0] =	vst.idx.msk $0xffff, v37  }
0x200: {  	v11 =	vld [tilespmem:$0x640];
	_ =	sdelay $0x4  }
0x201: {  	vm5 =	vgt.f32 v11, $0.0e+00;
	s15 =	spop (v2sf)  }
0x202: {  	v12 =	vld [tilespmem:$0x440];
	v11 =	vmax.f32 v11, $1.000000000e+00;
	vm6 =	vmneg vm5;
	v39 =	vsel vm5, $0x1, v10;
	s25 =	spop (v2sf)  }
0x203: {  	v38 =	vld [tilespmem:$0x840];
	(erf) = vrcp.f32 v11;
	v11 =	vsel vm6, $0x1, v10;
	(xrf0) =	vadd.scan.msk.s32 $0xffff, v39  }
0x204: {  	(xrf0) =	vadd.scan.msk.s32 $0xffff, v11;
	_ =	sdelay $0x4  }
0x205: {  	s1 =	sadd.s32 s1, s15;
	s3 =	sadd.s32 s3, s25;
	v11, _, _ =	vpop (xrf0)  }
0x206: {  	v40 =	vld [tilespmem:$0xA40];
	s15 =	sadd.s32 $0xFFFFFFFF, s1;
	s25 =	ssub.s32 $0x200, s3;
	v41, _, _ =	vpop (xrf0)  }
0x207: {  	v42 =	vadd.s32 s15, v11;
	v43 =	vsub.s32 s25, v41  }
0x208: {  	v16 =	vsel vm5, v42, v43  }
0x209: {  	v44 =	vpop (erf)  }
0x20a: {  	v45 =	vnsel vm5, $0x0, v38;
	v12 =	vmul.f32 v44, v12  }
0x20b: {  	v46 =	vnsel vm5, $0x0, v40;
	[tilespmem:$0xE40] =	vst v45;
	(v2sf) =	vpush v11, $0xF  }
0x20c: {  	v11 =	vadd.s32 s26, v46;
	s25 =	sor.u32 $0x40, s26;
	(v2sf) =	vpush v41, $0xF;
	[tilespmem:$0xC40] =	vst v12  }
0x20d: {  	[tilespmem:v16+s21+$0x0] =	vst.idx.msk $0xffff, v11;
	v11 =	vor.u32 s25, v2  }
0x20e: {  	[tilespmem:v16+s22+$0x0] =	vst.idx.msk $0xffff, v11  }
0x20f: {  	v11 =	vld [tilespmem:$0x650];
	_ =	sdelay $0x4  }
0x210: {  	vm5 =	vgt.f32 v11, $0.0e+00  }
0x211: {  	v11 =	vmax.f32 v11, $1.000000000e+00;
	vm6 =	vmneg vm5;
	v47 =	vsel vm5, $0x1, v10  }
0x212: {  	(erf) = vrcp.f32 v11;
	v11 =	vsel vm6, $0x1, v10;
	(xrf0) =	vadd.scan.msk.s32 $0xffff, v47  }
0x213: {  	(xrf0) =	vadd.scan.msk.s32 $0xffff, v11;
	_ =	sdelay $0x2  }
0x214: {  	s15 =	spop (v2sf)  }
0x215: {  	s25 =	spop (v2sf);
	v11 =	vld [tilespmem:$0x450]  }
0x216: {  	v48 =	vld [tilespmem:$0x850];
	s1 =	sadd.s32 s1, s15;
	s3 =	sadd.s32 s3, s25;
	v49, _, _ =	vpop (xrf0)  }
0x217: {  	v50 =	vld [tilespmem:$0xA50];
	s15 =	sadd.s32 $0xFFFFFFFF, s1;
	s25 =	ssub.s32 $0x200, s3;
	v51, _, _ =	vpop (xrf0)  }
0x218: {  	v52 =	vadd.s32 s15, v49;
	v53 =	vsub.s32 s25, v51  }
0x219: {  	v54 =	vpop (erf);
	v16 =	vsel vm5, v52, v53  }
0x21a: {  	v11 =	vmul.f32 v54, v11;
	_ =	sdelay $0x1  }
0x21b: {  	v55 =	vnsel vm5, $0x0, v50;
	(v2sf) =	vpush v49, $0xF;
	[tilespmem:$0xC50] =	vst v11;
	v11 =	vnsel vm5, $0x0, v48  }
0x21c: {  	s25 =	sor.u32 $0x50, s26;
	(v2sf) =	vpush v51, $0xF;
	[tilespmem:$0xE50] =	vst v11;
	v11 =	vadd.s32 s26, v55  }
0x21d: {  	[tilespmem:v16+s21+$0x0] =	vst.idx.msk $0xffff, v11;
	v11 =	vor.u32 s25, v2  }
0x21e: {  	[tilespmem:v16+s22+$0x0] =	vst.idx.msk $0xffff, v11  }
0x21f: {  	v11 =	vld [tilespmem:$0x660];
	_ =	sdelay $0x4  }
0x220: {  	vm5 =	vgt.f32 v11, $0.0e+00  }
0x221: {  	v11 =	vmax.f32 v11, $1.000000000e+00;
	vm6 =	vmneg vm5;
	v56 =	vsel vm5, $0x1, v10  }
0x222: {  	(erf) = vrcp.f32 v11;
	v11 =	vsel vm6, $0x1, v10;
	(xrf0) =	vadd.scan.msk.s32 $0xffff, v56  }
0x223: {  	(xrf0) =	vadd.scan.msk.s32 $0xffff, v11;
	_ =	sdelay $0x2  }
0x224: {  	s15 =	spop (v2sf)  }
0x225: {  	s25 =	spop (v2sf);
	v11 =	vld [tilespmem:$0x460]  }
0x226: {  	v57 =	vld [tilespmem:$0x860];
	s1 =	sadd.s32 s1, s15;
	s3 =	sadd.s32 s3, s25;
	v58, _, _ =	vpop (xrf0)  }
0x227: {  	v59 =	vld [tilespmem:$0xA60];
	s15 =	sadd.s32 $0xFFFFFFFF, s1;
	s25 =	ssub.s32 $0x200, s3;
	v60, _, _ =	vpop (xrf0)  }
0x228: {  	v61 =	vadd.s32 s15, v58;
	v62 =	vsub.s32 s25, v60  }
0x229: {  	v63 =	vpop (erf);
	v16 =	vsel vm5, v61, v62  }
0x22a: {  	v11 =	vmul.f32 v63, v11;
	_ =	sdelay $0x1  }
0x22b: {  	v19 =	vnsel vm5, $0x0, v59;
	(v2sf) =	vpush v58, $0xF;
	[tilespmem:$0xC60] =	vst v11;
	v11 =	vnsel vm5, $0x0, v57  }
0x22c: {  	s25 =	sor.u32 $0x60, s26;
	(v2sf) =	vpush v60, $0xF;
	[tilespmem:$0xE60] =	vst v11;
	v11 =	vadd.s32 s26, v19  }
0x22d: {  	[tilespmem:v16+s21+$0x0] =	vst.idx.msk $0xffff, v11;
	v11 =	vor.u32 s25, v2  }
0x22e: {  	[tilespmem:v16+s22+$0x0] =	vst.idx.msk $0xffff, v11  }
0x22f: {  	v11 =	vld [tilespmem:$0x670];
	_ =	sdelay $0x4  }
0x230: {  	vm5 =	vgt.f32 v11, $0.0e+00  }
0x231: {  	v11 =	vmax.f32 v11, $1.000000000e+00;
	vm6 =	vmneg vm5;
	v20 =	vsel vm5, $0x1, v10  }
0x232: {  	(erf) = vrcp.f32 v11;
	v11 =	vsel vm6, $0x1, v10;
	(xrf0) =	vadd.scan.msk.s32 $0xffff, v20  }
0x233: {  	(xrf0) =	vadd.scan.msk.s32 $0xffff, v11;
	_ =	sdelay $0x2  }
0x234: {  	s15 =	spop (v2sf)  }
0x235: {  	s25 =	spop (v2sf);
	v11 =	vld [tilespmem:$0x470]  }
0x236: {  	v21 =	vld [tilespmem:$0x870];
	s1 =	sadd.s32 s1, s15;
	s3 =	sadd.s32 s3, s25;
	v22, _, _ =	vpop (xrf0)  }
0x237: {  	v23 =	vld [tilespmem:$0xA70];
	s15 =	sadd.s32 $0xFFFFFFFF, s1;
	s25 =	ssub.s32 $0x200, s3;
	v24, _, _ =	vpop (xrf0)  }
0x238: {  	v25 =	vadd.s32 s15, v22;
	v26 =	vsub.s32 s25, v24  }
0x239: {  	v27 =	vpop (erf);
	v16 =	vsel vm5, v25, v26  }
0x23a: {  	v11 =	vmul.f32 v27, v11;
	_ =	sdelay $0x1  }
0x23b: {  	v28 =	vnsel vm5, $0x0, v23;
	(v2sf) =	vpush v22, $0xF;
	[tilespmem:$0xC70] =	vst v11;
	v11 =	vnsel vm5, $0x0, v21  }
0x23c: {  	s25 =	sor.u32 $0x70, s26;
	(v2sf) =	vpush v24, $0xF;
	[tilespmem:$0xE70] =	vst v11;
	v11 =	vadd.s32 s26, v28  }
0x23d: {  	[tilespmem:v16+s21+$0x0] =	vst.idx.msk $0xffff, v11;
	v11 =	vor.u32 s25, v2  }
0x23e: {  	[tilespmem:v16+s22+$0x0] =	vst.idx.msk $0xffff, v11  }
0x23f: {  	v11 =	vld [tilespmem:$0x680];
	_ =	sdelay $0x4  }
0x240: {  	vm5 =	vgt.f32 v11, $0.0e+00  }
0x241: {  	v11 =	vmax.f32 v11, $1.000000000e+00;
	vm6 =	vmneg vm5;
	v29 =	vsel vm5, $0x1, v10  }
0x242: {  	(erf) = vrcp.f32 v11;
	v11 =	vsel vm6, $0x1, v10;
	(xrf0) =	vadd.scan.msk.s32 $0xffff, v29  }
0x243: {  	(xrf0) =	vadd.scan.msk.s32 $0xffff, v11;
	_ =	sdelay $0x2  }
0x244: {  	s15 =	spop (v2sf)  }
0x245: {  	s25 =	spop (v2sf);
	v11 =	vld [tilespmem:$0x480]  }
0x246: {  	v30 =	vld [tilespmem:$0x880];
	s1 =	sadd.s32 s1, s15;
	s3 =	sadd.s32 s3, s25;
	v31, _, _ =	vpop (xrf0)  }
0x247: {  	v32 =	vld [tilespmem:$0xA80];
	s15 =	sadd.s32 $0xFFFFFFFF, s1;
	s25 =	ssub.s32 $0x200, s3;
	v33, _, _ =	vpop (xrf0)  }
0x248: {  	v34 =	vadd.s32 s15, v31;
	v35 =	vsub.s32 s25, v33  }
0x249: {  	v36 =	vpop (erf);
	v16 =	vsel vm5, v34, v35  }
0x24a: {  	v11 =	vmul.f32 v36, v11;
	_ =	sdelay $0x1  }
0x24b: {  	v37 =	vnsel vm5, $0x0, v32;
	(v2sf) =	vpush v31, $0xF;
	[tilespmem:$0xC80] =	vst v11;
	v11 =	vnsel vm5, $0x0, v30  }
0x24c: {  	s25 =	sor.u32 $0x80, s26;
	(v2sf) =	vpush v33, $0xF;
	[tilespmem:$0xE80] =	vst v11;
	v11 =	vadd.s32 s26, v37  }
0x24d: {  	[tilespmem:v16+s21+$0x0] =	vst.idx.msk $0xffff, v11;
	v11 =	vor.u32 s25, v2  }
0x24e: {  	[tilespmem:v16+s22+$0x0] =	vst.idx.msk $0xffff, v11  }
0x24f: {  	v11 =	vld [tilespmem:$0x690];
	_ =	sdelay $0x4  }
0x250: {  	vm5 =	vgt.f32 v11, $0.0e+00  }
0x251: {  	v11 =	vmax.f32 v11, $1.000000000e+00;
	vm6 =	vmneg vm5;
	v38 =	vsel vm5, $0x1, v10  }
0x252: {  	(erf) = vrcp.f32 v11;
	v11 =	vsel vm6, $0x1, v10;
	(xrf0) =	vadd.scan.msk.s32 $0xffff, v38  }
0x253: {  	(xrf0) =	vadd.scan.msk.s32 $0xffff, v11;
	_ =	sdelay $0x2  }
0x254: {  	s15 =	spop (v2sf)  }
0x255: {  	s25 =	spop (v2sf);
	v11 =	vld [tilespmem:$0x490]  }
0x256: {  	v39 =	vld [tilespmem:$0x890];
	s1 =	sadd.s32 s1, s15;
	s3 =	sadd.s32 s3, s25;
	v40, _, _ =	vpop (xrf0)  }
0x257: {  	v41 =	vld [tilespmem:$0xA90];
	s15 =	sadd.s32 $0xFFFFFFFF, s1;
	s25 =	ssub.s32 $0x200, s3;
	v42, _, _ =	vpop (xrf0)  }
0x258: {  	v43 =	vadd.s32 s15, v40;
	v44 =	vsub.s32 s25, v42  }
0x259: {  	v45 =	vpop (erf);
	v16 =	vsel vm5, v43, v44  }
0x25a: {  	v11 =	vmul.f32 v45, v11;
	_ =	sdelay $0x1  }
0x25b: {  	v46 =	vnsel vm5, $0x0, v41;
	(v2sf) =	vpush v40, $0xF;
	[tilespmem:$0xC90] =	vst v11;
	v11 =	vnsel vm5, $0x0, v39  }
0x25c: {  	s25 =	sor.u32 $0x90, s26;
	(v2sf) =	vpush v42, $0xF;
	[tilespmem:$0xE90] =	vst v11;
	v11 =	vadd.s32 s26, v46  }
0x25d: {  	[tilespmem:v16+s21+$0x0] =	vst.idx.msk $0xffff, v11;
	v11 =	vor.u32 s25, v2  }
0x25e: {  	[tilespmem:v16+s22+$0x0] =	vst.idx.msk $0xffff, v11  }
0x25f: {  	v11 =	vld [tilespmem:$0x6A0];
	_ =	sdelay $0x4  }
0x260: {  	vm5 =	vgt.f32 v11, $0.0e+00  }
0x261: {  	v11 =	vmax.f32 v11, $1.000000000e+00;
	vm6 =	vmneg vm5;
	v47 =	vsel vm5, $0x1, v10  }
0x262: {  	(erf) = vrcp.f32 v11;
	v11 =	vsel vm6, $0x1, v10;
	(xrf0) =	vadd.scan.msk.s32 $0xffff, v47  }
0x263: {  	(xrf0) =	vadd.scan.msk.s32 $0xffff, v11;
	_ =	sdelay $0x2  }
0x264: {  	s15 =	spop (v2sf)  }
0x265: {  	s25 =	spop (v2sf);
	v11 =	vld [tilespmem:$0x4A0]  }
0x266: {  	v48 =	vld [tilespmem:$0x8A0];
	s1 =	sadd.s32 s1, s15;
	s3 =	sadd.s32 s3, s25;
	v49, _, _ =	vpop (xrf0)  }
0x267: {  	v50 =	vld [tilespmem:$0xAA0];
	s15 =	sadd.s32 $0xFFFFFFFF, s1;
	s25 =	ssub.s32 $0x200, s3;
	v51, _, _ =	vpop (xrf0)  }
0x268: {  	v52 =	vadd.s32 s15, v49;
	v53 =	vsub.s32 s25, v51  }
0x269: {  	v54 =	vpop (erf);
	v16 =	vsel vm5, v52, v53  }
0x26a: {  	v11 =	vmul.f32 v54, v11;
	_ =	sdelay $0x1  }
0x26b: {  	v55 =	vnsel vm5, $0x0, v50;
	(v2sf) =	vpush v49, $0xF;
	[tilespmem:$0xCA0] =	vst v11;
	v11 =	vnsel vm5, $0x0, v48  }
0x26c: {  	s25 =	sor.u32 $0xA0, s26;
	(v2sf) =	vpush v51, $0xF;
	[tilespmem:$0xEA0] =	vst v11;
	v11 =	vadd.s32 s26, v55  }
0x26d: {  	[tilespmem:v16+s21+$0x0] =	vst.idx.msk $0xffff, v11;
	v11 =	vor.u32 s25, v2  }
0x26e: {  	[tilespmem:v16+s22+$0x0] =	vst.idx.msk $0xffff, v11  }
0x26f: {  	v11 =	vld [tilespmem:$0x6B0];
	_ =	sdelay $0x4  }
0x270: {  	vm5 =	vgt.f32 v11, $0.0e+00  }
0x271: {  	v11 =	vmax.f32 v11, $1.000000000e+00;
	vm6 =	vmneg vm5;
	v56 =	vsel vm5, $0x1, v10  }
0x272: {  	(erf) = vrcp.f32 v11;
	v11 =	vsel vm6, $0x1, v10;
	(xrf0) =	vadd.scan.msk.s32 $0xffff, v56  }
0x273: {  	(xrf0) =	vadd.scan.msk.s32 $0xffff, v11;
	_ =	sdelay $0x2  }
0x274: {  	s15 =	spop (v2sf)  }
0x275: {  	s25 =	spop (v2sf);
	v11 =	vld [tilespmem:$0x4B0]  }
0x276: {  	v57 =	vld [tilespmem:$0x8B0];
	s1 =	sadd.s32 s1, s15;
	s3 =	sadd.s32 s3, s25;
	v58, _, _ =	vpop (xrf0)  }
0x277: {  	v59 =	vld [tilespmem:$0xAB0];
	s15 =	sadd.s32 $0xFFFFFFFF, s1;
	s25 =	ssub.s32 $0x200, s3;
	v60, _, _ =	vpop (xrf0)  }
0x278: {  	v61 =	vadd.s32 s15, v58;
	v62 =	vsub.s32 s25, v60  }
0x279: {  	v63 =	vpop (erf);
	v16 =	vsel vm5, v61, v62  }
0x27a: {  	v11 =	vmul.f32 v63, v11;
	_ =	sdelay $0x1  }
0x27b: {  	v19 =	vnsel vm5, $0x0, v59;
	(v2sf) =	vpush v58, $0xF;
	[tilespmem:$0xCB0] =	vst v11;
	v11 =	vnsel vm5, $0x0, v57  }
0x27c: {  	s25 =	sor.u32 $0xB0, s26;
	(v2sf) =	vpush v60, $0xF;
	[tilespmem:$0xEB0] =	vst v11;
	v11 =	vadd.s32 s26, v19  }
0x27d: {  	[tilespmem:v16+s21+$0x0] =	vst.idx.msk $0xffff, v11;
	v11 =	vor.u32 s25, v2  }
0x27e: {  	[tilespmem:v16+s22+$0x0] =	vst.idx.msk $0xffff, v11  }
0x27f: {  	v11 =	vld [tilespmem:$0x6C0];
	_ =	sdelay $0x4  }
0x280: {  	vm5 =	vgt.f32 v11, $0.0e+00  }
0x281: {  	v11 =	vmax.f32 v11, $1.000000000e+00;
	vm6 =	vmneg vm5;
	v20 =	vsel vm5, $0x1, v10  }
0x282: {  	(erf) = vrcp.f32 v11;
	v11 =	vsel vm6, $0x1, v10;
	(xrf0) =	vadd.scan.msk.s32 $0xffff, v20  }
0x283: {  	(xrf0) =	vadd.scan.msk.s32 $0xffff, v11;
	_ =	sdelay $0x2  }
0x284: {  	s15 =	spop (v2sf)  }
0x285: {  	s25 =	spop (v2sf);
	v11 =	vld [tilespmem:$0x4C0]  }
0x286: {  	v21 =	vld [tilespmem:$0x8C0];
	s1 =	sadd.s32 s1, s15;
	s3 =	sadd.s32 s3, s25;
	v22, _, _ =	vpop (xrf0)  }
0x287: {  	v23 =	vld [tilespmem:$0xAC0];
	s15 =	sadd.s32 $0xFFFFFFFF, s1;
	s25 =	ssub.s32 $0x200, s3;
	v24, _, _ =	vpop (xrf0)  }
0x288: {  	v25 =	vadd.s32 s15, v22;
	v26 =	vsub.s32 s25, v24  }
0x289: {  	v27 =	vpop (erf);
	v16 =	vsel vm5, v25, v26  }
0x28a: {  	v11 =	vmul.f32 v27, v11;
	_ =	sdelay $0x1  }
0x28b: {  	v28 =	vnsel vm5, $0x0, v23;
	(v2sf) =	vpush v22, $0xF;
	[tilespmem:$0xCC0] =	vst v11;
	v11 =	vnsel vm5, $0x0, v21  }
0x28c: {  	s25 =	sor.u32 $0xC0, s26;
	(v2sf) =	vpush v24, $0xF;
	[tilespmem:$0xEC0] =	vst v11;
	v11 =	vadd.s32 s26, v28  }
0x28d: {  	[tilespmem:v16+s21+$0x0] =	vst.idx.msk $0xffff, v11;
	v11 =	vor.u32 s25, v2  }
0x28e: {  	[tilespmem:v16+s22+$0x0] =	vst.idx.msk $0xffff, v11  }
0x28f: {  	v11 =	vld [tilespmem:$0x6D0];
	_ =	sdelay $0x4  }
0x290: {  	vm5 =	vgt.f32 v11, $0.0e+00  }
0x291: {  	v11 =	vmax.f32 v11, $1.000000000e+00;
	vm6 =	vmneg vm5;
	v29 =	vsel vm5, $0x1, v10  }
0x292: {  	(erf) = vrcp.f32 v11;
	v11 =	vsel vm6, $0x1, v10;
	(xrf0) =	vadd.scan.msk.s32 $0xffff, v29  }
0x293: {  	(xrf0) =	vadd.scan.msk.s32 $0xffff, v11;
	_ =	sdelay $0x2  }
0x294: {  	s15 =	spop (v2sf)  }
0x295: {  	s25 =	spop (v2sf);
	v11 =	vld [tilespmem:$0x4D0]  }
0x296: {  	v30 =	vld [tilespmem:$0x8D0];
	s1 =	sadd.s32 s1, s15;
	s3 =	sadd.s32 s3, s25;
	v31, _, _ =	vpop (xrf0)  }
0x297: {  	v32 =	vld [tilespmem:$0xAD0];
	s15 =	sadd.s32 $0xFFFFFFFF, s1;
	s25 =	ssub.s32 $0x200, s3;
	v33, _, _ =	vpop (xrf0)  }
0x298: {  	v34 =	vadd.s32 s15, v31;
	v35 =	vsub.s32 s25, v33  }
0x299: {  	v36 =	vpop (erf);
	v16 =	vsel vm5, v34, v35  }
0x29a: {  	v11 =	vmul.f32 v36, v11;
	_ =	sdelay $0x1  }
0x29b: {  	v37 =	vnsel vm5, $0x0, v32;
	(v2sf) =	vpush v31, $0xF;
	[tilespmem:$0xCD0] =	vst v11;
	v11 =	vnsel vm5, $0x0, v30  }
0x29c: {  	s25 =	sor.u32 $0xD0, s26;
	(v2sf) =	vpush v33, $0xF;
	[tilespmem:$0xED0] =	vst v11;
	v11 =	vadd.s32 s26, v37  }
0x29d: {  	[tilespmem:v16+s21+$0x0] =	vst.idx.msk $0xffff, v11;
	v11 =	vor.u32 s25, v2  }
0x29e: {  	[tilespmem:v16+s22+$0x0] =	vst.idx.msk $0xffff, v11  }
0x29f: {  	v11 =	vld [tilespmem:$0x6E0];
	_ =	sdelay $0x4  }
0x2a0: {  	vm5 =	vgt.f32 v11, $0.0e+00  }
0x2a1: {  	v11 =	vmax.f32 v11, $1.000000000e+00;
	vm6 =	vmneg vm5;
	v38 =	vsel vm5, $0x1, v10  }
0x2a2: {  	(erf) = vrcp.f32 v11;
	v11 =	vsel vm6, $0x1, v10;
	(xrf0) =	vadd.scan.msk.s32 $0xffff, v38  }
0x2a3: {  	(xrf0) =	vadd.scan.msk.s32 $0xffff, v11;
	_ =	sdelay $0x2  }
0x2a4: {  	s15 =	spop (v2sf)  }
0x2a5: {  	s25 =	spop (v2sf);
	v11 =	vld [tilespmem:$0x4E0]  }
0x2a6: {  	v39 =	vld [tilespmem:$0x8E0];
	s1 =	sadd.s32 s1, s15;
	s3 =	sadd.s32 s3, s25;
	v40, _, _ =	vpop (xrf0)  }
0x2a7: {  	v41 =	vld [tilespmem:$0xAE0];
	s15 =	sadd.s32 $0xFFFFFFFF, s1;
	s25 =	ssub.s32 $0x200, s3;
	v42, _, _ =	vpop (xrf0)  }
0x2a8: {  	v43 =	vadd.s32 s15, v40;
	v44 =	vsub.s32 s25, v42  }
0x2a9: {  	v45 =	vpop (erf);
	v16 =	vsel vm5, v43, v44  }
0x2aa: {  	v11 =	vmul.f32 v45, v11;
	_ =	sdelay $0x1  }
0x2ab: {  	v46 =	vnsel vm5, $0x0, v41;
	(v2sf) =	vpush v40, $0xF;
	[tilespmem:$0xCE0] =	vst v11;
	v11 =	vnsel vm5, $0x0, v39  }
0x2ac: {  	s25 =	sor.u32 $0xE0, s26;
	(v2sf) =	vpush v42, $0xF;
	[tilespmem:$0xEE0] =	vst v11;
	v11 =	vadd.s32 s26, v46  }
0x2ad: {  	[tilespmem:v16+s21+$0x0] =	vst.idx.msk $0xffff, v11;
	v11 =	vor.u32 s25, v2  }
0x2ae: {  	[tilespmem:v16+s22+$0x0] =	vst.idx.msk $0xffff, v11  }
0x2af: {  	v11 =	vld [tilespmem:$0x6F0];
	_ =	sdelay $0x4  }
0x2b0: {  	vm5 =	vgt.f32 v11, $0.0e+00  }
0x2b1: {  	v11 =	vmax.f32 v11, $1.000000000e+00;
	vm6 =	vmneg vm5;
	v47 =	vsel vm5, $0x1, v10  }
0x2b2: {  	(erf) = vrcp.f32 v11;
	v11 =	vsel vm6, $0x1, v10;
	(xrf0) =	vadd.scan.msk.s32 $0xffff, v47  }
0x2b3: {  	(xrf0) =	vadd.scan.msk.s32 $0xffff, v11;
	_ =	sdelay $0x2  }
0x2b4: {  	s15 =	spop (v2sf)  }
0x2b5: {  	s25 =	spop (v2sf);
	v11 =	vld [tilespmem:$0x4F0]  }
0x2b6: {  	v48 =	vld [tilespmem:$0x8F0];
	s1 =	sadd.s32 s1, s15;
	s3 =	sadd.s32 s3, s25;
	v49, _, _ =	vpop (xrf0)  }
0x2b7: {  	v50 =	vld [tilespmem:$0xAF0];
	s15 =	sadd.s32 $0xFFFFFFFF, s1;
	s25 =	ssub.s32 $0x200, s3;
	v51, _, _ =	vpop (xrf0)  }
0x2b8: {  	v52 =	vadd.s32 s15, v49;
	v53 =	vsub.s32 s25, v51  }
0x2b9: {  	v54 =	vpop (erf);
	v16 =	vsel vm5, v52, v53  }
0x2ba: {  	v11 =	vmul.f32 v54, v11;
	_ =	sdelay $0x1  }
0x2bb: {  	v55 =	vnsel vm5, $0x0, v50;
	(v2sf) =	vpush v49, $0xF;
	[tilespmem:$0xCF0] =	vst v11;
	v11 =	vnsel vm5, $0x0, v48  }
0x2bc: {  	s25 =	sor.u32 $0xF0, s26;
	(v2sf) =	vpush v51, $0xF;
	[tilespmem:$0xEF0] =	vst v11;
	v11 =	vadd.s32 s26, v55  }
0x2bd: {  	[tilespmem:v16+s21+$0x0] =	vst.idx.msk $0xffff, v11;
	v11 =	vor.u32 s25, v2  }
0x2be: {  	[tilespmem:v16+s22+$0x0] =	vst.idx.msk $0xffff, v11  }
0x2bf: {  	v11 =	vld [tilespmem:$0x700];
	_ =	sdelay $0x4  }
0x2c0: {  	vm5 =	vgt.f32 v11, $0.0e+00  }
0x2c1: {  	v11 =	vmax.f32 v11, $1.000000000e+00;
	vm6 =	vmneg vm5;
	v56 =	vsel vm5, $0x1, v10  }
0x2c2: {  	(erf) = vrcp.f32 v11;
	v11 =	vsel vm6, $0x1, v10;
	(xrf0) =	vadd.scan.msk.s32 $0xffff, v56  }
0x2c3: {  	(xrf0) =	vadd.scan.msk.s32 $0xffff, v11;
	_ =	sdelay $0x2  }
0x2c4: {  	s15 =	spop (v2sf)  }
0x2c5: {  	s25 =	spop (v2sf);
	v11 =	vld [tilespmem:$0x500]  }
0x2c6: {  	v57 =	vld [tilespmem:$0x900];
	s1 =	sadd.s32 s1, s15;
	s3 =	sadd.s32 s3, s25;
	v58, _, _ =	vpop (xrf0)  }
0x2c7: {  	v59 =	vld [tilespmem:$0xB00];
	s15 =	sadd.s32 $0xFFFFFFFF, s1;
	s25 =	ssub.s32 $0x200, s3;
	v60, _, _ =	vpop (xrf0)  }
0x2c8: {  	v61 =	vadd.s32 s15, v58;
	v62 =	vsub.s32 s25, v60  }
0x2c9: {  	v63 =	vpop (erf);
	v16 =	vsel vm5, v61, v62  }
0x2ca: {  	v11 =	vmul.f32 v63, v11;
	_ =	sdelay $0x1  }
0x2cb: {  	v20 =	vnsel vm5, $0x0, v59;
	(v2sf) =	vpush v58, $0xF;
	[tilespmem:$0xD00] =	vst v11;
	v11 =	vnsel vm5, $0x0, v57  }
0x2cc: {  	s25 =	sor.u32 $0x100, s26;
	(v2sf) =	vpush v60, $0xF;
	[tilespmem:$0xF00] =	vst v11;
	v11 =	vadd.s32 s26, v20  }
0x2cd: {  	[tilespmem:v16+s21+$0x0] =	vst.idx.msk $0xffff, v11;
	v11 =	vor.u32 s25, v2  }
0x2ce: {  	[tilespmem:v16+s22+$0x0] =	vst.idx.msk $0xffff, v11  }
0x2cf: {  	v11 =	vld [tilespmem:$0x710];
	_ =	sdelay $0x4  }
0x2d0: {  	vm5 =	vgt.f32 v11, $0.0e+00  }
0x2d1: {  	v11 =	vmax.f32 v11, $1.000000000e+00;
	vm6 =	vmneg vm5;
	v21 =	vsel vm5, $0x1, v10  }
0x2d2: {  	(erf) = vrcp.f32 v11;
	v11 =	vsel vm6, $0x1, v10;
	(xrf0) =	vadd.scan.msk.s32 $0xffff, v21  }
0x2d3: {  	(xrf0) =	vadd.scan.msk.s32 $0xffff, v11;
	_ =	sdelay $0x2  }
0x2d4: {  	s15 =	spop (v2sf)  }
0x2d5: {  	s25 =	spop (v2sf);
	v11 =	vld [tilespmem:$0x510]  }
0x2d6: {  	v22 =	vld [tilespmem:$0x910];
	s1 =	sadd.s32 s1, s15;
	s3 =	sadd.s32 s3, s25;
	v23, _, _ =	vpop (xrf0)  }
0x2d7: {  	v24 =	vld [tilespmem:$0xB10];
	s15 =	sadd.s32 $0xFFFFFFFF, s1;
	s25 =	ssub.s32 $0x200, s3;
	v25, _, _ =	vpop (xrf0)  }
0x2d8: {  	v26 =	vadd.s32 s15, v23;
	v27 =	vsub.s32 s25, v25  }
0x2d9: {  	v28 =	vpop (erf);
	v16 =	vsel vm5, v26, v27  }
0x2da: {  	v11 =	vmul.f32 v28, v11;
	_ =	sdelay $0x1  }
0x2db: {  	v29 =	vnsel vm5, $0x0, v24;
	(v2sf) =	vpush v23, $0xF;
	[tilespmem:$0xD10] =	vst v11;
	v11 =	vnsel vm5, $0x0, v22  }
0x2dc: {  	s25 =	sor.u32 $0x110, s26;
	(v2sf) =	vpush v25, $0xF;
	[tilespmem:$0xF10] =	vst v11;
	v11 =	vadd.s32 s26, v29  }
0x2dd: {  	[tilespmem:v16+s21+$0x0] =	vst.idx.msk $0xffff, v11;
	v11 =	vor.u32 s25, v2  }
0x2de: {  	[tilespmem:v16+s22+$0x0] =	vst.idx.msk $0xffff, v11  }
0x2df: {  	v11 =	vld [tilespmem:$0x720];
	_ =	sdelay $0x4  }
0x2e0: {  	vm5 =	vgt.f32 v11, $0.0e+00  }
0x2e1: {  	v11 =	vmax.f32 v11, $1.000000000e+00;
	vm6 =	vmneg vm5;
	v30 =	vsel vm5, $0x1, v10  }
0x2e2: {  	(erf) = vrcp.f32 v11;
	v11 =	vsel vm6, $0x1, v10;
	(xrf0) =	vadd.scan.msk.s32 $0xffff, v30  }
0x2e3: {  	(xrf0) =	vadd.scan.msk.s32 $0xffff, v11;
	_ =	sdelay $0x2  }
0x2e4: {  	s15 =	spop (v2sf)  }
0x2e5: {  	s25 =	spop (v2sf);
	v11 =	vld [tilespmem:$0x520]  }
0x2e6: {  	v31 =	vld [tilespmem:$0x920];
	s1 =	sadd.s32 s1, s15;
	s3 =	sadd.s32 s3, s25;
	v32, _, _ =	vpop (xrf0)  }
0x2e7: {  	v33 =	vld [tilespmem:$0xB20];
	s15 =	sadd.s32 $0xFFFFFFFF, s1;
	s25 =	ssub.s32 $0x200, s3;
	v34, _, _ =	vpop (xrf0)  }
0x2e8: {  	v35 =	vadd.s32 s15, v32;
	v36 =	vsub.s32 s25, v34  }
0x2e9: {  	v37 =	vpop (erf);
	v16 =	vsel vm5, v35, v36  }
0x2ea: {  	v11 =	vmul.f32 v37, v11;
	_ =	sdelay $0x1  }
0x2eb: {  	v38 =	vnsel vm5, $0x0, v33;
	(v2sf) =	vpush v32, $0xF;
	[tilespmem:$0xD20] =	vst v11;
	v11 =	vnsel vm5, $0x0, v31  }
0x2ec: {  	s25 =	sor.u32 $0x120, s26;
	(v2sf) =	vpush v34, $0xF;
	[tilespmem:$0xF20] =	vst v11;
	v11 =	vadd.s32 s26, v38  }
0x2ed: {  	[tilespmem:v16+s21+$0x0] =	vst.idx.msk $0xffff, v11;
	v11 =	vor.u32 s25, v2  }
0x2ee: {  	[tilespmem:v16+s22+$0x0] =	vst.idx.msk $0xffff, v11  }
0x2ef: {  	v11 =	vld [tilespmem:$0x730];
	_ =	sdelay $0x4  }
0x2f0: {  	vm5 =	vgt.f32 v11, $0.0e+00  }
0x2f1: {  	v11 =	vmax.f32 v11, $1.000000000e+00;
	vm6 =	vmneg vm5;
	v39 =	vsel vm5, $0x1, v10  }
0x2f2: {  	(erf) = vrcp.f32 v11;
	v11 =	vsel vm6, $0x1, v10;
	(xrf0) =	vadd.scan.msk.s32 $0xffff, v39  }
0x2f3: {  	(xrf0) =	vadd.scan.msk.s32 $0xffff, v11;
	_ =	sdelay $0x2  }
0x2f4: {  	s15 =	spop (v2sf)  }
0x2f5: {  	s25 =	spop (v2sf);
	v11 =	vld [tilespmem:$0x530]  }
0x2f6: {  	v40 =	vld [tilespmem:$0x930];
	s1 =	sadd.s32 s1, s15;
	s3 =	sadd.s32 s3, s25;
	v41, _, _ =	vpop (xrf0)  }
0x2f7: {  	v42 =	vld [tilespmem:$0xB30];
	s15 =	sadd.s32 $0xFFFFFFFF, s1;
	s25 =	ssub.s32 $0x200, s3;
	v43, _, _ =	vpop (xrf0)  }
0x2f8: {  	v44 =	vadd.s32 s15, v41;
	v45 =	vsub.s32 s25, v43  }
0x2f9: {  	v46 =	vpop (erf);
	v16 =	vsel vm5, v44, v45  }
0x2fa: {  	v11 =	vmul.f32 v46, v11;
	_ =	sdelay $0x1  }
0x2fb: {  	v47 =	vnsel vm5, $0x0, v42;
	(v2sf) =	vpush v41, $0xF;
	[tilespmem:$0xD30] =	vst v11;
	v11 =	vnsel vm5, $0x0, v40  }
0x2fc: {  	s25 =	sor.u32 $0x130, s26;
	(v2sf) =	vpush v43, $0xF;
	[tilespmem:$0xF30] =	vst v11;
	v11 =	vadd.s32 s26, v47  }
0x2fd: {  	[tilespmem:v16+s21+$0x0] =	vst.idx.msk $0xffff, v11;
	v11 =	vor.u32 s25, v2  }
0x2fe: {  	[tilespmem:v16+s22+$0x0] =	vst.idx.msk $0xffff, v11  }
0x2ff: {  	v11 =	vld [tilespmem:$0x740];
	_ =	sdelay $0x4  }
0x300: {  	vm5 =	vgt.f32 v11, $0.0e+00  }
0x301: {  	v11 =	vmax.f32 v11, $1.000000000e+00;
	vm6 =	vmneg vm5;
	v48 =	vsel vm5, $0x1, v10  }
0x302: {  	(erf) = vrcp.f32 v11;
	v11 =	vsel vm6, $0x1, v10;
	(xrf0) =	vadd.scan.msk.s32 $0xffff, v48  }
0x303: {  	(xrf0) =	vadd.scan.msk.s32 $0xffff, v11;
	_ =	sdelay $0x2  }
0x304: {  	s15 =	spop (v2sf)  }
0x305: {  	s25 =	spop (v2sf);
	v11 =	vld [tilespmem:$0x540]  }
0x306: {  	v49 =	vld [tilespmem:$0x940];
	s1 =	sadd.s32 s1, s15;
	s3 =	sadd.s32 s3, s25;
	v50, _, _ =	vpop (xrf0)  }
0x307: {  	v51 =	vld [tilespmem:$0xB40];
	s15 =	sadd.s32 $0xFFFFFFFF, s1;
	s25 =	ssub.s32 $0x200, s3;
	v52, _, _ =	vpop (xrf0)  }
0x308: {  	v53 =	vadd.s32 s15, v50;
	v54 =	vsub.s32 s25, v52  }
0x309: {  	v55 =	vpop (erf);
	v16 =	vsel vm5, v53, v54  }
0x30a: {  	v11 =	vmul.f32 v55, v11;
	_ =	sdelay $0x1  }
0x30b: {  	v56 =	vnsel vm5, $0x0, v51;
	(v2sf) =	vpush v50, $0xF;
	[tilespmem:$0xD40] =	vst v11;
	v11 =	vnsel vm5, $0x0, v49  }
0x30c: {  	s25 =	sor.u32 $0x140, s26;
	(v2sf) =	vpush v52, $0xF;
	[tilespmem:$0xF40] =	vst v11;
	v11 =	vadd.s32 s26, v56  }
0x30d: {  	[tilespmem:v16+s21+$0x0] =	vst.idx.msk $0xffff, v11;
	v11 =	vor.u32 s25, v2  }
0x30e: {  	[tilespmem:v16+s22+$0x0] =	vst.idx.msk $0xffff, v11  }
0x30f: {  	v11 =	vld [tilespmem:$0x750];
	_ =	sdelay $0x4  }
0x310: {  	vm5 =	vgt.f32 v11, $0.0e+00  }
0x311: {  	v11 =	vmax.f32 v11, $1.000000000e+00;
	vm6 =	vmneg vm5;
	v57 =	vsel vm5, $0x1, v10  }
0x312: {  	(erf) = vrcp.f32 v11;
	v11 =	vsel vm6, $0x1, v10;
	(xrf0) =	vadd.scan.msk.s32 $0xffff, v57  }
0x313: {  	(xrf0) =	vadd.scan.msk.s32 $0xffff, v11;
	_ =	sdelay $0x2  }
0x314: {  	s15 =	spop (v2sf)  }
0x315: {  	s25 =	spop (v2sf);
	v11 =	vld [tilespmem:$0x550]  }
0x316: {  	v58 =	vld [tilespmem:$0x950];
	s1 =	sadd.s32 s1, s15;
	s3 =	sadd.s32 s3, s25;
	v59, _, _ =	vpop (xrf0)  }
0x317: {  	v60 =	vld [tilespmem:$0xB50];
	s15 =	sadd.s32 $0xFFFFFFFF, s1;
	s25 =	ssub.s32 $0x200, s3;
	v61, _, _ =	vpop (xrf0)  }
0x318: {  	v62 =	vadd.s32 s15, v59;
	v63 =	vsub.s32 s25, v61  }
0x319: {  	v20 =	vpop (erf);
	v16 =	vsel vm5, v62, v63  }
0x31a: {  	v11 =	vmul.f32 v20, v11;
	_ =	sdelay $0x1  }
0x31b: {  	v21 =	vnsel vm5, $0x0, v60;
	(v2sf) =	vpush v59, $0xF;
	[tilespmem:$0xD50] =	vst v11;
	v11 =	vnsel vm5, $0x0, v58  }
0x31c: {  	s25 =	sor.u32 $0x150, s26;
	(v2sf) =	vpush v61, $0xF;
	[tilespmem:$0xF50] =	vst v11;
	v11 =	vadd.s32 s26, v21  }
0x31d: {  	[tilespmem:v16+s21+$0x0] =	vst.idx.msk $0xffff, v11;
	v11 =	vor.u32 s25, v2  }
0x31e: {  	[tilespmem:v16+s22+$0x0] =	vst.idx.msk $0xffff, v11  }
0x31f: {  	v11 =	vld [tilespmem:$0x760];
	_ =	sdelay $0x4  }
0x320: {  	vm5 =	vgt.f32 v11, $0.0e+00  }
0x321: {  	v11 =	vmax.f32 v11, $1.000000000e+00;
	vm6 =	vmneg vm5;
	v22 =	vsel vm5, $0x1, v10  }
0x322: {  	(erf) = vrcp.f32 v11;
	v11 =	vsel vm6, $0x1, v10;
	(xrf0) =	vadd.scan.msk.s32 $0xffff, v22  }
0x323: {  	(xrf0) =	vadd.scan.msk.s32 $0xffff, v11;
	_ =	sdelay $0x2  }
0x324: {  	s15 =	spop (v2sf)  }
0x325: {  	s25 =	spop (v2sf);
	v11 =	vld [tilespmem:$0x560]  }
0x326: {  	v23 =	vld [tilespmem:$0x960];
	s1 =	sadd.s32 s1, s15;
	s3 =	sadd.s32 s3, s25;
	v24, _, _ =	vpop (xrf0)  }
0x327: {  	v25 =	vld [tilespmem:$0xB60];
	s15 =	sadd.s32 $0xFFFFFFFF, s1;
	s25 =	ssub.s32 $0x200, s3;
	v26, _, _ =	vpop (xrf0)  }
0x328: {  	v27 =	vadd.s32 s15, v24;
	v28 =	vsub.s32 s25, v26  }
0x329: {  	v29 =	vpop (erf);
	v16 =	vsel vm5, v27, v28  }
0x32a: {  	v11 =	vmul.f32 v29, v11;
	_ =	sdelay $0x1  }
0x32b: {  	v30 =	vnsel vm5, $0x0, v25;
	(v2sf) =	vpush v24, $0xF;
	[tilespmem:$0xD60] =	vst v11;
	v11 =	vnsel vm5, $0x0, v23  }
0x32c: {  	s25 =	sor.u32 $0x160, s26;
	(v2sf) =	vpush v26, $0xF;
	[tilespmem:$0xF60] =	vst v11;
	v11 =	vadd.s32 s26, v30  }
0x32d: {  	[tilespmem:v16+s21+$0x0] =	vst.idx.msk $0xffff, v11;
	v11 =	vor.u32 s25, v2  }
0x32e: {  	[tilespmem:v16+s22+$0x0] =	vst.idx.msk $0xffff, v11  }
0x32f: {  	v11 =	vld [tilespmem:$0x770];
	_ =	sdelay $0x4  }
0x330: {  	vm5 =	vgt.f32 v11, $0.0e+00  }
0x331: {  	v11 =	vmax.f32 v11, $1.000000000e+00;
	vm6 =	vmneg vm5;
	v31 =	vsel vm5, $0x1, v10  }
0x332: {  	(erf) = vrcp.f32 v11;
	v11 =	vsel vm6, $0x1, v10;
	(xrf0) =	vadd.scan.msk.s32 $0xffff, v31  }
0x333: {  	(xrf0) =	vadd.scan.msk.s32 $0xffff, v11;
	_ =	sdelay $0x2  }
0x334: {  	s15 =	spop (v2sf)  }
0x335: {  	s25 =	spop (v2sf);
	v11 =	vld [tilespmem:$0x570]  }
0x336: {  	v32 =	vld [tilespmem:$0x970];
	s1 =	sadd.s32 s1, s15;
	s3 =	sadd.s32 s3, s25;
	v33, _, _ =	vpop (xrf0)  }
0x337: {  	v34 =	vld [tilespmem:$0xB70];
	s15 =	sadd.s32 $0xFFFFFFFF, s1;
	s25 =	ssub.s32 $0x200, s3;
	v35, _, _ =	vpop (xrf0)  }
0x338: {  	v36 =	vadd.s32 s15, v33;
	v37 =	vsub.s32 s25, v35  }
0x339: {  	v38 =	vpop (erf);
	v16 =	vsel vm5, v36, v37  }
0x33a: {  	v11 =	vmul.f32 v38, v11;
	_ =	sdelay $0x1  }
0x33b: {  	v39 =	vnsel vm5, $0x0, v34;
	(v2sf) =	vpush v33, $0xF;
	[tilespmem:$0xD70] =	vst v11;
	v11 =	vnsel vm5, $0x0, v32  }
0x33c: {  	s25 =	sor.u32 $0x170, s26;
	(v2sf) =	vpush v35, $0xF;
	[tilespmem:$0xF70] =	vst v11;
	v11 =	vadd.s32 s26, v39  }
0x33d: {  	[tilespmem:v16+s21+$0x0] =	vst.idx.msk $0xffff, v11;
	v11 =	vor.u32 s25, v2  }
0x33e: {  	[tilespmem:v16+s22+$0x0] =	vst.idx.msk $0xffff, v11  }
0x33f: {  	v11 =	vld [tilespmem:$0x780];
	_ =	sdelay $0x4  }
0x340: {  	vm5 =	vgt.f32 v11, $0.0e+00  }
0x341: {  	v11 =	vmax.f32 v11, $1.000000000e+00;
	vm6 =	vmneg vm5;
	v40 =	vsel vm5, $0x1, v10  }
0x342: {  	(erf) = vrcp.f32 v11;
	v11 =	vsel vm6, $0x1, v10;
	(xrf0) =	vadd.scan.msk.s32 $0xffff, v40  }
0x343: {  	(xrf0) =	vadd.scan.msk.s32 $0xffff, v11;
	_ =	sdelay $0x2  }
0x344: {  	s15 =	spop (v2sf)  }
0x345: {  	s25 =	spop (v2sf);
	v11 =	vld [tilespmem:$0x580]  }
0x346: {  	v41 =	vld [tilespmem:$0x980];
	s1 =	sadd.s32 s1, s15;
	s3 =	sadd.s32 s3, s25;
	v42, _, _ =	vpop (xrf0)  }
0x347: {  	v43 =	vld [tilespmem:$0xB80];
	s15 =	sadd.s32 $0xFFFFFFFF, s1;
	s25 =	ssub.s32 $0x200, s3;
	v44, _, _ =	vpop (xrf0)  }
0x348: {  	v45 =	vadd.s32 s15, v42;
	v46 =	vsub.s32 s25, v44  }
0x349: {  	v47 =	vpop (erf);
	v16 =	vsel vm5, v45, v46  }
0x34a: {  	v11 =	vmul.f32 v47, v11;
	_ =	sdelay $0x1  }
0x34b: {  	v48 =	vnsel vm5, $0x0, v43;
	(v2sf) =	vpush v42, $0xF;
	[tilespmem:$0xD80] =	vst v11;
	v11 =	vnsel vm5, $0x0, v41  }
0x34c: {  	s25 =	sor.u32 $0x180, s26;
	(v2sf) =	vpush v44, $0xF;
	[tilespmem:$0xF80] =	vst v11;
	v11 =	vadd.s32 s26, v48  }
0x34d: {  	[tilespmem:v16+s21+$0x0] =	vst.idx.msk $0xffff, v11;
	v11 =	vor.u32 s25, v2  }
0x34e: {  	[tilespmem:v16+s22+$0x0] =	vst.idx.msk $0xffff, v11  }
0x34f: {  	v11 =	vld [tilespmem:$0x790];
	_ =	sdelay $0x4  }
0x350: {  	vm5 =	vgt.f32 v11, $0.0e+00  }
0x351: {  	v11 =	vmax.f32 v11, $1.000000000e+00;
	vm6 =	vmneg vm5;
	v49 =	vsel vm5, $0x1, v10  }
0x352: {  	(erf) = vrcp.f32 v11;
	v11 =	vsel vm6, $0x1, v10;
	(xrf0) =	vadd.scan.msk.s32 $0xffff, v49  }
0x353: {  	(xrf0) =	vadd.scan.msk.s32 $0xffff, v11;
	_ =	sdelay $0x2  }
0x354: {  	s15 =	spop (v2sf)  }
0x355: {  	s25 =	spop (v2sf);
	v11 =	vld [tilespmem:$0x590]  }
0x356: {  	v50 =	vld [tilespmem:$0x990];
	s1 =	sadd.s32 s1, s15;
	s3 =	sadd.s32 s3, s25;
	v51, _, _ =	vpop (xrf0)  }
0x357: {  	v52 =	vld [tilespmem:$0xB90];
	s15 =	sadd.s32 $0xFFFFFFFF, s1;
	s25 =	ssub.s32 $0x200, s3;
	v53, _, _ =	vpop (xrf0)  }
0x358: {  	v54 =	vadd.s32 s15, v51;
	v55 =	vsub.s32 s25, v53  }
0x359: {  	v56 =	vpop (erf);
	v16 =	vsel vm5, v54, v55  }
0x35a: {  	v11 =	vmul.f32 v56, v11;
	_ =	sdelay $0x1  }
0x35b: {  	v57 =	vnsel vm5, $0x0, v52;
	(v2sf) =	vpush v51, $0xF;
	[tilespmem:$0xD90] =	vst v11;
	v11 =	vnsel vm5, $0x0, v50  }
0x35c: {  	s25 =	sor.u32 $0x190, s26;
	(v2sf) =	vpush v53, $0xF;
	[tilespmem:$0xF90] =	vst v11;
	v11 =	vadd.s32 s26, v57  }
0x35d: {  	[tilespmem:v16+s21+$0x0] =	vst.idx.msk $0xffff, v11;
	v11 =	vor.u32 s25, v2  }
0x35e: {  	[tilespmem:v16+s22+$0x0] =	vst.idx.msk $0xffff, v11  }
0x35f: {  	v11 =	vld [tilespmem:$0x7A0];
	_ =	sdelay $0x4  }
0x360: {  	vm5 =	vgt.f32 v11, $0.0e+00  }
0x361: {  	v11 =	vmax.f32 v11, $1.000000000e+00;
	vm6 =	vmneg vm5;
	v58 =	vsel vm5, $0x1, v10  }
0x362: {  	(erf) = vrcp.f32 v11;
	v11 =	vsel vm6, $0x1, v10;
	(xrf0) =	vadd.scan.msk.s32 $0xffff, v58  }
0x363: {  	(xrf0) =	vadd.scan.msk.s32 $0xffff, v11;
	_ =	sdelay $0x2  }
0x364: {  	s15 =	spop (v2sf)  }
0x365: {  	s25 =	spop (v2sf);
	v11 =	vld [tilespmem:$0x5A0]  }
0x366: {  	v59 =	vld [tilespmem:$0x9A0];
	s1 =	sadd.s32 s1, s15;
	s3 =	sadd.s32 s3, s25;
	v60, _, _ =	vpop (xrf0)  }
0x367: {  	v61 =	vld [tilespmem:$0xBA0];
	s15 =	sadd.s32 $0xFFFFFFFF, s1;
	s25 =	ssub.s32 $0x200, s3;
	v62, _, _ =	vpop (xrf0)  }
0x368: {  	v63 =	vadd.s32 s15, v60;
	v20 =	vsub.s32 s25, v62  }
0x369: {  	v21 =	vpop (erf);
	v16 =	vsel vm5, v63, v20  }
0x36a: {  	v11 =	vmul.f32 v21, v11;
	_ =	sdelay $0x1  }
0x36b: {  	v22 =	vnsel vm5, $0x0, v61;
	(v2sf) =	vpush v60, $0xF;
	[tilespmem:$0xDA0] =	vst v11;
	v11 =	vnsel vm5, $0x0, v59  }
0x36c: {  	s25 =	sor.u32 $0x1A0, s26;
	(v2sf) =	vpush v62, $0xF;
	[tilespmem:$0xFA0] =	vst v11;
	v11 =	vadd.s32 s26, v22  }
0x36d: {  	[tilespmem:v16+s21+$0x0] =	vst.idx.msk $0xffff, v11;
	v11 =	vor.u32 s25, v2  }
0x36e: {  	[tilespmem:v16+s22+$0x0] =	vst.idx.msk $0xffff, v11  }
0x36f: {  	v11 =	vld [tilespmem:$0x7B0];
	_ =	sdelay $0x4  }
0x370: {  	vm5 =	vgt.f32 v11, $0.0e+00  }
0x371: {  	v11 =	vmax.f32 v11, $1.000000000e+00;
	vm6 =	vmneg vm5;
	v23 =	vsel vm5, $0x1, v10  }
0x372: {  	(erf) = vrcp.f32 v11;
	v11 =	vsel vm6, $0x1, v10;
	(xrf0) =	vadd.scan.msk.s32 $0xffff, v23  }
0x373: {  	(xrf0) =	vadd.scan.msk.s32 $0xffff, v11;
	_ =	sdelay $0x2  }
0x374: {  	s15 =	spop (v2sf)  }
0x375: {  	s25 =	spop (v2sf);
	v11 =	vld [tilespmem:$0x5B0]  }
0x376: {  	v24 =	vld [tilespmem:$0x9B0];
	s1 =	sadd.s32 s1, s15;
	s3 =	sadd.s32 s3, s25;
	v25, _, _ =	vpop (xrf0)  }
0x377: {  	v26 =	vld [tilespmem:$0xBB0];
	s15 =	sadd.s32 $0xFFFFFFFF, s1;
	s25 =	ssub.s32 $0x200, s3;
	v27, _, _ =	vpop (xrf0)  }
0x378: {  	v28 =	vadd.s32 s15, v25;
	v29 =	vsub.s32 s25, v27  }
0x379: {  	v30 =	vpop (erf);
	v16 =	vsel vm5, v28, v29  }
0x37a: {  	v11 =	vmul.f32 v30, v11;
	_ =	sdelay $0x1  }
0x37b: {  	v31 =	vnsel vm5, $0x0, v26;
	(v2sf) =	vpush v25, $0xF;
	[tilespmem:$0xDB0] =	vst v11;
	v11 =	vnsel vm5, $0x0, v24  }
0x37c: {  	s25 =	sor.u32 $0x1B0, s26;
	(v2sf) =	vpush v27, $0xF;
	[tilespmem:$0xFB0] =	vst v11;
	v11 =	vadd.s32 s26, v31  }
0x37d: {  	[tilespmem:v16+s21+$0x0] =	vst.idx.msk $0xffff, v11;
	v11 =	vor.u32 s25, v2  }
0x37e: {  	[tilespmem:v16+s22+$0x0] =	vst.idx.msk $0xffff, v11  }
0x37f: {  	v11 =	vld [tilespmem:$0x7C0];
	_ =	sdelay $0x4  }
0x380: {  	vm5 =	vgt.f32 v11, $0.0e+00  }
0x381: {  	v11 =	vmax.f32 v11, $1.000000000e+00;
	vm6 =	vmneg vm5;
	v32 =	vsel vm5, $0x1, v10  }
0x382: {  	(erf) = vrcp.f32 v11;
	v11 =	vsel vm6, $0x1, v10;
	(xrf0) =	vadd.scan.msk.s32 $0xffff, v32  }
0x383: {  	(xrf0) =	vadd.scan.msk.s32 $0xffff, v11;
	_ =	sdelay $0x2  }
0x384: {  	s15 =	spop (v2sf)  }
0x385: {  	s25 =	spop (v2sf);
	v11 =	vld [tilespmem:$0x5C0]  }
0x386: {  	v33 =	vld [tilespmem:$0x9C0];
	s1 =	sadd.s32 s1, s15;
	s3 =	sadd.s32 s3, s25;
	v34, _, _ =	vpop (xrf0)  }
0x387: {  	v35 =	vld [tilespmem:$0xBC0];
	s15 =	sadd.s32 $0xFFFFFFFF, s1;
	s25 =	ssub.s32 $0x200, s3;
	v36, _, _ =	vpop (xrf0)  }
0x388: {  	v37 =	vadd.s32 s15, v34;
	v38 =	vsub.s32 s25, v36  }
0x389: {  	v39 =	vpop (erf);
	v16 =	vsel vm5, v37, v38  }
0x38a: {  	v11 =	vmul.f32 v39, v11;
	_ =	sdelay $0x1  }
0x38b: {  	v40 =	vnsel vm5, $0x0, v35;
	(v2sf) =	vpush v34, $0xF;
	[tilespmem:$0xDC0] =	vst v11;
	v11 =	vnsel vm5, $0x0, v33  }
0x38c: {  	s25 =	sor.u32 $0x1C0, s26;
	(v2sf) =	vpush v36, $0xF;
	[tilespmem:$0xFC0] =	vst v11;
	v11 =	vadd.s32 s26, v40  }
0x38d: {  	[tilespmem:v16+s21+$0x0] =	vst.idx.msk $0xffff, v11;
	v11 =	vor.u32 s25, v2  }
0x38e: {  	[tilespmem:v16+s22+$0x0] =	vst.idx.msk $0xffff, v11  }
0x38f: {  	v11 =	vld [tilespmem:$0x7D0];
	_ =	sdelay $0x4  }
0x390: {  	vm5 =	vgt.f32 v11, $0.0e+00  }
0x391: {  	v11 =	vmax.f32 v11, $1.000000000e+00;
	vm6 =	vmneg vm5;
	v41 =	vsel vm5, $0x1, v10  }
0x392: {  	(erf) = vrcp.f32 v11;
	v11 =	vsel vm6, $0x1, v10;
	(xrf0) =	vadd.scan.msk.s32 $0xffff, v41  }
0x393: {  	(xrf0) =	vadd.scan.msk.s32 $0xffff, v11;
	_ =	sdelay $0x2  }
0x394: {  	s15 =	spop (v2sf)  }
0x395: {  	s25 =	spop (v2sf);
	v11 =	vld [tilespmem:$0x5D0]  }
0x396: {  	v42 =	vld [tilespmem:$0x9D0];
	s1 =	sadd.s32 s1, s15;
	s3 =	sadd.s32 s3, s25;
	v43, _, _ =	vpop (xrf0)  }
0x397: {  	v44 =	vld [tilespmem:$0xBD0];
	s15 =	sadd.s32 $0xFFFFFFFF, s1;
	s25 =	ssub.s32 $0x200, s3;
	v45, _, _ =	vpop (xrf0)  }
0x398: {  	v46 =	vadd.s32 s15, v43;
	v47 =	vsub.s32 s25, v45  }
0x399: {  	v48 =	vpop (erf);
	v16 =	vsel vm5, v46, v47  }
0x39a: {  	v11 =	vmul.f32 v48, v11;
	_ =	sdelay $0x1  }
0x39b: {  	v49 =	vnsel vm5, $0x0, v44;
	(v2sf) =	vpush v43, $0xF;
	[tilespmem:$0xDD0] =	vst v11;
	v11 =	vnsel vm5, $0x0, v42  }
0x39c: {  	s25 =	sor.u32 $0x1D0, s26;
	(v2sf) =	vpush v45, $0xF;
	[tilespmem:$0xFD0] =	vst v11;
	v11 =	vadd.s32 s26, v49  }
0x39d: {  	[tilespmem:v16+s21+$0x0] =	vst.idx.msk $0xffff, v11;
	v11 =	vor.u32 s25, v2  }
0x39e: {  	[tilespmem:v16+s22+$0x0] =	vst.idx.msk $0xffff, v11  }
0x39f: {  	v11 =	vld [tilespmem:$0x7E0];
	_ =	sdelay $0x4  }
0x3a0: {  	vm5 =	vgt.f32 v11, $0.0e+00  }
0x3a1: {  	v11 =	vmax.f32 v11, $1.000000000e+00;
	vm6 =	vmneg vm5;
	v50 =	vsel vm5, $0x1, v10  }
0x3a2: {  	(erf) = vrcp.f32 v11;
	v11 =	vsel vm6, $0x1, v10;
	(xrf0) =	vadd.scan.msk.s32 $0xffff, v50  }
0x3a3: {  	(xrf0) =	vadd.scan.msk.s32 $0xffff, v11;
	_ =	sdelay $0x2  }
0x3a4: {  	s15 =	spop (v2sf)  }
0x3a5: {  	s25 =	spop (v2sf);
	v11 =	vld [tilespmem:$0x5E0]  }
0x3a6: {  	v51 =	vld [tilespmem:$0x9E0];
	s1 =	sadd.s32 s1, s15;
	s3 =	sadd.s32 s3, s25;
	v12, _, _ =	vpop (xrf0)  }
0x3a7: {  	v52 =	vld [tilespmem:$0xBE0];
	s15 =	sadd.s32 $0xFFFFFFFF, s1;
	s25 =	ssub.s32 $0x200, s3;
	v53, _, _ =	vpop (xrf0)  }
0x3a8: {  	v54 =	vadd.s32 s15, v12;
	v55 =	vsub.s32 s25, v53  }
0x3a9: {  	v56 =	vpop (erf);
	v16 =	vsel vm5, v54, v55  }
0x3aa: {  	v11 =	vmul.f32 v56, v11;
	_ =	sdelay $0x1  }
0x3ab: {  	v57 =	vnsel vm5, $0x0, v52;
	[tilespmem:$0xDE0] =	vst v11;
	v11 =	vnsel vm5, $0x0, v51  }
0x3ac: {  	s25 =	sor.u32 $0x1E0, s26;
	[tilespmem:$0xFE0] =	vst v11;
	v11 =	vadd.s32 s26, v57  }
0x3ad: {  	[tilespmem:v16+s21+$0x0] =	vst.idx.msk $0xffff, v11;
	v11 =	vor.u32 s25, v2  }
0x3ae: {  	[tilespmem:v16+s22+$0x0] =	vst.idx.msk $0xffff, v11  }
0x3af: {  	v11 =	vld [tilespmem:$0x7F0];
	_ =	sdelay $0x4  }
0x3b0: {  	vm5 =	vgt.f32 v11, $0.0e+00  }
0x3b1: {  	v58 =	vsel vm5, $0x1, v10  }
0x3b2: {  	(xrf0) =	vadd.scan.msk.s32 $0xffff, v58;
	_ =	sdelay $0x2  }
0x3b3: {  	(v2sf) =	vpush v12, $0xF  }
0x3b4: {  	(v2sf) =	vpush v53, $0xF;
	_ =	sdelay $0x1  }
0x3b5: {  	v12, _, _ =	vpop (xrf0)  }
0x3b6: {  	(v2sf) =	vpush v12, $0xF;
	_ =	sdelay $0x5  }
0x3b7: {  	v11 =	vmax.f32 v11, $1.000000000e+00;
	vm6 =	vmneg vm5  }
0x3b8: {  	(erf) = vrcp.f32 v11;
	v11 =	vsel vm6, $0x1, v10  }
0x3b9: {  	(xrf0) =	vadd.scan.msk.s32 $0xffff, v11;
	_ =	sdelay $0x2  }
0x3ba: {  	s15 =	spop (v2sf)  }
0x3bb: {  	s25 =	spop (v2sf);
	v11 =	vld [tilespmem:$0x5F0]  }
0x3bc: {  	v59 =	vld [tilespmem:$0x9F0];
	s1 =	sadd.s32 s1, s15;
	s3 =	sadd.s32 s25, s3  }
0x3bd: {  	v60 =	vld [tilespmem:$0xBF0];
	s15 =	sadd.s32 $0xFFFFFFFF, s1;
	s3 =	ssub.s32 $0x200, s3;
	v61, _, _ =	vpop (xrf0)  }
0x3be: {  	v12 =	vadd.s32 s15, v12;
	v15 =	vsub.s32 s3, v61;
	s25 =	spop (v2sf)  }
0x3bf: {  	v62 =	vpop (erf);
	v12 =	vsel vm5, v12, v15;
	s1 =	sadd.s32 s1, s25  }
0x3c0: {  	v11 =	vmul.f32 v62, v11;
	p0 =	slt.s32 s1, $0x1  }
.Ltmp6:
0x3c1: {  	_ = 	snop;
	(pc) =	sbr.rel @p0 .LBB2_7-.Ltmp6, $4  }
0x3c2: {  	v63 =	vnsel vm5, $0x0, v60;
	[tilespmem:$0xDF0] =	vst v11;
	v11 =	vnsel vm5, $0x0, v59  }
0x3c3: {  	[tilespmem:$0xFF0] =	vst v11;
	v11 =	vadd.s32 s26, v63;
	s26 =	sor.u32 $0x1F0, s26  }
0x3c4: {  	[tilespmem:v12+s21+$0x0] =	vst.idx.msk $0xffff, v11;
	v11 =	vor.u32 s26, v2  }
0x3c5: {  	[tilespmem:v12+s22+$0x0] =	vst.idx.msk $0xffff, v11  }
0x3c6: {  	p0 =	slt.u32 s1, $0x81  }
.Ltmp7:
0x3c7: {  	_ = 	snop;
	(pc) =	sbr.rel @p0 .LBB2_12-.Ltmp7, $3  }
0x3c8: {  	_ =	sdelay $0x1  }
0x3c9: {  	s3 =	simm.s32 $0x80;
	p1 =	por $0x0, $0x0  }
0x3ca: {  	[tilespmem:s13], [sflag:$0x1] =	stream.indirect.gather [hbm4b:s2+s3], $0x40, s21, s3, $0xb8;
	[tilespmem:$0xB400] =	vst v63  }
0x3cb: {  	s3 =	simm.s32 $0x80  }
0x3cc: {  	s15 =	simm.s32 $0x1080;
	s25 =	simm.s32 $0x3400;
	p0 =	slt.u32 s1, $0x101  }
0x3cd: {  	[tilespmem:s25], [sflag:$0x1] =	stream.indirect.gather [hbm4b:s2+s3], $0x40, s15, s3, $0xb8;
	[tilespmem:$0xB400] =	vst v63  }
0x3ce: {  	s3 =	simm.s32 @!p0 $0x80;
	p1 =	slt.u32 @!p0 s1, $0x181  }
0x3cf: {  	s15 =	simm.s32 @!p0 $0x1100;
	s25 =	simm.s32 @!p0 $0x5400;
	p2 =	por p1, p0  }
0x3d0: {  	[tilespmem:s25], [sflag:$0x1] =	stream.indirect.gather @!p0 [hbm4b:s2+s3], $0x40, s15, s3, $0xb8;
	[tilespmem:$0xB400] =	vst v63  }
0x3d1: {  	s3 =	simm.s32 @!p2 $0x80;
	s15 =	simm.s32 @!p2 $0x1180;
	s25 =	simm.s32 @!p2 $0x7400  }
0x3d2: {  	[tilespmem:s25], [sflag:$0x1] =	stream.indirect.gather @!p2 [hbm4b:s2+s3], $0x40, s15, s3, $0xb8;
	[tilespmem:$0xB400] =	vst v63  }
0x3d3: {  	_ =	swait.ge [sflag:s16], $0x2000  }
.Ltmp8:
0x3d4: {  	[sflag:s16] =	ssyncset.done $0x0;
	(pc) =	sbr.rel @p0 .LBB2_11-.Ltmp8, $4  }
0x3d5: {  	p3 =	por @!p0 $0x0, $0x0;
	[sflag:s16] =	ssyncadd.s32 $0xFFFFE000  }
0x3d6: {  	p1 =	por !p1, p0;
	p2 =	por @!p2 $0x1, $0x1;
	_ =	swait.ge [sflag:s16], $0x2000  }
0x3d7: {  	p2 =	por @!p1 p3, p3;
	p3 =	por $0x0, $0x0;
	[sflag:s16] =	ssyncset.done $0x0  }
0x3d8: {  	p3 =	por @!p0 p2, p2;
	[sflag:s16] =	ssyncadd.s32 $0xFFFFE000  }
.Ltmp9:
0x3d9: {  	(pc) =	sbr.rel @p3 .LBB2_12-.Ltmp9, $4  }
.Ltmp10:
0x3da: {  	(pc) =	sbr.rel @!p3 .LBB2_13-.Ltmp10, $4  }
0x3db: {  	_ =	swait.ge [sflag:s16], $0x2000  }
0x3dc: {  	p6 =	por $0x0, $0x0;
	[sflag:s16] =	ssyncset.done $0x0  }
0x3dd: {  	p1 =	por $0x1, $0x1;
	p2 =	por $0x1, $0x1;
	[sflag:s16] =	ssyncadd.s32 $0xFFFFE000  }
0x3de: {  	_ = 	snop  }
.LBB2_7:
.Ltmp11:
0x3df: {  	(pc) =	sbr.rel .LBB2_13-.Ltmp11, $2  }
0x3e0: {  	_ =	sdelay $0x2  }
0x3e1: {  	p6 =	por $0x0, $0x0;
	p2 =	por $0x0, $0x0;
	p1 =	por $0x0, $0x0  }
.LBB2_11:
.Ltmp12:
0x3e2: {  	(pc) =	sbr.rel @!p3 .LBB2_13-.Ltmp12, $2  }
0x3e3: {  	_ =	sdelay $0x2  }
0x3e4: {  	p2 =	por $0x1, $0x1;
	p1 =	por $0x0, $0x0;
	p6 =	por $0x0, $0x0  }
.LBB2_12:
0x3e5: {  	_ =	swait.ge [sflag:s16], $0x2000  }
0x3e6: {  	p6 =	sgt.u32 s1, $0x80;
	[sflag:s16] =	ssyncset.done $0x0  }
0x3e7: {  	p2 =	por p6, p6;
	[sflag:s16] =	ssyncadd.s32 $0xFFFFE000  }
.LBB2_13:
0x3e8: {  	s3 =	sshll.u32 s1, $0x8  }
0x3e9: {  	p0 =	sgt.s32 s1, $0x0;
	s3 =	sshra.s32 s3, $0x2  }
.Ltmp13:
0x3ea: {  	s3 =	sadd.s32 $0x1400, s3;
	(pc) =	sbr.rel @!p0 .LBB2_14-.Ltmp13, $4  }
0x3eb: {  	[tilespmem:s3], [sflag:$0x3] =	stream.linear.gather [hbm4b:s9+s4], $0x1000, $0x38;
	[tilespmem:$0xB400] =	vst v63  }
0x3ec: {  	_ =	swait.ge [sflag:s14], $0x1000  }
0x3ed: {  	[sflag:s14] =	ssyncset.done $0x0  }
0x3ee: {  	[sflag:s14] =	ssyncadd.s32 $0xFFFFF000  }
0x3ef: {  	p0 =	sgt.u32 s1, $0x40  }
.Ltmp14:
0x3f0: {  	_ = 	snop;
	(pc) =	sbr.rel @!p0 .LBB2_15-.Ltmp14, $2  }
0x3f1: {  	_ =	sdelay $0x2  }
0x3f2: {  	[hbm4b:s8+s23] =	stream.indirect.scatter [tilespmem:s13], [sflag:$0x2], $0x40, s22, s23, $0xb8;
	[tilespmem:$0xB400] =	vst v63  }
0x3f3: {  	p0 =	por $0x1, $0x1  }
.Ltmp15:
0x3f4: {  	s3 =	simm.s32 @!p0 $0x0;
	(pc) =	sbr.rel .LBB2_18-.Ltmp15, $4  }
0x3f5: {  	s3 =	simm.s32 @p0 $0x1;
	p0 =	por $0x0, $0x0  }
0x3f6: {  	[smem:$0x7FC] =	sst s3;
	s3 =	simm.s32 @!p0 $0x0  }
0x3f7: {  	s3 =	simm.s32 @p0 $0x1  }
0x3f8: {  	[smem:$0x7FD] =	sst s3;
	s3 =	simm.s32 $0x2400  }
.LBB2_14:
0x3f9: {  	[hbm4b:s8+s23] =	stream.indirect.scatter [tilespmem:s24], [sflag:$0x2], $0x40, s22, s23, $0xb8;
	[tilespmem:$0xB400] =	vst v63  }
.LBB2_15:
0x3fa: {  	p0 =	por $0x0, $0x0  }
0x3fb: {  	s3 =	simm.s32 @!p0 $0x0  }
0x3fc: {  	s3 =	simm.s32 @p0 $0x1;
	p0 =	por $0x1, $0x1  }
0x3fd: {  	[smem:$0x7FC] =	sst s3;
	s3 =	simm.s32 @!p0 $0x0  }
0x3fe: {  	s3 =	simm.s32 @p0 $0x1  }
0x3ff: {  	[smem:$0x7FD] =	sst s3;
	s3 =	simm.s32 $0xA400  }
.LBB2_18:
0x400: {  	p5 =	sgt.s32 s1, $0x80  }
.Ltmp16:
0x401: {  	_ = 	snop;
	(pc) =	sbr.rel @p5 .LBB2_21-.Ltmp16, $4  }
0x402: {  	s15 =	simm.s32 $0x1240  }
0x403: {  	[hbm4b:s8+s23] =	stream.indirect.scatter [tilespmem:s3], [sflag:$0x2], $0x40, s15, s23, $0xb8;
	[tilespmem:$0xB400] =	vst v63  }
0x404: {  	s25 =	simm.s32 @p2 $0x3400;
	s3 =	simm.s32 @p2 $0x40;
	s15 =	simm.s32 @p2 $0x1280  }
0x405: {  	[hbm4b:s8+s3] =	stream.indirect.scatter @p2 [tilespmem:s25], [sflag:$0x2], $0x40, s15, s3, $0xb8;
	[tilespmem:$0xB400] =	vst v63  }
.Ltmp17:
0x406: {  	(pc) =	sbr.rel .LBB2_20-.Ltmp17, $3  }
0x407: {  	_ =	sdelay $0x1  }
0x408: {  	s3 =	simm.s32 $0x1280  }
0x409: {  	[hbm4b:s8+s23] =	stream.indirect.scatter [tilespmem:s24], [sflag:$0x2], $0x40, s3, s23, $0xb8;
	[tilespmem:$0xB400] =	vst v63  }
.LBB2_21:
0x40a: {  	p0 =	sgt.u32 s1, $0xC0  }
.Ltmp18:
0x40b: {  	_ = 	snop;
	(pc) =	sbr.rel @!p0 .LBB2_20-.Ltmp18, $1  }
0x40c: {  	_ =	sdelay $0x3  }
0x40d: {  	p0 =	por $0x1, $0x1  }
.Ltmp19:
0x40e: {  	s3 =	simm.s32 @!p0 $0x0;
	(pc) =	sbr.rel .LBB2_23-.Ltmp19, $4  }
0x40f: {  	s3 =	simm.s32 @p0 $0x1;
	p0 =	por $0x0, $0x0  }
0x410: {  	[smem:$0x7FA] =	sst s3;
	s3 =	simm.s32 @!p0 $0x0  }
0x411: {  	s3 =	simm.s32 @p0 $0x1  }
0x412: {  	[smem:$0x7FB] =	sst s3;
	s3 =	simm.s32 $0x4400  }
.LBB2_20:
0x413: {  	p0 =	por $0x0, $0x0  }
0x414: {  	s3 =	simm.s32 @!p0 $0x0  }
0x415: {  	s3 =	simm.s32 @p0 $0x1;
	p0 =	por $0x1, $0x1  }
0x416: {  	[smem:$0x7FA] =	sst s3;
	s3 =	simm.s32 @!p0 $0x0  }
0x417: {  	s3 =	simm.s32 @p0 $0x1  }
0x418: {  	[smem:$0x7FB] =	sst s3;
	s3 =	simm.s32 $0xA400  }
.LBB2_23:
0x419: {  	p4 =	sgt.s32 s1, $0x100  }
.Ltmp20:
0x41a: {  	_ = 	snop;
	(pc) =	sbr.rel @p4 .LBB2_26-.Ltmp20, $4  }
0x41b: {  	_ = 	snop  }
0x41c: {  	[hbm4b:s8+s23] =	stream.indirect.scatter [tilespmem:s3], [sflag:$0x2], $0x40, s28, s23, $0xb8;
	[tilespmem:$0xB400] =	vst v63  }
0x41d: {  	s3 =	simm.s32 @p1 $0x40;
	s15 =	simm.s32 @p1 $0x1300;
	s25 =	simm.s32 @p1 $0x5400  }
0x41e: {  	[hbm4b:s8+s3] =	stream.indirect.scatter @p1 [tilespmem:s25], [sflag:$0x2], $0x40, s15, s3, $0xb8;
	[tilespmem:$0xB400] =	vst v63  }
.Ltmp21:
0x41f: {  	(pc) =	sbr.rel .LBB2_25-.Ltmp21, $3  }
0x420: {  	_ =	sdelay $0x1  }
0x421: {  	s3 =	simm.s32 $0x1300  }
0x422: {  	[hbm4b:s8+s23] =	stream.indirect.scatter [tilespmem:s24], [sflag:$0x2], $0x40, s3, s23, $0xb8;
	[tilespmem:$0xB400] =	vst v63  }
.LBB2_26:
0x423: {  	p0 =	sgt.u32 s1, $0x140  }
.Ltmp22:
0x424: {  	_ = 	snop;
	(pc) =	sbr.rel @!p0 .LBB2_25-.Ltmp22, $1  }
0x425: {  	_ =	sdelay $0x3  }
0x426: {  	p0 =	por $0x1, $0x1  }
.Ltmp23:
0x427: {  	s3 =	simm.s32 @!p0 $0x0;
	(pc) =	sbr.rel .LBB2_28-.Ltmp23, $4  }
0x428: {  	s3 =	simm.s32 @p0 $0x1;
	p0 =	por $0x0, $0x0  }
0x429: {  	[smem:$0x7F8] =	sst s3;
	s3 =	simm.s32 @!p0 $0x0  }
0x42a: {  	s3 =	simm.s32 @p0 $0x1  }
0x42b: {  	[smem:$0x7F9] =	sst s3;
	s3 =	simm.s32 $0x6400  }
.LBB2_25:
0x42c: {  	p0 =	por $0x0, $0x0  }
0x42d: {  	s3 =	simm.s32 @!p0 $0x0  }
0x42e: {  	s3 =	simm.s32 @p0 $0x1;
	p0 =	por $0x1, $0x1  }
0x42f: {  	[smem:$0x7F8] =	sst s3;
	s3 =	simm.s32 @!p0 $0x0  }
0x430: {  	s3 =	simm.s32 @p0 $0x1  }
0x431: {  	[smem:$0x7F9] =	sst s3;
	s3 =	simm.s32 $0xA400  }
.LBB2_28:
0x432: {  	[hbm4b:s8+s23] =	stream.indirect.scatter [tilespmem:s3], [sflag:$0x2], $0x40, s30, s23, $0xb8;
	[tilespmem:$0xB400] =	vst v63  }
0x433: {  	s3 =	simm.s32 @p6 $0x40  }
0x434: {  	s15 =	simm.s32 @p6 $0x1380;
	s25 =	simm.s32 @p6 $0x7400;
	s26 =	simm.s32 @!p6 $0x0  }
0x435: {  	[hbm4b:s8+s3] =	stream.indirect.scatter @p6 [tilespmem:s25], [sflag:$0x2], $0x40, s15, s3, $0xb8;
	[tilespmem:$0xB400] =	vst v63  }
0x436: {  	s26 =	simm.s32 @p6 $0x1;
	p6 =	sgt.s32 s1, $0x180  }
.Ltmp24:
0x437: {  	_ = 	snop;
	(pc) =	sbr.rel @p6 .LBB2_31-.Ltmp24, $4  }
0x438: {  	_ = 	snop  }
0x439: {  	s3 =	simm.s32 @!p1 $0x0  }
0x43a: {  	[smem:$0x7F6] =	sst s26;
	s3 =	simm.s32 @p1 $0x1  }
0x43b: {  	[smem:$0x7F7] =	sst s3  }
.Ltmp25:
0x43c: {  	(pc) =	sbr.rel .LBB2_30-.Ltmp25, $3  }
0x43d: {  	_ =	sdelay $0x1  }
0x43e: {  	s1 =	simm.s32 $0x1380  }
0x43f: {  	[hbm4b:s8+s23] =	stream.indirect.scatter [tilespmem:s24], [sflag:$0x2], $0x40, s1, s23, $0xb8;
	[tilespmem:$0xB400] =	vst v63  }
.LBB2_31:
0x440: {  	p0 =	sgt.u32 s1, $0x1C0  }
.Ltmp26:
0x441: {  	_ = 	snop;
	(pc) =	sbr.rel @p0 .LBB2_32-.Ltmp26, $1  }
0x442: {  	_ =	sdelay $0x3  }
.LBB2_30:
.Ltmp27:
0x443: {  	(pc) =	sbr.rel .LBB2_33-.Ltmp27, $2  }
0x444: {  	_ =	sdelay $0x2  }
0x445: {  	p0 =	por $0x0, $0x0;
	p3 =	por $0x1, $0x1;
	s1 =	simm.s32 $0xA400  }
.LBB2_35:
0x446: {  	_ =	sfence.sel $0x180000  }
0x447: {  	[bflag:$0x0] =	sbarrier.arrive $0xFFFF  }
0x448: {  	_ =	strace $0x90000047  }
0x449: {  	s0 =	stileid.u32;
	[bflag:$0x2] =	sbarrier.arrive $0xFFFF  }
0x44a: {  	p0 =	sne.s32 s0, $0x0;
	s0 =	rddreg [dreg:$0x4]  }
0x44b: {  	s0 =	sadd.s32 @!p0 $0x100000, s0  }
0x44c: {  	[sflag:s0] =	ssyncadd.tile.s32 @!p0 $0x1;
	_ =	shalt  }
.Lfunc_end2:
_tile_overlayer_lowered:
.L_overlay_start_2:
0x44d: {  	(tag) =	ssettag $0x2  }
0x44e: {  	s0 =	rddreg [dreg:$0x0];
	s2 =	stileid.u32  }
0x44f: {  	s1 =	rddreg [dreg:$0x1];
	p0 =	sne.s32 s2, $0x0  }
0x450: {  	s3 =	rddreg [dreg:$0x2];
	[bflag:$0x3] =	sbarrier.arrive $0xFFFF;
	s2 =	simm.s32 @!p0 $0x1C03  }
0x451: {  	[timem:s3], [sflag:s2] =	dma.local @!p0 [hbm:s0], s1  }
0x452: {  	s0 =	simm.s32 @!p0 $0x3  }
0x453: {  	_ =	swait.ge @!p0 [sflag:s0], s1  }
0x454: {  	s1 =	ssub.s32 @!p0 $0x0, s1;
	[sflag:s0] =	ssyncset.done @!p0 $0x0  }
0x455: {  	[sflag:s0] =	ssyncadd.s32 @!p0 s1  }
0x456: {  	[bflag:$0x3] =	sbarrier.arrive $0xFFFF  }
0x457: {  	_ =	shalt  }

// kernel: sparse-core-data-format-call.cloned.1.call-start
scs
called_computation_lowered:
.L_overlay_start_0:
0x0: {  	s2 =	sld [smem:$0x3FD9]  }
0x1: {  	s3 =	sld [smem:$0x3FFE];
	_ =	sdelay $0x1  }
0x2: {  	s1 =	srdreg.scid  }
0x3: {  	s0 =	sand.u32 $0x1, s1  }
0x4: {  	s15 =	sshll.u32 s0, $0xA;
	s2 =	sadd.s32 s3, s2  }
0x5: {  	s2 =	sadd.s32 s2, s15  }
0x6: {  	[smem:$0x3FC5] =	sst s2  }
0x7: {  	_ = 	snop  }
0x8: {  	s2 =	sld [smem:$0x3FD0];
	_ =	sdelay $0x2  }
0x9: {  	s16 =	simm.s32 $0xA;
	s4 =	simm.s32 $0x10  }
0xa: {  	[smem:s4], [sflag:s16] =	dma.local [hbm:s2], $0x1  }
0xb: {  	_ =	swait.eq [sflag:s16], $0x1  }
0xc: {  	[sflag:s16] =	ssyncset.done $0x0  }
0xd: {  	[sflag:s16] =	ssyncadd.s32 $0xFFFFFFFF  }
0xe: {  	s17 =	sld [smem:$0x12];
	(tm) =	ssettm $0x1  }
0xf: {  	s18 =	sld [smem:$0x3FFB];
	_ =	sdelay $0x3  }
0x10: {  	_ =	strace s18  }
0x11: {  	s3 =	sld [smem:$0x3FFC];
	_ =	sdelay $0x3  }
0x12: {  	_ =	strace s3  }
0x13: {  	s3 =	sld [smem:$0x3FFD];
	_ =	sdelay $0x3  }
0x14: {  	_ =	strace s3  }
0x15: {  	_ =	strace $0x8FFFFFFF  }
0x16: {  	s19 =	sld [smem:$0x3FDB];
	_ =	sdelay $0x1  }
0x17: {  	s20 =	simm.s32 $_scs_section_size  }
0x18: {  	s5 =	simm.s32 $_size__tile_overlayer_lowered;
	s6 =	simm.s32 $_tile_overlayer_lowered  }
0x19: {  	s23 =	simm.s32 $0x1BFF;
	s22 =	sshll.u32 s6, $0x1;
	s3 =	sadd.s32 s20, s19  }
0x1a: {  	s7 =	simm.s32 $0x0;
	s21 =	sshll.u32 s5, $0x1;
	s5 =	sadd.s32 s22, s3  }
0x1b: {  	[timem:s7], [sflag:s23] =	dma.local [hbm:s5], s21  }
0x1c: {  	_ =	swait.ge [sflag:s23], s21  }
0x1d: {  	s4 =	ssub.s32 $0x0, s21;
	[sflag:s23] =	ssyncset.done $0x0  }
0x1e: {  	[sflag:s23] =	ssyncadd.s32 s4;
	_ =	sdelay $0x1  }
0x1f: {  	s24 =	simm.s32 $0x1B8B  }
0x20: {  	_ =	swait.ge [sflag:s24], $0x1  }
0x21: {  	[sflag:s24] =	ssyncset.done $0x0  }
0x22: {  	s26 =	simm.s32 $0x1B8E;
	s25 =	sld [smem:$0x3FFE];
	[sflag:s24] =	ssyncadd.s32 $0xFFFFFFFF  }
0x23: {  	s27 =	simm.s32 $execute0_lowered;
	[smem:$0x3FD2] =	sst s26  }
0x24: {  	s5 =	sshll.u32 s27, $0x1;
	_ =	strace $0x80000049;
	[dreg:$0x1] =	wrdreg $0xFFFFFFFF  }
0x25: {  	s28 =	simm.s32 $_size_execute0_lowered;
	s3 =	sadd.s32 s3, s5;
	[dreg:$0x0] =	wrdreg $0x0  }
0x26: {  	s5 =	sshll.u32 s28, $0x1;
	[dreg:$0x2] =	wrdreg s3  }
0x27: {  	[dreg:$0x3] =	wrdreg s5  }
0x28: {  	[dreg:$0x4] =	wrdreg $0xC0  }
0x29: {  	_ =	task [dreg:s7], $0x5FFFF  }
0x2a: {  	[dreg:$0x1] =	wrdreg $0xFFFFFFFF  }
0x2b: {  	[dreg:$0x0] =	wrdreg $0x60  }
0x2c: {  	[dreg:$0x2] =	wrdreg s25  }
0x2d: {  	[dreg:$0x3] =	wrdreg s17  }
0x2e: {  	[dreg:$0x4] =	wrdreg $0x9  }
0x2f: {  	_ =	task.clear_ibuf [dreg:s7], $0x5FFFF;
	_ =	strace $0x90000049  }
0x30: {  	s29 =	simm.s32 $0x9;
	_ =	strace $0x8000004B  }
0x31: {  	_ =	swait.ge [sflag:s29], $0x1  }
0x32: {  	[sflag:s29] =	ssyncadd.s32 $0xFFFFFFFF  }
0x33: {  	_ =	strace $0x9000004B  }
0x34: {  	_ =	sfence  }
0x35: {  	s30 =	sld [smem:$0x0];
	_ =	sdelay $0x2  }
0x36: {  	s31 =	sshll.u32 s1, $0xD;
	s1 =	sshrl.u32 s1, $0x2  }
0x37: {  	s3 =	sand.u32 $0x4000, s31;
	s1 =	sadd.s32 s1, s30  }
0x38: {  	s0 =	sor.u32 s3, s0;
	s1 =	sshll.u32 s1, $0x11  }
0x39: {  	s0 =	sor.u32 s1, s0  }
0x3a: {  	s0 =	sadd.s32 $0x8F2B, s0  }
0x3b: {  	[sflag:s0] =	ssyncadd.remote.s32 $0x1  }
0x3c: {  	_ =	sfence.sel $0xFFFF  }
0x3d: {  	[dreg:$0x0] =	wrdreg $0xFFFFFFFF;
	(pc) =	sbr.abs _section_cstart, $3  }
0x3e: {  	[dreg:$0x1] =	wrdreg $0xFFFFFFFF  }
0x3f: {  	_ =	task.clear_ibuf [dreg:s7], $0x2FFFF;
	_ =	strace $0x9FFFFFFF  }
0x40: {  	(tm) =	ssettm $0x7FFFFFFF  }
0x41: {  	_ =	shalt  }
tec
execute0_lowered:
.L_overlay_start_1:
0x0: {  	(tag) =	ssettag $0x1  }
0x1: {  	s0 =	srdreg.scid  }
0x2: {  	s7 =	rddreg [dreg:$0x0];
	s1 =	sshll.u32 s0, $0x4  }
0x3: {  	s3 =	rddreg [dreg:$0x1];
	s0 =	stileid.u32;
	s1 =	sand.u32 $0x10, s1  }
0x4: {  	s6 =	simm.s32 $0x1;
	s31 =	simm.s32 $0x2;
	s1 =	sor.u32 s0, s1  }
0x5: {  	s13 =	simm.s32 $0x0;
	s9 =	simm.s32 $0x1000;
	s2 =	sshll.u32 s1, $0x1  }
0x6: {  	s14 =	simm.s32 $0x0;
	s10 =	simm.s32 $0x0;
	s4 =	ssub.s32 $0x400, s2  }
0x7: {  	s12 =	simm.s32 $0x0;
	s1 =	rddreg [dreg:$0x2];
	s5 =	sand.u32 $0x3E, s4  }
.Ltmp0:
0x8: {  	_ =	strace $0x8000004A;
	p0 =	sne.s32 s5, $0x0;
	(pc) =	sbr.rel .LBB1_1-.Ltmp0, $4  }
0x9: {  	s11 =	smov.u32 s2;
	s8 =	sshrl.u32 s4, $0x6;
	s6 =	simm.s32 @!p0 $0x0  }
0xa: {  	s4 =	sadd.s32 $0x421400, s7;
	s5 =	simm.s32 $0x1;
	s6 =	sadd.s32 s6, s8  }
0xb: {  	s7 =	sadd.s32 $0x423400, s7;
	[sflag:s5] =	ssyncpa.u1 $0x0;
	s6 =	sshll.u32 s6, $0x2  }
0xc: {  	p0 =	por $0x0, $0x0;
	[sflag:s31] =	ssyncpa.u1 $0x0;
	s8 =	sor.u32 $0x1, s6  }
.LBB1_7:
0xd: {  	s15 =	sadd.s32 $0x80, s10  }
0xe: {  	s13 =	sadd.s32 $0x40, s11;
	s17 =	smov.u32 s11;
	p2 =	sgt.s32 s15, $0x1FF  }
0xf: {  	s17 =	smov.u32 @p2 s13  }
0x10: {  	s15 =	simm.s32 @p2 $0x0;
	p2 =	sgt.s32 s17, $0x3FF  }
0x11: {  	s17 =	smov.u32 @p2 s2;
	p2 =	sne.s32 s12, s8  }
.Ltmp1:
0x12: {  	p1 =	slt.u32 s12, $0x2;
	(pc) =	sbr.rel @!p2 .LBB1_8-.Ltmp1, $4  }
0x13: {  	s16 =	simm.s32 @!p1 $0x2  }
0x14: {  	s14 =	smov.u32 s11;
	p0 =	por !p0, !p0;
	_ =	swait.ge @!p1 [sflag:s16], $0x4000  }
0x15: {  	s13 =	smov.u32 s10;
	[sflag:s16] =	ssyncset.done @!p1 $0x0;
	s10 =	smov.u32 s15  }
0x16: {  	s12 =	sadd.s32 $0x1, s12;
	[sflag:s16] =	ssyncadd.s32 @!p1 $0xFFFFC000;
	s11 =	smov.u32 s17  }
.LBB1_1:
0x17: {  	p1 =	sge.u32 s12, s6  }
0x18: {  	s15 =	sxor.u32 @!p1 $0xFFFFFFFF, s12;
	s16 =	sshll.u32 @!p1 s11, $0xD  }
0x19: {  	s17 =	sshll.u32 @!p1 s10, $0x4;
	s19 =	simm.s32 @!p1 $0x40;
	s20 =	simm.s32 @!p1 $0x80  }
0x1a: {  	s15 =	sshll.u32 @!p1 s15, $0xE;
	s17 =	sand.u32 @!p1 $0x1FF0, s17;
	s18 =	sadd.s32 @!p1 s4, s16  }
0x1b: {  	s16 =	sadd.s32 @!p1 s16, s7;
	s15 =	sand.u32 @!p1 $0x4000, s15;
	s18 =	sadd.s32 @!p1 s17, s18  }
0x1c: {  	[tilespmem:s15], [sflag:$0x1] =	stream.strided.gather @!p1 [hbm4b:s18+s19], $0x2000, s20, s19, $0x38;
	[tilespmem:$0x10100] =	vst v63  }
0x1d: {  	s31 =	sadd.s32 $0xFFFFFFFF, s12;
	s16 =	sadd.s32 @!p1 s17, s16;
	s15 =	sor.u32 @!p1 $0x2000, s15  }
0x1e: {  	[tilespmem:s15], [sflag:$0x1] =	stream.strided.gather @!p1 [hbm4b:s16+s19], $0x2000, s20, s19, $0x38;
	[tilespmem:$0x10100] =	vst v63  }
0x1f: {  	p1 =	sge.u32 s31, s6  }
.Ltmp2:
0x20: {  	_ = 	snop;
	(pc) =	sbr.rel @p1 .LBB1_7-.Ltmp2, $1  }
0x21: {  	_ =	sdelay $0x3  }
0x22: {  	s15 =	simm.s32 $0x1;
	s17 =	sand.u32 $0x1, s12  }
0x23: {  	_ =	swait.ge [sflag:s5], $0x4000;
	s15 =	simm.s32 @!p0 $0x0;
	s17 =	smul.u32 $0x10200, s17  }
0x24: {  	p2 =	por $0x1, $0x1;
	[sflag:s5] =	ssyncset.done $0x0;
	s16 =	smul.u32 $0x10200, s15  }
0x25: {  	s18 =	sshll.u32 s15, $0x10;
	[sflag:s5] =	ssyncadd.s32 $0xFFFFC000;
	s30 =	sshrl.u32 s17, $0x2  }
0x26: {  	s31 =	sshrl.u32 s18, $0x2;
	s18 =	simm.s32 $0x0;
	s16 =	sshrl.u32 s16, $0x2  }
0x27: {  	s15 =	sor.u32 $0x8000, s30;
	s17 =	sadd.s32 $0x20, s31;
	s16 =	sor.u32 $0x8000, s16  }
.LBB1_3:
0x28: {  	s19 =	sshll.u32 s18, $0xD  }
0x29: {  	s19 =	sand.u32 $0x3FFFE000, s19  }
0x2a: {  	s21 =	sadd.s32 s19, s17  }
0x2b: {  	s31 =	smul.u32 $0x8100, s18;
	v3 =	vld [tilespmem:s21+$0x10]  }
0x2c: {  	v1 =	vld [tilespmem:s21+$0xFFFFFFF0]  }
0x2d: {  	s18 =	sshra.s32 s31, $0x2;
	v0 =	vld [tilespmem:s21+$0x0]  }
0x2e: {  	s18 =	sadd.s32 s18, s16;
	v2 =	vld [tilespmem:s21+$0xFFFFFFE0]  }
0x2f: {  	s19 =	sadd.s32 $0x0, s18  }
0x30: {  	p1 =	por p2, p2;
	s20 =	simm.s32 $0x4;
	s21 =	sadd.s32 $0x40, s21;
	[tilespmem:s19+$0x1830 ss:$0x81] =	vst.msk $0xffff, v3  }
.LBB1_4:
0x31: {  	v3 =	vld [tilespmem:s21+$0x10];
	p2 =	sne.s32 s20, $0x1FC;
	[tilespmem:s19+$0x810 ss:$0x81] =	vst.msk $0xffff, v1;
	s22 =	smov.u32 s20;
	s20 =	sadd.s32 $0x4, s20  }
.Ltmp3:
0x32: {  	v1 =	vld [tilespmem:s21+$0xFFFFFFF0];
	[tilespmem:s19+$0x1020 ss:$0x81] =	vst.msk $0xffff, v0;
	(pc) =	sbr.rel @p2 .LBB1_4-.Ltmp3, $4  }
0x33: {  	v0 =	vld [tilespmem:s21+$0x0];
	[tilespmem:s19+$0x0 ss:$0x81] =	vst.msk $0xffff, v2  }
0x34: {  	s19 =	sshra.s32 s22, $0x2;
	v2 =	vld [tilespmem:s21+$0xFFFFFFE0]  }
0x35: {  	s19 =	sadd.s32 s19, s18  }
0x36: {  	s21 =	sadd.s32 $0x40, s21;
	[tilespmem:s19+$0x1830 ss:$0x81] =	vst.msk $0xffff, v3  }
.Ltmp4:
0x37: {  	(pc) =	sbr.rel @p1 .LBB1_3-.Ltmp4, $4  }
0x38: {  	_ = 	snop  }
0x39: {  	[tilespmem:s19+$0x810 ss:$0x81] =	vst.msk $0xffff, v1  }
0x3a: {  	[tilespmem:s19+$0x1020 ss:$0x81] =	vst.msk $0xffff, v0  }
0x3b: {  	s18 =	simm.s32 $0x1;
	p2 =	por $0x0, $0x0;
	[tilespmem:s19+$0x0 ss:$0x81] =	vst.msk $0xffff, v2  }
.Ltmp5:
0x3c: {  	s16 =	sand.u32 $0xF80, s13;
	s14 =	sshll.u32 s14, $0xC;
	(pc) =	sbr.rel .LBB1_7-.Ltmp5, $4  }
0x3d: {  	s17 =	sshrl.u32 s13, $0x3;
	s31 =	sand.u32 $0x7, s13;
	s14 =	sadd.s32 s3, s14  }
0x3e: {  	s17 =	sand.u32 $0xF, s17;
	s13 =	sshll.u32 s31, $0x12;
	s14 =	sadd.s32 s16, s14  }
0x3f: {  	s13 =	sor.u32 $0x400, s13;
	s14 =	sadd.s32 s17, s14  }
0x40: {  	[hbm4b:s14+s13] =	stream.strided.scatter [tilespmem:s15], [sflag:$0x2], $0x4000, s9, s13, $0x20;
	[tilespmem:$0x10100] =	vst v63  }
.LBB1_8:
0x41: {  	_ =	sfence.sel $0x180000  }
0x42: {  	s2 =	simm.s32 $0x1;
	[bflag:$0x0] =	sbarrier.arrive $0xFFFF  }
0x43: {  	s31 =	simm.s32 $0x2;
	[sflag:s2] =	ssyncpa.u1 $0x1  }
0x44: {  	[sflag:s31] =	ssyncpa.u1 $0x1  }
0x45: {  	p0 =	sne.s32 s0, $0x0;
	_ =	strace $0x9000004A  }
0x46: {  	s0 =	sadd.s32 @!p0 $0x100000, s1;
	[bflag:$0x2] =	sbarrier.arrive $0xFFFF  }
0x47: {  	[sflag:s0] =	ssyncadd.tile.s32 @!p0 $0x1;
	_ =	shalt  }
.Lfunc_end1:
_tile_overlayer_lowered:
.L_overlay_start_2:
0x48: {  	(tag) =	ssettag $0x2  }
0x49: {  	s0 =	rddreg [dreg:$0x0];
	s2 =	stileid.u32  }
0x4a: {  	s1 =	rddreg [dreg:$0x1];
	p0 =	sne.s32 s2, $0x0  }
0x4b: {  	s3 =	rddreg [dreg:$0x2];
	[bflag:$0x3] =	sbarrier.arrive $0xFFFF;
	s2 =	simm.s32 @!p0 $0x1C01  }
0x4c: {  	[timem:s3], [sflag:s2] =	dma.local @!p0 [hbm:s0], s1  }
0x4d: {  	s0 =	simm.s32 @!p0 $0x1  }
0x4e: {  	_ =	swait.ge @!p0 [sflag:s0], s1  }
0x4f: {  	s1 =	ssub.s32 @!p0 $0x0, s1;
	[sflag:s0] =	ssyncset.done @!p0 $0x0  }
0x50: {  	[sflag:s0] =	ssyncadd.s32 @!p0 s1  }
0x51: {  	[bflag:$0x3] =	sbarrier.arrive $0xFFFF  }
0x52: {  	_ =	shalt  }

</sc_bundles>
